<compile_context>
chip_gen: v7x
topology: tpu7x:2x2x1
jax: 0.10.2.dev20260603
libtpu: 0.0.44.dev20260713+nightly
codegen_flags: <defaults>
</compile_context>

<pallas_src>
import functools

import jax
import jax.numpy as jnp
from jax import lax
from jax.experimental import pallas as pl
from jax.experimental.pallas import tpu as pltpu
from jax.experimental.pallas import tpu_sc as plsc

E = 8
D = 1024
F = 4096
N = 8192
BM = 512
FT = 512
NF = F // FT
N_PAD = N + E * BM
NBLK = N_PAD // BM

_NW = 32
_NCH = 8


@functools.lru_cache(maxsize=None)
def _make_row_gather(n_out: int, n_tab: int):
  per_w = n_out // _NW
  ch = per_w // _NCH
  mesh = plsc.VectorSubcoreMesh(core_axis_name="c", subcore_axis_name="s")

  @functools.partial(
      pl.kernel,
      mesh=mesh,
      out_type=jax.ShapeDtypeStruct((n_out, D), jnp.float32),
      scratch_types=[
          pltpu.VMEM((per_w,), jnp.int32),
          pltpu.VMEM((ch, D), jnp.float32),
          pltpu.VMEM((ch, D), jnp.float32),
          pltpu.SemaphoreType.DMA,
          pltpu.SemaphoreType.DMA,
          pltpu.SemaphoreType.DMA,
          pltpu.SemaphoreType.DMA,
      ],
  )
  def k(table_hbm, idx_hbm, out_hbm, idx_v, buf0, buf1, g0, g1, s0, s1):
    wid = lax.axis_index("s") * 2 + lax.axis_index("c")
    base = wid * per_w
    pltpu.sync_copy(idx_hbm.at[pl.ds(base, per_w)], idx_v)
    bufs = (buf0, buf1)
    gsem = (g0, g1)
    ssem = (s0, s1)
    gathers = [None, None]
    stores = [None, None]
    gathers[0] = pltpu.async_copy(
        table_hbm.at[idx_v.at[pl.ds(0, ch)]], buf0, g0)
    for c in range(_NCH):
      b = c % 2
      if c + 1 < _NCH:
        nxt = (c + 1) % 2
        if stores[nxt] is not None:
          stores[nxt].wait()
        gathers[nxt] = pltpu.async_copy(
            table_hbm.at[idx_v.at[pl.ds((c + 1) * ch, ch)]], bufs[nxt],
            gsem[nxt])
      gathers[b].wait()
      stores[b] = pltpu.async_copy(
          bufs[b], out_hbm.at[pl.ds(base + c * ch, ch)], ssem[b])
    stores[0].wait()
    stores[1].wait()

  return k


_SCH = 32
_NSC = N // _NW // _SCH


@functools.lru_cache(maxsize=None)
def _make_dispatch_scatter():
  per_w = N // _NW
  mesh = plsc.VectorSubcoreMesh(core_axis_name="c", subcore_axis_name="s")

  @functools.partial(
      pl.kernel,
      mesh=mesh,
      out_type=(
          jax.ShapeDtypeStruct((N_PAD, D), jnp.float32),
          jax.ShapeDtypeStruct((N // _SCH, _SCH), jnp.int32),
          jax.ShapeDtypeStruct((N_PAD, 128), jnp.float32),
      ),
      scratch_types=[
          pltpu.VMEM((per_w,), jnp.int32),
          pltpu.VMEM((per_w,), jnp.int32),
          pltpu.VMEM((128,), jnp.int32),
          pltpu.VMEM((per_w,), jnp.float32),
          pltpu.VMEM((_NSC, _SCH), jnp.int32),
          pltpu.VMEM((per_w, 128), jnp.float32),
          pltpu.VMEM((_SCH, D), jnp.float32),
          pltpu.VMEM((_SCH, D), jnp.float32),
          pltpu.SemaphoreType.DMA,
          pltpu.SemaphoreType.DMA,
          pltpu.SemaphoreType.DMA,
          pltpu.SemaphoreType.DMA,
          pltpu.SemaphoreType.DMA,
      ],
      compiler_params=pltpu.CompilerParams(needs_layout_passes=False),
  )
  def k(xf_hbm, routes_hbm, rank_hbm, starts_hbm, rpm_hbm,
        out_hbm, pos_hbm, rpm16_hbm,
        routes_v, rank_v, starts_v, rpm_v, idx_v, rpmrow_v,
        buf0, buf1, g0, g1, s0, s1, r0):
    wid = lax.axis_index("s") * 2 + lax.axis_index("c")
    t0 = wid * per_w
    pltpu.sync_copy(routes_hbm.at[pl.ds(t0, per_w)], routes_v)
    pltpu.sync_copy(rank_hbm.at[pl.ds(t0, per_w)], rank_v)
    pltpu.sync_copy(starts_hbm, starts_v)
    pltpu.sync_copy(rpm_hbm.at[pl.ds(t0, per_w)], rpm_v)
    for j in range(per_w // 16):
      rv = routes_v[pl.ds(j * 16, 16)]
      kv = rank_v[pl.ds(j * 16, 16)]
      sv = plsc.load_gather(starts_v, [rv])
      idx_v[j // (_SCH // 16), pl.ds((j % (_SCH // 16)) * 16, 16)] = sv + kv
    pltpu.sync_copy(idx_v, pos_hbm.at[pl.ds(wid * _NSC, _NSC)])
    for r in range(per_w):
      sp = plsc.load_gather(rpm_v, [jnp.full((16,), r, jnp.int32)])
      rpmrow_v[r, pl.ds(0, 16)] = sp
    rpm_stores = []
    for c in range(_NSC):
      rpm_stores.append(pltpu.async_copy(
          rpmrow_v.at[pl.ds(c * _SCH, _SCH)],
          rpm16_hbm.at[idx_v.at[c]], r0))
    bufs = (buf0, buf1)
    gsem = (g0, g1)
    ssem = (s0, s1)
    loads = [None, None]
    stores = [None, None]
    loads[0] = pltpu.async_copy(xf_hbm.at[pl.ds(t0, _SCH)], buf0, g0)
    for c in range(_NSC):
      b = c % 2
      if c + 1 < _NSC:
        nxt = (c + 1) % 2
        if stores[nxt] is not None:
          stores[nxt].wait()
        loads[nxt] = pltpu.async_copy(
            xf_hbm.at[pl.ds(t0 + (c + 1) * _SCH, _SCH)], bufs[nxt],
            gsem[nxt])
      loads[b].wait()
      stores[b] = pltpu.async_copy(
          bufs[b], out_hbm.at[idx_v.at[c]], ssem[b])
    stores[0].wait()
    stores[1].wait()
    for st in rpm_stores:
      st.wait()

  return k


BR = 512
NBR = N // BR


def _router_body(x_ref, ws_ref, bs_ref, tril_ref,
                 rpm_ref, routes_ref, rankg_ref, counts_ref, colsum_ref,
                 carry_cnt, carry_col):
  i = pl.program_id(0)

  @pl.when(i == 0)
  def _():
    carry_cnt[...] = jnp.zeros_like(carry_cnt)
    carry_col[...] = jnp.zeros_like(carry_col)

  xb = x_ref[...].astype(jnp.bfloat16)
  wsb = ws_ref[...].astype(jnp.bfloat16)
  logits = lax.dot_general(xb, wsb, (((1,), (1,)), ((), ())),
                           preferred_element_type=jnp.float32)
  logits = logits + bs_ref[...]
  m = jnp.max(logits, axis=1, keepdims=True)
  ex = jnp.exp(logits - m)
  s = jnp.sum(ex, axis=1, keepdims=True)
  probs = ex / s
  rpm = jnp.max(probs, axis=1, keepdims=True)
  iota8 = lax.broadcasted_iota(jnp.int32, (BR, E), 1)
  routes = jnp.min(jnp.where(probs == rpm, iota8, E), axis=1, keepdims=True)
  oh = (iota8 == routes).astype(jnp.float32)
  rank_local = lax.dot_general(tril_ref[...], oh.astype(jnp.bfloat16),
                               (((1,), (0,)), ((), ())),
                               preferred_element_type=jnp.float32)
  rank_tok = jnp.sum((rank_local + carry_cnt[...]) * oh, axis=1,
                     keepdims=True)
  rpm_ref[...] = rpm
  routes_ref[...] = routes
  rankg_ref[...] = rank_tok.astype(jnp.int32)
  carry_cnt[...] += jnp.sum(oh, axis=0, keepdims=True)
  carry_col[...] += jnp.sum(probs, axis=0, keepdims=True)

  @pl.when(i == NBR - 1)
  def _():
    counts_ref[...] = carry_cnt[...]
    colsum_ref[...] = carry_col[...]


_router = pl.pallas_call(
    _router_body,
    grid=(NBR,),
    in_specs=[
        pl.BlockSpec((BR, D), lambda i: (i, 0)),
        pl.BlockSpec((E, D), lambda i: (0, 0)),
        pl.BlockSpec((1, E), lambda i: (0, 0)),
        pl.BlockSpec((BR, BR), lambda i: (0, 0)),
    ],
    out_specs=[
        pl.BlockSpec((BR, 1), lambda i: (i, 0)),
        pl.BlockSpec((BR, 1), lambda i: (i, 0)),
        pl.BlockSpec((BR, 1), lambda i: (i, 0)),
        pl.BlockSpec((1, E), lambda i: (0, 0)),
        pl.BlockSpec((1, E), lambda i: (0, 0)),
    ],
    out_shape=[
        jax.ShapeDtypeStruct((N, 1), jnp.float32),
        jax.ShapeDtypeStruct((N, 1), jnp.int32),
        jax.ShapeDtypeStruct((N, 1), jnp.int32),
        jax.ShapeDtypeStruct((1, E), jnp.float32),
        jax.ShapeDtypeStruct((1, E), jnp.float32),
    ],
    scratch_shapes=[
        pltpu.VMEM((1, E), jnp.float32),
        pltpu.VMEM((1, E), jnp.float32),
    ],
    compiler_params=pltpu.CompilerParams(dimension_semantics=("arbitrary",)),
)


def _ffn_body(be_ref, na_ref, x_ref, rpm_ref, w1_ref, b1_ref, w2_ref, b2_ref,
              o_ref):
  b = pl.program_id(0)

  @pl.when(b < na_ref[0])
  def _():
    xb = x_ref[...].astype(jnp.bfloat16)
    h = lax.dot_general(xb, w1_ref[0], (((1,), (1,)), ((), ())),
                        preferred_element_type=jnp.float32)
    h = jnp.maximum(h + b1_ref[0], 0.0)
    y = lax.dot_general(h.astype(jnp.bfloat16), w2_ref[0],
                        (((1,), (1,)), ((), ())),
                        preferred_element_type=jnp.float32)
    o_ref[...] = (y + b2_ref[0]) * rpm_ref[:, :1]


def _x_map(b, be, na):
  return (jnp.minimum(b, na[0] - 1), 0)


def _w_map(b, be, na):
  return (be[jnp.minimum(b, na[0] - 1)], 0, 0)


_ffn = pl.pallas_call(
    _ffn_body,
    grid_spec=pltpu.PrefetchScalarGridSpec(
        num_scalar_prefetch=2,
        grid=(NBLK,),
        in_specs=[
            pl.BlockSpec((BM, D), _x_map),
            pl.BlockSpec((BM, 128), _x_map),
            pl.BlockSpec((1, F, D), _w_map),
            pl.BlockSpec((1, 1, F), _w_map),
            pl.BlockSpec((1, D, F), _w_map),
            pl.BlockSpec((1, 1, D), _w_map),
        ],
        out_specs=pl.BlockSpec((BM, D), _x_map),
    ),
    out_shape=jax.ShapeDtypeStruct((N_PAD, D), jnp.float32),
    compiler_params=pltpu.CompilerParams(
        dimension_semantics=("arbitrary",),
        vmem_limit_bytes=100 * 1024 * 1024),
)


def kernel(x, Ws, bs, W1, b1, W2, b2):
  seq_len, batch_size, d_model = x.shape
  xf = x.reshape(-1, d_model)

  tril = jnp.tril(jnp.ones((BR, BR), jnp.bfloat16), -1)
  rpm2d, routes2d, rankg2d, counts2d, colsum2d = _router(
      xf, Ws, bs.reshape(1, E), tril)
  route_prob_max = rpm2d[:, 0]
  routes = routes2d[:, 0]
  counts = counts2d[0]
  counts_i = counts.astype(jnp.int32)
  prob_colsum = colsum2d[0]

  bpe = (counts_i + (BM - 1)) // BM
  nb_incl = jnp.cumsum(bpe)
  nb_active = nb_incl[-1].astype(jnp.int32)
  padded_start = ((nb_incl - bpe) * BM).astype(jnp.int32)
  blk_ids = jnp.arange(NBLK, dtype=jnp.int32)
  block_expert = jnp.searchsorted(nb_incl, blk_ids, side="right"
                                  ).astype(jnp.int32)

  starts16 = jnp.zeros((128,), jnp.int32).at[:E].set(padded_start)
  x_sorted, pos2d, rpm_sorted = _make_dispatch_scatter()(
      xf, routes2d.reshape(N), rankg2d.reshape(N), starts16,
      route_prob_max)
  pos_token = pos2d.reshape(N)

  y_sorted = _ffn(block_expert, nb_active.reshape(1),
                  x_sorted, rpm_sorted,
                  W1.astype(jnp.bfloat16),
                  b1.reshape(E, 1, F),
                  W2.astype(jnp.bfloat16),
                  b2.reshape(E, 1, D))

  final = _make_row_gather(N, N_PAD)(y_sorted, pos_token).reshape(
      seq_len, batch_size, d_model)

  return (final, counts, prob_colsum, 0, route_prob_max)

# --- scband reference (transcript-rebuilt; emitter-appended) ---
"""Pipeline reference for scband-switch-feed-forward-18476949307737 (READ-ONLY COPY).

The authoritative reference and input builder live on the scoring server;
editing this copy changes nothing except your own understanding.
"""

import jax, jax.numpy as jnp
import numpy as np

E = 8
D = 1024
F = 4096
S = 2048
B = 4


def setup_inputs(seed: int = 0) -> dict:
    key = jax.random.key(seed)
    ks = jax.random.split(key, 5)
    x = jax.random.normal(ks[0], (S, B, D), dtype=jnp.float32)
    Ws = jax.random.normal(ks[1], (E, D), dtype=jnp.float32) * 0.02
    bs = jnp.zeros((E,), dtype=jnp.float32)
    W1 = jax.random.normal(ks[2], (E, F, D), dtype=jnp.float32) * 0.02
    b1 = jnp.zeros((E, F), dtype=jnp.float32)
    W2 = jax.random.normal(ks[3], (E, D, F), dtype=jnp.float32) * 0.02
    b2 = jnp.zeros((E, D), dtype=jnp.float32)
    return {"x": x, "Ws": Ws, "bs": bs, "W1": W1, "b1": b1, "W2": W2, "b2": b2}


def reference(x, Ws, bs, W1, b1, W2, b2):
    # SwitchFeedForward forward (drop_tokens=False, is_scale_prob=True, eval mode so dropout is identity)
    seq_len, batch_size, d_model = x.shape
    n_experts = Ws.shape[0]
    xf = x.reshape(-1, d_model)
    logits = xf @ Ws.T + bs
    route_prob = jax.nn.softmax(logits, axis=-1)
    route_prob_max = jnp.max(route_prob, axis=-1)
    routes = jnp.argmax(route_prob, axis=-1)
    counts = jnp.bincount(routes, length=n_experts).astype(xf.dtype)
    final = jnp.zeros_like(xf)
    for i in range(n_experts):
        mask = (routes == i)
        h = jax.nn.relu(xf @ W1[i].T + b1[i])
        yi = h @ W2[i].T + b2[i]
        final = final + jnp.where(mask[:, None], yi, jnp.zeros_like(yi))
    # is_scale_prob=True -> scale by routing probability
    final = final * route_prob_max[:, None]
    final = final.reshape(seq_len, batch_size, d_model)
    n_dropped = 0  # drop_tokens=False
    return (final, counts, route_prob.sum(0), n_dropped, route_prob_max)

if __name__ == "__main__":
    import jax
    _d = setup_inputs()
    print(jax.jit(kernel)(*tuple(_d.values())))

</pallas_src>

<mosaic_0001>
#map = affine_map<(d0, d1) -> (0, 0)>
#map1 = affine_map<(d0, d1) -> (0)>
module attributes {stable_mosaic.version = 14 : i64} {
  func.func @k(%arg0: i32, %arg1: i32, %arg2: memref<8192x1024xf32, #tpu.memory_space<hbm>>, %arg3: memref<8192xi32, #tpu.memory_space<hbm>>, %arg4: memref<8192xi32, #tpu.memory_space<hbm>>, %arg5: memref<128xi32, #tpu.memory_space<hbm>>, %arg6: memref<8192xf32, #tpu.memory_space<hbm>>, %arg7: memref<12288x1024xf32, #tpu.memory_space<hbm>>, %arg8: memref<256x32xi32, #tpu.memory_space<hbm>>, %arg9: memref<12288x128xf32, #tpu.memory_space<hbm>>, %arg10: memref<256xi32, #tpu.memory_space<vmem>>, %arg11: memref<256xi32, #tpu.memory_space<vmem>>, %arg12: memref<128xi32, #tpu.memory_space<vmem>>, %arg13: memref<256xf32, #tpu.memory_space<vmem>>, %arg14: memref<8x32xi32, #tpu.memory_space<vmem>>, %arg15: memref<256x128xf32, #tpu.memory_space<vmem>>, %arg16: memref<32x1024xf32, #tpu.memory_space<vmem>>, %arg17: memref<32x1024xf32, #tpu.memory_space<vmem>>, %arg18: memref<!tpu.dma_semaphore, #tpu.memory_space<semaphore_mem>>, %arg19: memref<!tpu.dma_semaphore, #tpu.memory_space<semaphore_mem>>, %arg20: memref<!tpu.dma_semaphore, #tpu.memory_space<semaphore_mem>>, %arg21: memref<!tpu.dma_semaphore, #tpu.memory_space<semaphore_mem>>, %arg22: memref<!tpu.dma_semaphore, #tpu.memory_space<semaphore_mem>>) attributes {dimension_semantics = [#tpu.dimension_semantics<core_parallel>, #tpu.dimension_semantics<subcore_parallel>], iteration_bounds = array<i64: 2, 16>, scalar_prefetch = 0 : i64, scratch_operands = 13 : i64, tpu.core_type = #tpu.core_type<sc_vector_subcore>, window_params = [{transform_indices = #map}, {transform_indices = #map1}, {transform_indices = #map1}, {transform_indices = #map1}, {transform_indices = #map1}, {transform_indices = #map}, {transform_indices = #map}, {transform_indices = #map}]} {
    %mul3A = arith.constant 2 : i32
    %mul3A_0 = arith.muli %arg1, %mul3A : i32
    %add3A = arith.addi %mul3A_0, %arg0 : i32
    %mul3A_1 = arith.constant 256 : i32
    %mul3A_2 = arith.muli %add3A, %mul3A_1 : i32
    "tpu.region"() ({
      %run_scoped3A = tpu.sem_alloc : memref<!tpu.dma_semaphore, #tpu.memory_space<semaphore_mem>>
      %dma_start3A_2301 = tpu.memref_slice %arg3[%mul3A_2] : memref<8192xi32, #tpu.memory_space<hbm>> -> memref<256xi32, #tpu.memory_space<hbm>>
      %dma_start3A_2302 = tpu.memref_slice %arg3[%mul3A_2] : memref<8192xi32, #tpu.memory_space<hbm>> -> memref<256xi32, #tpu.memory_space<hbm>>
      tpu.enqueue_dma source(%dma_start3A_2302 : memref<256xi32, #tpu.memory_space<hbm>>) target(%arg10 : memref<256xi32, #tpu.memory_space<vmem>>) target_semaphore(%run_scoped3A : memref<!tpu.dma_semaphore, #tpu.memory_space<semaphore_mem>>)
      %dma_wait3A_2303 = tpu.memref_slice %arg3[%mul3A_2] : memref<8192xi32, #tpu.memory_space<hbm>> -> memref<256xi32, #tpu.memory_space<hbm>>
      %dma_wait3A_2304 = tpu.memref_slice %arg3[%mul3A_2] : memref<8192xi32, #tpu.memory_space<hbm>> -> memref<256xi32, #tpu.memory_space<hbm>>
      tpu.wait_dma2 semaphore(%run_scoped3A : memref<!tpu.dma_semaphore, #tpu.memory_space<semaphore_mem>>) src(%dma_wait3A_2304 : memref<256xi32, #tpu.memory_space<hbm>>) dst(%arg10 : memref<256xi32, #tpu.memory_space<vmem>>)
      tpu.yield
    }) : () -> ()
    "tpu.region"() ({
      %run_scoped3A = tpu.sem_alloc : memref<!tpu.dma_semaphore, #tpu.memory_space<semaphore_mem>>
      %dma_start3A_2301 = tpu.memref_slice %arg4[%mul3A_2] : memref<8192xi32, #tpu.memory_space<hbm>> -> memref<256xi32, #tpu.memory_space<hbm>>
      %dma_start3A_2302 = tpu.memref_slice %arg4[%mul3A_2] : memref<8192xi32, #tpu.memory_space<hbm>> -> memref<256xi32, #tpu.memory_space<hbm>>
      tpu.enqueue_dma source(%dma_start3A_2302 : memref<256xi32, #tpu.memory_space<hbm>>) target(%arg11 : memref<256xi32, #tpu.memory_space<vmem>>) target_semaphore(%run_scoped3A : memref<!tpu.dma_semaphore, #tpu.memory_space<semaphore_mem>>)
      %dma_wait3A_2303 = tpu.memref_slice %arg4[%mul3A_2] : memref<8192xi32, #tpu.memory_space<hbm>> -> memref<256xi32, #tpu.memory_space<hbm>>
      %dma_wait3A_2304 = tpu.memref_slice %arg4[%mul3A_2] : memref<8192xi32, #tpu.memory_space<hbm>> -> memref<256xi32, #tpu.memory_space<hbm>>
      tpu.wait_dma2 semaphore(%run_scoped3A : memref<!tpu.dma_semaphore, #tpu.memory_space<semaphore_mem>>) src(%dma_wait3A_2304 : memref<256xi32, #tpu.memory_space<hbm>>) dst(%arg11 : memref<256xi32, #tpu.memory_space<vmem>>)
      tpu.yield
    }) : () -> ()
    "tpu.region"() ({
      %run_scoped3A = tpu.sem_alloc : memref<!tpu.dma_semaphore, #tpu.memory_space<semaphore_mem>>
      tpu.enqueue_dma source(%arg5 : memref<128xi32, #tpu.memory_space<hbm>>) target(%arg12 : memref<128xi32, #tpu.memory_space<vmem>>) target_semaphore(%run_scoped3A : memref<!tpu.dma_semaphore, #tpu.memory_space<semaphore_mem>>)
      tpu.wait_dma2 semaphore(%run_scoped3A : memref<!tpu.dma_semaphore, #tpu.memory_space<semaphore_mem>>) src(%arg5 : memref<128xi32, #tpu.memory_space<hbm>>) dst(%arg12 : memref<128xi32, #tpu.memory_space<vmem>>)
      tpu.yield
    }) : () -> ()
    "tpu.region"() ({
      %run_scoped3A = tpu.sem_alloc : memref<!tpu.dma_semaphore, #tpu.memory_space<semaphore_mem>>
      %dma_start3A_2301 = tpu.memref_slice %arg6[%mul3A_2] : memref<8192xf32, #tpu.memory_space<hbm>> -> memref<256xf32, #tpu.memory_space<hbm>>
      %dma_start3A_2302 = tpu.memref_slice %arg6[%mul3A_2] : memref<8192xf32, #tpu.memory_space<hbm>> -> memref<256xf32, #tpu.memory_space<hbm>>
      tpu.enqueue_dma source(%dma_start3A_2302 : memref<256xf32, #tpu.memory_space<hbm>>) target(%arg13 : memref<256xf32, #tpu.memory_space<vmem>>) target_semaphore(%run_scoped3A : memref<!tpu.dma_semaphore, #tpu.memory_space<semaphore_mem>>)
      %dma_wait3A_2303 = tpu.memref_slice %arg6[%mul3A_2] : memref<8192xf32, #tpu.memory_space<hbm>> -> memref<256xf32, #tpu.memory_space<hbm>>
      %dma_wait3A_2304 = tpu.memref_slice %arg6[%mul3A_2] : memref<8192xf32, #tpu.memory_space<hbm>> -> memref<256xf32, #tpu.memory_space<hbm>>
      tpu.wait_dma2 semaphore(%run_scoped3A : memref<!tpu.dma_semaphore, #tpu.memory_space<semaphore_mem>>) src(%dma_wait3A_2304 : memref<256xf32, #tpu.memory_space<hbm>>) dst(%arg13 : memref<256xf32, #tpu.memory_space<vmem>>)
      tpu.yield
    }) : () -> ()
    %get3A = arith.constant 0 : index
    %get3A_3 = tpu.vector_load %arg10[%get3A] {strides = array<i32>} : memref<256xi32, #tpu.memory_space<vmem>>, vector<16xi32>,
    %get3A_4 = arith.constant 0 : index
    %get3A_5 = tpu.vector_load %arg11[%get3A_4] {strides = array<i32>} : memref<256xi32, #tpu.memory_space<vmem>>, vector<16xi32>,
    %gather3A = tpu.vector_load_idx %arg12[%get3A_3] : memref<128xi32, #tpu.memory_space<vmem>>[vector<16xi32>], vector<16xi32>,
    %add3A_6 = arith.addi %gather3A, %get3A_5 : vector<16xi32>
    %swap3A = arith.constant 0 : i32
    %swap3A_7 = arith.index_cast %swap3A : i32 to index
    %swap3A_8 = arith.constant 0 : index
    %swap3A_9 = tpu.vector_load %arg14[%swap3A_7, %swap3A_8] {strides = array<i32>} : memref<8x32xi32, #tpu.memory_space<vmem>>, vector<16xi32>,
    tpu.vector_store %arg14[%swap3A_7, %swap3A_8], %add3A_6 {strides = array<i32>} : memref<8x32xi32, #tpu.memory_space<vmem>>, vector<16xi32>,
    %get3A_10 = arith.constant 16 : index
    %get3A_11 = tpu.vector_load %arg10[%get3A_10] {strides = array<i32>} : memref<256xi32, #tpu.memory_space<vmem>>, vector<16xi32>,
    %get3A_12 = arith.constant 16 : index
    %get3A_13 = tpu.vector_load %arg11[%get3A_12] {strides = array<i32>} : memref<256xi32, #tpu.memory_space<vmem>>, vector<16xi32>,
    %gather3A_14 = tpu.vector_load_idx %arg12[%get3A_11] : memref<128xi32, #tpu.memory_space<vmem>>[vector<16xi32>], vector<16xi32>,
    %add3A_15 = arith.addi %gather3A_14, %get3A_13 : vector<16xi32>
    %swap3A_16 = arith.constant 0 : i32
    %swap3A_17 = arith.index_cast %swap3A_16 : i32 to index
    %swap3A_18 = arith.constant 16 : index
    %swap3A_19 = tpu.vector_load %arg14[%swap3A_17, %swap3A_18] {strides = array<i32>} : memref<8x32xi32, #tpu.memory_space<vmem>>, vector<16xi32>,
    tpu.vector_store %arg14[%swap3A_17, %swap3A_18], %add3A_15 {strides = array<i32>} : memref<8x32xi32, #tpu.memory_space<vmem>>, vector<16xi32>,
    %get3A_20 = arith.constant 32 : index
    %get3A_21 = tpu.vector_load %arg10[%get3A_20] {strides = array<i32>} : memref<256xi32, #tpu.memory_space<vmem>>, vector<16xi32>,
    %get3A_22 = arith.constant 32 : index
    %get3A_23 = tpu.vector_load %arg11[%get3A_22] {strides = array<i32>} : memref<256xi32, #tpu.memory_space<vmem>>, vector<16xi32>,
    %gather3A_24 = tpu.vector_load_idx %arg12[%get3A_21] : memref<128xi32, #tpu.memory_space<vmem>>[vector<16xi32>], vector<16xi32>,
    %add3A_25 = arith.addi %gather3A_24, %get3A_23 : vector<16xi32>
    %swap3A_26 = arith.constant 1 : i32
    %swap3A_27 = arith.index_cast %swap3A_26 : i32 to index
    %swap3A_28 = arith.constant 0 : index
    %swap3A_29 = tpu.vector_load %arg14[%swap3A_27, %swap3A_28] {strides = array<i32>} : memref<8x32xi32, #tpu.memory_space<vmem>>, vector<16xi32>,
    tpu.vector_store %arg14[%swap3A_27, %swap3A_28], %add3A_25 {strides = array<i32>} : memref<8x32xi32, #tpu.memory_space<vmem>>, vector<16xi32>,
    %get3A_30 = arith.constant 48 : index
    %get3A_31 = tpu.vector_load %arg10[%get3A_30] {strides = array<i32>} : memref<256xi32, #tpu.memory_space<vmem>>, vector<16xi32>,
    %get3A_32 = arith.constant 48 : index
    %get3A_33 = tpu.vector_load %arg11[%get3A_32] {strides = array<i32>} : memref<256xi32, #tpu.memory_space<vmem>>, vector<16xi32>,
    %gather3A_34 = tpu.vector_load_idx %arg12[%get3A_31] : memref<128xi32, #tpu.memory_space<vmem>>[vector<16xi32>], vector<16xi32>,
    %add3A_35 = arith.addi %gather3A_34, %get3A_33 : vector<16xi32>
    %swap3A_36 = arith.constant 1 : i32
    %swap3A_37 = arith.index_cast %swap3A_36 : i32 to index
    %swap3A_38 = arith.constant 16 : index
    %swap3A_39 = tpu.vector_load %arg14[%swap3A_37, %swap3A_38] {strides = array<i32>} : memref<8x32xi32, #tpu.memory_space<vmem>>, vector<16xi32>,
    tpu.vector_store %arg14[%swap3A_37, %swap3A_38], %add3A_35 {strides = array<i32>} : memref<8x32xi32, #tpu.memory_space<vmem>>, vector<16xi32>,
    %get3A_40 = arith.constant 64 : index
    %get3A_41 = tpu.vector_load %arg10[%get3A_40] {strides = array<i32>} : memref<256xi32, #tpu.memory_space<vmem>>, vector<16xi32>,
    %get3A_42 = arith.constant 64 : index
    %get3A_43 = tpu.vector_load %arg11[%get3A_42] {strides = array<i32>} : memref<256xi32, #tpu.memory_space<vmem>>, vector<16xi32>,
    %gather3A_44 = tpu.vector_load_idx %arg12[%get3A_41] : memref<128xi32, #tpu.memory_space<vmem>>[vector<16xi32>], vector<16xi32>,
    %add3A_45 = arith.addi %gather3A_44, %get3A_43 : vector<16xi32>
    %swap3A_46 = arith.constant 2 : i32
    %swap3A_47 = arith.index_cast %swap3A_46 : i32 to index
    %swap3A_48 = arith.constant 0 : index
    %swap3A_49 = tpu.vector_load %arg14[%swap3A_47, %swap3A_48] {strides = array<i32>} : memref<8x32xi32, #tpu.memory_space<vmem>>, vector<16xi32>,
    tpu.vector_store %arg14[%swap3A_47, %swap3A_48], %add3A_45 {strides = array<i32>} : memref<8x32xi32, #tpu.memory_space<vmem>>, vector<16xi32>,
    %get3A_50 = arith.constant 80 : index
    %get3A_51 = tpu.vector_load %arg10[%get3A_50] {strides = array<i32>} : memref<256xi32, #tpu.memory_space<vmem>>, vector<16xi32>,
    %get3A_52 = arith.constant 80 : index
    %get3A_53 = tpu.vector_load %arg11[%get3A_52] {strides = array<i32>} : memref<256xi32, #tpu.memory_space<vmem>>, vector<16xi32>,
    %gather3A_54 = tpu.vector_load_idx %arg12[%get3A_51] : memref<128xi32, #tpu.memory_space<vmem>>[vector<16xi32>], vector<16xi32>,
    %add3A_55 = arith.addi %gather3A_54, %get3A_53 : vector<16xi32>
    %swap3A_56 = arith.constant 2 : i32
    %swap3A_57 = arith.index_cast %swap3A_56 : i32 to index
    %swap3A_58 = arith.constant 16 : index
    %swap3A_59 = tpu.vector_load %arg14[%swap3A_57, %swap3A_58] {strides = array<i32>} : memref<8x32xi32, #tpu.memory_space<vmem>>, vector<16xi32>,
    tpu.vector_store %arg14[%swap3A_57, %swap3A_58], %add3A_55 {strides = array<i32>} : memref<8x32xi32, #tpu.memory_space<vmem>>, vector<16xi32>,
    %get3A_60 = arith.constant 96 : index
    %get3A_61 = tpu.vector_load %arg10[%get3A_60] {strides = array<i32>} : memref<256xi32, #tpu.memory_space<vmem>>, vector<16xi32>,
    %get3A_62 = arith.constant 96 : index
    %get3A_63 = tpu.vector_load %arg11[%get3A_62] {strides = array<i32>} : memref<256xi32, #tpu.memory_space<vmem>>, vector<16xi32>,
    %gather3A_64 = tpu.vector_load_idx %arg12[%get3A_61] : memref<128xi32, #tpu.memory_space<vmem>>[vector<16xi32>], vector<16xi32>,
    %add3A_65 = arith.addi %gather3A_64, %get3A_63 : vector<16xi32>
    %swap3A_66 = arith.constant 3 : i32
    %swap3A_67 = arith.index_cast %swap3A_66 : i32 to index
    %swap3A_68 = arith.constant 0 : index
    %swap3A_69 = tpu.vector_load %arg14[%swap3A_67, %swap3A_68] {strides = array<i32>} : memref<8x32xi32, #tpu.memory_space<vmem>>, vector<16xi32>,
    tpu.vector_store %arg14[%swap3A_67, %swap3A_68], %add3A_65 {strides = array<i32>} : memref<8x32xi32, #tpu.memory_space<vmem>>, vector<16xi32>,
    %get3A_70 = arith.constant 112 : index
    %get3A_71 = tpu.vector_load %arg10[%get3A_70] {strides = array<i32>} : memref<256xi32, #tpu.memory_space<vmem>>, vector<16xi32>,
    %get3A_72 = arith.constant 112 : index
    %get3A_73 = tpu.vector_load %arg11[%get3A_72] {strides = array<i32>} : memref<256xi32, #tpu.memory_space<vmem>>, vector<16xi32>,
    %gather3A_74 = tpu.vector_load_idx %arg12[%get3A_71] : memref<128xi32, #tpu.memory_space<vmem>>[vector<16xi32>], vector<16xi32>,
    %add3A_75 = arith.addi %gather3A_74, %get3A_73 : vector<16xi32>
    %swap3A_76 = arith.constant 3 : i32
    %swap3A_77 = arith.index_cast %swap3A_76 : i32 to index
    %swap3A_78 = arith.constant 16 : index
    %swap3A_79 = tpu.vector_load %arg14[%swap3A_77, %swap3A_78] {strides = array<i32>} : memref<8x32xi32, #tpu.memory_space<vmem>>, vector<16xi32>,
    tpu.vector_store %arg14[%swap3A_77, %swap3A_78], %add3A_75 {strides = array<i32>} : memref<8x32xi32, #tpu.memory_space<vmem>>, vector<16xi32>,
    %get3A_80 = arith.constant 128 : index
    %get3A_81 = tpu.vector_load %arg10[%get3A_80] {strides = array<i32>} : memref<256xi32, #tpu.memory_space<vmem>>, vector<16xi32>,
    %get3A_82 = arith.constant 128 : index
    %get3A_83 = tpu.vector_load %arg11[%get3A_82] {strides = array<i32>} : memref<256xi32, #tpu.memory_space<vmem>>, vector<16xi32>,
    %gather3A_84 = tpu.vector_load_idx %arg12[%get3A_81] : memref<128xi32, #tpu.memory_space<vmem>>[vector<16xi32>], vector<16xi32>,
    %add3A_85 = arith.addi %gather3A_84, %get3A_83 : vector<16xi32>
    %swap3A_86 = arith.constant 4 : i32
    %swap3A_87 = arith.index_cast %swap3A_86 : i32 to index
    %swap3A_88 = arith.constant 0 : index
    %swap3A_89 = tpu.vector_load %arg14[%swap3A_87, %swap3A_88] {strides = array<i32>} : memref<8x32xi32, #tpu.memory_space<vmem>>, vector<16xi32>,
    tpu.vector_store %arg14[%swap3A_87, %swap3A_88], %add3A_85 {strides = array<i32>} : memref<8x32xi32, #tpu.memory_space<vmem>>, vector<16xi32>,
    %get3A_90 = arith.constant 144 : index
    %get3A_91 = tpu.vector_load %arg10[%get3A_90] {strides = array<i32>} : memref<256xi32, #tpu.memory_space<vmem>>, vector<16xi32>,
    %get3A_92 = arith.constant 144 : index
    %get3A_93 = tpu.vector_load %arg11[%get3A_92] {strides = array<i32>} : memref<256xi32, #tpu.memory_space<vmem>>, vector<16xi32>,
    %gather3A_94 = tpu.vector_load_idx %arg12[%get3A_91] : memref<128xi32, #tpu.memory_space<vmem>>[vector<16xi32>], vector<16xi32>,
    %add3A_95 = arith.addi %gather3A_94, %get3A_93 : vector<16xi32>
    %swap3A_96 = arith.constant 4 : i32
    %swap3A_97 = arith.index_cast %swap3A_96 : i32 to index
    %swap3A_98 = arith.constant 16 : index
    %swap3A_99 = tpu.vector_load %arg14[%swap3A_97, %swap3A_98] {strides = array<i32>} : memref<8x32xi32, #tpu.memory_space<vmem>>, vector<16xi32>,
    tpu.vector_store %arg14[%swap3A_97, %swap3A_98], %add3A_95 {strides = array<i32>} : memref<8x32xi32, #tpu.memory_space<vmem>>, vector<16xi32>,
    %get3A_100 = arith.constant 160 : index
    %get3A_101 = tpu.vector_load %arg10[%get3A_100] {strides = array<i32>} : memref<256xi32, #tpu.memory_space<vmem>>, vector<16xi32>,
    %get3A_102 = arith.constant 160 : index
    %get3A_103 = tpu.vector_load %arg11[%get3A_102] {strides = array<i32>} : memref<256xi32, #tpu.memory_space<vmem>>, vector<16xi32>,
    %gather3A_104 = tpu.vector_load_idx %arg12[%get3A_101] : memref<128xi32, #tpu.memory_space<vmem>>[vector<16xi32>], vector<16xi32>,
    %add3A_105 = arith.addi %gather3A_104, %get3A_103 : vector<16xi32>
    %swap3A_106 = arith.constant 5 : i32
    %swap3A_107 = arith.index_cast %swap3A_106 : i32 to index
    %swap3A_108 = arith.constant 0 : index
    %swap3A_109 = tpu.vector_load %arg14[%swap3A_107, %swap3A_108] {strides = array<i32>} : memref<8x32xi32, #tpu.memory_space<vmem>>, vector<16xi32>,
    tpu.vector_store %arg14[%swap3A_107, %swap3A_108], %add3A_105 {strides = array<i32>} : memref<8x32xi32, #tpu.memory_space<vmem>>, vector<16xi32>,
    %get3A_110 = arith.constant 176 : index
    %get3A_111 = tpu.vector_load %arg10[%get3A_110] {strides = array<i32>} : memref<256xi32, #tpu.memory_space<vmem>>, vector<16xi32>,
    %get3A_112 = arith.constant 176 : index
    %get3A_113 = tpu.vector_load %arg11[%get3A_112] {strides = array<i32>} : memref<256xi32, #tpu.memory_space<vmem>>, vector<16xi32>,
    %gather3A_114 = tpu.vector_load_idx %arg12[%get3A_111] : memref<128xi32, #tpu.memory_space<vmem>>[vector<16xi32>], vector<16xi32>,
    %add3A_115 = arith.addi %gather3A_114, %get3A_113 : vector<16xi32>
    %swap3A_116 = arith.constant 5 : i32
    %swap3A_117 = arith.index_cast %swap3A_116 : i32 to index
    %swap3A_118 = arith.constant 16 : index
    %swap3A_119 = tpu.vector_load %arg14[%swap3A_117, %swap3A_118] {strides = array<i32>} : memref<8x32xi32, #tpu.memory_space<vmem>>, vector<16xi32>,
    tpu.vector_store %arg14[%swap3A_117, %swap3A_118], %add3A_115 {strides = array<i32>} : memref<8x32xi32, #tpu.memory_space<vmem>>, vector<16xi32>,
    %get3A_120 = arith.constant 192 : index
    %get3A_121 = tpu.vector_load %arg10[%get3A_120] {strides = array<i32>} : memref<256xi32, #tpu.memory_space<vmem>>, vector<16xi32>,
    %get3A_122 = arith.constant 192 : index
    %get3A_123 = tpu.vector_load %arg11[%get3A_122] {strides = array<i32>} : memref<256xi32, #tpu.memory_space<vmem>>, vector<16xi32>,
    %gather3A_124 = tpu.vector_load_idx %arg12[%get3A_121] : memref<128xi32, #tpu.memory_space<vmem>>[vector<16xi32>], vector<16xi32>,
    %add3A_125 = arith.addi %gather3A_124, %get3A_123 : vector<16xi32>
    %swap3A_126 = arith.constant 6 : i32
    %swap3A_127 = arith.index_cast %swap3A_126 : i32 to index
    %swap3A_128 = arith.constant 0 : index
    %swap3A_129 = tpu.vector_load %arg14[%swap3A_127, %swap3A_128] {strides = array<i32>} : memref<8x32xi32, #tpu.memory_space<vmem>>, vector<16xi32>,
    tpu.vector_store %arg14[%swap3A_127, %swap3A_128], %add3A_125 {strides = array<i32>} : memref<8x32xi32, #tpu.memory_space<vmem>>, vector<16xi32>,
    %get3A_130 = arith.constant 208 : index
    %get3A_131 = tpu.vector_load %arg10[%get3A_130] {strides = array<i32>} : memref<256xi32, #tpu.memory_space<vmem>>, vector<16xi32>,
    %get3A_132 = arith.constant 208 : index
    %get3A_133 = tpu.vector_load %arg11[%get3A_132] {strides = array<i32>} : memref<256xi32, #tpu.memory_space<vmem>>, vector<16xi32>,
    %gather3A_134 = tpu.vector_load_idx %arg12[%get3A_131] : memref<128xi32, #tpu.memory_space<vmem>>[vector<16xi32>], vector<16xi32>,
    %add3A_135 = arith.addi %gather3A_134, %get3A_133 : vector<16xi32>
    %swap3A_136 = arith.constant 6 : i32
    %swap3A_137 = arith.index_cast %swap3A_136 : i32 to index
    %swap3A_138 = arith.constant 16 : index
    %swap3A_139 = tpu.vector_load %arg14[%swap3A_137, %swap3A_138] {strides = array<i32>} : memref<8x32xi32, #tpu.memory_space<vmem>>, vector<16xi32>,
    tpu.vector_store %arg14[%swap3A_137, %swap3A_138], %add3A_135 {strides = array<i32>} : memref<8x32xi32, #tpu.memory_space<vmem>>, vector<16xi32>,
    %get3A_140 = arith.constant 224 : index
    %get3A_141 = tpu.vector_load %arg10[%get3A_140] {strides = array<i32>} : memref<256xi32, #tpu.memory_space<vmem>>, vector<16xi32>,
    %get3A_142 = arith.constant 224 : index
    %get3A_143 = tpu.vector_load %arg11[%get3A_142] {strides = array<i32>} : memref<256xi32, #tpu.memory_space<vmem>>, vector<16xi32>,
    %gather3A_144 = tpu.vector_load_idx %arg12[%get3A_141] : memref<128xi32, #tpu.memory_space<vmem>>[vector<16xi32>], vector<16xi32>,
    %add3A_145 = arith.addi %gather3A_144, %get3A_143 : vector<16xi32>
    %swap3A_146 = arith.constant 7 : i32
    %swap3A_147 = arith.index_cast %swap3A_146 : i32 to index
    %swap3A_148 = arith.constant 0 : index
    %swap3A_149 = tpu.vector_load %arg14[%swap3A_147, %swap3A_148] {strides = array<i32>} : memref<8x32xi32, #tpu.memory_space<vmem>>, vector<16xi32>,
    tpu.vector_store %arg14[%swap3A_147, %swap3A_148], %add3A_145 {strides = array<i32>} : memref<8x32xi32, #tpu.memory_space<vmem>>, vector<16xi32>,
    %get3A_150 = arith.constant 240 : index
    %get3A_151 = tpu.vector_load %arg10[%get3A_150] {strides = array<i32>} : memref<256xi32, #tpu.memory_space<vmem>>, vector<16xi32>,
    %get3A_152 = arith.constant 240 : index
    %get3A_153 = tpu.vector_load %arg11[%get3A_152] {strides = array<i32>} : memref<256xi32, #tpu.memory_space<vmem>>, vector<16xi32>,
    %gather3A_154 = tpu.vector_load_idx %arg12[%get3A_151] : memref<128xi32, #tpu.memory_space<vmem>>[vector<16xi32>], vector<16xi32>,
    %add3A_155 = arith.addi %gather3A_154, %get3A_153 : vector<16xi32>
    %swap3A_156 = arith.constant 7 : i32
    %swap3A_157 = arith.index_cast %swap3A_156 : i32 to index
    %swap3A_158 = arith.constant 16 : index
    %swap3A_159 = tpu.vector_load %arg14[%swap3A_157, %swap3A_158] {strides = array<i32>} : memref<8x32xi32, #tpu.memory_space<vmem>>, vector<16xi32>,
    tpu.vector_store %arg14[%swap3A_157, %swap3A_158], %add3A_155 {strides = array<i32>} : memref<8x32xi32, #tpu.memory_space<vmem>>, vector<16xi32>,
    %mul3A_160 = arith.constant 8 : i32
    %mul3A_161 = arith.muli %add3A, %mul3A_160 : i32
    "tpu.region"() ({
      %run_scoped3A = tpu.sem_alloc : memref<!tpu.dma_semaphore, #tpu.memory_space<semaphore_mem>>
      %dma_start3A_2301 = arith.constant 0 : i32
      %dma_start3A_2302 = tpu.memref_slice %arg8[%mul3A_161, %dma_start3A_2301] : memref<256x32xi32, #tpu.memory_space<hbm>> -> memref<8x32xi32, #tpu.memory_space<hbm>>
      %dma_start3A_2303 = arith.constant 0 : i32
      %dma_start3A_2304 = tpu.memref_slice %arg8[%mul3A_161, %dma_start3A_2303] : memref<256x32xi32, #tpu.memory_space<hbm>> -> memref<8x32xi32, #tpu.memory_space<hbm>>
      tpu.enqueue_dma source(%arg14 : memref<8x32xi32, #tpu.memory_space<vmem>>) target(%dma_start3A_2304 : memref<8x32xi32, #tpu.memory_space<hbm>>) target_semaphore(%run_scoped3A : memref<!tpu.dma_semaphore, #tpu.memory_space<semaphore_mem>>)
      %dma_wait3A_2305 = arith.constant 0 : i32
      %dma_wait3A_2306 = tpu.memref_slice %arg8[%mul3A_161, %dma_wait3A_2305] : memref<256x32xi32, #tpu.memory_space<hbm>> -> memref<8x32xi32, #tpu.memory_space<hbm>>
      %dma_wait3A_2307 = arith.constant 0 : i32
      %dma_wait3A_2308 = tpu.memref_slice %arg8[%mul3A_161, %dma_wait3A_2307] : memref<256x32xi32, #tpu.memory_space<hbm>> -> memref<8x32xi32, #tpu.memory_space<hbm>>
      tpu.wait_dma2 semaphore(%run_scoped3A : memref<!tpu.dma_semaphore, #tpu.memory_space<semaphore_mem>>) src(%arg14 : memref<8x32xi32, #tpu.memory_space<vmem>>) dst(%dma_wait3A_2308 : memref<8x32xi32, #tpu.memory_space<hbm>>)
      tpu.yield
    }) : () -> ()
    %broadcast_in_dim3A = arith.constant 0 : i32
    %broadcast_in_dim3A_162 = vector.broadcast %broadcast_in_dim3A : i32 to vector<16xi32>
    %gather3A_163 = tpu.vector_load_idx %arg13[%broadcast_in_dim3A_162] : memref<256xf32, #tpu.memory_space<vmem>>[vector<16xi32>], vector<16xf32>,
    %swap3A_164 = arith.constant 0 : i32
    %swap3A_165 = arith.index_cast %swap3A_164 : i32 to index
    %swap3A_166 = arith.constant 0 : index
    %swap3A_167 = tpu.vector_load %arg15[%swap3A_165, %swap3A_166] {strides = array<i32>} : memref<256x128xf32, #tpu.memory_space<vmem>>, vector<16xf32>,
    tpu.vector_store %arg15[%swap3A_165, %swap3A_166], %gather3A_163 {strides = array<i32>} : memref<256x128xf32, #tpu.memory_space<vmem>>, vector<16xf32>,
    %broadcast_in_dim3A_168 = arith.constant 1 : i32
    %broadcast_in_dim3A_169 = vector.broadcast %broadcast_in_dim3A_168 : i32 to vector<16xi32>
    %gather3A_170 = tpu.vector_load_idx %arg13[%broadcast_in_dim3A_169] : memref<256xf32, #tpu.memory_space<vmem>>[vector<16xi32>], vector<16xf32>,
    %swap3A_171 = arith.constant 1 : i32
    %swap3A_172 = arith.index_cast %swap3A_171 : i32 to index
    %swap3A_173 = arith.constant 0 : index
    %swap3A_174 = tpu.vector_load %arg15[%swap3A_172, %swap3A_173] {strides = array<i32>} : memref<256x128xf32, #tpu.memory_space<vmem>>, vector<16xf32>,
    tpu.vector_store %arg15[%swap3A_172, %swap3A_173], %gather3A_170 {strides = array<i32>} : memref<256x128xf32, #tpu.memory_space<vmem>>, vector<16xf32>,
    %broadcast_in_dim3A_175 = arith.constant 2 : i32
    %broadcast_in_dim3A_176 = vector.broadcast %broadcast_in_dim3A_175 : i32 to vector<16xi32>
    %gather3A_177 = tpu.vector_load_idx %arg13[%broadcast_in_dim3A_176] : memref<256xf32, #tpu.memory_space<vmem>>[vector<16xi32>], vector<16xf32>,
    %swap3A_178 = arith.constant 2 : i32
    %swap3A_179 = arith.index_cast %swap3A_178 : i32 to index
    %swap3A_180 = arith.constant 0 : index
    %swap3A_181 = tpu.vector_load %arg15[%swap3A_179, %swap3A_180] {strides = array<i32>} : memref<256x128xf32, #tpu.memory_space<vmem>>, vector<16xf32>,
    tpu.vector_store %arg15[%swap3A_179, %swap3A_180], %gather3A_177 {strides = array<i32>} : memref<256x128xf32, #tpu.memory_space<vmem>>, vector<16xf32>,
    %broadcast_in_dim3A_182 = arith.constant 3 : i32
    %broadcast_in_dim3A_183 = vector.broadcast %broadcast_in_dim3A_182 : i32 to vector<16xi32>
    %gather3A_184 = tpu.vector_load_idx %arg13[%broadcast_in_dim3A_183] : memref<256xf32, #tpu.memory_space<vmem>>[vector<16xi32>], vector<16xf32>,
    %swap3A_185 = arith.constant 3 : i32
    %swap3A_186 = arith.index_cast %swap3A_185 : i32 to index
    %swap3A_187 = arith.constant 0 : index
    %swap3A_188 = tpu.vector_load %arg15[%swap3A_186, %swap3A_187] {strides = array<i32>} : memref<256x128xf32, #tpu.memory_space<vmem>>, vector<16xf32>,
    tpu.vector_store %arg15[%swap3A_186, %swap3A_187], %gather3A_184 {strides = array<i32>} : memref<256x128xf32, #tpu.memory_space<vmem>>, vector<16xf32>,
    %broadcast_in_dim3A_189 = arith.constant 4 : i32
    %broadcast_in_dim3A_190 = vector.broadcast %broadcast_in_dim3A_189 : i32 to vector<16xi32>
    %gather3A_191 = tpu.vector_load_idx %arg13[%broadcast_in_dim3A_190] : memref<256xf32, #tpu.memory_space<vmem>>[vector<16xi32>], vector<16xf32>,
    %swap3A_192 = arith.constant 4 : i32
    %swap3A_193 = arith.index_cast %swap3A_192 : i32 to index
    %swap3A_194 = arith.constant 0 : index
    %swap3A_195 = tpu.vector_load %arg15[%swap3A_193, %swap3A_194] {strides = array<i32>} : memref<256x128xf32, #tpu.memory_space<vmem>>, vector<16xf32>,
    tpu.vector_store %arg15[%swap3A_193, %swap3A_194], %gather3A_191 {strides = array<i32>} : memref<256x128xf32, #tpu.memory_space<vmem>>, vector<16xf32>,
    %broadcast_in_dim3A_196 = arith.constant 5 : i32
    %broadcast_in_dim3A_197 = vector.broadcast %broadcast_in_dim3A_196 : i32 to vector<16xi32>
    %gather3A_198 = tpu.vector_load_idx %arg13[%broadcast_in_dim3A_197] : memref<256xf32, #tpu.memory_space<vmem>>[vector<16xi32>], vector<16xf32>,
    %swap3A_199 = arith.constant 5 : i32
    %swap3A_200 = arith.index_cast %swap3A_199 : i32 to index
    %swap3A_201 = arith.constant 0 : index
    %swap3A_202 = tpu.vector_load %arg15[%swap3A_200, %swap3A_201] {strides = array<i32>} : memref<256x128xf32, #tpu.memory_space<vmem>>, vector<16xf32>,
    tpu.vector_store %arg15[%swap3A_200, %swap3A_201], %gather3A_198 {strides = array<i32>} : memref<256x128xf32, #tpu.memory_space<vmem>>, vector<16xf32>,
    %broadcast_in_dim3A_203 = arith.constant 6 : i32
    %broadcast_in_dim3A_204 = vector.broadcast %broadcast_in_dim3A_203 : i32 to vector<16xi32>
    %gather3A_205 = tpu.vector_load_idx %arg13[%broadcast_in_dim3A_204] : memref<256xf32, #tpu.memory_space<vmem>>[vector<16xi32>], vector<16xf32>,
    %swap3A_206 = arith.constant 6 : i32
    %swap3A_207 = arith.index_cast %swap3A_206 : i32 to index
    %swap3A_208 = arith.constant 0 : index
    %swap3A_209 = tpu.vector_load %arg15[%swap3A_207, %swap3A_208] {strides = array<i32>} : memref<256x128xf32, #tpu.memory_space<vmem>>, vector<16xf32>,
    tpu.vector_store %arg15[%swap3A_207, %swap3A_208], %gather3A_205 {strides = array<i32>} : memref<256x128xf32, #tpu.memory_space<vmem>>, vector<16xf32>,
    %broadcast_in_dim3A_210 = arith.constant 7 : i32
    %broadcast_in_dim3A_211 = vector.broadcast %broadcast_in_dim3A_210 : i32 to vector<16xi32>
    %gather3A_212 = tpu.vector_load_idx %arg13[%broadcast_in_dim3A_211] : memref<256xf32, #tpu.memory_space<vmem>>[vector<16xi32>], vector<16xf32>,
    %swap3A_213 = arith.constant 7 : i32
    %swap3A_214 = arith.index_cast %swap3A_213 : i32 to index
    %swap3A_215 = arith.constant 0 : index
    %swap3A_216 = tpu.vector_load %arg15[%swap3A_214, %swap3A_215] {strides = array<i32>} : memref<256x128xf32, #tpu.memory_space<vmem>>, vector<16xf32>,
    tpu.vector_store %arg15[%swap3A_214, %swap3A_215], %gather3A_212 {strides = array<i32>} : memref<256x128xf32, #tpu.memory_space<vmem>>, vector<16xf32>,
    %broadcast_in_dim3A_217 = arith.constant 8 : i32
    %broadcast_in_dim3A_218 = vector.broadcast %broadcast_in_dim3A_217 : i32 to vector<16xi32>
    %gather3A_219 = tpu.vector_load_idx %arg13[%broadcast_in_dim3A_218] : memref<256xf32, #tpu.memory_space<vmem>>[vector<16xi32>], vector<16xf32>,
    %swap3A_220 = arith.constant 8 : i32
    %swap3A_221 = arith.index_cast %swap3A_220 : i32 to index
    %swap3A_222 = arith.constant 0 : index
    %swap3A_223 = tpu.vector_load %arg15[%swap3A_221, %swap3A_222] {strides = array<i32>} : memref<256x128xf32, #tpu.memory_space<vmem>>, vector<16xf32>,
    tpu.vector_store %arg15[%swap3A_221, %swap3A_222], %gather3A_219 {strides = array<i32>} : memref<256x128xf32, #tpu.memory_space<vmem>>, vector<16xf32>,
    %broadcast_in_dim3A_224 = arith.constant 9 : i32
    %broadcast_in_dim3A_225 = vector.broadcast %broadcast_in_dim3A_224 : i32 to vector<16xi32>
    %gather3A_226 = tpu.vector_load_idx %arg13[%broadcast_in_dim3A_225] : memref<256xf32, #tpu.memory_space<vmem>>[vector<16xi32>], vector<16xf32>,
    %swap3A_227 = arith.constant 9 : i32
    %swap3A_228 = arith.index_cast %swap3A_227 : i32 to index
    %swap3A_229 = arith.constant 0 : index
    %swap3A_230 = tpu.vector_load %arg15[%swap3A_228, %swap3A_229] {strides = array<i32>} : memref<256x128xf32, #tpu.memory_space<vmem>>, vector<16xf32>,
    tpu.vector_store %arg15[%swap3A_228, %swap3A_229], %gather3A_226 {strides = array<i32>} : memref<256x128xf32, #tpu.memory_space<vmem>>, vector<16xf32>,
    %broadcast_in_dim3A_231 = arith.constant 10 : i32
    %broadcast_in_dim3A_232 = vector.broadcast %broadcast_in_dim3A_231 : i32 to vector<16xi32>
    %gather3A_233 = tpu.vector_load_idx %arg13[%broadcast_in_dim3A_232] : memref<256xf32, #tpu.memory_space<vmem>>[vector<16xi32>], vector<16xf32>,
    %swap3A_234 = arith.constant 10 : i32
    %swap3A_235 = arith.index_cast %swap3A_234 : i32 to index
    %swap3A_236 = arith.constant 0 : index
    %swap3A_237 = tpu.vector_load %arg15[%swap3A_235, %swap3A_236] {strides = array<i32>} : memref<256x128xf32, #tpu.memory_space<vmem>>, vector<16xf32>,
    tpu.vector_store %arg15[%swap3A_235, %swap3A_236], %gather3A_233 {strides = array<i32>} : memref<256x128xf32, #tpu.memory_space<vmem>>, vector<16xf32>,
    %broadcast_in_dim3A_238 = arith.constant 11 : i32
    %broadcast_in_dim3A_239 = vector.broadcast %broadcast_in_dim3A_238 : i32 to vector<16xi32>
    %gather3A_240 = tpu.vector_load_idx %arg13[%broadcast_in_dim3A_239] : memref<256xf32, #tpu.memory_space<vmem>>[vector<16xi32>], vector<16xf32>,
    %swap3A_241 = arith.constant 11 : i32
    %swap3A_242 = arith.index_cast %swap3A_241 : i32 to index
    %swap3A_243 = arith.constant 0 : index
    %swap3A_244 = tpu.vector_load %arg15[%swap3A_242, %swap3A_243] {strides = array<i32>} : memref<256x128xf32, #tpu.memory_space<vmem>>, vector<16xf32>,
    tpu.vector_store %arg15[%swap3A_242, %swap3A_243], %gather3A_240 {strides = array<i32>} : memref<256x128xf32, #tpu.memory_space<vmem>>, vector<16xf32>,
    %broadcast_in_dim3A_245 = arith.constant 12 : i32
    %broadcast_in_dim3A_246 = vector.broadcast %broadcast_in_dim3A_245 : i32 to vector<16xi32>
    %gather3A_247 = tpu.vector_load_idx %arg13[%broadcast_in_dim3A_246] : memref<256xf32, #tpu.memory_space<vmem>>[vector<16xi32>], vector<16xf32>,
    %swap3A_248 = arith.constant 12 : i32
    %swap3A_249 = arith.index_cast %swap3A_248 : i32 to index
    %swap3A_250 = arith.constant 0 : index
    %swap3A_251 = tpu.vector_load %arg15[%swap3A_249, %swap3A_250] {strides = array<i32>} : memref<256x128xf32, #tpu.memory_space<vmem>>, vector<16xf32>,
    tpu.vector_store %arg15[%swap3A_249, %swap3A_250], %gather3A_247 {strides = array<i32>} : memref<256x128xf32, #tpu.memory_space<vmem>>, vector<16xf32>,
    %broadcast_in_dim3A_252 = arith.constant 13 : i32
    %broadcast_in_dim3A_253 = vector.broadcast %broadcast_in_dim3A_252 : i32 to vector<16xi32>
    %gather3A_254 = tpu.vector_load_idx %arg13[%broadcast_in_dim3A_253] : memref<256xf32, #tpu.memory_space<vmem>>[vector<16xi32>], vector<16xf32>,
    %swap3A_255 = arith.constant 13 : i32
    %swap3A_256 = arith.index_cast %swap3A_255 : i32 to index
    %swap3A_257 = arith.constant 0 : index
    %swap3A_258 = tpu.vector_load %arg15[%swap3A_256, %swap3A_257] {strides = array<i32>} : memref<256x128xf32, #tpu.memory_space<vmem>>, vector<16xf32>,
    tpu.vector_store %arg15[%swap3A_256, %swap3A_257], %gather3A_254 {strides = array<i32>} : memref<256x128xf32, #tpu.memory_space<vmem>>, vector<16xf32>,
    %broadcast_in_dim3A_259 = arith.constant 14 : i32
    %broadcast_in_dim3A_260 = vector.broadcast %broadcast_in_dim3A_259 : i32 to vector<16xi32>
    %gather3A_261 = tpu.vector_load_idx %arg13[%broadcast_in_dim3A_260] : memref<256xf32, #tpu.memory_space<vmem>>[vector<16xi32>], vector<16xf32>,
    %swap3A_262 = arith.constant 14 : i32
    %swap3A_263 = arith.index_cast %swap3A_262 : i32 to index
    %swap3A_264 = arith.constant 0 : index
    %swap3A_265 = tpu.vector_load %arg15[%swap3A_263, %swap3A_264] {strides = array<i32>} : memref<256x128xf32, #tpu.memory_space<vmem>>, vector<16xf32>,
    tpu.vector_store %arg15[%swap3A_263, %swap3A_264], %gather3A_261 {strides = array<i32>} : memref<256x128xf32, #tpu.memory_space<vmem>>, vector<16xf32>,
    %broadcast_in_dim3A_266 = arith.constant 15 : i32
    %broadcast_in_dim3A_267 = vector.broadcast %broadcast_in_dim3A_266 : i32 to vector<16xi32>
    %gather3A_268 = tpu.vector_load_idx %arg13[%broadcast_in_dim3A_267] : memref<256xf32, #tpu.memory_space<vmem>>[vector<16xi32>], vector<16xf32>,
    %swap3A_269 = arith.constant 15 : i32
    %swap3A_270 = arith.index_cast %swap3A_269 : i32 to index
    %swap3A_271 = arith.constant 0 : index
    %swap3A_272 = tpu.vector_load %arg15[%swap3A_270, %swap3A_271] {strides = array<i32>} : memref<256x128xf32, #tpu.memory_space<vmem>>, vector<16xf32>,
    tpu.vector_store %arg15[%swap3A_270, %swap3A_271], %gather3A_268 {strides = array<i32>} : memref<256x128xf32, #tpu.memory_space<vmem>>, vector<16xf32>,
    %broadcast_in_dim3A_273 = arith.constant 16 : i32
    %broadcast_in_dim3A_274 = vector.broadcast %broadcast_in_dim3A_273 : i32 to vector<16xi32>
    %gather3A_275 = tpu.vector_load_idx %arg13[%broadcast_in_dim3A_274] : memref<256xf32, #tpu.memory_space<vmem>>[vector<16xi32>], vector<16xf32>,
    %swap3A_276 = arith.constant 16 : i32
    %swap3A_277 = arith.index_cast %swap3A_276 : i32 to index
    %swap3A_278 = arith.constant 0 : index
    %swap3A_279 = tpu.vector_load %arg15[%swap3A_277, %swap3A_278] {strides = array<i32>} : memref<256x128xf32, #tpu.memory_space<vmem>>, vector<16xf32>,
    tpu.vector_store %arg15[%swap3A_277, %swap3A_278], %gather3A_275 {strides = array<i32>} : memref<256x128xf32, #tpu.memory_space<vmem>>, vector<16xf32>,
    %broadcast_in_dim3A_280 = arith.constant 17 : i32
    %broadcast_in_dim3A_281 = vector.broadcast %broadcast_in_dim3A_280 : i32 to vector<16xi32>
    %gather3A_282 = tpu.vector_load_idx %arg13[%broadcast_in_dim3A_281] : memref<256xf32, #tpu.memory_space<vmem>>[vector<16xi32>], vector<16xf32>,
    %swap3A_283 = arith.constant 17 : i32
    %swap3A_284 = arith.index_cast %swap3A_283 : i32 to index
    %swap3A_285 = arith.constant 0 : index
    %swap3A_286 = tpu.vector_load %arg15[%swap3A_284, %swap3A_285] {strides = array<i32>} : memref<256x128xf32, #tpu.memory_space<vmem>>, vector<16xf32>,
    tpu.vector_store %arg15[%swap3A_284, %swap3A_285], %gather3A_282 {strides = array<i32>} : memref<256x128xf32, #tpu.memory_space<vmem>>, vector<16xf32>,
    %broadcast_in_dim3A_287 = arith.constant 18 : i32
    %broadcast_in_dim3A_288 = vector.broadcast %broadcast_in_dim3A_287 : i32 to vector<16xi32>
    %gather3A_289 = tpu.vector_load_idx %arg13[%broadcast_in_dim3A_288] : memref<256xf32, #tpu.memory_space<vmem>>[vector<16xi32>], vector<16xf32>,
    %swap3A_290 = arith.constant 18 : i32
    %swap3A_291 = arith.index_cast %swap3A_290 : i32 to index
    %swap3A_292 = arith.constant 0 : index
    %swap3A_293 = tpu.vector_load %arg15[%swap3A_291, %swap3A_292] {strides = array<i32>} : memref<256x128xf32, #tpu.memory_space<vmem>>, vector<16xf32>,
    tpu.vector_store %arg15[%swap3A_291, %swap3A_292], %gather3A_289 {strides = array<i32>} : memref<256x128xf32, #tpu.memory_space<vmem>>, vector<16xf32>,
    %broadcast_in_dim3A_294 = arith.constant 19 : i32
    %broadcast_in_dim3A_295 = vector.broadcast %broadcast_in_dim3A_294 : i32 to vector<16xi32>
    %gather3A_296 = tpu.vector_load_idx %arg13[%broadcast_in_dim3A_295] : memref<256xf32, #tpu.memory_space<vmem>>[vector<16xi32>], vector<16xf32>,
    %swap3A_297 = arith.constant 19 : i32
    %swap3A_298 = arith.index_cast %swap3A_297 : i32 to index
    %swap3A_299 = arith.constant 0 : index
    %swap3A_300 = tpu.vector_load %arg15[%swap3A_298, %swap3A_299] {strides = array<i32>} : memref<256x128xf32, #tpu.memory_space<vmem>>, vector<16xf32>,
    tpu.vector_store %arg15[%swap3A_298, %swap3A_299], %gather3A_296 {strides = array<i32>} : memref<256x128xf32, #tpu.memory_space<vmem>>, vector<16xf32>,
    %broadcast_in_dim3A_301 = arith.constant 20 : i32
    %broadcast_in_dim3A_302 = vector.broadcast %broadcast_in_dim3A_301 : i32 to vector<16xi32>
    %gather3A_303 = tpu.vector_load_idx %arg13[%broadcast_in_dim3A_302] : memref<256xf32, #tpu.memory_space<vmem>>[vector<16xi32>], vector<16xf32>,
    %swap3A_304 = arith.constant 20 : i32
    %swap3A_305 = arith.index_cast %swap3A_304 : i32 to index
    %swap3A_306 = arith.constant 0 : index
    %swap3A_307 = tpu.vector_load %arg15[%swap3A_305, %swap3A_306] {strides = array<i32>} : memref<256x128xf32, #tpu.memory_space<vmem>>, vector<16xf32>,
    tpu.vector_store %arg15[%swap3A_305, %swap3A_306], %gather3A_303 {strides = array<i32>} : memref<256x128xf32, #tpu.memory_space<vmem>>, vector<16xf32>,
    %broadcast_in_dim3A_308 = arith.constant 21 : i32
    %broadcast_in_dim3A_309 = vector.broadcast %broadcast_in_dim3A_308 : i32 to vector<16xi32>
    %gather3A_310 = tpu.vector_load_idx %arg13[%broadcast_in_dim3A_309] : memref<256xf32, #tpu.memory_space<vmem>>[vector<16xi32>], vector<16xf32>,
    %swap3A_311 = arith.constant 21 : i32
    %swap3A_312 = arith.index_cast %swap3A_311 : i32 to index
    %swap3A_313 = arith.constant 0 : index
    %swap3A_314 = tpu.vector_load %arg15[%swap3A_312, %swap3A_313] {strides = array<i32>} : memref<256x128xf32, #tpu.memory_space<vmem>>, vector<16xf32>,
    tpu.vector_store %arg15[%swap3A_312, %swap3A_313], %gather3A_310 {strides = array<i32>} : memref<256x128xf32, #tpu.memory_space<vmem>>, vector<16xf32>,
    %broadcast_in_dim3A_315 = arith.constant 22 : i32
    %broadcast_in_dim3A_316 = vector.broadcast %broadcast_in_dim3A_315 : i32 to vector<16xi32>
    %gather3A_317 = tpu.vector_load_idx %arg13[%broadcast_in_dim3A_316] : memref<256xf32, #tpu.memory_space<vmem>>[vector<16xi32>], vector<16xf32>,
    %swap3A_318 = arith.constant 22 : i32
    %swap3A_319 = arith.index_cast %swap3A_318 : i32 to index
    %swap3A_320 = arith.constant 0 : index
    %swap3A_321 = tpu.vector_load %arg15[%swap3A_319, %swap3A_320] {strides = array<i32>} : memref<256x128xf32, #tpu.memory_space<vmem>>, vector<16xf32>,
    tpu.vector_store %arg15[%swap3A_319, %swap3A_320], %gather3A_317 {strides = array<i32>} : memref<256x128xf32, #tpu.memory_space<vmem>>, vector<16xf32>,
    %broadcast_in_dim3A_322 = arith.constant 23 : i32
    %broadcast_in_dim3A_323 = vector.broadcast %broadcast_in_dim3A_322 : i32 to vector<16xi32>
    %gather3A_324 = tpu.vector_load_idx %arg13[%broadcast_in_dim3A_323] : memref<256xf32, #tpu.memory_space<vmem>>[vector<16xi32>], vector<16xf32>,
    %swap3A_325 = arith.constant 23 : i32
    %swap3A_326 = arith.index_cast %swap3A_325 : i32 to index
    %swap3A_327 = arith.constant 0 : index
    %swap3A_328 = tpu.vector_load %arg15[%swap3A_326, %swap3A_327] {strides = array<i32>} : memref<256x128xf32, #tpu.memory_space<vmem>>, vector<16xf32>,
    tpu.vector_store %arg15[%swap3A_326, %swap3A_327], %gather3A_324 {strides = array<i32>} : memref<256x128xf32, #tpu.memory_space<vmem>>, vector<16xf32>,
    %broadcast_in_dim3A_329 = arith.constant 24 : i32
    %broadcast_in_dim3A_330 = vector.broadcast %broadcast_in_dim3A_329 : i32 to vector<16xi32>
    %gather3A_331 = tpu.vector_load_idx %arg13[%broadcast_in_dim3A_330] : memref<256xf32, #tpu.memory_space<vmem>>[vector<16xi32>], vector<16xf32>,
    %swap3A_332 = arith.constant 24 : i32
    %swap3A_333 = arith.index_cast %swap3A_332 : i32 to index
    %swap3A_334 = arith.constant 0 : index
    %swap3A_335 = tpu.vector_load %arg15[%swap3A_333, %swap3A_334] {strides = array<i32>} : memref<256x128xf32, #tpu.memory_space<vmem>>, vector<16xf32>,
    tpu.vector_store %arg15[%swap3A_333, %swap3A_334], %gather3A_331 {strides = array<i32>} : memref<256x128xf32, #tpu.memory_space<vmem>>, vector<16xf32>,
    %broadcast_in_dim3A_336 = arith.constant 25 : i32
    %broadcast_in_dim3A_337 = vector.broadcast %broadcast_in_dim3A_336 : i32 to vector<16xi32>
    %gather3A_338 = tpu.vector_load_idx %arg13[%broadcast_in_dim3A_337] : memref<256xf32, #tpu.memory_space<vmem>>[vector<16xi32>], vector<16xf32>,
    %swap3A_339 = arith.constant 25 : i32
    %swap3A_340 = arith.index_cast %swap3A_339 : i32 to index
    %swap3A_341 = arith.constant 0 : index
    %swap3A_342 = tpu.vector_load %arg15[%swap3A_340, %swap3A_341] {strides = array<i32>} : memref<256x128xf32, #tpu.memory_space<vmem>>, vector<16xf32>,
    tpu.vector_store %arg15[%swap3A_340, %swap3A_341], %gather3A_338 {strides = array<i32>} : memref<256x128xf32, #tpu.memory_space<vmem>>, vector<16xf32>,
    %broadcast_in_dim3A_343 = arith.constant 26 : i32
    %broadcast_in_dim3A_344 = vector.broadcast %broadcast_in_dim3A_343 : i32 to vector<16xi32>
    %gather3A_345 = tpu.vector_load_idx %arg13[%broadcast_in_dim3A_344] : memref<256xf32, #tpu.memory_space<vmem>>[vector<16xi32>], vector<16xf32>,
    %swap3A_346 = arith.constant 26 : i32
    %swap3A_347 = arith.index_cast %swap3A_346 : i32 to index
    %swap3A_348 = arith.constant 0 : index
    %swap3A_349 = tpu.vector_load %arg15[%swap3A_347, %swap3A_348] {strides = array<i32>} : memref<256x128xf32, #tpu.memory_space<vmem>>, vector<16xf32>,
    tpu.vector_store %arg15[%swap3A_347, %swap3A_348], %gather3A_345 {strides = array<i32>} : memref<256x128xf32, #tpu.memory_space<vmem>>, vector<16xf32>,
    %broadcast_in_dim3A_350 = arith.constant 27 : i32
    %broadcast_in_dim3A_351 = vector.broadcast %broadcast_in_dim3A_350 : i32 to vector<16xi32>
    %gather3A_352 = tpu.vector_load_idx %arg13[%broadcast_in_dim3A_351] : memref<256xf32, #tpu.memory_space<vmem>>[vector<16xi32>], vector<16xf32>,
    %swap3A_353 = arith.constant 27 : i32
    %swap3A_354 = arith.index_cast %swap3A_353 : i32 to index
    %swap3A_355 = arith.constant 0 : index
    %swap3A_356 = tpu.vector_load %arg15[%swap3A_354, %swap3A_355] {strides = array<i32>} : memref<256x128xf32, #tpu.memory_space<vmem>>, vector<16xf32>,
    tpu.vector_store %arg15[%swap3A_354, %swap3A_355], %gather3A_352 {strides = array<i32>} : memref<256x128xf32, #tpu.memory_space<vmem>>, vector<16xf32>,
    %broadcast_in_dim3A_357 = arith.constant 28 : i32
    %broadcast_in_dim3A_358 = vector.broadcast %broadcast_in_dim3A_357 : i32 to vector<16xi32>
    %gather3A_359 = tpu.vector_load_idx %arg13[%broadcast_in_dim3A_358] : memref<256xf32, #tpu.memory_space<vmem>>[vector<16xi32>], vector<16xf32>,
    %swap3A_360 = arith.constant 28 : i32
    %swap3A_361 = arith.index_cast %swap3A_360 : i32 to index
    %swap3A_362 = arith.constant 0 : index
    %swap3A_363 = tpu.vector_load %arg15[%swap3A_361, %swap3A_362] {strides = array<i32>} : memref<256x128xf32, #tpu.memory_space<vmem>>, vector<16xf32>,
    tpu.vector_store %arg15[%swap3A_361, %swap3A_362], %gather3A_359 {strides = array<i32>} : memref<256x128xf32, #tpu.memory_space<vmem>>, vector<16xf32>,
    %broadcast_in_dim3A_364 = arith.constant 29 : i32
    %broadcast_in_dim3A_365 = vector.broadcast %broadcast_in_dim3A_364 : i32 to vector<16xi32>
    %gather3A_366 = tpu.vector_load_idx %arg13[%broadcast_in_dim3A_365] : memref<256xf32, #tpu.memory_space<vmem>>[vector<16xi32>], vector<16xf32>,
    %swap3A_367 = arith.constant 29 : i32
    %swap3A_368 = arith.index_cast %swap3A_367 : i32 to index
    %swap3A_369 = arith.constant 0 : index
    %swap3A_370 = tpu.vector_load %arg15[%swap3A_368, %swap3A_369] {strides = array<i32>} : memref<256x128xf32, #tpu.memory_space<vmem>>, vector<16xf32>,
    tpu.vector_store %arg15[%swap3A_368, %swap3A_369], %gather3A_366 {strides = array<i32>} : memref<256x128xf32, #tpu.memory_space<vmem>>, vector<16xf32>,
    %broadcast_in_dim3A_371 = arith.constant 30 : i32
    %broadcast_in_dim3A_372 = vector.broadcast %broadcast_in_dim3A_371 : i32 to vector<16xi32>
    %gather3A_373 = tpu.vector_load_idx %arg13[%broadcast_in_dim3A_372] : memref<256xf32, #tpu.memory_space<vmem>>[vector<16xi32>], vector<16xf32>,
    %swap3A_374 = arith.constant 30 : i32
    %swap3A_375 = arith.index_cast %swap3A_374 : i32 to index
    %swap3A_376 = arith.constant 0 : index
    %swap3A_377 = tpu.vector_load %arg15[%swap3A_375, %swap3A_376] {strides = array<i32>} : memref<256x128xf32, #tpu.memory_space<vmem>>, vector<16xf32>,
    tpu.vector_store %arg15[%swap3A_375, %swap3A_376], %gather3A_373 {strides = array<i32>} : memref<256x128xf32, #tpu.memory_space<vmem>>, vector<16xf32>,
    %broadcast_in_dim3A_378 = arith.constant 31 : i32
    %broadcast_in_dim3A_379 = vector.broadcast %broadcast_in_dim3A_378 : i32 to vector<16xi32>
    %gather3A_380 = tpu.vector_load_idx %arg13[%broadcast_in_dim3A_379] : memref<256xf32, #tpu.memory_space<vmem>>[vector<16xi32>], vector<16xf32>,
    %swap3A_381 = arith.constant 31 : i32
    %swap3A_382 = arith.index_cast %swap3A_381 : i32 to index
    %swap3A_383 = arith.constant 0 : index
    %swap3A_384 = tpu.vector_load %arg15[%swap3A_382, %swap3A_383] {strides = array<i32>} : memref<256x128xf32, #tpu.memory_space<vmem>>, vector<16xf32>,
    tpu.vector_store %arg15[%swap3A_382, %swap3A_383], %gather3A_380 {strides = array<i32>} : memref<256x128xf32, #tpu.memory_space<vmem>>, vector<16xf32>,
    %broadcast_in_dim3A_385 = arith.constant 32 : i32
    %broadcast_in_dim3A_386 = vector.broadcast %broadcast_in_dim3A_385 : i32 to vector<16xi32>
    %gather3A_387 = tpu.vector_load_idx %arg13[%broadcast_in_dim3A_386] : memref<256xf32, #tpu.memory_space<vmem>>[vector<16xi32>], vector<16xf32>,
    %swap3A_388 = arith.constant 32 : i32
    %swap3A_389 = arith.index_cast %swap3A_388 : i32 to index
    %swap3A_390 = arith.constant 0 : index
    %swap3A_391 = tpu.vector_load %arg15[%swap3A_389, %swap3A_390] {strides = array<i32>} : memref<256x128xf32, #tpu.memory_space<vmem>>, vector<16xf32>,
    tpu.vector_store %arg15[%swap3A_389, %swap3A_390], %gather3A_387 {strides = array<i32>} : memref<256x128xf32, #tpu.memory_space<vmem>>, vector<16xf32>,
    %broadcast_in_dim3A_392 = arith.constant 33 : i32
    %broadcast_in_dim3A_393 = vector.broadcast %broadcast_in_dim3A_392 : i32 to vector<16xi32>
    %gather3A_394 = tpu.vector_load_idx %arg13[%broadcast_in_dim3A_393] : memref<256xf32, #tpu.memory_space<vmem>>[vector<16xi32>], vector<16xf32>,
    %swap3A_395 = arith.constant 33 : i32
    %swap3A_396 = arith.index_cast %swap3A_395 : i32 to index
    %swap3A_397 = arith.constant 0 : index
    %swap3A_398 = tpu.vector_load %arg15[%swap3A_396, %swap3A_397] {strides = array<i32>} : memref<256x128xf32, #tpu.memory_space<vmem>>, vector<16xf32>,
    tpu.vector_store %arg15[%swap3A_396, %swap3A_397], %gather3A_394 {strides = array<i32>} : memref<256x128xf32, #tpu.memory_space<vmem>>, vector<16xf32>,
    %broadcast_in_dim3A_399 = arith.constant 34 : i32
    %broadcast_in_dim3A_400 = vector.broadcast %broadcast_in_dim3A_399 : i32 to vector<16xi32>
    %gather3A_401 = tpu.vector_load_idx %arg13[%broadcast_in_dim3A_400] : memref<256xf32, #tpu.memory_space<vmem>>[vector<16xi32>], vector<16xf32>,
    %swap3A_402 = arith.constant 34 : i32
    %swap3A_403 = arith.index_cast %swap3A_402 : i32 to index
    %swap3A_404 = arith.constant 0 : index
    %swap3A_405 = tpu.vector_load %arg15[%swap3A_403, %swap3A_404] {strides = array<i32>} : memref<256x128xf32, #tpu.memory_space<vmem>>, vector<16xf32>,
    tpu.vector_store %arg15[%swap3A_403, %swap3A_404], %gather3A_401 {strides = array<i32>} : memref<256x128xf32, #tpu.memory_space<vmem>>, vector<16xf32>,
    %broadcast_in_dim3A_406 = arith.constant 35 : i32
    %broadcast_in_dim3A_407 = vector.broadcast %broadcast_in_dim3A_406 : i32 to vector<16xi32>
    %gather3A_408 = tpu.vector_load_idx %arg13[%broadcast_in_dim3A_407] : memref<256xf32, #tpu.memory_space<vmem>>[vector<16xi32>], vector<16xf32>,
    %swap3A_409 = arith.constant 35 : i32
    %swap3A_410 = arith.index_cast %swap3A_409 : i32 to index
    %swap3A_411 = arith.constant 0 : index
    %swap3A_412 = tpu.vector_load %arg15[%swap3A_410, %swap3A_411] {strides = array<i32>} : memref<256x128xf32, #tpu.memory_space<vmem>>, vector<16xf32>,
    tpu.vector_store %arg15[%swap3A_410, %swap3A_411], %gather3A_408 {strides = array<i32>} : memref<256x128xf32, #tpu.memory_space<vmem>>, vector<16xf32>,
    %broadcast_in_dim3A_413 = arith.constant 36 : i32
    %broadcast_in_dim3A_414 = vector.broadcast %broadcast_in_dim3A_413 : i32 to vector<16xi32>
    %gather3A_415 = tpu.vector_load_idx %arg13[%broadcast_in_dim3A_414] : memref<256xf32, #tpu.memory_space<vmem>>[vector<16xi32>], vector<16xf32>,
    %swap3A_416 = arith.constant 36 : i32
    %swap3A_417 = arith.index_cast %swap3A_416 : i32 to index
    %swap3A_418 = arith.constant 0 : index
    %swap3A_419 = tpu.vector_load %arg15[%swap3A_417, %swap3A_418] {strides = array<i32>} : memref<256x128xf32, #tpu.memory_space<vmem>>, vector<16xf32>,
    tpu.vector_store %arg15[%swap3A_417, %swap3A_418], %gather3A_415 {strides = array<i32>} : memref<256x128xf32, #tpu.memory_space<vmem>>, vector<16xf32>,
    %broadcast_in_dim3A_420 = arith.constant 37 : i32
    %broadcast_in_dim3A_421 = vector.broadcast %broadcast_in_dim3A_420 : i32 to vector<16xi32>
    %gather3A_422 = tpu.vector_load_idx %arg13[%broadcast_in_dim3A_421] : memref<256xf32, #tpu.memory_space<vmem>>[vector<16xi32>], vector<16xf32>,
    %swap3A_423 = arith.constant 37 : i32
    %swap3A_424 = arith.index_cast %swap3A_423 : i32 to index
    %swap3A_425 = arith.constant 0 : index
    %swap3A_426 = tpu.vector_load %arg15[%swap3A_424, %swap3A_425] {strides = array<i32>} : memref<256x128xf32, #tpu.memory_space<vmem>>, vector<16xf32>,
    tpu.vector_store %arg15[%swap3A_424, %swap3A_425], %gather3A_422 {strides = array<i32>} : memref<256x128xf32, #tpu.memory_space<vmem>>, vector<16xf32>,
    %broadcast_in_dim3A_427 = arith.constant 38 : i32
    %broadcast_in_dim3A_428 = vector.broadcast %broadcast_in_dim3A_427 : i32 to vector<16xi32>
    %gather3A_429 = tpu.vector_load_idx %arg13[%broadcast_in_dim3A_428] : memref<256xf32, #tpu.memory_space<vmem>>[vector<16xi32>], vector<16xf32>,
    %swap3A_430 = arith.constant 38 : i32
    %swap3A_431 = arith.index_cast %swap3A_430 : i32 to index
    %swap3A_432 = arith.constant 0 : index
    %swap3A_433 = tpu.vector_load %arg15[%swap3A_431, %swap3A_432] {strides = array<i32>} : memref<256x128xf32, #tpu.memory_space<vmem>>, vector<16xf32>,
    tpu.vector_store %arg15[%swap3A_431, %swap3A_432], %gather3A_429 {strides = array<i32>} : memref<256x128xf32, #tpu.memory_space<vmem>>, vector<16xf32>,
    %broadcast_in_dim3A_434 = arith.constant 39 : i32
    %broadcast_in_dim3A_435 = vector.broadcast %broadcast_in_dim3A_434 : i32 to vector<16xi32>
    %gather3A_436 = tpu.vector_load_idx %arg13[%broadcast_in_dim3A_435] : memref<256xf32, #tpu.memory_space<vmem>>[vector<16xi32>], vector<16xf32>,
    %swap3A_437 = arith.constant 39 : i32
    %swap3A_438 = arith.index_cast %swap3A_437 : i32 to index
    %swap3A_439 = arith.constant 0 : index
    %swap3A_440 = tpu.vector_load %arg15[%swap3A_438, %swap3A_439] {strides = array<i32>} : memref<256x128xf32, #tpu.memory_space<vmem>>, vector<16xf32>,
    tpu.vector_store %arg15[%swap3A_438, %swap3A_439], %gather3A_436 {strides = array<i32>} : memref<256x128xf32, #tpu.memory_space<vmem>>, vector<16xf32>,
    %broadcast_in_dim3A_441 = arith.constant 40 : i32
    %broadcast_in_dim3A_442 = vector.broadcast %broadcast_in_dim3A_441 : i32 to vector<16xi32>
    %gather3A_443 = tpu.vector_load_idx %arg13[%broadcast_in_dim3A_442] : memref<256xf32, #tpu.memory_space<vmem>>[vector<16xi32>], vector<16xf32>,
    %swap3A_444 = arith.constant 40 : i32
    %swap3A_445 = arith.index_cast %swap3A_444 : i32 to index
    %swap3A_446 = arith.constant 0 : index
    %swap3A_447 = tpu.vector_load %arg15[%swap3A_445, %swap3A_446] {strides = array<i32>} : memref<256x128xf32, #tpu.memory_space<vmem>>, vector<16xf32>,
    tpu.vector_store %arg15[%swap3A_445, %swap3A_446], %gather3A_443 {strides = array<i32>} : memref<256x128xf32, #tpu.memory_space<vmem>>, vector<16xf32>,
    %broadcast_in_dim3A_448 = arith.constant 41 : i32
    %broadcast_in_dim3A_449 = vector.broadcast %broadcast_in_dim3A_448 : i32 to vector<16xi32>
    %gather3A_450 = tpu.vector_load_idx %arg13[%broadcast_in_dim3A_449] : memref<256xf32, #tpu.memory_space<vmem>>[vector<16xi32>], vector<16xf32>,
    %swap3A_451 = arith.constant 41 : i32
    %swap3A_452 = arith.index_cast %swap3A_451 : i32 to index
    %swap3A_453 = arith.constant 0 : index
    %swap3A_454 = tpu.vector_load %arg15[%swap3A_452, %swap3A_453] {strides = array<i32>} : memref<256x128xf32, #tpu.memory_space<vmem>>, vector<16xf32>,
    tpu.vector_store %arg15[%swap3A_452, %swap3A_453], %gather3A_450 {strides = array<i32>} : memref<256x128xf32, #tpu.memory_space<vmem>>, vector<16xf32>,
    %broadcast_in_dim3A_455 = arith.constant 42 : i32
    %broadcast_in_dim3A_456 = vector.broadcast %broadcast_in_dim3A_455 : i32 to vector<16xi32>
    %gather3A_457 = tpu.vector_load_idx %arg13[%broadcast_in_dim3A_456] : memref<256xf32, #tpu.memory_space<vmem>>[vector<16xi32>], vector<16xf32>,
    %swap3A_458 = arith.constant 42 : i32
    %swap3A_459 = arith.index_cast %swap3A_458 : i32 to index
    %swap3A_460 = arith.constant 0 : index
    %swap3A_461 = tpu.vector_load %arg15[%swap3A_459, %swap3A_460] {strides = array<i32>} : memref<256x128xf32, #tpu.memory_space<vmem>>, vector<16xf32>,
    tpu.vector_store %arg15[%swap3A_459, %swap3A_460], %gather3A_457 {strides = array<i32>} : memref<256x128xf32, #tpu.memory_space<vmem>>, vector<16xf32>,
    %broadcast_in_dim3A_462 = arith.constant 43 : i32
    %broadcast_in_dim3A_463 = vector.broadcast %broadcast_in_dim3A_462 : i32 to vector<16xi32>
    %gather3A_464 = tpu.vector_load_idx %arg13[%broadcast_in_dim3A_463] : memref<256xf32, #tpu.memory_space<vmem>>[vector<16xi32>], vector<16xf32>,
    %swap3A_465 = arith.constant 43 : i32
    %swap3A_466 = arith.index_cast %swap3A_465 : i32 to index
    %swap3A_467 = arith.constant 0 : index
    %swap3A_468 = tpu.vector_load %arg15[%swap3A_466, %swap3A_467] {strides = array<i32>} : memref<256x128xf32, #tpu.memory_space<vmem>>, vector<16xf32>,
    tpu.vector_store %arg15[%swap3A_466, %swap3A_467], %gather3A_464 {strides = array<i32>} : memref<256x128xf32, #tpu.memory_space<vmem>>, vector<16xf32>,
    %broadcast_in_dim3A_469 = arith.constant 44 : i32
    %broadcast_in_dim3A_470 = vector.broadcast %broadcast_in_dim3A_469 : i32 to vector<16xi32>
    %gather3A_471 = tpu.vector_load_idx %arg13[%broadcast_in_dim3A_470] : memref<256xf32, #tpu.memory_space<vmem>>[vector<16xi32>], vector<16xf32>,
    %swap3A_472 = arith.constant 44 : i32
    %swap3A_473 = arith.index_cast %swap3A_472 : i32 to index
    %swap3A_474 = arith.constant 0 : index
    %swap3A_475 = tpu.vector_load %arg15[%swap3A_473, %swap3A_474] {strides = array<i32>} : memref<256x128xf32, #tpu.memory_space<vmem>>, vector<16xf32>,
    tpu.vector_store %arg15[%swap3A_473, %swap3A_474], %gather3A_471 {strides = array<i32>} : memref<256x128xf32, #tpu.memory_space<vmem>>, vector<16xf32>,
    %broadcast_in_dim3A_476 = arith.constant 45 : i32
    %broadcast_in_dim3A_477 = vector.broadcast %broadcast_in_dim3A_476 : i32 to vector<16xi32>
    %gather3A_478 = tpu.vector_load_idx %arg13[%broadcast_in_dim3A_477] : memref<256xf32, #tpu.memory_space<vmem>>[vector<16xi32>], vector<16xf32>,
    %swap3A_479 = arith.constant 45 : i32
    %swap3A_480 = arith.index_cast %swap3A_479 : i32 to index
    %swap3A_481 = arith.constant 0 : index
    %swap3A_482 = tpu.vector_load %arg15[%swap3A_480, %swap3A_481] {strides = array<i32>} : memref<256x128xf32, #tpu.memory_space<vmem>>, vector<16xf32>,
    tpu.vector_store %arg15[%swap3A_480, %swap3A_481], %gather3A_478 {strides = array<i32>} : memref<256x128xf32, #tpu.memory_space<vmem>>, vector<16xf32>,
    %broadcast_in_dim3A_483 = arith.constant 46 : i32
    %broadcast_in_dim3A_484 = vector.broadcast %broadcast_in_dim3A_483 : i32 to vector<16xi32>
    %gather3A_485 = tpu.vector_load_idx %arg13[%broadcast_in_dim3A_484] : memref<256xf32, #tpu.memory_space<vmem>>[vector<16xi32>], vector<16xf32>,
    %swap3A_486 = arith.constant 46 : i32
    %swap3A_487 = arith.index_cast %swap3A_486 : i32 to index
    %swap3A_488 = arith.constant 0 : index
    %swap3A_489 = tpu.vector_load %arg15[%swap3A_487, %swap3A_488] {strides = array<i32>} : memref<256x128xf32, #tpu.memory_space<vmem>>, vector<16xf32>,
    tpu.vector_store %arg15[%swap3A_487, %swap3A_488], %gather3A_485 {strides = array<i32>} : memref<256x128xf32, #tpu.memory_space<vmem>>, vector<16xf32>,
    %broadcast_in_dim3A_490 = arith.constant 47 : i32
    %broadcast_in_dim3A_491 = vector.broadcast %broadcast_in_dim3A_490 : i32 to vector<16xi32>
    %gather3A_492 = tpu.vector_load_idx %arg13[%broadcast_in_dim3A_491] : memref<256xf32, #tpu.memory_space<vmem>>[vector<16xi32>], vector<16xf32>,
    %swap3A_493 = arith.constant 47 : i32
    %swap3A_494 = arith.index_cast %swap3A_493 : i32 to index
    %swap3A_495 = arith.constant 0 : index
    %swap3A_496 = tpu.vector_load %arg15[%swap3A_494, %swap3A_495] {strides = array<i32>} : memref<256x128xf32, #tpu.memory_space<vmem>>, vector<16xf32>,
    tpu.vector_store %arg15[%swap3A_494, %swap3A_495], %gather3A_492 {strides = array<i32>} : memref<256x128xf32, #tpu.memory_space<vmem>>, vector<16xf32>,
    %broadcast_in_dim3A_497 = arith.constant 48 : i32
    %broadcast_in_dim3A_498 = vector.broadcast %broadcast_in_dim3A_497 : i32 to vector<16xi32>
    %gather3A_499 = tpu.vector_load_idx %arg13[%broadcast_in_dim3A_498] : memref<256xf32, #tpu.memory_space<vmem>>[vector<16xi32>], vector<16xf32>,
    %swap3A_500 = arith.constant 48 : i32
    %swap3A_501 = arith.index_cast %swap3A_500 : i32 to index
    %swap3A_502 = arith.constant 0 : index
    %swap3A_503 = tpu.vector_load %arg15[%swap3A_501, %swap3A_502] {strides = array<i32>} : memref<256x128xf32, #tpu.memory_space<vmem>>, vector<16xf32>,
    tpu.vector_store %arg15[%swap3A_501, %swap3A_502], %gather3A_499 {strides = array<i32>} : memref<256x128xf32, #tpu.memory_space<vmem>>, vector<16xf32>,
    %broadcast_in_dim3A_504 = arith.constant 49 : i32
    %broadcast_in_dim3A_505 = vector.broadcast %broadcast_in_dim3A_504 : i32 to vector<16xi32>
    %gather3A_506 = tpu.vector_load_idx %arg13[%broadcast_in_dim3A_505] : memref<256xf32, #tpu.memory_space<vmem>>[vector<16xi32>], vector<16xf32>,
    %swap3A_507 = arith.constant 49 : i32
    %swap3A_508 = arith.index_cast %swap3A_507 : i32 to index
    %swap3A_509 = arith.constant 0 : index
    %swap3A_510 = tpu.vector_load %arg15[%swap3A_508, %swap3A_509] {strides = array<i32>} : memref<256x128xf32, #tpu.memory_space<vmem>>, vector<16xf32>,
    tpu.vector_store %arg15[%swap3A_508, %swap3A_509], %gather3A_506 {strides = array<i32>} : memref<256x128xf32, #tpu.memory_space<vmem>>, vector<16xf32>,
    %broadcast_in_dim3A_511 = arith.constant 50 : i32
    %broadcast_in_dim3A_512 = vector.broadcast %broadcast_in_dim3A_511 : i32 to vector<16xi32>
    %gather3A_513 = tpu.vector_load_idx %arg13[%broadcast_in_dim3A_512] : memref<256xf32, #tpu.memory_space<vmem>>[vector<16xi32>], vector<16xf32>,
    %swap3A_514 = arith.constant 50 : i32
    %swap3A_515 = arith.index_cast %swap3A_514 : i32 to index
    %swap3A_516 = arith.constant 0 : index
    %swap3A_517 = tpu.vector_load %arg15[%swap3A_515, %swap3A_516] {strides = array<i32>} : memref<256x128xf32, #tpu.memory_space<vmem>>, vector<16xf32>,
    tpu.vector_store %arg15[%swap3A_515, %swap3A_516], %gather3A_513 {strides = array<i32>} : memref<256x128xf32, #tpu.memory_space<vmem>>, vector<16xf32>,
    %broadcast_in_dim3A_518 = arith.constant 51 : i32
    %broadcast_in_dim3A_519 = vector.broadcast %broadcast_in_dim3A_518 : i32 to vector<16xi32>
    %gather3A_520 = tpu.vector_load_idx %arg13[%broadcast_in_dim3A_519] : memref<256xf32, #tpu.memory_space<vmem>>[vector<16xi32>], vector<16xf32>,
    %swap3A_521 = arith.constant 51 : i32
    %swap3A_522 = arith.index_cast %swap3A_521 : i32 to index
    %swap3A_523 = arith.constant 0 : index
    %swap3A_524 = tpu.vector_load %arg15[%swap3A_522, %swap3A_523] {strides = array<i32>} : memref<256x128xf32, #tpu.memory_space<vmem>>, vector<16xf32>,
    tpu.vector_store %arg15[%swap3A_522, %swap3A_523], %gather3A_520 {strides = array<i32>} : memref<256x128xf32, #tpu.memory_space<vmem>>, vector<16xf32>,
    %broadcast_in_dim3A_525 = arith.constant 52 : i32
    %broadcast_in_dim3A_526 = vector.broadcast %broadcast_in_dim3A_525 : i32 to vector<16xi32>
    %gather3A_527 = tpu.vector_load_idx %arg13[%broadcast_in_dim3A_526] : memref<256xf32, #tpu.memory_space<vmem>>[vector<16xi32>], vector<16xf32>,
    %swap3A_528 = arith.constant 52 : i32
    %swap3A_529 = arith.index_cast %swap3A_528 : i32 to index
    %swap3A_530 = arith.constant 0 : index
    %swap3A_531 = tpu.vector_load %arg15[%swap3A_529, %swap3A_530] {strides = array<i32>} : memref<256x128xf32, #tpu.memory_space<vmem>>, vector<16xf32>,
    tpu.vector_store %arg15[%swap3A_529, %swap3A_530], %gather3A_527 {strides = array<i32>} : memref<256x128xf32, #tpu.memory_space<vmem>>, vector<16xf32>,
    %broadcast_in_dim3A_532 = arith.constant 53 : i32
    %broadcast_in_dim3A_533 = vector.broadcast %broadcast_in_dim3A_532 : i32 to vector<16xi32>
    %gather3A_534 = tpu.vector_load_idx %arg13[%broadcast_in_dim3A_533] : memref<256xf32, #tpu.memory_space<vmem>>[vector<16xi32>], vector<16xf32>,
    %swap3A_535 = arith.constant 53 : i32
    %swap3A_536 = arith.index_cast %swap3A_535 : i32 to index
    %swap3A_537 = arith.constant 0 : index
    %swap3A_538 = tpu.vector_load %arg15[%swap3A_536, %swap3A_537] {strides = array<i32>} : memref<256x128xf32, #tpu.memory_space<vmem>>, vector<16xf32>,
    tpu.vector_store %arg15[%swap3A_536, %swap3A_537], %gather3A_534 {strides = array<i32>} : memref<256x128xf32, #tpu.memory_space<vmem>>, vector<16xf32>,
    %broadcast_in_dim3A_539 = arith.constant 54 : i32
    %broadcast_in_dim3A_540 = vector.broadcast %broadcast_in_dim3A_539 : i32 to vector<16xi32>
    %gather3A_541 = tpu.vector_load_idx %arg13[%broadcast_in_dim3A_540] : memref<256xf32, #tpu.memory_space<vmem>>[vector<16xi32>], vector<16xf32>,
    %swap3A_542 = arith.constant 54 : i32
    %swap3A_543 = arith.index_cast %swap3A_542 : i32 to index
    %swap3A_544 = arith.constant 0 : index
    %swap3A_545 = tpu.vector_load %arg15[%swap3A_543, %swap3A_544] {strides = array<i32>} : memref<256x128xf32, #tpu.memory_space<vmem>>, vector<16xf32>,
    tpu.vector_store %arg15[%swap3A_543, %swap3A_544], %gather3A_541 {strides = array<i32>} : memref<256x128xf32, #tpu.memory_space<vmem>>, vector<16xf32>,
    %broadcast_in_dim3A_546 = arith.constant 55 : i32
    %broadcast_in_dim3A_547 = vector.broadcast %broadcast_in_dim3A_546 : i32 to vector<16xi32>
    %gather3A_548 = tpu.vector_load_idx %arg13[%broadcast_in_dim3A_547] : memref<256xf32, #tpu.memory_space<vmem>>[vector<16xi32>], vector<16xf32>,
    %swap3A_549 = arith.constant 55 : i32
    %swap3A_550 = arith.index_cast %swap3A_549 : i32 to index
    %swap3A_551 = arith.constant 0 : index
    %swap3A_552 = tpu.vector_load %arg15[%swap3A_550, %swap3A_551] {strides = array<i32>} : memref<256x128xf32, #tpu.memory_space<vmem>>, vector<16xf32>,
    tpu.vector_store %arg15[%swap3A_550, %swap3A_551], %gather3A_548 {strides = array<i32>} : memref<256x128xf32, #tpu.memory_space<vmem>>, vector<16xf32>,
    %broadcast_in_dim3A_553 = arith.constant 56 : i32
    %broadcast_in_dim3A_554 = vector.broadcast %broadcast_in_dim3A_553 : i32 to vector<16xi32>
    %gather3A_555 = tpu.vector_load_idx %arg13[%broadcast_in_dim3A_554] : memref<256xf32, #tpu.memory_space<vmem>>[vector<16xi32>], vector<16xf32>,
    %swap3A_556 = arith.constant 56 : i32
    %swap3A_557 = arith.index_cast %swap3A_556 : i32 to index
    %swap3A_558 = arith.constant 0 : index
    %swap3A_559 = tpu.vector_load %arg15[%swap3A_557, %swap3A_558] {strides = array<i32>} : memref<256x128xf32, #tpu.memory_space<vmem>>, vector<16xf32>,
    tpu.vector_store %arg15[%swap3A_557, %swap3A_558], %gather3A_555 {strides = array<i32>} : memref<256x128xf32, #tpu.memory_space<vmem>>, vector<16xf32>,
    %broadcast_in_dim3A_560 = arith.constant 57 : i32
    %broadcast_in_dim3A_561 = vector.broadcast %broadcast_in_dim3A_560 : i32 to vector<16xi32>
    %gather3A_562 = tpu.vector_load_idx %arg13[%broadcast_in_dim3A_561] : memref<256xf32, #tpu.memory_space<vmem>>[vector<16xi32>], vector<16xf32>,
    %swap3A_563 = arith.constant 57 : i32
    %swap3A_564 = arith.index_cast %swap3A_563 : i32 to index
    %swap3A_565 = arith.constant 0 : index
    %swap3A_566 = tpu.vector_load %arg15[%swap3A_564, %swap3A_565] {strides = array<i32>} : memref<256x128xf32, #tpu.memory_space<vmem>>, vector<16xf32>,
    tpu.vector_store %arg15[%swap3A_564, %swap3A_565], %gather3A_562 {strides = array<i32>} : memref<256x128xf32, #tpu.memory_space<vmem>>, vector<16xf32>,
    %broadcast_in_dim3A_567 = arith.constant 58 : i32
    %broadcast_in_dim3A_568 = vector.broadcast %broadcast_in_dim3A_567 : i32 to vector<16xi32>
    %gather3A_569 = tpu.vector_load_idx %arg13[%broadcast_in_dim3A_568] : memref<256xf32, #tpu.memory_space<vmem>>[vector<16xi32>], vector<16xf32>,
    %swap3A_570 = arith.constant 58 : i32
    %swap3A_571 = arith.index_cast %swap3A_570 : i32 to index
    %swap3A_572 = arith.constant 0 : index
    %swap3A_573 = tpu.vector_load %arg15[%swap3A_571, %swap3A_572] {strides = array<i32>} : memref<256x128xf32, #tpu.memory_space<vmem>>, vector<16xf32>,
    tpu.vector_store %arg15[%swap3A_571, %swap3A_572], %gather3A_569 {strides = array<i32>} : memref<256x128xf32, #tpu.memory_space<vmem>>, vector<16xf32>,
    %broadcast_in_dim3A_574 = arith.constant 59 : i32
    %broadcast_in_dim3A_575 = vector.broadcast %broadcast_in_dim3A_574 : i32 to vector<16xi32>
    %gather3A_576 = tpu.vector_load_idx %arg13[%broadcast_in_dim3A_575] : memref<256xf32, #tpu.memory_space<vmem>>[vector<16xi32>], vector<16xf32>,
    %swap3A_577 = arith.constant 59 : i32
    %swap3A_578 = arith.index_cast %swap3A_577 : i32 to index
    %swap3A_579 = arith.constant 0 : index
    %swap3A_580 = tpu.vector_load %arg15[%swap3A_578, %swap3A_579] {strides = array<i32>} : memref<256x128xf32, #tpu.memory_space<vmem>>, vector<16xf32>,
    tpu.vector_store %arg15[%swap3A_578, %swap3A_579], %gather3A_576 {strides = array<i32>} : memref<256x128xf32, #tpu.memory_space<vmem>>, vector<16xf32>,
    %broadcast_in_dim3A_581 = arith.constant 60 : i32
    %broadcast_in_dim3A_582 = vector.broadcast %broadcast_in_dim3A_581 : i32 to vector<16xi32>
    %gather3A_583 = tpu.vector_load_idx %arg13[%broadcast_in_dim3A_582] : memref<256xf32, #tpu.memory_space<vmem>>[vector<16xi32>], vector<16xf32>,
    %swap3A_584 = arith.constant 60 : i32
    %swap3A_585 = arith.index_cast %swap3A_584 : i32 to index
    %swap3A_586 = arith.constant 0 : index
    %swap3A_587 = tpu.vector_load %arg15[%swap3A_585, %swap3A_586] {strides = array<i32>} : memref<256x128xf32, #tpu.memory_space<vmem>>, vector<16xf32>,
    tpu.vector_store %arg15[%swap3A_585, %swap3A_586], %gather3A_583 {strides = array<i32>} : memref<256x128xf32, #tpu.memory_space<vmem>>, vector<16xf32>,
    %broadcast_in_dim3A_588 = arith.constant 61 : i32
    %broadcast_in_dim3A_589 = vector.broadcast %broadcast_in_dim3A_588 : i32 to vector<16xi32>
    %gather3A_590 = tpu.vector_load_idx %arg13[%broadcast_in_dim3A_589] : memref<256xf32, #tpu.memory_space<vmem>>[vector<16xi32>], vector<16xf32>,
    %swap3A_591 = arith.constant 61 : i32
    %swap3A_592 = arith.index_cast %swap3A_591 : i32 to index
    %swap3A_593 = arith.constant 0 : index
    %swap3A_594 = tpu.vector_load %arg15[%swap3A_592, %swap3A_593] {strides = array<i32>} : memref<256x128xf32, #tpu.memory_space<vmem>>, vector<16xf32>,
    tpu.vector_store %arg15[%swap3A_592, %swap3A_593], %gather3A_590 {strides = array<i32>} : memref<256x128xf32, #tpu.memory_space<vmem>>, vector<16xf32>,
    %broadcast_in_dim3A_595 = arith.constant 62 : i32
    %broadcast_in_dim3A_596 = vector.broadcast %broadcast_in_dim3A_595 : i32 to vector<16xi32>
    %gather3A_597 = tpu.vector_load_idx %arg13[%broadcast_in_dim3A_596] : memref<256xf32, #tpu.memory_space<vmem>>[vector<16xi32>], vector<16xf32>,
    %swap3A_598 = arith.constant 62 : i32
    %swap3A_599 = arith.index_cast %swap3A_598 : i32 to index
    %swap3A_600 = arith.constant 0 : index
    %swap3A_601 = tpu.vector_load %arg15[%swap3A_599, %swap3A_600] {strides = array<i32>} : memref<256x128xf32, #tpu.memory_space<vmem>>, vector<16xf32>,
    tpu.vector_store %arg15[%swap3A_599, %swap3A_600], %gather3A_597 {strides = array<i32>} : memref<256x128xf32, #tpu.memory_space<vmem>>, vector<16xf32>,
    %broadcast_in_dim3A_602 = arith.constant 63 : i32
    %broadcast_in_dim3A_603 = vector.broadcast %broadcast_in_dim3A_602 : i32 to vector<16xi32>
    %gather3A_604 = tpu.vector_load_idx %arg13[%broadcast_in_dim3A_603] : memref<256xf32, #tpu.memory_space<vmem>>[vector<16xi32>], vector<16xf32>,
    %swap3A_605 = arith.constant 63 : i32
    %swap3A_606 = arith.index_cast %swap3A_605 : i32 to index
    %swap3A_607 = arith.constant 0 : index
    %swap3A_608 = tpu.vector_load %arg15[%swap3A_606, %swap3A_607] {strides = array<i32>} : memref<256x128xf32, #tpu.memory_space<vmem>>, vector<16xf32>,
    tpu.vector_store %arg15[%swap3A_606, %swap3A_607], %gather3A_604 {strides = array<i32>} : memref<256x128xf32, #tpu.memory_space<vmem>>, vector<16xf32>,
    %broadcast_in_dim3A_609 = arith.constant 64 : i32
    %broadcast_in_dim3A_610 = vector.broadcast %broadcast_in_dim3A_609 : i32 to vector<16xi32>
    %gather3A_611 = tpu.vector_load_idx %arg13[%broadcast_in_dim3A_610] : memref<256xf32, #tpu.memory_space<vmem>>[vector<16xi32>], vector<16xf32>,
    %swap3A_612 = arith.constant 64 : i32
    %swap3A_613 = arith.index_cast %swap3A_612 : i32 to index
    %swap3A_614 = arith.constant 0 : index
    %swap3A_615 = tpu.vector_load %arg15[%swap3A_613, %swap3A_614] {strides = array<i32>} : memref<256x128xf32, #tpu.memory_space<vmem>>, vector<16xf32>,
    tpu.vector_store %arg15[%swap3A_613, %swap3A_614], %gather3A_611 {strides = array<i32>} : memref<256x128xf32, #tpu.memory_space<vmem>>, vector<16xf32>,
    %broadcast_in_dim3A_616 = arith.constant 65 : i32
    %broadcast_in_dim3A_617 = vector.broadcast %broadcast_in_dim3A_616 : i32 to vector<16xi32>
    %gather3A_618 = tpu.vector_load_idx %arg13[%broadcast_in_dim3A_617] : memref<256xf32, #tpu.memory_space<vmem>>[vector<16xi32>], vector<16xf32>,
    %swap3A_619 = arith.constant 65 : i32
    %swap3A_620 = arith.index_cast %swap3A_619 : i32 to index
    %swap3A_621 = arith.constant 0 : index
    %swap3A_622 = tpu.vector_load %arg15[%swap3A_620, %swap3A_621] {strides = array<i32>} : memref<256x128xf32, #tpu.memory_space<vmem>>, vector<16xf32>,
    tpu.vector_store %arg15[%swap3A_620, %swap3A_621], %gather3A_618 {strides = array<i32>} : memref<256x128xf32, #tpu.memory_space<vmem>>, vector<16xf32>,
    %broadcast_in_dim3A_623 = arith.constant 66 : i32
    %broadcast_in_dim3A_624 = vector.broadcast %broadcast_in_dim3A_623 : i32 to vector<16xi32>
    %gather3A_625 = tpu.vector_load_idx %arg13[%broadcast_in_dim3A_624] : memref<256xf32, #tpu.memory_space<vmem>>[vector<16xi32>], vector<16xf32>,
    %swap3A_626 = arith.constant 66 : i32
    %swap3A_627 = arith.index_cast %swap3A_626 : i32 to index
    %swap3A_628 = arith.constant 0 : index
    %swap3A_629 = tpu.vector_load %arg15[%swap3A_627, %swap3A_628] {strides = array<i32>} : memref<256x128xf32, #tpu.memory_space<vmem>>, vector<16xf32>,
    tpu.vector_store %arg15[%swap3A_627, %swap3A_628], %gather3A_625 {strides = array<i32>} : memref<256x128xf32, #tpu.memory_space<vmem>>, vector<16xf32>,
    %broadcast_in_dim3A_630 = arith.constant 67 : i32
    %broadcast_in_dim3A_631 = vector.broadcast %broadcast_in_dim3A_630 : i32 to vector<16xi32>
    %gather3A_632 = tpu.vector_load_idx %arg13[%broadcast_in_dim3A_631] : memref<256xf32, #tpu.memory_space<vmem>>[vector<16xi32>], vector<16xf32>,
    %swap3A_633 = arith.constant 67 : i32
    %swap3A_634 = arith.index_cast %swap3A_633 : i32 to index
    %swap3A_635 = arith.constant 0 : index
    %swap3A_636 = tpu.vector_load %arg15[%swap3A_634, %swap3A_635] {strides = array<i32>} : memref<256x128xf32, #tpu.memory_space<vmem>>, vector<16xf32>,
    tpu.vector_store %arg15[%swap3A_634, %swap3A_635], %gather3A_632 {strides = array<i32>} : memref<256x128xf32, #tpu.memory_space<vmem>>, vector<16xf32>,
    %broadcast_in_dim3A_637 = arith.constant 68 : i32
    %broadcast_in_dim3A_638 = vector.broadcast %broadcast_in_dim3A_637 : i32 to vector<16xi32>
    %gather3A_639 = tpu.vector_load_idx %arg13[%broadcast_in_dim3A_638] : memref<256xf32, #tpu.memory_space<vmem>>[vector<16xi32>], vector<16xf32>,
    %swap3A_640 = arith.constant 68 : i32
    %swap3A_641 = arith.index_cast %swap3A_640 : i32 to index
    %swap3A_642 = arith.constant 0 : index
    %swap3A_643 = tpu.vector_load %arg15[%swap3A_641, %swap3A_642] {strides = array<i32>} : memref<256x128xf32, #tpu.memory_space<vmem>>, vector<16xf32>,
    tpu.vector_store %arg15[%swap3A_641, %swap3A_642], %gather3A_639 {strides = array<i32>} : memref<256x128xf32, #tpu.memory_space<vmem>>, vector<16xf32>,
    %broadcast_in_dim3A_644 = arith.constant 69 : i32
    %broadcast_in_dim3A_645 = vector.broadcast %broadcast_in_dim3A_644 : i32 to vector<16xi32>
    %gather3A_646 = tpu.vector_load_idx %arg13[%broadcast_in_dim3A_645] : memref<256xf32, #tpu.memory_space<vmem>>[vector<16xi32>], vector<16xf32>,
    %swap3A_647 = arith.constant 69 : i32
    %swap3A_648 = arith.index_cast %swap3A_647 : i32 to index
    %swap3A_649 = arith.constant 0 : index
    %swap3A_650 = tpu.vector_load %arg15[%swap3A_648, %swap3A_649] {strides = array<i32>} : memref<256x128xf32, #tpu.memory_space<vmem>>, vector<16xf32>,
    tpu.vector_store %arg15[%swap3A_648, %swap3A_649], %gather3A_646 {strides = array<i32>} : memref<256x128xf32, #tpu.memory_space<vmem>>, vector<16xf32>,
    %broadcast_in_dim3A_651 = arith.constant 70 : i32
    %broadcast_in_dim3A_652 = vector.broadcast %broadcast_in_dim3A_651 : i32 to vector<16xi32>
    %gather3A_653 = tpu.vector_load_idx %arg13[%broadcast_in_dim3A_652] : memref<256xf32, #tpu.memory_space<vmem>>[vector<16xi32>], vector<16xf32>,
    %swap3A_654 = arith.constant 70 : i32
    %swap3A_655 = arith.index_cast %swap3A_654 : i32 to index
    %swap3A_656 = arith.constant 0 : index
    %swap3A_657 = tpu.vector_load %arg15[%swap3A_655, %swap3A_656] {strides = array<i32>} : memref<256x128xf32, #tpu.memory_space<vmem>>, vector<16xf32>,
    tpu.vector_store %arg15[%swap3A_655, %swap3A_656], %gather3A_653 {strides = array<i32>} : memref<256x128xf32, #tpu.memory_space<vmem>>, vector<16xf32>,
    %broadcast_in_dim3A_658 = arith.constant 71 : i32
    %broadcast_in_dim3A_659 = vector.broadcast %broadcast_in_dim3A_658 : i32 to vector<16xi32>
    %gather3A_660 = tpu.vector_load_idx %arg13[%broadcast_in_dim3A_659] : memref<256xf32, #tpu.memory_space<vmem>>[vector<16xi32>], vector<16xf32>,
    %swap3A_661 = arith.constant 71 : i32
    %swap3A_662 = arith.index_cast %swap3A_661 : i32 to index
    %swap3A_663 = arith.constant 0 : index
    %swap3A_664 = tpu.vector_load %arg15[%swap3A_662, %swap3A_663] {strides = array<i32>} : memref<256x128xf32, #tpu.memory_space<vmem>>, vector<16xf32>,
    tpu.vector_store %arg15[%swap3A_662, %swap3A_663], %gather3A_660 {strides = array<i32>} : memref<256x128xf32, #tpu.memory_space<vmem>>, vector<16xf32>,
    %broadcast_in_dim3A_665 = arith.constant 72 : i32
    %broadcast_in_dim3A_666 = vector.broadcast %broadcast_in_dim3A_665 : i32 to vector<16xi32>
    %gather3A_667 = tpu.vector_load_idx %arg13[%broadcast_in_dim3A_666] : memref<256xf32, #tpu.memory_space<vmem>>[vector<16xi32>], vector<16xf32>,
    %swap3A_668 = arith.constant 72 : i32
    %swap3A_669 = arith.index_cast %swap3A_668 : i32 to index
    %swap3A_670 = arith.constant 0 : index
    %swap3A_671 = tpu.vector_load %arg15[%swap3A_669, %swap3A_670] {strides = array<i32>} : memref<256x128xf32, #tpu.memory_space<vmem>>, vector<16xf32>,
    tpu.vector_store %arg15[%swap3A_669, %swap3A_670], %gather3A_667 {strides = array<i32>} : memref<256x128xf32, #tpu.memory_space<vmem>>, vector<16xf32>,
    %broadcast_in_dim3A_672 = arith.constant 73 : i32
    %broadcast_in_dim3A_673 = vector.broadcast %broadcast_in_dim3A_672 : i32 to vector<16xi32>
    %gather3A_674 = tpu.vector_load_idx %arg13[%broadcast_in_dim3A_673] : memref<256xf32, #tpu.memory_space<vmem>>[vector<16xi32>], vector<16xf32>,
    %swap3A_675 = arith.constant 73 : i32
    %swap3A_676 = arith.index_cast %swap3A_675 : i32 to index
    %swap3A_677 = arith.constant 0 : index
    %swap3A_678 = tpu.vector_load %arg15[%swap3A_676, %swap3A_677] {strides = array<i32>} : memref<256x128xf32, #tpu.memory_space<vmem>>, vector<16xf32>,
    tpu.vector_store %arg15[%swap3A_676, %swap3A_677], %gather3A_674 {strides = array<i32>} : memref<256x128xf32, #tpu.memory_space<vmem>>, vector<16xf32>,
    %broadcast_in_dim3A_679 = arith.constant 74 : i32
    %broadcast_in_dim3A_680 = vector.broadcast %broadcast_in_dim3A_679 : i32 to vector<16xi32>
    %gather3A_681 = tpu.vector_load_idx %arg13[%broadcast_in_dim3A_680] : memref<256xf32, #tpu.memory_space<vmem>>[vector<16xi32>], vector<16xf32>,
    %swap3A_682 = arith.constant 74 : i32
    %swap3A_683 = arith.index_cast %swap3A_682 : i32 to index
    %swap3A_684 = arith.constant 0 : index
    %swap3A_685 = tpu.vector_load %arg15[%swap3A_683, %swap3A_684] {strides = array<i32>} : memref<256x128xf32, #tpu.memory_space<vmem>>, vector<16xf32>,
    tpu.vector_store %arg15[%swap3A_683, %swap3A_684], %gather3A_681 {strides = array<i32>} : memref<256x128xf32, #tpu.memory_space<vmem>>, vector<16xf32>,
    %broadcast_in_dim3A_686 = arith.constant 75 : i32
    %broadcast_in_dim3A_687 = vector.broadcast %broadcast_in_dim3A_686 : i32 to vector<16xi32>
    %gather3A_688 = tpu.vector_load_idx %arg13[%broadcast_in_dim3A_687] : memref<256xf32, #tpu.memory_space<vmem>>[vector<16xi32>], vector<16xf32>,
    %swap3A_689 = arith.constant 75 : i32
    %swap3A_690 = arith.index_cast %swap3A_689 : i32 to index
    %swap3A_691 = arith.constant 0 : index
    %swap3A_692 = tpu.vector_load %arg15[%swap3A_690, %swap3A_691] {strides = array<i32>} : memref<256x128xf32, #tpu.memory_space<vmem>>, vector<16xf32>,
    tpu.vector_store %arg15[%swap3A_690, %swap3A_691], %gather3A_688 {strides = array<i32>} : memref<256x128xf32, #tpu.memory_space<vmem>>, vector<16xf32>,
    %broadcast_in_dim3A_693 = arith.constant 76 : i32
    %broadcast_in_dim3A_694 = vector.broadcast %broadcast_in_dim3A_693 : i32 to vector<16xi32>
    %gather3A_695 = tpu.vector_load_idx %arg13[%broadcast_in_dim3A_694] : memref<256xf32, #tpu.memory_space<vmem>>[vector<16xi32>], vector<16xf32>,
    %swap3A_696 = arith.constant 76 : i32
    %swap3A_697 = arith.index_cast %swap3A_696 : i32 to index
    %swap3A_698 = arith.constant 0 : index
    %swap3A_699 = tpu.vector_load %arg15[%swap3A_697, %swap3A_698] {strides = array<i32>} : memref<256x128xf32, #tpu.memory_space<vmem>>, vector<16xf32>,
    tpu.vector_store %arg15[%swap3A_697, %swap3A_698], %gather3A_695 {strides = array<i32>} : memref<256x128xf32, #tpu.memory_space<vmem>>, vector<16xf32>,
    %broadcast_in_dim3A_700 = arith.constant 77 : i32
    %broadcast_in_dim3A_701 = vector.broadcast %broadcast_in_dim3A_700 : i32 to vector<16xi32>
    %gather3A_702 = tpu.vector_load_idx %arg13[%broadcast_in_dim3A_701] : memref<256xf32, #tpu.memory_space<vmem>>[vector<16xi32>], vector<16xf32>,
    %swap3A_703 = arith.constant 77 : i32
    %swap3A_704 = arith.index_cast %swap3A_703 : i32 to index
    %swap3A_705 = arith.constant 0 : index
    %swap3A_706 = tpu.vector_load %arg15[%swap3A_704, %swap3A_705] {strides = array<i32>} : memref<256x128xf32, #tpu.memory_space<vmem>>, vector<16xf32>,
    tpu.vector_store %arg15[%swap3A_704, %swap3A_705], %gather3A_702 {strides = array<i32>} : memref<256x128xf32, #tpu.memory_space<vmem>>, vector<16xf32>,
    %broadcast_in_dim3A_707 = arith.constant 78 : i32
    %broadcast_in_dim3A_708 = vector.broadcast %broadcast_in_dim3A_707 : i32 to vector<16xi32>
    %gather3A_709 = tpu.vector_load_idx %arg13[%broadcast_in_dim3A_708] : memref<256xf32, #tpu.memory_space<vmem>>[vector<16xi32>], vector<16xf32>,
    %swap3A_710 = arith.constant 78 : i32
    %swap3A_711 = arith.index_cast %swap3A_710 : i32 to index
    %swap3A_712 = arith.constant 0 : index
    %swap3A_713 = tpu.vector_load %arg15[%swap3A_711, %swap3A_712] {strides = array<i32>} : memref<256x128xf32, #tpu.memory_space<vmem>>, vector<16xf32>,
    tpu.vector_store %arg15[%swap3A_711, %swap3A_712], %gather3A_709 {strides = array<i32>} : memref<256x128xf32, #tpu.memory_space<vmem>>, vector<16xf32>,
    %broadcast_in_dim3A_714 = arith.constant 79 : i32
    %broadcast_in_dim3A_715 = vector.broadcast %broadcast_in_dim3A_714 : i32 to vector<16xi32>
    %gather3A_716 = tpu.vector_load_idx %arg13[%broadcast_in_dim3A_715] : memref<256xf32, #tpu.memory_space<vmem>>[vector<16xi32>], vector<16xf32>,
    %swap3A_717 = arith.constant 79 : i32
    %swap3A_718 = arith.index_cast %swap3A_717 : i32 to index
    %swap3A_719 = arith.constant 0 : index
    %swap3A_720 = tpu.vector_load %arg15[%swap3A_718, %swap3A_719] {strides = array<i32>} : memref<256x128xf32, #tpu.memory_space<vmem>>, vector<16xf32>,
    tpu.vector_store %arg15[%swap3A_718, %swap3A_719], %gather3A_716 {strides = array<i32>} : memref<256x128xf32, #tpu.memory_space<vmem>>, vector<16xf32>,
    %broadcast_in_dim3A_721 = arith.constant 80 : i32
    %broadcast_in_dim3A_722 = vector.broadcast %broadcast_in_dim3A_721 : i32 to vector<16xi32>
    %gather3A_723 = tpu.vector_load_idx %arg13[%broadcast_in_dim3A_722] : memref<256xf32, #tpu.memory_space<vmem>>[vector<16xi32>], vector<16xf32>,
    %swap3A_724 = arith.constant 80 : i32
    %swap3A_725 = arith.index_cast %swap3A_724 : i32 to index
    %swap3A_726 = arith.constant 0 : index
    %swap3A_727 = tpu.vector_load %arg15[%swap3A_725, %swap3A_726] {strides = array<i32>} : memref<256x128xf32, #tpu.memory_space<vmem>>, vector<16xf32>,
    tpu.vector_store %arg15[%swap3A_725, %swap3A_726], %gather3A_723 {strides = array<i32>} : memref<256x128xf32, #tpu.memory_space<vmem>>, vector<16xf32>,
    %broadcast_in_dim3A_728 = arith.constant 81 : i32
    %broadcast_in_dim3A_729 = vector.broadcast %broadcast_in_dim3A_728 : i32 to vector<16xi32>
    %gather3A_730 = tpu.vector_load_idx %arg13[%broadcast_in_dim3A_729] : memref<256xf32, #tpu.memory_space<vmem>>[vector<16xi32>], vector<16xf32>,
    %swap3A_731 = arith.constant 81 : i32
    %swap3A_732 = arith.index_cast %swap3A_731 : i32 to index
    %swap3A_733 = arith.constant 0 : index
    %swap3A_734 = tpu.vector_load %arg15[%swap3A_732, %swap3A_733] {strides = array<i32>} : memref<256x128xf32, #tpu.memory_space<vmem>>, vector<16xf32>,
    tpu.vector_store %arg15[%swap3A_732, %swap3A_733], %gather3A_730 {strides = array<i32>} : memref<256x128xf32, #tpu.memory_space<vmem>>, vector<16xf32>,
    %broadcast_in_dim3A_735 = arith.constant 82 : i32
    %broadcast_in_dim3A_736 = vector.broadcast %broadcast_in_dim3A_735 : i32 to vector<16xi32>
    %gather3A_737 = tpu.vector_load_idx %arg13[%broadcast_in_dim3A_736] : memref<256xf32, #tpu.memory_space<vmem>>[vector<16xi32>], vector<16xf32>,
    %swap3A_738 = arith.constant 82 : i32
    %swap3A_739 = arith.index_cast %swap3A_738 : i32 to index
    %swap3A_740 = arith.constant 0 : index
    %swap3A_741 = tpu.vector_load %arg15[%swap3A_739, %swap3A_740] {strides = array<i32>} : memref<256x128xf32, #tpu.memory_space<vmem>>, vector<16xf32>,
    tpu.vector_store %arg15[%swap3A_739, %swap3A_740], %gather3A_737 {strides = array<i32>} : memref<256x128xf32, #tpu.memory_space<vmem>>, vector<16xf32>,
    %broadcast_in_dim3A_742 = arith.constant 83 : i32
    %broadcast_in_dim3A_743 = vector.broadcast %broadcast_in_dim3A_742 : i32 to vector<16xi32>
    %gather3A_744 = tpu.vector_load_idx %arg13[%broadcast_in_dim3A_743] : memref<256xf32, #tpu.memory_space<vmem>>[vector<16xi32>], vector<16xf32>,
    %swap3A_745 = arith.constant 83 : i32
    %swap3A_746 = arith.index_cast %swap3A_745 : i32 to index
    %swap3A_747 = arith.constant 0 : index
    %swap3A_748 = tpu.vector_load %arg15[%swap3A_746, %swap3A_747] {strides = array<i32>} : memref<256x128xf32, #tpu.memory_space<vmem>>, vector<16xf32>,
    tpu.vector_store %arg15[%swap3A_746, %swap3A_747], %gather3A_744 {strides = array<i32>} : memref<256x128xf32, #tpu.memory_space<vmem>>, vector<16xf32>,
    %broadcast_in_dim3A_749 = arith.constant 84 : i32
    %broadcast_in_dim3A_750 = vector.broadcast %broadcast_in_dim3A_749 : i32 to vector<16xi32>
    %gather3A_751 = tpu.vector_load_idx %arg13[%broadcast_in_dim3A_750] : memref<256xf32, #tpu.memory_space<vmem>>[vector<16xi32>], vector<16xf32>,
    %swap3A_752 = arith.constant 84 : i32
    %swap3A_753 = arith.index_cast %swap3A_752 : i32 to index
    %swap3A_754 = arith.constant 0 : index
    %swap3A_755 = tpu.vector_load %arg15[%swap3A_753, %swap3A_754] {strides = array<i32>} : memref<256x128xf32, #tpu.memory_space<vmem>>, vector<16xf32>,
    tpu.vector_store %arg15[%swap3A_753, %swap3A_754], %gather3A_751 {strides = array<i32>} : memref<256x128xf32, #tpu.memory_space<vmem>>, vector<16xf32>,
    %broadcast_in_dim3A_756 = arith.constant 85 : i32
    %broadcast_in_dim3A_757 = vector.broadcast %broadcast_in_dim3A_756 : i32 to vector<16xi32>
    %gather3A_758 = tpu.vector_load_idx %arg13[%broadcast_in_dim3A_757] : memref<256xf32, #tpu.memory_space<vmem>>[vector<16xi32>], vector<16xf32>,
    %swap3A_759 = arith.constant 85 : i32
    %swap3A_760 = arith.index_cast %swap3A_759 : i32 to index
    %swap3A_761 = arith.constant 0 : index
    %swap3A_762 = tpu.vector_load %arg15[%swap3A_760, %swap3A_761] {strides = array<i32>} : memref<256x128xf32, #tpu.memory_space<vmem>>, vector<16xf32>,
    tpu.vector_store %arg15[%swap3A_760, %swap3A_761], %gather3A_758 {strides = array<i32>} : memref<256x128xf32, #tpu.memory_space<vmem>>, vector<16xf32>,
    %broadcast_in_dim3A_763 = arith.constant 86 : i32
    %broadcast_in_dim3A_764 = vector.broadcast %broadcast_in_dim3A_763 : i32 to vector<16xi32>
    %gather3A_765 = tpu.vector_load_idx %arg13[%broadcast_in_dim3A_764] : memref<256xf32, #tpu.memory_space<vmem>>[vector<16xi32>], vector<16xf32>,
    %swap3A_766 = arith.constant 86 : i32
    %swap3A_767 = arith.index_cast %swap3A_766 : i32 to index
    %swap3A_768 = arith.constant 0 : index
    %swap3A_769 = tpu.vector_load %arg15[%swap3A_767, %swap3A_768] {strides = array<i32>} : memref<256x128xf32, #tpu.memory_space<vmem>>, vector<16xf32>,
    tpu.vector_store %arg15[%swap3A_767, %swap3A_768], %gather3A_765 {strides = array<i32>} : memref<256x128xf32, #tpu.memory_space<vmem>>, vector<16xf32>,
    %broadcast_in_dim3A_770 = arith.constant 87 : i32
    %broadcast_in_dim3A_771 = vector.broadcast %broadcast_in_dim3A_770 : i32 to vector<16xi32>
    %gather3A_772 = tpu.vector_load_idx %arg13[%broadcast_in_dim3A_771] : memref<256xf32, #tpu.memory_space<vmem>>[vector<16xi32>], vector<16xf32>,
    %swap3A_773 = arith.constant 87 : i32
    %swap3A_774 = arith.index_cast %swap3A_773 : i32 to index
    %swap3A_775 = arith.constant 0 : index
    %swap3A_776 = tpu.vector_load %arg15[%swap3A_774, %swap3A_775] {strides = array<i32>} : memref<256x128xf32, #tpu.memory_space<vmem>>, vector<16xf32>,
    tpu.vector_store %arg15[%swap3A_774, %swap3A_775], %gather3A_772 {strides = array<i32>} : memref<256x128xf32, #tpu.memory_space<vmem>>, vector<16xf32>,
    %broadcast_in_dim3A_777 = arith.constant 88 : i32
    %broadcast_in_dim3A_778 = vector.broadcast %broadcast_in_dim3A_777 : i32 to vector<16xi32>
    %gather3A_779 = tpu.vector_load_idx %arg13[%broadcast_in_dim3A_778] : memref<256xf32, #tpu.memory_space<vmem>>[vector<16xi32>], vector<16xf32>,
    %swap3A_780 = arith.constant 88 : i32
    %swap3A_781 = arith.index_cast %swap3A_780 : i32 to index
    %swap3A_782 = arith.constant 0 : index
    %swap3A_783 = tpu.vector_load %arg15[%swap3A_781, %swap3A_782] {strides = array<i32>} : memref<256x128xf32, #tpu.memory_space<vmem>>, vector<16xf32>,
    tpu.vector_store %arg15[%swap3A_781, %swap3A_782], %gather3A_779 {strides = array<i32>} : memref<256x128xf32, #tpu.memory_space<vmem>>, vector<16xf32>,
    %broadcast_in_dim3A_784 = arith.constant 89 : i32
    %broadcast_in_dim3A_785 = vector.broadcast %broadcast_in_dim3A_784 : i32 to vector<16xi32>
    %gather3A_786 = tpu.vector_load_idx %arg13[%broadcast_in_dim3A_785] : memref<256xf32, #tpu.memory_space<vmem>>[vector<16xi32>], vector<16xf32>,
    %swap3A_787 = arith.constant 89 : i32
    %swap3A_788 = arith.index_cast %swap3A_787 : i32 to index
    %swap3A_789 = arith.constant 0 : index
    %swap3A_790 = tpu.vector_load %arg15[%swap3A_788, %swap3A_789] {strides = array<i32>} : memref<256x128xf32, #tpu.memory_space<vmem>>, vector<16xf32>,
    tpu.vector_store %arg15[%swap3A_788, %swap3A_789], %gather3A_786 {strides = array<i32>} : memref<256x128xf32, #tpu.memory_space<vmem>>, vector<16xf32>,
    %broadcast_in_dim3A_791 = arith.constant 90 : i32
    %broadcast_in_dim3A_792 = vector.broadcast %broadcast_in_dim3A_791 : i32 to vector<16xi32>
    %gather3A_793 = tpu.vector_load_idx %arg13[%broadcast_in_dim3A_792] : memref<256xf32, #tpu.memory_space<vmem>>[vector<16xi32>], vector<16xf32>,
    %swap3A_794 = arith.constant 90 : i32
    %swap3A_795 = arith.index_cast %swap3A_794 : i32 to index
    %swap3A_796 = arith.constant 0 : index
    %swap3A_797 = tpu.vector_load %arg15[%swap3A_795, %swap3A_796] {strides = array<i32>} : memref<256x128xf32, #tpu.memory_space<vmem>>, vector<16xf32>,
    tpu.vector_store %arg15[%swap3A_795, %swap3A_796], %gather3A_793 {strides = array<i32>} : memref<256x128xf32, #tpu.memory_space<vmem>>, vector<16xf32>,
    %broadcast_in_dim3A_798 = arith.constant 91 : i32
    %broadcast_in_dim3A_799 = vector.broadcast %broadcast_in_dim3A_798 : i32 to vector<16xi32>
    %gather3A_800 = tpu.vector_load_idx %arg13[%broadcast_in_dim3A_799] : memref<256xf32, #tpu.memory_space<vmem>>[vector<16xi32>], vector<16xf32>,
    %swap3A_801 = arith.constant 91 : i32
    %swap3A_802 = arith.index_cast %swap3A_801 : i32 to index
    %swap3A_803 = arith.constant 0 : index
    %swap3A_804 = tpu.vector_load %arg15[%swap3A_802, %swap3A_803] {strides = array<i32>} : memref<256x128xf32, #tpu.memory_space<vmem>>, vector<16xf32>,
    tpu.vector_store %arg15[%swap3A_802, %swap3A_803], %gather3A_800 {strides = array<i32>} : memref<256x128xf32, #tpu.memory_space<vmem>>, vector<16xf32>,
    %broadcast_in_dim3A_805 = arith.constant 92 : i32
    %broadcast_in_dim3A_806 = vector.broadcast %broadcast_in_dim3A_805 : i32 to vector<16xi32>
    %gather3A_807 = tpu.vector_load_idx %arg13[%broadcast_in_dim3A_806] : memref<256xf32, #tpu.memory_space<vmem>>[vector<16xi32>], vector<16xf32>,
    %swap3A_808 = arith.constant 92 : i32
    %swap3A_809 = arith.index_cast %swap3A_808 : i32 to index
    %swap3A_810 = arith.constant 0 : index
    %swap3A_811 = tpu.vector_load %arg15[%swap3A_809, %swap3A_810] {strides = array<i32>} : memref<256x128xf32, #tpu.memory_space<vmem>>, vector<16xf32>,
    tpu.vector_store %arg15[%swap3A_809, %swap3A_810], %gather3A_807 {strides = array<i32>} : memref<256x128xf32, #tpu.memory_space<vmem>>, vector<16xf32>,
    %broadcast_in_dim3A_812 = arith.constant 93 : i32
    %broadcast_in_dim3A_813 = vector.broadcast %broadcast_in_dim3A_812 : i32 to vector<16xi32>
    %gather3A_814 = tpu.vector_load_idx %arg13[%broadcast_in_dim3A_813] : memref<256xf32, #tpu.memory_space<vmem>>[vector<16xi32>], vector<16xf32>,
    %swap3A_815 = arith.constant 93 : i32
    %swap3A_816 = arith.index_cast %swap3A_815 : i32 to index
    %swap3A_817 = arith.constant 0 : index
    %swap3A_818 = tpu.vector_load %arg15[%swap3A_816, %swap3A_817] {strides = array<i32>} : memref<256x128xf32, #tpu.memory_space<vmem>>, vector<16xf32>,
    tpu.vector_store %arg15[%swap3A_816, %swap3A_817], %gather3A_814 {strides = array<i32>} : memref<256x128xf32, #tpu.memory_space<vmem>>, vector<16xf32>,
    %broadcast_in_dim3A_819 = arith.constant 94 : i32
    %broadcast_in_dim3A_820 = vector.broadcast %broadcast_in_dim3A_819 : i32 to vector<16xi32>
    %gather3A_821 = tpu.vector_load_idx %arg13[%broadcast_in_dim3A_820] : memref<256xf32, #tpu.memory_space<vmem>>[vector<16xi32>], vector<16xf32>,
    %swap3A_822 = arith.constant 94 : i32
    %swap3A_823 = arith.index_cast %swap3A_822 : i32 to index
    %swap3A_824 = arith.constant 0 : index
    %swap3A_825 = tpu.vector_load %arg15[%swap3A_823, %swap3A_824] {strides = array<i32>} : memref<256x128xf32, #tpu.memory_space<vmem>>, vector<16xf32>,
    tpu.vector_store %arg15[%swap3A_823, %swap3A_824], %gather3A_821 {strides = array<i32>} : memref<256x128xf32, #tpu.memory_space<vmem>>, vector<16xf32>,
    %broadcast_in_dim3A_826 = arith.constant 95 : i32
    %broadcast_in_dim3A_827 = vector.broadcast %broadcast_in_dim3A_826 : i32 to vector<16xi32>
    %gather3A_828 = tpu.vector_load_idx %arg13[%broadcast_in_dim3A_827] : memref<256xf32, #tpu.memory_space<vmem>>[vector<16xi32>], vector<16xf32>,
    %swap3A_829 = arith.constant 95 : i32
    %swap3A_830 = arith.index_cast %swap3A_829 : i32 to index
    %swap3A_831 = arith.constant 0 : index
    %swap3A_832 = tpu.vector_load %arg15[%swap3A_830, %swap3A_831] {strides = array<i32>} : memref<256x128xf32, #tpu.memory_space<vmem>>, vector<16xf32>,
    tpu.vector_store %arg15[%swap3A_830, %swap3A_831], %gather3A_828 {strides = array<i32>} : memref<256x128xf32, #tpu.memory_space<vmem>>, vector<16xf32>,
    %broadcast_in_dim3A_833 = arith.constant 96 : i32
    %broadcast_in_dim3A_834 = vector.broadcast %broadcast_in_dim3A_833 : i32 to vector<16xi32>
    %gather3A_835 = tpu.vector_load_idx %arg13[%broadcast_in_dim3A_834] : memref<256xf32, #tpu.memory_space<vmem>>[vector<16xi32>], vector<16xf32>,
    %swap3A_836 = arith.constant 96 : i32
    %swap3A_837 = arith.index_cast %swap3A_836 : i32 to index
    %swap3A_838 = arith.constant 0 : index
    %swap3A_839 = tpu.vector_load %arg15[%swap3A_837, %swap3A_838] {strides = array<i32>} : memref<256x128xf32, #tpu.memory_space<vmem>>, vector<16xf32>,
    tpu.vector_store %arg15[%swap3A_837, %swap3A_838], %gather3A_835 {strides = array<i32>} : memref<256x128xf32, #tpu.memory_space<vmem>>, vector<16xf32>,
    %broadcast_in_dim3A_840 = arith.constant 97 : i32
    %broadcast_in_dim3A_841 = vector.broadcast %broadcast_in_dim3A_840 : i32 to vector<16xi32>
    %gather3A_842 = tpu.vector_load_idx %arg13[%broadcast_in_dim3A_841] : memref<256xf32, #tpu.memory_space<vmem>>[vector<16xi32>], vector<16xf32>,
    %swap3A_843 = arith.constant 97 : i32
    %swap3A_844 = arith.index_cast %swap3A_843 : i32 to index
    %swap3A_845 = arith.constant 0 : index
    %swap3A_846 = tpu.vector_load %arg15[%swap3A_844, %swap3A_845] {strides = array<i32>} : memref<256x128xf32, #tpu.memory_space<vmem>>, vector<16xf32>,
    tpu.vector_store %arg15[%swap3A_844, %swap3A_845], %gather3A_842 {strides = array<i32>} : memref<256x128xf32, #tpu.memory_space<vmem>>, vector<16xf32>,
    %broadcast_in_dim3A_847 = arith.constant 98 : i32
    %broadcast_in_dim3A_848 = vector.broadcast %broadcast_in_dim3A_847 : i32 to vector<16xi32>
    %gather3A_849 = tpu.vector_load_idx %arg13[%broadcast_in_dim3A_848] : memref<256xf32, #tpu.memory_space<vmem>>[vector<16xi32>], vector<16xf32>,
    %swap3A_850 = arith.constant 98 : i32
    %swap3A_851 = arith.index_cast %swap3A_850 : i32 to index
    %swap3A_852 = arith.constant 0 : index
    %swap3A_853 = tpu.vector_load %arg15[%swap3A_851, %swap3A_852] {strides = array<i32>} : memref<256x128xf32, #tpu.memory_space<vmem>>, vector<16xf32>,
    tpu.vector_store %arg15[%swap3A_851, %swap3A_852], %gather3A_849 {strides = array<i32>} : memref<256x128xf32, #tpu.memory_space<vmem>>, vector<16xf32>,
    %broadcast_in_dim3A_854 = arith.constant 99 : i32
    %broadcast_in_dim3A_855 = vector.broadcast %broadcast_in_dim3A_854 : i32 to vector<16xi32>
    %gather3A_856 = tpu.vector_load_idx %arg13[%broadcast_in_dim3A_855] : memref<256xf32, #tpu.memory_space<vmem>>[vector<16xi32>], vector<16xf32>,
    %swap3A_857 = arith.constant 99 : i32
    %swap3A_858 = arith.index_cast %swap3A_857 : i32 to index
    %swap3A_859 = arith.constant 0 : index
    %swap3A_860 = tpu.vector_load %arg15[%swap3A_858, %swap3A_859] {strides = array<i32>} : memref<256x128xf32, #tpu.memory_space<vmem>>, vector<16xf32>,
    tpu.vector_store %arg15[%swap3A_858, %swap3A_859], %gather3A_856 {strides = array<i32>} : memref<256x128xf32, #tpu.memory_space<vmem>>, vector<16xf32>,
    %broadcast_in_dim3A_861 = arith.constant 100 : i32
    %broadcast_in_dim3A_862 = vector.broadcast %broadcast_in_dim3A_861 : i32 to vector<16xi32>
    %gather3A_863 = tpu.vector_load_idx %arg13[%broadcast_in_dim3A_862] : memref<256xf32, #tpu.memory_space<vmem>>[vector<16xi32>], vector<16xf32>,
    %swap3A_864 = arith.constant 100 : i32
    %swap3A_865 = arith.index_cast %swap3A_864 : i32 to index
    %swap3A_866 = arith.constant 0 : index
    %swap3A_867 = tpu.vector_load %arg15[%swap3A_865, %swap3A_866] {strides = array<i32>} : memref<256x128xf32, #tpu.memory_space<vmem>>, vector<16xf32>,
    tpu.vector_store %arg15[%swap3A_865, %swap3A_866], %gather3A_863 {strides = array<i32>} : memref<256x128xf32, #tpu.memory_space<vmem>>, vector<16xf32>,
    %broadcast_in_dim3A_868 = arith.constant 101 : i32
    %broadcast_in_dim3A_869 = vector.broadcast %broadcast_in_dim3A_868 : i32 to vector<16xi32>
    %gather3A_870 = tpu.vector_load_idx %arg13[%broadcast_in_dim3A_869] : memref<256xf32, #tpu.memory_space<vmem>>[vector<16xi32>], vector<16xf32>,
    %swap3A_871 = arith.constant 101 : i32
    %swap3A_872 = arith.index_cast %swap3A_871 : i32 to index
    %swap3A_873 = arith.constant 0 : index
    %swap3A_874 = tpu.vector_load %arg15[%swap3A_872, %swap3A_873] {strides = array<i32>} : memref<256x128xf32, #tpu.memory_space<vmem>>, vector<16xf32>,
    tpu.vector_store %arg15[%swap3A_872, %swap3A_873], %gather3A_870 {strides = array<i32>} : memref<256x128xf32, #tpu.memory_space<vmem>>, vector<16xf32>,
    %broadcast_in_dim3A_875 = arith.constant 102 : i32
    %broadcast_in_dim3A_876 = vector.broadcast %broadcast_in_dim3A_875 : i32 to vector<16xi32>
    %gather3A_877 = tpu.vector_load_idx %arg13[%broadcast_in_dim3A_876] : memref<256xf32, #tpu.memory_space<vmem>>[vector<16xi32>], vector<16xf32>,
    %swap3A_878 = arith.constant 102 : i32
    %swap3A_879 = arith.index_cast %swap3A_878 : i32 to index
    %swap3A_880 = arith.constant 0 : index
    %swap3A_881 = tpu.vector_load %arg15[%swap3A_879, %swap3A_880] {strides = array<i32>} : memref<256x128xf32, #tpu.memory_space<vmem>>, vector<16xf32>,
    tpu.vector_store %arg15[%swap3A_879, %swap3A_880], %gather3A_877 {strides = array<i32>} : memref<256x128xf32, #tpu.memory_space<vmem>>, vector<16xf32>,
    %broadcast_in_dim3A_882 = arith.constant 103 : i32
    %broadcast_in_dim3A_883 = vector.broadcast %broadcast_in_dim3A_882 : i32 to vector<16xi32>
    %gather3A_884 = tpu.vector_load_idx %arg13[%broadcast_in_dim3A_883] : memref<256xf32, #tpu.memory_space<vmem>>[vector<16xi32>], vector<16xf32>,
    %swap3A_885 = arith.constant 103 : i32
    %swap3A_886 = arith.index_cast %swap3A_885 : i32 to index
    %swap3A_887 = arith.constant 0 : index
    %swap3A_888 = tpu.vector_load %arg15[%swap3A_886, %swap3A_887] {strides = array<i32>} : memref<256x128xf32, #tpu.memory_space<vmem>>, vector<16xf32>,
    tpu.vector_store %arg15[%swap3A_886, %swap3A_887], %gather3A_884 {strides = array<i32>} : memref<256x128xf32, #tpu.memory_space<vmem>>, vector<16xf32>,
    %broadcast_in_dim3A_889 = arith.constant 104 : i32
    %broadcast_in_dim3A_890 = vector.broadcast %broadcast_in_dim3A_889 : i32 to vector<16xi32>
    %gather3A_891 = tpu.vector_load_idx %arg13[%broadcast_in_dim3A_890] : memref<256xf32, #tpu.memory_space<vmem>>[vector<16xi32>], vector<16xf32>,
    %swap3A_892 = arith.constant 104 : i32
    %swap3A_893 = arith.index_cast %swap3A_892 : i32 to index
    %swap3A_894 = arith.constant 0 : index
    %swap3A_895 = tpu.vector_load %arg15[%swap3A_893, %swap3A_894] {strides = array<i32>} : memref<256x128xf32, #tpu.memory_space<vmem>>, vector<16xf32>,
    tpu.vector_store %arg15[%swap3A_893, %swap3A_894], %gather3A_891 {strides = array<i32>} : memref<256x128xf32, #tpu.memory_space<vmem>>, vector<16xf32>,
    %broadcast_in_dim3A_896 = arith.constant 105 : i32
    %broadcast_in_dim3A_897 = vector.broadcast %broadcast_in_dim3A_896 : i32 to vector<16xi32>
    %gather3A_898 = tpu.vector_load_idx %arg13[%broadcast_in_dim3A_897] : memref<256xf32, #tpu.memory_space<vmem>>[vector<16xi32>], vector<16xf32>,
    %swap3A_899 = arith.constant 105 : i32
    %swap3A_900 = arith.index_cast %swap3A_899 : i32 to index
    %swap3A_901 = arith.constant 0 : index
    %swap3A_902 = tpu.vector_load %arg15[%swap3A_900, %swap3A_901] {strides = array<i32>} : memref<256x128xf32, #tpu.memory_space<vmem>>, vector<16xf32>,
    tpu.vector_store %arg15[%swap3A_900, %swap3A_901], %gather3A_898 {strides = array<i32>} : memref<256x128xf32, #tpu.memory_space<vmem>>, vector<16xf32>,
    %broadcast_in_dim3A_903 = arith.constant 106 : i32
    %broadcast_in_dim3A_904 = vector.broadcast %broadcast_in_dim3A_903 : i32 to vector<16xi32>
    %gather3A_905 = tpu.vector_load_idx %arg13[%broadcast_in_dim3A_904] : memref<256xf32, #tpu.memory_space<vmem>>[vector<16xi32>], vector<16xf32>,
    %swap3A_906 = arith.constant 106 : i32
    %swap3A_907 = arith.index_cast %swap3A_906 : i32 to index
    %swap3A_908 = arith.constant 0 : index
    %swap3A_909 = tpu.vector_load %arg15[%swap3A_907, %swap3A_908] {strides = array<i32>} : memref<256x128xf32, #tpu.memory_space<vmem>>, vector<16xf32>,
    tpu.vector_store %arg15[%swap3A_907, %swap3A_908], %gather3A_905 {strides = array<i32>} : memref<256x128xf32, #tpu.memory_space<vmem>>, vector<16xf32>,
    %broadcast_in_dim3A_910 = arith.constant 107 : i32
    %broadcast_in_dim3A_911 = vector.broadcast %broadcast_in_dim3A_910 : i32 to vector<16xi32>
    %gather3A_912 = tpu.vector_load_idx %arg13[%broadcast_in_dim3A_911] : memref<256xf32, #tpu.memory_space<vmem>>[vector<16xi32>], vector<16xf32>,
    %swap3A_913 = arith.constant 107 : i32
    %swap3A_914 = arith.index_cast %swap3A_913 : i32 to index
    %swap3A_915 = arith.constant 0 : index
    %swap3A_916 = tpu.vector_load %arg15[%swap3A_914, %swap3A_915] {strides = array<i32>} : memref<256x128xf32, #tpu.memory_space<vmem>>, vector<16xf32>,
    tpu.vector_store %arg15[%swap3A_914, %swap3A_915], %gather3A_912 {strides = array<i32>} : memref<256x128xf32, #tpu.memory_space<vmem>>, vector<16xf32>,
    %broadcast_in_dim3A_917 = arith.constant 108 : i32
    %broadcast_in_dim3A_918 = vector.broadcast %broadcast_in_dim3A_917 : i32 to vector<16xi32>
    %gather3A_919 = tpu.vector_load_idx %arg13[%broadcast_in_dim3A_918] : memref<256xf32, #tpu.memory_space<vmem>>[vector<16xi32>], vector<16xf32>,
    %swap3A_920 = arith.constant 108 : i32
    %swap3A_921 = arith.index_cast %swap3A_920 : i32 to index
    %swap3A_922 = arith.constant 0 : index
    %swap3A_923 = tpu.vector_load %arg15[%swap3A_921, %swap3A_922] {strides = array<i32>} : memref<256x128xf32, #tpu.memory_space<vmem>>, vector<16xf32>,
    tpu.vector_store %arg15[%swap3A_921, %swap3A_922], %gather3A_919 {strides = array<i32>} : memref<256x128xf32, #tpu.memory_space<vmem>>, vector<16xf32>,
    %broadcast_in_dim3A_924 = arith.constant 109 : i32
    %broadcast_in_dim3A_925 = vector.broadcast %broadcast_in_dim3A_924 : i32 to vector<16xi32>
    %gather3A_926 = tpu.vector_load_idx %arg13[%broadcast_in_dim3A_925] : memref<256xf32, #tpu.memory_space<vmem>>[vector<16xi32>], vector<16xf32>,
    %swap3A_927 = arith.constant 109 : i32
    %swap3A_928 = arith.index_cast %swap3A_927 : i32 to index
    %swap3A_929 = arith.constant 0 : index
    %swap3A_930 = tpu.vector_load %arg15[%swap3A_928, %swap3A_929] {strides = array<i32>} : memref<256x128xf32, #tpu.memory_space<vmem>>, vector<16xf32>,
    tpu.vector_store %arg15[%swap3A_928, %swap3A_929], %gather3A_926 {strides = array<i32>} : memref<256x128xf32, #tpu.memory_space<vmem>>, vector<16xf32>,
    %broadcast_in_dim3A_931 = arith.constant 110 : i32
    %broadcast_in_dim3A_932 = vector.broadcast %broadcast_in_dim3A_931 : i32 to vector<16xi32>
    %gather3A_933 = tpu.vector_load_idx %arg13[%broadcast_in_dim3A_932] : memref<256xf32, #tpu.memory_space<vmem>>[vector<16xi32>], vector<16xf32>,
    %swap3A_934 = arith.constant 110 : i32
    %swap3A_935 = arith.index_cast %swap3A_934 : i32 to index
    %swap3A_936 = arith.constant 0 : index
    %swap3A_937 = tpu.vector_load %arg15[%swap3A_935, %swap3A_936] {strides = array<i32>} : memref<256x128xf32, #tpu.memory_space<vmem>>, vector<16xf32>,
    tpu.vector_store %arg15[%swap3A_935, %swap3A_936], %gather3A_933 {strides = array<i32>} : memref<256x128xf32, #tpu.memory_space<vmem>>, vector<16xf32>,
    %broadcast_in_dim3A_938 = arith.constant 111 : i32
    %broadcast_in_dim3A_939 = vector.broadcast %broadcast_in_dim3A_938 : i32 to vector<16xi32>
    %gather3A_940 = tpu.vector_load_idx %arg13[%broadcast_in_dim3A_939] : memref<256xf32, #tpu.memory_space<vmem>>[vector<16xi32>], vector<16xf32>,
    %swap3A_941 = arith.constant 111 : i32
    %swap3A_942 = arith.index_cast %swap3A_941 : i32 to index
    %swap3A_943 = arith.constant 0 : index
    %swap3A_944 = tpu.vector_load %arg15[%swap3A_942, %swap3A_943] {strides = array<i32>} : memref<256x128xf32, #tpu.memory_space<vmem>>, vector<16xf32>,
    tpu.vector_store %arg15[%swap3A_942, %swap3A_943], %gather3A_940 {strides = array<i32>} : memref<256x128xf32, #tpu.memory_space<vmem>>, vector<16xf32>,
    %broadcast_in_dim3A_945 = arith.constant 112 : i32
    %broadcast_in_dim3A_946 = vector.broadcast %broadcast_in_dim3A_945 : i32 to vector<16xi32>
    %gather3A_947 = tpu.vector_load_idx %arg13[%broadcast_in_dim3A_946] : memref<256xf32, #tpu.memory_space<vmem>>[vector<16xi32>], vector<16xf32>,
    %swap3A_948 = arith.constant 112 : i32
    %swap3A_949 = arith.index_cast %swap3A_948 : i32 to index
    %swap3A_950 = arith.constant 0 : index
    %swap3A_951 = tpu.vector_load %arg15[%swap3A_949, %swap3A_950] {strides = array<i32>} : memref<256x128xf32, #tpu.memory_space<vmem>>, vector<16xf32>,
    tpu.vector_store %arg15[%swap3A_949, %swap3A_950], %gather3A_947 {strides = array<i32>} : memref<256x128xf32, #tpu.memory_space<vmem>>, vector<16xf32>,
    %broadcast_in_dim3A_952 = arith.constant 113 : i32
    %broadcast_in_dim3A_953 = vector.broadcast %broadcast_in_dim3A_952 : i32 to vector<16xi32>
    %gather3A_954 = tpu.vector_load_idx %arg13[%broadcast_in_dim3A_953] : memref<256xf32, #tpu.memory_space<vmem>>[vector<16xi32>], vector<16xf32>,
    %swap3A_955 = arith.constant 113 : i32
    %swap3A_956 = arith.index_cast %swap3A_955 : i32 to index
    %swap3A_957 = arith.constant 0 : index
    %swap3A_958 = tpu.vector_load %arg15[%swap3A_956, %swap3A_957] {strides = array<i32>} : memref<256x128xf32, #tpu.memory_space<vmem>>, vector<16xf32>,
    tpu.vector_store %arg15[%swap3A_956, %swap3A_957], %gather3A_954 {strides = array<i32>} : memref<256x128xf32, #tpu.memory_space<vmem>>, vector<16xf32>,
    %broadcast_in_dim3A_959 = arith.constant 114 : i32
    %broadcast_in_dim3A_960 = vector.broadcast %broadcast_in_dim3A_959 : i32 to vector<16xi32>
    %gather3A_961 = tpu.vector_load_idx %arg13[%broadcast_in_dim3A_960] : memref<256xf32, #tpu.memory_space<vmem>>[vector<16xi32>], vector<16xf32>,
    %swap3A_962 = arith.constant 114 : i32
    %swap3A_963 = arith.index_cast %swap3A_962 : i32 to index
    %swap3A_964 = arith.constant 0 : index
    %swap3A_965 = tpu.vector_load %arg15[%swap3A_963, %swap3A_964] {strides = array<i32>} : memref<256x128xf32, #tpu.memory_space<vmem>>, vector<16xf32>,
    tpu.vector_store %arg15[%swap3A_963, %swap3A_964], %gather3A_961 {strides = array<i32>} : memref<256x128xf32, #tpu.memory_space<vmem>>, vector<16xf32>,
    %broadcast_in_dim3A_966 = arith.constant 115 : i32
    %broadcast_in_dim3A_967 = vector.broadcast %broadcast_in_dim3A_966 : i32 to vector<16xi32>
    %gather3A_968 = tpu.vector_load_idx %arg13[%broadcast_in_dim3A_967] : memref<256xf32, #tpu.memory_space<vmem>>[vector<16xi32>], vector<16xf32>,
    %swap3A_969 = arith.constant 115 : i32
    %swap3A_970 = arith.index_cast %swap3A_969 : i32 to index
    %swap3A_971 = arith.constant 0 : index
    %swap3A_972 = tpu.vector_load %arg15[%swap3A_970, %swap3A_971] {strides = array<i32>} : memref<256x128xf32, #tpu.memory_space<vmem>>, vector<16xf32>,
    tpu.vector_store %arg15[%swap3A_970, %swap3A_971], %gather3A_968 {strides = array<i32>} : memref<256x128xf32, #tpu.memory_space<vmem>>, vector<16xf32>,
    %broadcast_in_dim3A_973 = arith.constant 116 : i32
    %broadcast_in_dim3A_974 = vector.broadcast %broadcast_in_dim3A_973 : i32 to vector<16xi32>
    %gather3A_975 = tpu.vector_load_idx %arg13[%broadcast_in_dim3A_974] : memref<256xf32, #tpu.memory_space<vmem>>[vector<16xi32>], vector<16xf32>,
    %swap3A_976 = arith.constant 116 : i32
    %swap3A_977 = arith.index_cast %swap3A_976 : i32 to index
    %swap3A_978 = arith.constant 0 : index
    %swap3A_979 = tpu.vector_load %arg15[%swap3A_977, %swap3A_978] {strides = array<i32>} : memref<256x128xf32, #tpu.memory_space<vmem>>, vector<16xf32>,
    tpu.vector_store %arg15[%swap3A_977, %swap3A_978], %gather3A_975 {strides = array<i32>} : memref<256x128xf32, #tpu.memory_space<vmem>>, vector<16xf32>,
    %broadcast_in_dim3A_980 = arith.constant 117 : i32
    %broadcast_in_dim3A_981 = vector.broadcast %broadcast_in_dim3A_980 : i32 to vector<16xi32>
    %gather3A_982 = tpu.vector_load_idx %arg13[%broadcast_in_dim3A_981] : memref<256xf32, #tpu.memory_space<vmem>>[vector<16xi32>], vector<16xf32>,
    %swap3A_983 = arith.constant 117 : i32
    %swap3A_984 = arith.index_cast %swap3A_983 : i32 to index
    %swap3A_985 = arith.constant 0 : index
    %swap3A_986 = tpu.vector_load %arg15[%swap3A_984, %swap3A_985] {strides = array<i32>} : memref<256x128xf32, #tpu.memory_space<vmem>>, vector<16xf32>,
    tpu.vector_store %arg15[%swap3A_984, %swap3A_985], %gather3A_982 {strides = array<i32>} : memref<256x128xf32, #tpu.memory_space<vmem>>, vector<16xf32>,
    %broadcast_in_dim3A_987 = arith.constant 118 : i32
    %broadcast_in_dim3A_988 = vector.broadcast %broadcast_in_dim3A_987 : i32 to vector<16xi32>
    %gather3A_989 = tpu.vector_load_idx %arg13[%broadcast_in_dim3A_988] : memref<256xf32, #tpu.memory_space<vmem>>[vector<16xi32>], vector<16xf32>,
    %swap3A_990 = arith.constant 118 : i32
    %swap3A_991 = arith.index_cast %swap3A_990 : i32 to index
    %swap3A_992 = arith.constant 0 : index
    %swap3A_993 = tpu.vector_load %arg15[%swap3A_991, %swap3A_992] {strides = array<i32>} : memref<256x128xf32, #tpu.memory_space<vmem>>, vector<16xf32>,
    tpu.vector_store %arg15[%swap3A_991, %swap3A_992], %gather3A_989 {strides = array<i32>} : memref<256x128xf32, #tpu.memory_space<vmem>>, vector<16xf32>,
    %broadcast_in_dim3A_994 = arith.constant 119 : i32
    %broadcast_in_dim3A_995 = vector.broadcast %broadcast_in_dim3A_994 : i32 to vector<16xi32>
    %gather3A_996 = tpu.vector_load_idx %arg13[%broadcast_in_dim3A_995] : memref<256xf32, #tpu.memory_space<vmem>>[vector<16xi32>], vector<16xf32>,
    %swap3A_997 = arith.constant 119 : i32
    %swap3A_998 = arith.index_cast %swap3A_997 : i32 to index
    %swap3A_999 = arith.constant 0 : index
    %swap3A_1000 = tpu.vector_load %arg15[%swap3A_998, %swap3A_999] {strides = array<i32>} : memref<256x128xf32, #tpu.memory_space<vmem>>, vector<16xf32>,
    tpu.vector_store %arg15[%swap3A_998, %swap3A_999], %gather3A_996 {strides = array<i32>} : memref<256x128xf32, #tpu.memory_space<vmem>>, vector<16xf32>,
    %broadcast_in_dim3A_1001 = arith.constant 120 : i32
    %broadcast_in_dim3A_1002 = vector.broadcast %broadcast_in_dim3A_1001 : i32 to vector<16xi32>
    %gather3A_1003 = tpu.vector_load_idx %arg13[%broadcast_in_dim3A_1002] : memref<256xf32, #tpu.memory_space<vmem>>[vector<16xi32>], vector<16xf32>,
    %swap3A_1004 = arith.constant 120 : i32
    %swap3A_1005 = arith.index_cast %swap3A_1004 : i32 to index
    %swap3A_1006 = arith.constant 0 : index
    %swap3A_1007 = tpu.vector_load %arg15[%swap3A_1005, %swap3A_1006] {strides = array<i32>} : memref<256x128xf32, #tpu.memory_space<vmem>>, vector<16xf32>,
    tpu.vector_store %arg15[%swap3A_1005, %swap3A_1006], %gather3A_1003 {strides = array<i32>} : memref<256x128xf32, #tpu.memory_space<vmem>>, vector<16xf32>,
    %broadcast_in_dim3A_1008 = arith.constant 121 : i32
    %broadcast_in_dim3A_1009 = vector.broadcast %broadcast_in_dim3A_1008 : i32 to vector<16xi32>
    %gather3A_1010 = tpu.vector_load_idx %arg13[%broadcast_in_dim3A_1009] : memref<256xf32, #tpu.memory_space<vmem>>[vector<16xi32>], vector<16xf32>,
    %swap3A_1011 = arith.constant 121 : i32
    %swap3A_1012 = arith.index_cast %swap3A_1011 : i32 to index
    %swap3A_1013 = arith.constant 0 : index
    %swap3A_1014 = tpu.vector_load %arg15[%swap3A_1012, %swap3A_1013] {strides = array<i32>} : memref<256x128xf32, #tpu.memory_space<vmem>>, vector<16xf32>,
    tpu.vector_store %arg15[%swap3A_1012, %swap3A_1013], %gather3A_1010 {strides = array<i32>} : memref<256x128xf32, #tpu.memory_space<vmem>>, vector<16xf32>,
    %broadcast_in_dim3A_1015 = arith.constant 122 : i32
    %broadcast_in_dim3A_1016 = vector.broadcast %broadcast_in_dim3A_1015 : i32 to vector<16xi32>
    %gather3A_1017 = tpu.vector_load_idx %arg13[%broadcast_in_dim3A_1016] : memref<256xf32, #tpu.memory_space<vmem>>[vector<16xi32>], vector<16xf32>,
    %swap3A_1018 = arith.constant 122 : i32
    %swap3A_1019 = arith.index_cast %swap3A_1018 : i32 to index
    %swap3A_1020 = arith.constant 0 : index
    %swap3A_1021 = tpu.vector_load %arg15[%swap3A_1019, %swap3A_1020] {strides = array<i32>} : memref<256x128xf32, #tpu.memory_space<vmem>>, vector<16xf32>,
    tpu.vector_store %arg15[%swap3A_1019, %swap3A_1020], %gather3A_1017 {strides = array<i32>} : memref<256x128xf32, #tpu.memory_space<vmem>>, vector<16xf32>,
    %broadcast_in_dim3A_1022 = arith.constant 123 : i32
    %broadcast_in_dim3A_1023 = vector.broadcast %broadcast_in_dim3A_1022 : i32 to vector<16xi32>
    %gather3A_1024 = tpu.vector_load_idx %arg13[%broadcast_in_dim3A_1023] : memref<256xf32, #tpu.memory_space<vmem>>[vector<16xi32>], vector<16xf32>,
    %swap3A_1025 = arith.constant 123 : i32
    %swap3A_1026 = arith.index_cast %swap3A_1025 : i32 to index
    %swap3A_1027 = arith.constant 0 : index
    %swap3A_1028 = tpu.vector_load %arg15[%swap3A_1026, %swap3A_1027] {strides = array<i32>} : memref<256x128xf32, #tpu.memory_space<vmem>>, vector<16xf32>,
    tpu.vector_store %arg15[%swap3A_1026, %swap3A_1027], %gather3A_1024 {strides = array<i32>} : memref<256x128xf32, #tpu.memory_space<vmem>>, vector<16xf32>,
    %broadcast_in_dim3A_1029 = arith.constant 124 : i32
    %broadcast_in_dim3A_1030 = vector.broadcast %broadcast_in_dim3A_1029 : i32 to vector<16xi32>
    %gather3A_1031 = tpu.vector_load_idx %arg13[%broadcast_in_dim3A_1030] : memref<256xf32, #tpu.memory_space<vmem>>[vector<16xi32>], vector<16xf32>,
    %swap3A_1032 = arith.constant 124 : i32
    %swap3A_1033 = arith.index_cast %swap3A_1032 : i32 to index
    %swap3A_1034 = arith.constant 0 : index
    %swap3A_1035 = tpu.vector_load %arg15[%swap3A_1033, %swap3A_1034] {strides = array<i32>} : memref<256x128xf32, #tpu.memory_space<vmem>>, vector<16xf32>,
    tpu.vector_store %arg15[%swap3A_1033, %swap3A_1034], %gather3A_1031 {strides = array<i32>} : memref<256x128xf32, #tpu.memory_space<vmem>>, vector<16xf32>,
    %broadcast_in_dim3A_1036 = arith.constant 125 : i32
    %broadcast_in_dim3A_1037 = vector.broadcast %broadcast_in_dim3A_1036 : i32 to vector<16xi32>
    %gather3A_1038 = tpu.vector_load_idx %arg13[%broadcast_in_dim3A_1037] : memref<256xf32, #tpu.memory_space<vmem>>[vector<16xi32>], vector<16xf32>,
    %swap3A_1039 = arith.constant 125 : i32
    %swap3A_1040 = arith.index_cast %swap3A_1039 : i32 to index
    %swap3A_1041 = arith.constant 0 : index
    %swap3A_1042 = tpu.vector_load %arg15[%swap3A_1040, %swap3A_1041] {strides = array<i32>} : memref<256x128xf32, #tpu.memory_space<vmem>>, vector<16xf32>,
    tpu.vector_store %arg15[%swap3A_1040, %swap3A_1041], %gather3A_1038 {strides = array<i32>} : memref<256x128xf32, #tpu.memory_space<vmem>>, vector<16xf32>,
    %broadcast_in_dim3A_1043 = arith.constant 126 : i32
    %broadcast_in_dim3A_1044 = vector.broadcast %broadcast_in_dim3A_1043 : i32 to vector<16xi32>
    %gather3A_1045 = tpu.vector_load_idx %arg13[%broadcast_in_dim3A_1044] : memref<256xf32, #tpu.memory_space<vmem>>[vector<16xi32>], vector<16xf32>,
    %swap3A_1046 = arith.constant 126 : i32
    %swap3A_1047 = arith.index_cast %swap3A_1046 : i32 to index
    %swap3A_1048 = arith.constant 0 : index
    %swap3A_1049 = tpu.vector_load %arg15[%swap3A_1047, %swap3A_1048] {strides = array<i32>} : memref<256x128xf32, #tpu.memory_space<vmem>>, vector<16xf32>,
    tpu.vector_store %arg15[%swap3A_1047, %swap3A_1048], %gather3A_1045 {strides = array<i32>} : memref<256x128xf32, #tpu.memory_space<vmem>>, vector<16xf32>,
    %broadcast_in_dim3A_1050 = arith.constant 127 : i32
    %broadcast_in_dim3A_1051 = vector.broadcast %broadcast_in_dim3A_1050 : i32 to vector<16xi32>
    %gather3A_1052 = tpu.vector_load_idx %arg13[%broadcast_in_dim3A_1051] : memref<256xf32, #tpu.memory_space<vmem>>[vector<16xi32>], vector<16xf32>,
    %swap3A_1053 = arith.constant 127 : i32
    %swap3A_1054 = arith.index_cast %swap3A_1053 : i32 to index
    %swap3A_1055 = arith.constant 0 : index
    %swap3A_1056 = tpu.vector_load %arg15[%swap3A_1054, %swap3A_1055] {strides = array<i32>} : memref<256x128xf32, #tpu.memory_space<vmem>>, vector<16xf32>,
    tpu.vector_store %arg15[%swap3A_1054, %swap3A_1055], %gather3A_1052 {strides = array<i32>} : memref<256x128xf32, #tpu.memory_space<vmem>>, vector<16xf32>,
    %broadcast_in_dim3A_1057 = arith.constant 128 : i32
    %broadcast_in_dim3A_1058 = vector.broadcast %broadcast_in_dim3A_1057 : i32 to vector<16xi32>
    %gather3A_1059 = tpu.vector_load_idx %arg13[%broadcast_in_dim3A_1058] : memref<256xf32, #tpu.memory_space<vmem>>[vector<16xi32>], vector<16xf32>,
    %swap3A_1060 = arith.constant 128 : i32
    %swap3A_1061 = arith.index_cast %swap3A_1060 : i32 to index
    %swap3A_1062 = arith.constant 0 : index
    %swap3A_1063 = tpu.vector_load %arg15[%swap3A_1061, %swap3A_1062] {strides = array<i32>} : memref<256x128xf32, #tpu.memory_space<vmem>>, vector<16xf32>,
    tpu.vector_store %arg15[%swap3A_1061, %swap3A_1062], %gather3A_1059 {strides = array<i32>} : memref<256x128xf32, #tpu.memory_space<vmem>>, vector<16xf32>,
    %broadcast_in_dim3A_1064 = arith.constant 129 : i32
    %broadcast_in_dim3A_1065 = vector.broadcast %broadcast_in_dim3A_1064 : i32 to vector<16xi32>
    %gather3A_1066 = tpu.vector_load_idx %arg13[%broadcast_in_dim3A_1065] : memref<256xf32, #tpu.memory_space<vmem>>[vector<16xi32>], vector<16xf32>,
    %swap3A_1067 = arith.constant 129 : i32
    %swap3A_1068 = arith.index_cast %swap3A_1067 : i32 to index
    %swap3A_1069 = arith.constant 0 : index
    %swap3A_1070 = tpu.vector_load %arg15[%swap3A_1068, %swap3A_1069] {strides = array<i32>} : memref<256x128xf32, #tpu.memory_space<vmem>>, vector<16xf32>,
    tpu.vector_store %arg15[%swap3A_1068, %swap3A_1069], %gather3A_1066 {strides = array<i32>} : memref<256x128xf32, #tpu.memory_space<vmem>>, vector<16xf32>,
    %broadcast_in_dim3A_1071 = arith.constant 130 : i32
    %broadcast_in_dim3A_1072 = vector.broadcast %broadcast_in_dim3A_1071 : i32 to vector<16xi32>
    %gather3A_1073 = tpu.vector_load_idx %arg13[%broadcast_in_dim3A_1072] : memref<256xf32, #tpu.memory_space<vmem>>[vector<16xi32>], vector<16xf32>,
    %swap3A_1074 = arith.constant 130 : i32
    %swap3A_1075 = arith.index_cast %swap3A_1074 : i32 to index
    %swap3A_1076 = arith.constant 0 : index
    %swap3A_1077 = tpu.vector_load %arg15[%swap3A_1075, %swap3A_1076] {strides = array<i32>} : memref<256x128xf32, #tpu.memory_space<vmem>>, vector<16xf32>,
    tpu.vector_store %arg15[%swap3A_1075, %swap3A_1076], %gather3A_1073 {strides = array<i32>} : memref<256x128xf32, #tpu.memory_space<vmem>>, vector<16xf32>,
    %broadcast_in_dim3A_1078 = arith.constant 131 : i32
    %broadcast_in_dim3A_1079 = vector.broadcast %broadcast_in_dim3A_1078 : i32 to vector<16xi32>
    %gather3A_1080 = tpu.vector_load_idx %arg13[%broadcast_in_dim3A_1079] : memref<256xf32, #tpu.memory_space<vmem>>[vector<16xi32>], vector<16xf32>,
    %swap3A_1081 = arith.constant 131 : i32
    %swap3A_1082 = arith.index_cast %swap3A_1081 : i32 to index
    %swap3A_1083 = arith.constant 0 : index
    %swap3A_1084 = tpu.vector_load %arg15[%swap3A_1082, %swap3A_1083] {strides = array<i32>} : memref<256x128xf32, #tpu.memory_space<vmem>>, vector<16xf32>,
    tpu.vector_store %arg15[%swap3A_1082, %swap3A_1083], %gather3A_1080 {strides = array<i32>} : memref<256x128xf32, #tpu.memory_space<vmem>>, vector<16xf32>,
    %broadcast_in_dim3A_1085 = arith.constant 132 : i32
    %broadcast_in_dim3A_1086 = vector.broadcast %broadcast_in_dim3A_1085 : i32 to vector<16xi32>
    %gather3A_1087 = tpu.vector_load_idx %arg13[%broadcast_in_dim3A_1086] : memref<256xf32, #tpu.memory_space<vmem>>[vector<16xi32>], vector<16xf32>,
    %swap3A_1088 = arith.constant 132 : i32
    %swap3A_1089 = arith.index_cast %swap3A_1088 : i32 to index
    %swap3A_1090 = arith.constant 0 : index
    %swap3A_1091 = tpu.vector_load %arg15[%swap3A_1089, %swap3A_1090] {strides = array<i32>} : memref<256x128xf32, #tpu.memory_space<vmem>>, vector<16xf32>,
    tpu.vector_store %arg15[%swap3A_1089, %swap3A_1090], %gather3A_1087 {strides = array<i32>} : memref<256x128xf32, #tpu.memory_space<vmem>>, vector<16xf32>,
    %broadcast_in_dim3A_1092 = arith.constant 133 : i32
    %broadcast_in_dim3A_1093 = vector.broadcast %broadcast_in_dim3A_1092 : i32 to vector<16xi32>
    %gather3A_1094 = tpu.vector_load_idx %arg13[%broadcast_in_dim3A_1093] : memref<256xf32, #tpu.memory_space<vmem>>[vector<16xi32>], vector<16xf32>,
    %swap3A_1095 = arith.constant 133 : i32
    %swap3A_1096 = arith.index_cast %swap3A_1095 : i32 to index
    %swap3A_1097 = arith.constant 0 : index
    %swap3A_1098 = tpu.vector_load %arg15[%swap3A_1096, %swap3A_1097] {strides = array<i32>} : memref<256x128xf32, #tpu.memory_space<vmem>>, vector<16xf32>,
    tpu.vector_store %arg15[%swap3A_1096, %swap3A_1097], %gather3A_1094 {strides = array<i32>} : memref<256x128xf32, #tpu.memory_space<vmem>>, vector<16xf32>,
    %broadcast_in_dim3A_1099 = arith.constant 134 : i32
    %broadcast_in_dim3A_1100 = vector.broadcast %broadcast_in_dim3A_1099 : i32 to vector<16xi32>
    %gather3A_1101 = tpu.vector_load_idx %arg13[%broadcast_in_dim3A_1100] : memref<256xf32, #tpu.memory_space<vmem>>[vector<16xi32>], vector<16xf32>,
    %swap3A_1102 = arith.constant 134 : i32
    %swap3A_1103 = arith.index_cast %swap3A_1102 : i32 to index
    %swap3A_1104 = arith.constant 0 : index
    %swap3A_1105 = tpu.vector_load %arg15[%swap3A_1103, %swap3A_1104] {strides = array<i32>} : memref<256x128xf32, #tpu.memory_space<vmem>>, vector<16xf32>,
    tpu.vector_store %arg15[%swap3A_1103, %swap3A_1104], %gather3A_1101 {strides = array<i32>} : memref<256x128xf32, #tpu.memory_space<vmem>>, vector<16xf32>,
    %broadcast_in_dim3A_1106 = arith.constant 135 : i32
    %broadcast_in_dim3A_1107 = vector.broadcast %broadcast_in_dim3A_1106 : i32 to vector<16xi32>
    %gather3A_1108 = tpu.vector_load_idx %arg13[%broadcast_in_dim3A_1107] : memref<256xf32, #tpu.memory_space<vmem>>[vector<16xi32>], vector<16xf32>,
    %swap3A_1109 = arith.constant 135 : i32
    %swap3A_1110 = arith.index_cast %swap3A_1109 : i32 to index
    %swap3A_1111 = arith.constant 0 : index
    %swap3A_1112 = tpu.vector_load %arg15[%swap3A_1110, %swap3A_1111] {strides = array<i32>} : memref<256x128xf32, #tpu.memory_space<vmem>>, vector<16xf32>,
    tpu.vector_store %arg15[%swap3A_1110, %swap3A_1111], %gather3A_1108 {strides = array<i32>} : memref<256x128xf32, #tpu.memory_space<vmem>>, vector<16xf32>,
    %broadcast_in_dim3A_1113 = arith.constant 136 : i32
    %broadcast_in_dim3A_1114 = vector.broadcast %broadcast_in_dim3A_1113 : i32 to vector<16xi32>
    %gather3A_1115 = tpu.vector_load_idx %arg13[%broadcast_in_dim3A_1114] : memref<256xf32, #tpu.memory_space<vmem>>[vector<16xi32>], vector<16xf32>,
    %swap3A_1116 = arith.constant 136 : i32
    %swap3A_1117 = arith.index_cast %swap3A_1116 : i32 to index
    %swap3A_1118 = arith.constant 0 : index
    %swap3A_1119 = tpu.vector_load %arg15[%swap3A_1117, %swap3A_1118] {strides = array<i32>} : memref<256x128xf32, #tpu.memory_space<vmem>>, vector<16xf32>,
    tpu.vector_store %arg15[%swap3A_1117, %swap3A_1118], %gather3A_1115 {strides = array<i32>} : memref<256x128xf32, #tpu.memory_space<vmem>>, vector<16xf32>,
    %broadcast_in_dim3A_1120 = arith.constant 137 : i32
    %broadcast_in_dim3A_1121 = vector.broadcast %broadcast_in_dim3A_1120 : i32 to vector<16xi32>
    %gather3A_1122 = tpu.vector_load_idx %arg13[%broadcast_in_dim3A_1121] : memref<256xf32, #tpu.memory_space<vmem>>[vector<16xi32>], vector<16xf32>,
    %swap3A_1123 = arith.constant 137 : i32
    %swap3A_1124 = arith.index_cast %swap3A_1123 : i32 to index
    %swap3A_1125 = arith.constant 0 : index
    %swap3A_1126 = tpu.vector_load %arg15[%swap3A_1124, %swap3A_1125] {strides = array<i32>} : memref<256x128xf32, #tpu.memory_space<vmem>>, vector<16xf32>,
    tpu.vector_store %arg15[%swap3A_1124, %swap3A_1125], %gather3A_1122 {strides = array<i32>} : memref<256x128xf32, #tpu.memory_space<vmem>>, vector<16xf32>,
    %broadcast_in_dim3A_1127 = arith.constant 138 : i32
    %broadcast_in_dim3A_1128 = vector.broadcast %broadcast_in_dim3A_1127 : i32 to vector<16xi32>
    %gather3A_1129 = tpu.vector_load_idx %arg13[%broadcast_in_dim3A_1128] : memref<256xf32, #tpu.memory_space<vmem>>[vector<16xi32>], vector<16xf32>,
    %swap3A_1130 = arith.constant 138 : i32
    %swap3A_1131 = arith.index_cast %swap3A_1130 : i32 to index
    %swap3A_1132 = arith.constant 0 : index
    %swap3A_1133 = tpu.vector_load %arg15[%swap3A_1131, %swap3A_1132] {strides = array<i32>} : memref<256x128xf32, #tpu.memory_space<vmem>>, vector<16xf32>,
    tpu.vector_store %arg15[%swap3A_1131, %swap3A_1132], %gather3A_1129 {strides = array<i32>} : memref<256x128xf32, #tpu.memory_space<vmem>>, vector<16xf32>,
    %broadcast_in_dim3A_1134 = arith.constant 139 : i32
    %broadcast_in_dim3A_1135 = vector.broadcast %broadcast_in_dim3A_1134 : i32 to vector<16xi32>
    %gather3A_1136 = tpu.vector_load_idx %arg13[%broadcast_in_dim3A_1135] : memref<256xf32, #tpu.memory_space<vmem>>[vector<16xi32>], vector<16xf32>,
    %swap3A_1137 = arith.constant 139 : i32
    %swap3A_1138 = arith.index_cast %swap3A_1137 : i32 to index
    %swap3A_1139 = arith.constant 0 : index
    %swap3A_1140 = tpu.vector_load %arg15[%swap3A_1138, %swap3A_1139] {strides = array<i32>} : memref<256x128xf32, #tpu.memory_space<vmem>>, vector<16xf32>,
    tpu.vector_store %arg15[%swap3A_1138, %swap3A_1139], %gather3A_1136 {strides = array<i32>} : memref<256x128xf32, #tpu.memory_space<vmem>>, vector<16xf32>,
    %broadcast_in_dim3A_1141 = arith.constant 140 : i32
    %broadcast_in_dim3A_1142 = vector.broadcast %broadcast_in_dim3A_1141 : i32 to vector<16xi32>
    %gather3A_1143 = tpu.vector_load_idx %arg13[%broadcast_in_dim3A_1142] : memref<256xf32, #tpu.memory_space<vmem>>[vector<16xi32>], vector<16xf32>,
    %swap3A_1144 = arith.constant 140 : i32
    %swap3A_1145 = arith.index_cast %swap3A_1144 : i32 to index
    %swap3A_1146 = arith.constant 0 : index
    %swap3A_1147 = tpu.vector_load %arg15[%swap3A_1145, %swap3A_1146] {strides = array<i32>} : memref<256x128xf32, #tpu.memory_space<vmem>>, vector<16xf32>,
    tpu.vector_store %arg15[%swap3A_1145, %swap3A_1146], %gather3A_1143 {strides = array<i32>} : memref<256x128xf32, #tpu.memory_space<vmem>>, vector<16xf32>,
    %broadcast_in_dim3A_1148 = arith.constant 141 : i32
    %broadcast_in_dim3A_1149 = vector.broadcast %broadcast_in_dim3A_1148 : i32 to vector<16xi32>
    %gather3A_1150 = tpu.vector_load_idx %arg13[%broadcast_in_dim3A_1149] : memref<256xf32, #tpu.memory_space<vmem>>[vector<16xi32>], vector<16xf32>,
    %swap3A_1151 = arith.constant 141 : i32
    %swap3A_1152 = arith.index_cast %swap3A_1151 : i32 to index
    %swap3A_1153 = arith.constant 0 : index
    %swap3A_1154 = tpu.vector_load %arg15[%swap3A_1152, %swap3A_1153] {strides = array<i32>} : memref<256x128xf32, #tpu.memory_space<vmem>>, vector<16xf32>,
    tpu.vector_store %arg15[%swap3A_1152, %swap3A_1153], %gather3A_1150 {strides = array<i32>} : memref<256x128xf32, #tpu.memory_space<vmem>>, vector<16xf32>,
    %broadcast_in_dim3A_1155 = arith.constant 142 : i32
    %broadcast_in_dim3A_1156 = vector.broadcast %broadcast_in_dim3A_1155 : i32 to vector<16xi32>
    %gather3A_1157 = tpu.vector_load_idx %arg13[%broadcast_in_dim3A_1156] : memref<256xf32, #tpu.memory_space<vmem>>[vector<16xi32>], vector<16xf32>,
    %swap3A_1158 = arith.constant 142 : i32
    %swap3A_1159 = arith.index_cast %swap3A_1158 : i32 to index
    %swap3A_1160 = arith.constant 0 : index
    %swap3A_1161 = tpu.vector_load %arg15[%swap3A_1159, %swap3A_1160] {strides = array<i32>} : memref<256x128xf32, #tpu.memory_space<vmem>>, vector<16xf32>,
    tpu.vector_store %arg15[%swap3A_1159, %swap3A_1160], %gather3A_1157 {strides = array<i32>} : memref<256x128xf32, #tpu.memory_space<vmem>>, vector<16xf32>,
    %broadcast_in_dim3A_1162 = arith.constant 143 : i32
    %broadcast_in_dim3A_1163 = vector.broadcast %broadcast_in_dim3A_1162 : i32 to vector<16xi32>
    %gather3A_1164 = tpu.vector_load_idx %arg13[%broadcast_in_dim3A_1163] : memref<256xf32, #tpu.memory_space<vmem>>[vector<16xi32>], vector<16xf32>,
    %swap3A_1165 = arith.constant 143 : i32
    %swap3A_1166 = arith.index_cast %swap3A_1165 : i32 to index
    %swap3A_1167 = arith.constant 0 : index
    %swap3A_1168 = tpu.vector_load %arg15[%swap3A_1166, %swap3A_1167] {strides = array<i32>} : memref<256x128xf32, #tpu.memory_space<vmem>>, vector<16xf32>,
    tpu.vector_store %arg15[%swap3A_1166, %swap3A_1167], %gather3A_1164 {strides = array<i32>} : memref<256x128xf32, #tpu.memory_space<vmem>>, vector<16xf32>,
    %broadcast_in_dim3A_1169 = arith.constant 144 : i32
    %broadcast_in_dim3A_1170 = vector.broadcast %broadcast_in_dim3A_1169 : i32 to vector<16xi32>
    %gather3A_1171 = tpu.vector_load_idx %arg13[%broadcast_in_dim3A_1170] : memref<256xf32, #tpu.memory_space<vmem>>[vector<16xi32>], vector<16xf32>,
    %swap3A_1172 = arith.constant 144 : i32
    %swap3A_1173 = arith.index_cast %swap3A_1172 : i32 to index
    %swap3A_1174 = arith.constant 0 : index
    %swap3A_1175 = tpu.vector_load %arg15[%swap3A_1173, %swap3A_1174] {strides = array<i32>} : memref<256x128xf32, #tpu.memory_space<vmem>>, vector<16xf32>,
    tpu.vector_store %arg15[%swap3A_1173, %swap3A_1174], %gather3A_1171 {strides = array<i32>} : memref<256x128xf32, #tpu.memory_space<vmem>>, vector<16xf32>,
    %broadcast_in_dim3A_1176 = arith.constant 145 : i32
    %broadcast_in_dim3A_1177 = vector.broadcast %broadcast_in_dim3A_1176 : i32 to vector<16xi32>
    %gather3A_1178 = tpu.vector_load_idx %arg13[%broadcast_in_dim3A_1177] : memref<256xf32, #tpu.memory_space<vmem>>[vector<16xi32>], vector<16xf32>,
    %swap3A_1179 = arith.constant 145 : i32
    %swap3A_1180 = arith.index_cast %swap3A_1179 : i32 to index
    %swap3A_1181 = arith.constant 0 : index
    %swap3A_1182 = tpu.vector_load %arg15[%swap3A_1180, %swap3A_1181] {strides = array<i32>} : memref<256x128xf32, #tpu.memory_space<vmem>>, vector<16xf32>,
    tpu.vector_store %arg15[%swap3A_1180, %swap3A_1181], %gather3A_1178 {strides = array<i32>} : memref<256x128xf32, #tpu.memory_space<vmem>>, vector<16xf32>,
    %broadcast_in_dim3A_1183 = arith.constant 146 : i32
    %broadcast_in_dim3A_1184 = vector.broadcast %broadcast_in_dim3A_1183 : i32 to vector<16xi32>
    %gather3A_1185 = tpu.vector_load_idx %arg13[%broadcast_in_dim3A_1184] : memref<256xf32, #tpu.memory_space<vmem>>[vector<16xi32>], vector<16xf32>,
    %swap3A_1186 = arith.constant 146 : i32
    %swap3A_1187 = arith.index_cast %swap3A_1186 : i32 to index
    %swap3A_1188 = arith.constant 0 : index
    %swap3A_1189 = tpu.vector_load %arg15[%swap3A_1187, %swap3A_1188] {strides = array<i32>} : memref<256x128xf32, #tpu.memory_space<vmem>>, vector<16xf32>,
    tpu.vector_store %arg15[%swap3A_1187, %swap3A_1188], %gather3A_1185 {strides = array<i32>} : memref<256x128xf32, #tpu.memory_space<vmem>>, vector<16xf32>,
    %broadcast_in_dim3A_1190 = arith.constant 147 : i32
    %broadcast_in_dim3A_1191 = vector.broadcast %broadcast_in_dim3A_1190 : i32 to vector<16xi32>
    %gather3A_1192 = tpu.vector_load_idx %arg13[%broadcast_in_dim3A_1191] : memref<256xf32, #tpu.memory_space<vmem>>[vector<16xi32>], vector<16xf32>,
    %swap3A_1193 = arith.constant 147 : i32
    %swap3A_1194 = arith.index_cast %swap3A_1193 : i32 to index
    %swap3A_1195 = arith.constant 0 : index
    %swap3A_1196 = tpu.vector_load %arg15[%swap3A_1194, %swap3A_1195] {strides = array<i32>} : memref<256x128xf32, #tpu.memory_space<vmem>>, vector<16xf32>,
    tpu.vector_store %arg15[%swap3A_1194, %swap3A_1195], %gather3A_1192 {strides = array<i32>} : memref<256x128xf32, #tpu.memory_space<vmem>>, vector<16xf32>,
    %broadcast_in_dim3A_1197 = arith.constant 148 : i32
    %broadcast_in_dim3A_1198 = vector.broadcast %broadcast_in_dim3A_1197 : i32 to vector<16xi32>
    %gather3A_1199 = tpu.vector_load_idx %arg13[%broadcast_in_dim3A_1198] : memref<256xf32, #tpu.memory_space<vmem>>[vector<16xi32>], vector<16xf32>,
    %swap3A_1200 = arith.constant 148 : i32
    %swap3A_1201 = arith.index_cast %swap3A_1200 : i32 to index
    %swap3A_1202 = arith.constant 0 : index
    %swap3A_1203 = tpu.vector_load %arg15[%swap3A_1201, %swap3A_1202] {strides = array<i32>} : memref<256x128xf32, #tpu.memory_space<vmem>>, vector<16xf32>,
    tpu.vector_store %arg15[%swap3A_1201, %swap3A_1202], %gather3A_1199 {strides = array<i32>} : memref<256x128xf32, #tpu.memory_space<vmem>>, vector<16xf32>,
    %broadcast_in_dim3A_1204 = arith.constant 149 : i32
    %broadcast_in_dim3A_1205 = vector.broadcast %broadcast_in_dim3A_1204 : i32 to vector<16xi32>
    %gather3A_1206 = tpu.vector_load_idx %arg13[%broadcast_in_dim3A_1205] : memref<256xf32, #tpu.memory_space<vmem>>[vector<16xi32>], vector<16xf32>,
    %swap3A_1207 = arith.constant 149 : i32
    %swap3A_1208 = arith.index_cast %swap3A_1207 : i32 to index
    %swap3A_1209 = arith.constant 0 : index
    %swap3A_1210 = tpu.vector_load %arg15[%swap3A_1208, %swap3A_1209] {strides = array<i32>} : memref<256x128xf32, #tpu.memory_space<vmem>>, vector<16xf32>,
    tpu.vector_store %arg15[%swap3A_1208, %swap3A_1209], %gather3A_1206 {strides = array<i32>} : memref<256x128xf32, #tpu.memory_space<vmem>>, vector<16xf32>,
    %broadcast_in_dim3A_1211 = arith.constant 150 : i32
    %broadcast_in_dim3A_1212 = vector.broadcast %broadcast_in_dim3A_1211 : i32 to vector<16xi32>
    %gather3A_1213 = tpu.vector_load_idx %arg13[%broadcast_in_dim3A_1212] : memref<256xf32, #tpu.memory_space<vmem>>[vector<16xi32>], vector<16xf32>,
    %swap3A_1214 = arith.constant 150 : i32
    %swap3A_1215 = arith.index_cast %swap3A_1214 : i32 to index
    %swap3A_1216 = arith.constant 0 : index
    %swap3A_1217 = tpu.vector_load %arg15[%swap3A_1215, %swap3A_1216] {strides = array<i32>} : memref<256x128xf32, #tpu.memory_space<vmem>>, vector<16xf32>,
    tpu.vector_store %arg15[%swap3A_1215, %swap3A_1216], %gather3A_1213 {strides = array<i32>} : memref<256x128xf32, #tpu.memory_space<vmem>>, vector<16xf32>,
    %broadcast_in_dim3A_1218 = arith.constant 151 : i32
    %broadcast_in_dim3A_1219 = vector.broadcast %broadcast_in_dim3A_1218 : i32 to vector<16xi32>
    %gather3A_1220 = tpu.vector_load_idx %arg13[%broadcast_in_dim3A_1219] : memref<256xf32, #tpu.memory_space<vmem>>[vector<16xi32>], vector<16xf32>,
    %swap3A_1221 = arith.constant 151 : i32
    %swap3A_1222 = arith.index_cast %swap3A_1221 : i32 to index
    %swap3A_1223 = arith.constant 0 : index
    %swap3A_1224 = tpu.vector_load %arg15[%swap3A_1222, %swap3A_1223] {strides = array<i32>} : memref<256x128xf32, #tpu.memory_space<vmem>>, vector<16xf32>,
    tpu.vector_store %arg15[%swap3A_1222, %swap3A_1223], %gather3A_1220 {strides = array<i32>} : memref<256x128xf32, #tpu.memory_space<vmem>>, vector<16xf32>,
    %broadcast_in_dim3A_1225 = arith.constant 152 : i32
    %broadcast_in_dim3A_1226 = vector.broadcast %broadcast_in_dim3A_1225 : i32 to vector<16xi32>
    %gather3A_1227 = tpu.vector_load_idx %arg13[%broadcast_in_dim3A_1226] : memref<256xf32, #tpu.memory_space<vmem>>[vector<16xi32>], vector<16xf32>,
    %swap3A_1228 = arith.constant 152 : i32
    %swap3A_1229 = arith.index_cast %swap3A_1228 : i32 to index
    %swap3A_1230 = arith.constant 0 : index
    %swap3A_1231 = tpu.vector_load %arg15[%swap3A_1229, %swap3A_1230] {strides = array<i32>} : memref<256x128xf32, #tpu.memory_space<vmem>>, vector<16xf32>,
    tpu.vector_store %arg15[%swap3A_1229, %swap3A_1230], %gather3A_1227 {strides = array<i32>} : memref<256x128xf32, #tpu.memory_space<vmem>>, vector<16xf32>,
    %broadcast_in_dim3A_1232 = arith.constant 153 : i32
    %broadcast_in_dim3A_1233 = vector.broadcast %broadcast_in_dim3A_1232 : i32 to vector<16xi32>
    %gather3A_1234 = tpu.vector_load_idx %arg13[%broadcast_in_dim3A_1233] : memref<256xf32, #tpu.memory_space<vmem>>[vector<16xi32>], vector<16xf32>,
    %swap3A_1235 = arith.constant 153 : i32
    %swap3A_1236 = arith.index_cast %swap3A_1235 : i32 to index
    %swap3A_1237 = arith.constant 0 : index
    %swap3A_1238 = tpu.vector_load %arg15[%swap3A_1236, %swap3A_1237] {strides = array<i32>} : memref<256x128xf32, #tpu.memory_space<vmem>>, vector<16xf32>,
    tpu.vector_store %arg15[%swap3A_1236, %swap3A_1237], %gather3A_1234 {strides = array<i32>} : memref<256x128xf32, #tpu.memory_space<vmem>>, vector<16xf32>,
    %broadcast_in_dim3A_1239 = arith.constant 154 : i32
    %broadcast_in_dim3A_1240 = vector.broadcast %broadcast_in_dim3A_1239 : i32 to vector<16xi32>
    %gather3A_1241 = tpu.vector_load_idx %arg13[%broadcast_in_dim3A_1240] : memref<256xf32, #tpu.memory_space<vmem>>[vector<16xi32>], vector<16xf32>,
    %swap3A_1242 = arith.constant 154 : i32
    %swap3A_1243 = arith.index_cast %swap3A_1242 : i32 to index
    %swap3A_1244 = arith.constant 0 : index
    %swap3A_1245 = tpu.vector_load %arg15[%swap3A_1243, %swap3A_1244] {strides = array<i32>} : memref<256x128xf32, #tpu.memory_space<vmem>>, vector<16xf32>,
    tpu.vector_store %arg15[%swap3A_1243, %swap3A_1244], %gather3A_1241 {strides = array<i32>} : memref<256x128xf32, #tpu.memory_space<vmem>>, vector<16xf32>,
    %broadcast_in_dim3A_1246 = arith.constant 155 : i32
    %broadcast_in_dim3A_1247 = vector.broadcast %broadcast_in_dim3A_1246 : i32 to vector<16xi32>
    %gather3A_1248 = tpu.vector_load_idx %arg13[%broadcast_in_dim3A_1247] : memref<256xf32, #tpu.memory_space<vmem>>[vector<16xi32>], vector<16xf32>,
    %swap3A_1249 = arith.constant 155 : i32
    %swap3A_1250 = arith.index_cast %swap3A_1249 : i32 to index
    %swap3A_1251 = arith.constant 0 : index
    %swap3A_1252 = tpu.vector_load %arg15[%swap3A_1250, %swap3A_1251] {strides = array<i32>} : memref<256x128xf32, #tpu.memory_space<vmem>>, vector<16xf32>,
    tpu.vector_store %arg15[%swap3A_1250, %swap3A_1251], %gather3A_1248 {strides = array<i32>} : memref<256x128xf32, #tpu.memory_space<vmem>>, vector<16xf32>,
    %broadcast_in_dim3A_1253 = arith.constant 156 : i32
    %broadcast_in_dim3A_1254 = vector.broadcast %broadcast_in_dim3A_1253 : i32 to vector<16xi32>
    %gather3A_1255 = tpu.vector_load_idx %arg13[%broadcast_in_dim3A_1254] : memref<256xf32, #tpu.memory_space<vmem>>[vector<16xi32>], vector<16xf32>,
    %swap3A_1256 = arith.constant 156 : i32
    %swap3A_1257 = arith.index_cast %swap3A_1256 : i32 to index
    %swap3A_1258 = arith.constant 0 : index
    %swap3A_1259 = tpu.vector_load %arg15[%swap3A_1257, %swap3A_1258] {strides = array<i32>} : memref<256x128xf32, #tpu.memory_space<vmem>>, vector<16xf32>,
    tpu.vector_store %arg15[%swap3A_1257, %swap3A_1258], %gather3A_1255 {strides = array<i32>} : memref<256x128xf32, #tpu.memory_space<vmem>>, vector<16xf32>,
    %broadcast_in_dim3A_1260 = arith.constant 157 : i32
    %broadcast_in_dim3A_1261 = vector.broadcast %broadcast_in_dim3A_1260 : i32 to vector<16xi32>
    %gather3A_1262 = tpu.vector_load_idx %arg13[%broadcast_in_dim3A_1261] : memref<256xf32, #tpu.memory_space<vmem>>[vector<16xi32>], vector<16xf32>,
    %swap3A_1263 = arith.constant 157 : i32
    %swap3A_1264 = arith.index_cast %swap3A_1263 : i32 to index
    %swap3A_1265 = arith.constant 0 : index
    %swap3A_1266 = tpu.vector_load %arg15[%swap3A_1264, %swap3A_1265] {strides = array<i32>} : memref<256x128xf32, #tpu.memory_space<vmem>>, vector<16xf32>,
    tpu.vector_store %arg15[%swap3A_1264, %swap3A_1265], %gather3A_1262 {strides = array<i32>} : memref<256x128xf32, #tpu.memory_space<vmem>>, vector<16xf32>,
    %broadcast_in_dim3A_1267 = arith.constant 158 : i32
    %broadcast_in_dim3A_1268 = vector.broadcast %broadcast_in_dim3A_1267 : i32 to vector<16xi32>
    %gather3A_1269 = tpu.vector_load_idx %arg13[%broadcast_in_dim3A_1268] : memref<256xf32, #tpu.memory_space<vmem>>[vector<16xi32>], vector<16xf32>,
    %swap3A_1270 = arith.constant 158 : i32
    %swap3A_1271 = arith.index_cast %swap3A_1270 : i32 to index
    %swap3A_1272 = arith.constant 0 : index
    %swap3A_1273 = tpu.vector_load %arg15[%swap3A_1271, %swap3A_1272] {strides = array<i32>} : memref<256x128xf32, #tpu.memory_space<vmem>>, vector<16xf32>,
    tpu.vector_store %arg15[%swap3A_1271, %swap3A_1272], %gather3A_1269 {strides = array<i32>} : memref<256x128xf32, #tpu.memory_space<vmem>>, vector<16xf32>,
    %broadcast_in_dim3A_1274 = arith.constant 159 : i32
    %broadcast_in_dim3A_1275 = vector.broadcast %broadcast_in_dim3A_1274 : i32 to vector<16xi32>
    %gather3A_1276 = tpu.vector_load_idx %arg13[%broadcast_in_dim3A_1275] : memref<256xf32, #tpu.memory_space<vmem>>[vector<16xi32>], vector<16xf32>,
    %swap3A_1277 = arith.constant 159 : i32
    %swap3A_1278 = arith.index_cast %swap3A_1277 : i32 to index
    %swap3A_1279 = arith.constant 0 : index
    %swap3A_1280 = tpu.vector_load %arg15[%swap3A_1278, %swap3A_1279] {strides = array<i32>} : memref<256x128xf32, #tpu.memory_space<vmem>>, vector<16xf32>,
    tpu.vector_store %arg15[%swap3A_1278, %swap3A_1279], %gather3A_1276 {strides = array<i32>} : memref<256x128xf32, #tpu.memory_space<vmem>>, vector<16xf32>,
    %broadcast_in_dim3A_1281 = arith.constant 160 : i32
    %broadcast_in_dim3A_1282 = vector.broadcast %broadcast_in_dim3A_1281 : i32 to vector<16xi32>
    %gather3A_1283 = tpu.vector_load_idx %arg13[%broadcast_in_dim3A_1282] : memref<256xf32, #tpu.memory_space<vmem>>[vector<16xi32>], vector<16xf32>,
    %swap3A_1284 = arith.constant 160 : i32
    %swap3A_1285 = arith.index_cast %swap3A_1284 : i32 to index
    %swap3A_1286 = arith.constant 0 : index
    %swap3A_1287 = tpu.vector_load %arg15[%swap3A_1285, %swap3A_1286] {strides = array<i32>} : memref<256x128xf32, #tpu.memory_space<vmem>>, vector<16xf32>,
    tpu.vector_store %arg15[%swap3A_1285, %swap3A_1286], %gather3A_1283 {strides = array<i32>} : memref<256x128xf32, #tpu.memory_space<vmem>>, vector<16xf32>,
    %broadcast_in_dim3A_1288 = arith.constant 161 : i32
    %broadcast_in_dim3A_1289 = vector.broadcast %broadcast_in_dim3A_1288 : i32 to vector<16xi32>
    %gather3A_1290 = tpu.vector_load_idx %arg13[%broadcast_in_dim3A_1289] : memref<256xf32, #tpu.memory_space<vmem>>[vector<16xi32>], vector<16xf32>,
    %swap3A_1291 = arith.constant 161 : i32
    %swap3A_1292 = arith.index_cast %swap3A_1291 : i32 to index
    %swap3A_1293 = arith.constant 0 : index
    %swap3A_1294 = tpu.vector_load %arg15[%swap3A_1292, %swap3A_1293] {strides = array<i32>} : memref<256x128xf32, #tpu.memory_space<vmem>>, vector<16xf32>,
    tpu.vector_store %arg15[%swap3A_1292, %swap3A_1293], %gather3A_1290 {strides = array<i32>} : memref<256x128xf32, #tpu.memory_space<vmem>>, vector<16xf32>,
    %broadcast_in_dim3A_1295 = arith.constant 162 : i32
    %broadcast_in_dim3A_1296 = vector.broadcast %broadcast_in_dim3A_1295 : i32 to vector<16xi32>
    %gather3A_1297 = tpu.vector_load_idx %arg13[%broadcast_in_dim3A_1296] : memref<256xf32, #tpu.memory_space<vmem>>[vector<16xi32>], vector<16xf32>,
    %swap3A_1298 = arith.constant 162 : i32
    %swap3A_1299 = arith.index_cast %swap3A_1298 : i32 to index
    %swap3A_1300 = arith.constant 0 : index
    %swap3A_1301 = tpu.vector_load %arg15[%swap3A_1299, %swap3A_1300] {strides = array<i32>} : memref<256x128xf32, #tpu.memory_space<vmem>>, vector<16xf32>,
    tpu.vector_store %arg15[%swap3A_1299, %swap3A_1300], %gather3A_1297 {strides = array<i32>} : memref<256x128xf32, #tpu.memory_space<vmem>>, vector<16xf32>,
    %broadcast_in_dim3A_1302 = arith.constant 163 : i32
    %broadcast_in_dim3A_1303 = vector.broadcast %broadcast_in_dim3A_1302 : i32 to vector<16xi32>
    %gather3A_1304 = tpu.vector_load_idx %arg13[%broadcast_in_dim3A_1303] : memref<256xf32, #tpu.memory_space<vmem>>[vector<16xi32>], vector<16xf32>,
    %swap3A_1305 = arith.constant 163 : i32
    %swap3A_1306 = arith.index_cast %swap3A_1305 : i32 to index
    %swap3A_1307 = arith.constant 0 : index
    %swap3A_1308 = tpu.vector_load %arg15[%swap3A_1306, %swap3A_1307] {strides = array<i32>} : memref<256x128xf32, #tpu.memory_space<vmem>>, vector<16xf32>,
    tpu.vector_store %arg15[%swap3A_1306, %swap3A_1307], %gather3A_1304 {strides = array<i32>} : memref<256x128xf32, #tpu.memory_space<vmem>>, vector<16xf32>,
    %broadcast_in_dim3A_1309 = arith.constant 164 : i32
    %broadcast_in_dim3A_1310 = vector.broadcast %broadcast_in_dim3A_1309 : i32 to vector<16xi32>
    %gather3A_1311 = tpu.vector_load_idx %arg13[%broadcast_in_dim3A_1310] : memref<256xf32, #tpu.memory_space<vmem>>[vector<16xi32>], vector<16xf32>,
    %swap3A_1312 = arith.constant 164 : i32
    %swap3A_1313 = arith.index_cast %swap3A_1312 : i32 to index
    %swap3A_1314 = arith.constant 0 : index
    %swap3A_1315 = tpu.vector_load %arg15[%swap3A_1313, %swap3A_1314] {strides = array<i32>} : memref<256x128xf32, #tpu.memory_space<vmem>>, vector<16xf32>,
    tpu.vector_store %arg15[%swap3A_1313, %swap3A_1314], %gather3A_1311 {strides = array<i32>} : memref<256x128xf32, #tpu.memory_space<vmem>>, vector<16xf32>,
    %broadcast_in_dim3A_1316 = arith.constant 165 : i32
    %broadcast_in_dim3A_1317 = vector.broadcast %broadcast_in_dim3A_1316 : i32 to vector<16xi32>
    %gather3A_1318 = tpu.vector_load_idx %arg13[%broadcast_in_dim3A_1317] : memref<256xf32, #tpu.memory_space<vmem>>[vector<16xi32>], vector<16xf32>,
    %swap3A_1319 = arith.constant 165 : i32
    %swap3A_1320 = arith.index_cast %swap3A_1319 : i32 to index
    %swap3A_1321 = arith.constant 0 : index
    %swap3A_1322 = tpu.vector_load %arg15[%swap3A_1320, %swap3A_1321] {strides = array<i32>} : memref<256x128xf32, #tpu.memory_space<vmem>>, vector<16xf32>,
    tpu.vector_store %arg15[%swap3A_1320, %swap3A_1321], %gather3A_1318 {strides = array<i32>} : memref<256x128xf32, #tpu.memory_space<vmem>>, vector<16xf32>,
    %broadcast_in_dim3A_1323 = arith.constant 166 : i32
    %broadcast_in_dim3A_1324 = vector.broadcast %broadcast_in_dim3A_1323 : i32 to vector<16xi32>
    %gather3A_1325 = tpu.vector_load_idx %arg13[%broadcast_in_dim3A_1324] : memref<256xf32, #tpu.memory_space<vmem>>[vector<16xi32>], vector<16xf32>,
    %swap3A_1326 = arith.constant 166 : i32
    %swap3A_1327 = arith.index_cast %swap3A_1326 : i32 to index
    %swap3A_1328 = arith.constant 0 : index
    %swap3A_1329 = tpu.vector_load %arg15[%swap3A_1327, %swap3A_1328] {strides = array<i32>} : memref<256x128xf32, #tpu.memory_space<vmem>>, vector<16xf32>,
    tpu.vector_store %arg15[%swap3A_1327, %swap3A_1328], %gather3A_1325 {strides = array<i32>} : memref<256x128xf32, #tpu.memory_space<vmem>>, vector<16xf32>,
    %broadcast_in_dim3A_1330 = arith.constant 167 : i32
    %broadcast_in_dim3A_1331 = vector.broadcast %broadcast_in_dim3A_1330 : i32 to vector<16xi32>
    %gather3A_1332 = tpu.vector_load_idx %arg13[%broadcast_in_dim3A_1331] : memref<256xf32, #tpu.memory_space<vmem>>[vector<16xi32>], vector<16xf32>,
    %swap3A_1333 = arith.constant 167 : i32
    %swap3A_1334 = arith.index_cast %swap3A_1333 : i32 to index
    %swap3A_1335 = arith.constant 0 : index
    %swap3A_1336 = tpu.vector_load %arg15[%swap3A_1334, %swap3A_1335] {strides = array<i32>} : memref<256x128xf32, #tpu.memory_space<vmem>>, vector<16xf32>,
    tpu.vector_store %arg15[%swap3A_1334, %swap3A_1335], %gather3A_1332 {strides = array<i32>} : memref<256x128xf32, #tpu.memory_space<vmem>>, vector<16xf32>,
    %broadcast_in_dim3A_1337 = arith.constant 168 : i32
    %broadcast_in_dim3A_1338 = vector.broadcast %broadcast_in_dim3A_1337 : i32 to vector<16xi32>
    %gather3A_1339 = tpu.vector_load_idx %arg13[%broadcast_in_dim3A_1338] : memref<256xf32, #tpu.memory_space<vmem>>[vector<16xi32>], vector<16xf32>,
    %swap3A_1340 = arith.constant 168 : i32
    %swap3A_1341 = arith.index_cast %swap3A_1340 : i32 to index
    %swap3A_1342 = arith.constant 0 : index
    %swap3A_1343 = tpu.vector_load %arg15[%swap3A_1341, %swap3A_1342] {strides = array<i32>} : memref<256x128xf32, #tpu.memory_space<vmem>>, vector<16xf32>,
    tpu.vector_store %arg15[%swap3A_1341, %swap3A_1342], %gather3A_1339 {strides = array<i32>} : memref<256x128xf32, #tpu.memory_space<vmem>>, vector<16xf32>,
    %broadcast_in_dim3A_1344 = arith.constant 169 : i32
    %broadcast_in_dim3A_1345 = vector.broadcast %broadcast_in_dim3A_1344 : i32 to vector<16xi32>
    %gather3A_1346 = tpu.vector_load_idx %arg13[%broadcast_in_dim3A_1345] : memref<256xf32, #tpu.memory_space<vmem>>[vector<16xi32>], vector<16xf32>,
    %swap3A_1347 = arith.constant 169 : i32
    %swap3A_1348 = arith.index_cast %swap3A_1347 : i32 to index
    %swap3A_1349 = arith.constant 0 : index
    %swap3A_1350 = tpu.vector_load %arg15[%swap3A_1348, %swap3A_1349] {strides = array<i32>} : memref<256x128xf32, #tpu.memory_space<vmem>>, vector<16xf32>,
    tpu.vector_store %arg15[%swap3A_1348, %swap3A_1349], %gather3A_1346 {strides = array<i32>} : memref<256x128xf32, #tpu.memory_space<vmem>>, vector<16xf32>,
    %broadcast_in_dim3A_1351 = arith.constant 170 : i32
    %broadcast_in_dim3A_1352 = vector.broadcast %broadcast_in_dim3A_1351 : i32 to vector<16xi32>
    %gather3A_1353 = tpu.vector_load_idx %arg13[%broadcast_in_dim3A_1352] : memref<256xf32, #tpu.memory_space<vmem>>[vector<16xi32>], vector<16xf32>,
    %swap3A_1354 = arith.constant 170 : i32
    %swap3A_1355 = arith.index_cast %swap3A_1354 : i32 to index
    %swap3A_1356 = arith.constant 0 : index
    %swap3A_1357 = tpu.vector_load %arg15[%swap3A_1355, %swap3A_1356] {strides = array<i32>} : memref<256x128xf32, #tpu.memory_space<vmem>>, vector<16xf32>,
    tpu.vector_store %arg15[%swap3A_1355, %swap3A_1356], %gather3A_1353 {strides = array<i32>} : memref<256x128xf32, #tpu.memory_space<vmem>>, vector<16xf32>,
    %broadcast_in_dim3A_1358 = arith.constant 171 : i32
    %broadcast_in_dim3A_1359 = vector.broadcast %broadcast_in_dim3A_1358 : i32 to vector<16xi32>
    %gather3A_1360 = tpu.vector_load_idx %arg13[%broadcast_in_dim3A_1359] : memref<256xf32, #tpu.memory_space<vmem>>[vector<16xi32>], vector<16xf32>,
    %swap3A_1361 = arith.constant 171 : i32
    %swap3A_1362 = arith.index_cast %swap3A_1361 : i32 to index
    %swap3A_1363 = arith.constant 0 : index
    %swap3A_1364 = tpu.vector_load %arg15[%swap3A_1362, %swap3A_1363] {strides = array<i32>} : memref<256x128xf32, #tpu.memory_space<vmem>>, vector<16xf32>,
    tpu.vector_store %arg15[%swap3A_1362, %swap3A_1363], %gather3A_1360 {strides = array<i32>} : memref<256x128xf32, #tpu.memory_space<vmem>>, vector<16xf32>,
    %broadcast_in_dim3A_1365 = arith.constant 172 : i32
    %broadcast_in_dim3A_1366 = vector.broadcast %broadcast_in_dim3A_1365 : i32 to vector<16xi32>
    %gather3A_1367 = tpu.vector_load_idx %arg13[%broadcast_in_dim3A_1366] : memref<256xf32, #tpu.memory_space<vmem>>[vector<16xi32>], vector<16xf32>,
    %swap3A_1368 = arith.constant 172 : i32
    %swap3A_1369 = arith.index_cast %swap3A_1368 : i32 to index
    %swap3A_1370 = arith.constant 0 : index
    %swap3A_1371 = tpu.vector_load %arg15[%swap3A_1369, %swap3A_1370] {strides = array<i32>} : memref<256x128xf32, #tpu.memory_space<vmem>>, vector<16xf32>,
    tpu.vector_store %arg15[%swap3A_1369, %swap3A_1370], %gather3A_1367 {strides = array<i32>} : memref<256x128xf32, #tpu.memory_space<vmem>>, vector<16xf32>,
    %broadcast_in_dim3A_1372 = arith.constant 173 : i32
    %broadcast_in_dim3A_1373 = vector.broadcast %broadcast_in_dim3A_1372 : i32 to vector<16xi32>
    %gather3A_1374 = tpu.vector_load_idx %arg13[%broadcast_in_dim3A_1373] : memref<256xf32, #tpu.memory_space<vmem>>[vector<16xi32>], vector<16xf32>,
    %swap3A_1375 = arith.constant 173 : i32
    %swap3A_1376 = arith.index_cast %swap3A_1375 : i32 to index
    %swap3A_1377 = arith.constant 0 : index
    %swap3A_1378 = tpu.vector_load %arg15[%swap3A_1376, %swap3A_1377] {strides = array<i32>} : memref<256x128xf32, #tpu.memory_space<vmem>>, vector<16xf32>,
    tpu.vector_store %arg15[%swap3A_1376, %swap3A_1377], %gather3A_1374 {strides = array<i32>} : memref<256x128xf32, #tpu.memory_space<vmem>>, vector<16xf32>,
    %broadcast_in_dim3A_1379 = arith.constant 174 : i32
    %broadcast_in_dim3A_1380 = vector.broadcast %broadcast_in_dim3A_1379 : i32 to vector<16xi32>
    %gather3A_1381 = tpu.vector_load_idx %arg13[%broadcast_in_dim3A_1380] : memref<256xf32, #tpu.memory_space<vmem>>[vector<16xi32>], vector<16xf32>,
    %swap3A_1382 = arith.constant 174 : i32
    %swap3A_1383 = arith.index_cast %swap3A_1382 : i32 to index
    %swap3A_1384 = arith.constant 0 : index
    %swap3A_1385 = tpu.vector_load %arg15[%swap3A_1383, %swap3A_1384] {strides = array<i32>} : memref<256x128xf32, #tpu.memory_space<vmem>>, vector<16xf32>,
    tpu.vector_store %arg15[%swap3A_1383, %swap3A_1384], %gather3A_1381 {strides = array<i32>} : memref<256x128xf32, #tpu.memory_space<vmem>>, vector<16xf32>,
    %broadcast_in_dim3A_1386 = arith.constant 175 : i32
    %broadcast_in_dim3A_1387 = vector.broadcast %broadcast_in_dim3A_1386 : i32 to vector<16xi32>
    %gather3A_1388 = tpu.vector_load_idx %arg13[%broadcast_in_dim3A_1387] : memref<256xf32, #tpu.memory_space<vmem>>[vector<16xi32>], vector<16xf32>,
    %swap3A_1389 = arith.constant 175 : i32
    %swap3A_1390 = arith.index_cast %swap3A_1389 : i32 to index
    %swap3A_1391 = arith.constant 0 : index
    %swap3A_1392 = tpu.vector_load %arg15[%swap3A_1390, %swap3A_1391] {strides = array<i32>} : memref<256x128xf32, #tpu.memory_space<vmem>>, vector<16xf32>,
    tpu.vector_store %arg15[%swap3A_1390, %swap3A_1391], %gather3A_1388 {strides = array<i32>} : memref<256x128xf32, #tpu.memory_space<vmem>>, vector<16xf32>,
    %broadcast_in_dim3A_1393 = arith.constant 176 : i32
    %broadcast_in_dim3A_1394 = vector.broadcast %broadcast_in_dim3A_1393 : i32 to vector<16xi32>
    %gather3A_1395 = tpu.vector_load_idx %arg13[%broadcast_in_dim3A_1394] : memref<256xf32, #tpu.memory_space<vmem>>[vector<16xi32>], vector<16xf32>,
    %swap3A_1396 = arith.constant 176 : i32
    %swap3A_1397 = arith.index_cast %swap3A_1396 : i32 to index
    %swap3A_1398 = arith.constant 0 : index
    %swap3A_1399 = tpu.vector_load %arg15[%swap3A_1397, %swap3A_1398] {strides = array<i32>} : memref<256x128xf32, #tpu.memory_space<vmem>>, vector<16xf32>,
    tpu.vector_store %arg15[%swap3A_1397, %swap3A_1398], %gather3A_1395 {strides = array<i32>} : memref<256x128xf32, #tpu.memory_space<vmem>>, vector<16xf32>,
    %broadcast_in_dim3A_1400 = arith.constant 177 : i32
    %broadcast_in_dim3A_1401 = vector.broadcast %broadcast_in_dim3A_1400 : i32 to vector<16xi32>
    %gather3A_1402 = tpu.vector_load_idx %arg13[%broadcast_in_dim3A_1401] : memref<256xf32, #tpu.memory_space<vmem>>[vector<16xi32>], vector<16xf32>,
    %swap3A_1403 = arith.constant 177 : i32
    %swap3A_1404 = arith.index_cast %swap3A_1403 : i32 to index
    %swap3A_1405 = arith.constant 0 : index
    %swap3A_1406 = tpu.vector_load %arg15[%swap3A_1404, %swap3A_1405] {strides = array<i32>} : memref<256x128xf32, #tpu.memory_space<vmem>>, vector<16xf32>,
    tpu.vector_store %arg15[%swap3A_1404, %swap3A_1405], %gather3A_1402 {strides = array<i32>} : memref<256x128xf32, #tpu.memory_space<vmem>>, vector<16xf32>,
    %broadcast_in_dim3A_1407 = arith.constant 178 : i32
    %broadcast_in_dim3A_1408 = vector.broadcast %broadcast_in_dim3A_1407 : i32 to vector<16xi32>
    %gather3A_1409 = tpu.vector_load_idx %arg13[%broadcast_in_dim3A_1408] : memref<256xf32, #tpu.memory_space<vmem>>[vector<16xi32>], vector<16xf32>,
    %swap3A_1410 = arith.constant 178 : i32
    %swap3A_1411 = arith.index_cast %swap3A_1410 : i32 to index
    %swap3A_1412 = arith.constant 0 : index
    %swap3A_1413 = tpu.vector_load %arg15[%swap3A_1411, %swap3A_1412] {strides = array<i32>} : memref<256x128xf32, #tpu.memory_space<vmem>>, vector<16xf32>,
    tpu.vector_store %arg15[%swap3A_1411, %swap3A_1412], %gather3A_1409 {strides = array<i32>} : memref<256x128xf32, #tpu.memory_space<vmem>>, vector<16xf32>,
    %broadcast_in_dim3A_1414 = arith.constant 179 : i32
    %broadcast_in_dim3A_1415 = vector.broadcast %broadcast_in_dim3A_1414 : i32 to vector<16xi32>
    %gather3A_1416 = tpu.vector_load_idx %arg13[%broadcast_in_dim3A_1415] : memref<256xf32, #tpu.memory_space<vmem>>[vector<16xi32>], vector<16xf32>,
    %swap3A_1417 = arith.constant 179 : i32
    %swap3A_1418 = arith.index_cast %swap3A_1417 : i32 to index
    %swap3A_1419 = arith.constant 0 : index
    %swap3A_1420 = tpu.vector_load %arg15[%swap3A_1418, %swap3A_1419] {strides = array<i32>} : memref<256x128xf32, #tpu.memory_space<vmem>>, vector<16xf32>,
    tpu.vector_store %arg15[%swap3A_1418, %swap3A_1419], %gather3A_1416 {strides = array<i32>} : memref<256x128xf32, #tpu.memory_space<vmem>>, vector<16xf32>,
    %broadcast_in_dim3A_1421 = arith.constant 180 : i32
    %broadcast_in_dim3A_1422 = vector.broadcast %broadcast_in_dim3A_1421 : i32 to vector<16xi32>
    %gather3A_1423 = tpu.vector_load_idx %arg13[%broadcast_in_dim3A_1422] : memref<256xf32, #tpu.memory_space<vmem>>[vector<16xi32>], vector<16xf32>,
    %swap3A_1424 = arith.constant 180 : i32
    %swap3A_1425 = arith.index_cast %swap3A_1424 : i32 to index
    %swap3A_1426 = arith.constant 0 : index
    %swap3A_1427 = tpu.vector_load %arg15[%swap3A_1425, %swap3A_1426] {strides = array<i32>} : memref<256x128xf32, #tpu.memory_space<vmem>>, vector<16xf32>,
    tpu.vector_store %arg15[%swap3A_1425, %swap3A_1426], %gather3A_1423 {strides = array<i32>} : memref<256x128xf32, #tpu.memory_space<vmem>>, vector<16xf32>,
    %broadcast_in_dim3A_1428 = arith.constant 181 : i32
    %broadcast_in_dim3A_1429 = vector.broadcast %broadcast_in_dim3A_1428 : i32 to vector<16xi32>
    %gather3A_1430 = tpu.vector_load_idx %arg13[%broadcast_in_dim3A_1429] : memref<256xf32, #tpu.memory_space<vmem>>[vector<16xi32>], vector<16xf32>,
    %swap3A_1431 = arith.constant 181 : i32
    %swap3A_1432 = arith.index_cast %swap3A_1431 : i32 to index
    %swap3A_1433 = arith.constant 0 : index
    %swap3A_1434 = tpu.vector_load %arg15[%swap3A_1432, %swap3A_1433] {strides = array<i32>} : memref<256x128xf32, #tpu.memory_space<vmem>>, vector<16xf32>,
    tpu.vector_store %arg15[%swap3A_1432, %swap3A_1433], %gather3A_1430 {strides = array<i32>} : memref<256x128xf32, #tpu.memory_space<vmem>>, vector<16xf32>,
    %broadcast_in_dim3A_1435 = arith.constant 182 : i32
    %broadcast_in_dim3A_1436 = vector.broadcast %broadcast_in_dim3A_1435 : i32 to vector<16xi32>
    %gather3A_1437 = tpu.vector_load_idx %arg13[%broadcast_in_dim3A_1436] : memref<256xf32, #tpu.memory_space<vmem>>[vector<16xi32>], vector<16xf32>,
    %swap3A_1438 = arith.constant 182 : i32
    %swap3A_1439 = arith.index_cast %swap3A_1438 : i32 to index
    %swap3A_1440 = arith.constant 0 : index
    %swap3A_1441 = tpu.vector_load %arg15[%swap3A_1439, %swap3A_1440] {strides = array<i32>} : memref<256x128xf32, #tpu.memory_space<vmem>>, vector<16xf32>,
    tpu.vector_store %arg15[%swap3A_1439, %swap3A_1440], %gather3A_1437 {strides = array<i32>} : memref<256x128xf32, #tpu.memory_space<vmem>>, vector<16xf32>,
    %broadcast_in_dim3A_1442 = arith.constant 183 : i32
    %broadcast_in_dim3A_1443 = vector.broadcast %broadcast_in_dim3A_1442 : i32 to vector<16xi32>
    %gather3A_1444 = tpu.vector_load_idx %arg13[%broadcast_in_dim3A_1443] : memref<256xf32, #tpu.memory_space<vmem>>[vector<16xi32>], vector<16xf32>,
    %swap3A_1445 = arith.constant 183 : i32
    %swap3A_1446 = arith.index_cast %swap3A_1445 : i32 to index
    %swap3A_1447 = arith.constant 0 : index
    %swap3A_1448 = tpu.vector_load %arg15[%swap3A_1446, %swap3A_1447] {strides = array<i32>} : memref<256x128xf32, #tpu.memory_space<vmem>>, vector<16xf32>,
    tpu.vector_store %arg15[%swap3A_1446, %swap3A_1447], %gather3A_1444 {strides = array<i32>} : memref<256x128xf32, #tpu.memory_space<vmem>>, vector<16xf32>,
    %broadcast_in_dim3A_1449 = arith.constant 184 : i32
    %broadcast_in_dim3A_1450 = vector.broadcast %broadcast_in_dim3A_1449 : i32 to vector<16xi32>
    %gather3A_1451 = tpu.vector_load_idx %arg13[%broadcast_in_dim3A_1450] : memref<256xf32, #tpu.memory_space<vmem>>[vector<16xi32>], vector<16xf32>,
    %swap3A_1452 = arith.constant 184 : i32
    %swap3A_1453 = arith.index_cast %swap3A_1452 : i32 to index
    %swap3A_1454 = arith.constant 0 : index
    %swap3A_1455 = tpu.vector_load %arg15[%swap3A_1453, %swap3A_1454] {strides = array<i32>} : memref<256x128xf32, #tpu.memory_space<vmem>>, vector<16xf32>,
    tpu.vector_store %arg15[%swap3A_1453, %swap3A_1454], %gather3A_1451 {strides = array<i32>} : memref<256x128xf32, #tpu.memory_space<vmem>>, vector<16xf32>,
    %broadcast_in_dim3A_1456 = arith.constant 185 : i32
    %broadcast_in_dim3A_1457 = vector.broadcast %broadcast_in_dim3A_1456 : i32 to vector<16xi32>
    %gather3A_1458 = tpu.vector_load_idx %arg13[%broadcast_in_dim3A_1457] : memref<256xf32, #tpu.memory_space<vmem>>[vector<16xi32>], vector<16xf32>,
    %swap3A_1459 = arith.constant 185 : i32
    %swap3A_1460 = arith.index_cast %swap3A_1459 : i32 to index
    %swap3A_1461 = arith.constant 0 : index
    %swap3A_1462 = tpu.vector_load %arg15[%swap3A_1460, %swap3A_1461] {strides = array<i32>} : memref<256x128xf32, #tpu.memory_space<vmem>>, vector<16xf32>,
    tpu.vector_store %arg15[%swap3A_1460, %swap3A_1461], %gather3A_1458 {strides = array<i32>} : memref<256x128xf32, #tpu.memory_space<vmem>>, vector<16xf32>,
    %broadcast_in_dim3A_1463 = arith.constant 186 : i32
    %broadcast_in_dim3A_1464 = vector.broadcast %broadcast_in_dim3A_1463 : i32 to vector<16xi32>
    %gather3A_1465 = tpu.vector_load_idx %arg13[%broadcast_in_dim3A_1464] : memref<256xf32, #tpu.memory_space<vmem>>[vector<16xi32>], vector<16xf32>,
    %swap3A_1466 = arith.constant 186 : i32
    %swap3A_1467 = arith.index_cast %swap3A_1466 : i32 to index
    %swap3A_1468 = arith.constant 0 : index
    %swap3A_1469 = tpu.vector_load %arg15[%swap3A_1467, %swap3A_1468] {strides = array<i32>} : memref<256x128xf32, #tpu.memory_space<vmem>>, vector<16xf32>,
    tpu.vector_store %arg15[%swap3A_1467, %swap3A_1468], %gather3A_1465 {strides = array<i32>} : memref<256x128xf32, #tpu.memory_space<vmem>>, vector<16xf32>,
    %broadcast_in_dim3A_1470 = arith.constant 187 : i32
    %broadcast_in_dim3A_1471 = vector.broadcast %broadcast_in_dim3A_1470 : i32 to vector<16xi32>
    %gather3A_1472 = tpu.vector_load_idx %arg13[%broadcast_in_dim3A_1471] : memref<256xf32, #tpu.memory_space<vmem>>[vector<16xi32>], vector<16xf32>,
    %swap3A_1473 = arith.constant 187 : i32
    %swap3A_1474 = arith.index_cast %swap3A_1473 : i32 to index
    %swap3A_1475 = arith.constant 0 : index
    %swap3A_1476 = tpu.vector_load %arg15[%swap3A_1474, %swap3A_1475] {strides = array<i32>} : memref<256x128xf32, #tpu.memory_space<vmem>>, vector<16xf32>,
    tpu.vector_store %arg15[%swap3A_1474, %swap3A_1475], %gather3A_1472 {strides = array<i32>} : memref<256x128xf32, #tpu.memory_space<vmem>>, vector<16xf32>,
    %broadcast_in_dim3A_1477 = arith.constant 188 : i32
    %broadcast_in_dim3A_1478 = vector.broadcast %broadcast_in_dim3A_1477 : i32 to vector<16xi32>
    %gather3A_1479 = tpu.vector_load_idx %arg13[%broadcast_in_dim3A_1478] : memref<256xf32, #tpu.memory_space<vmem>>[vector<16xi32>], vector<16xf32>,
    %swap3A_1480 = arith.constant 188 : i32
    %swap3A_1481 = arith.index_cast %swap3A_1480 : i32 to index
    %swap3A_1482 = arith.constant 0 : index
    %swap3A_1483 = tpu.vector_load %arg15[%swap3A_1481, %swap3A_1482] {strides = array<i32>} : memref<256x128xf32, #tpu.memory_space<vmem>>, vector<16xf32>,
    tpu.vector_store %arg15[%swap3A_1481, %swap3A_1482], %gather3A_1479 {strides = array<i32>} : memref<256x128xf32, #tpu.memory_space<vmem>>, vector<16xf32>,
    %broadcast_in_dim3A_1484 = arith.constant 189 : i32
    %broadcast_in_dim3A_1485 = vector.broadcast %broadcast_in_dim3A_1484 : i32 to vector<16xi32>
    %gather3A_1486 = tpu.vector_load_idx %arg13[%broadcast_in_dim3A_1485] : memref<256xf32, #tpu.memory_space<vmem>>[vector<16xi32>], vector<16xf32>,
    %swap3A_1487 = arith.constant 189 : i32
    %swap3A_1488 = arith.index_cast %swap3A_1487 : i32 to index
    %swap3A_1489 = arith.constant 0 : index
    %swap3A_1490 = tpu.vector_load %arg15[%swap3A_1488, %swap3A_1489] {strides = array<i32>} : memref<256x128xf32, #tpu.memory_space<vmem>>, vector<16xf32>,
    tpu.vector_store %arg15[%swap3A_1488, %swap3A_1489], %gather3A_1486 {strides = array<i32>} : memref<256x128xf32, #tpu.memory_space<vmem>>, vector<16xf32>,
    %broadcast_in_dim3A_1491 = arith.constant 190 : i32
    %broadcast_in_dim3A_1492 = vector.broadcast %broadcast_in_dim3A_1491 : i32 to vector<16xi32>
    %gather3A_1493 = tpu.vector_load_idx %arg13[%broadcast_in_dim3A_1492] : memref<256xf32, #tpu.memory_space<vmem>>[vector<16xi32>], vector<16xf32>,
    %swap3A_1494 = arith.constant 190 : i32
    %swap3A_1495 = arith.index_cast %swap3A_1494 : i32 to index
    %swap3A_1496 = arith.constant 0 : index
    %swap3A_1497 = tpu.vector_load %arg15[%swap3A_1495, %swap3A_1496] {strides = array<i32>} : memref<256x128xf32, #tpu.memory_space<vmem>>, vector<16xf32>,
    tpu.vector_store %arg15[%swap3A_1495, %swap3A_1496], %gather3A_1493 {strides = array<i32>} : memref<256x128xf32, #tpu.memory_space<vmem>>, vector<16xf32>,
    %broadcast_in_dim3A_1498 = arith.constant 191 : i32
    %broadcast_in_dim3A_1499 = vector.broadcast %broadcast_in_dim3A_1498 : i32 to vector<16xi32>
    %gather3A_1500 = tpu.vector_load_idx %arg13[%broadcast_in_dim3A_1499] : memref<256xf32, #tpu.memory_space<vmem>>[vector<16xi32>], vector<16xf32>,
    %swap3A_1501 = arith.constant 191 : i32
    %swap3A_1502 = arith.index_cast %swap3A_1501 : i32 to index
    %swap3A_1503 = arith.constant 0 : index
    %swap3A_1504 = tpu.vector_load %arg15[%swap3A_1502, %swap3A_1503] {strides = array<i32>} : memref<256x128xf32, #tpu.memory_space<vmem>>, vector<16xf32>,
    tpu.vector_store %arg15[%swap3A_1502, %swap3A_1503], %gather3A_1500 {strides = array<i32>} : memref<256x128xf32, #tpu.memory_space<vmem>>, vector<16xf32>,
    %broadcast_in_dim3A_1505 = arith.constant 192 : i32
    %broadcast_in_dim3A_1506 = vector.broadcast %broadcast_in_dim3A_1505 : i32 to vector<16xi32>
    %gather3A_1507 = tpu.vector_load_idx %arg13[%broadcast_in_dim3A_1506] : memref<256xf32, #tpu.memory_space<vmem>>[vector<16xi32>], vector<16xf32>,
    %swap3A_1508 = arith.constant 192 : i32
    %swap3A_1509 = arith.index_cast %swap3A_1508 : i32 to index
    %swap3A_1510 = arith.constant 0 : index
    %swap3A_1511 = tpu.vector_load %arg15[%swap3A_1509, %swap3A_1510] {strides = array<i32>} : memref<256x128xf32, #tpu.memory_space<vmem>>, vector<16xf32>,
    tpu.vector_store %arg15[%swap3A_1509, %swap3A_1510], %gather3A_1507 {strides = array<i32>} : memref<256x128xf32, #tpu.memory_space<vmem>>, vector<16xf32>,
    %broadcast_in_dim3A_1512 = arith.constant 193 : i32
    %broadcast_in_dim3A_1513 = vector.broadcast %broadcast_in_dim3A_1512 : i32 to vector<16xi32>
    %gather3A_1514 = tpu.vector_load_idx %arg13[%broadcast_in_dim3A_1513] : memref<256xf32, #tpu.memory_space<vmem>>[vector<16xi32>], vector<16xf32>,
    %swap3A_1515 = arith.constant 193 : i32
    %swap3A_1516 = arith.index_cast %swap3A_1515 : i32 to index
    %swap3A_1517 = arith.constant 0 : index
    %swap3A_1518 = tpu.vector_load %arg15[%swap3A_1516, %swap3A_1517] {strides = array<i32>} : memref<256x128xf32, #tpu.memory_space<vmem>>, vector<16xf32>,
    tpu.vector_store %arg15[%swap3A_1516, %swap3A_1517], %gather3A_1514 {strides = array<i32>} : memref<256x128xf32, #tpu.memory_space<vmem>>, vector<16xf32>,
    %broadcast_in_dim3A_1519 = arith.constant 194 : i32
    %broadcast_in_dim3A_1520 = vector.broadcast %broadcast_in_dim3A_1519 : i32 to vector<16xi32>
    %gather3A_1521 = tpu.vector_load_idx %arg13[%broadcast_in_dim3A_1520] : memref<256xf32, #tpu.memory_space<vmem>>[vector<16xi32>], vector<16xf32>,
    %swap3A_1522 = arith.constant 194 : i32
    %swap3A_1523 = arith.index_cast %swap3A_1522 : i32 to index
    %swap3A_1524 = arith.constant 0 : index
    %swap3A_1525 = tpu.vector_load %arg15[%swap3A_1523, %swap3A_1524] {strides = array<i32>} : memref<256x128xf32, #tpu.memory_space<vmem>>, vector<16xf32>,
    tpu.vector_store %arg15[%swap3A_1523, %swap3A_1524], %gather3A_1521 {strides = array<i32>} : memref<256x128xf32, #tpu.memory_space<vmem>>, vector<16xf32>,
    %broadcast_in_dim3A_1526 = arith.constant 195 : i32
    %broadcast_in_dim3A_1527 = vector.broadcast %broadcast_in_dim3A_1526 : i32 to vector<16xi32>
    %gather3A_1528 = tpu.vector_load_idx %arg13[%broadcast_in_dim3A_1527] : memref<256xf32, #tpu.memory_space<vmem>>[vector<16xi32>], vector<16xf32>,
    %swap3A_1529 = arith.constant 195 : i32
    %swap3A_1530 = arith.index_cast %swap3A_1529 : i32 to index
    %swap3A_1531 = arith.constant 0 : index
    %swap3A_1532 = tpu.vector_load %arg15[%swap3A_1530, %swap3A_1531] {strides = array<i32>} : memref<256x128xf32, #tpu.memory_space<vmem>>, vector<16xf32>,
    tpu.vector_store %arg15[%swap3A_1530, %swap3A_1531], %gather3A_1528 {strides = array<i32>} : memref<256x128xf32, #tpu.memory_space<vmem>>, vector<16xf32>,
    %broadcast_in_dim3A_1533 = arith.constant 196 : i32
    %broadcast_in_dim3A_1534 = vector.broadcast %broadcast_in_dim3A_1533 : i32 to vector<16xi32>
    %gather3A_1535 = tpu.vector_load_idx %arg13[%broadcast_in_dim3A_1534] : memref<256xf32, #tpu.memory_space<vmem>>[vector<16xi32>], vector<16xf32>,
    %swap3A_1536 = arith.constant 196 : i32
    %swap3A_1537 = arith.index_cast %swap3A_1536 : i32 to index
    %swap3A_1538 = arith.constant 0 : index
    %swap3A_1539 = tpu.vector_load %arg15[%swap3A_1537, %swap3A_1538] {strides = array<i32>} : memref<256x128xf32, #tpu.memory_space<vmem>>, vector<16xf32>,
    tpu.vector_store %arg15[%swap3A_1537, %swap3A_1538], %gather3A_1535 {strides = array<i32>} : memref<256x128xf32, #tpu.memory_space<vmem>>, vector<16xf32>,
    %broadcast_in_dim3A_1540 = arith.constant 197 : i32
    %broadcast_in_dim3A_1541 = vector.broadcast %broadcast_in_dim3A_1540 : i32 to vector<16xi32>
    %gather3A_1542 = tpu.vector_load_idx %arg13[%broadcast_in_dim3A_1541] : memref<256xf32, #tpu.memory_space<vmem>>[vector<16xi32>], vector<16xf32>,
    %swap3A_1543 = arith.constant 197 : i32
    %swap3A_1544 = arith.index_cast %swap3A_1543 : i32 to index
    %swap3A_1545 = arith.constant 0 : index
    %swap3A_1546 = tpu.vector_load %arg15[%swap3A_1544, %swap3A_1545] {strides = array<i32>} : memref<256x128xf32, #tpu.memory_space<vmem>>, vector<16xf32>,
    tpu.vector_store %arg15[%swap3A_1544, %swap3A_1545], %gather3A_1542 {strides = array<i32>} : memref<256x128xf32, #tpu.memory_space<vmem>>, vector<16xf32>,
    %broadcast_in_dim3A_1547 = arith.constant 198 : i32
    %broadcast_in_dim3A_1548 = vector.broadcast %broadcast_in_dim3A_1547 : i32 to vector<16xi32>
    %gather3A_1549 = tpu.vector_load_idx %arg13[%broadcast_in_dim3A_1548] : memref<256xf32, #tpu.memory_space<vmem>>[vector<16xi32>], vector<16xf32>,
    %swap3A_1550 = arith.constant 198 : i32
    %swap3A_1551 = arith.index_cast %swap3A_1550 : i32 to index
    %swap3A_1552 = arith.constant 0 : index
    %swap3A_1553 = tpu.vector_load %arg15[%swap3A_1551, %swap3A_1552] {strides = array<i32>} : memref<256x128xf32, #tpu.memory_space<vmem>>, vector<16xf32>,
    tpu.vector_store %arg15[%swap3A_1551, %swap3A_1552], %gather3A_1549 {strides = array<i32>} : memref<256x128xf32, #tpu.memory_space<vmem>>, vector<16xf32>,
    %broadcast_in_dim3A_1554 = arith.constant 199 : i32
    %broadcast_in_dim3A_1555 = vector.broadcast %broadcast_in_dim3A_1554 : i32 to vector<16xi32>
    %gather3A_1556 = tpu.vector_load_idx %arg13[%broadcast_in_dim3A_1555] : memref<256xf32, #tpu.memory_space<vmem>>[vector<16xi32>], vector<16xf32>,
    %swap3A_1557 = arith.constant 199 : i32
    %swap3A_1558 = arith.index_cast %swap3A_1557 : i32 to index
    %swap3A_1559 = arith.constant 0 : index
    %swap3A_1560 = tpu.vector_load %arg15[%swap3A_1558, %swap3A_1559] {strides = array<i32>} : memref<256x128xf32, #tpu.memory_space<vmem>>, vector<16xf32>,
    tpu.vector_store %arg15[%swap3A_1558, %swap3A_1559], %gather3A_1556 {strides = array<i32>} : memref<256x128xf32, #tpu.memory_space<vmem>>, vector<16xf32>,
    %broadcast_in_dim3A_1561 = arith.constant 200 : i32
    %broadcast_in_dim3A_1562 = vector.broadcast %broadcast_in_dim3A_1561 : i32 to vector<16xi32>
    %gather3A_1563 = tpu.vector_load_idx %arg13[%broadcast_in_dim3A_1562] : memref<256xf32, #tpu.memory_space<vmem>>[vector<16xi32>], vector<16xf32>,
    %swap3A_1564 = arith.constant 200 : i32
    %swap3A_1565 = arith.index_cast %swap3A_1564 : i32 to index
    %swap3A_1566 = arith.constant 0 : index
    %swap3A_1567 = tpu.vector_load %arg15[%swap3A_1565, %swap3A_1566] {strides = array<i32>} : memref<256x128xf32, #tpu.memory_space<vmem>>, vector<16xf32>,
    tpu.vector_store %arg15[%swap3A_1565, %swap3A_1566], %gather3A_1563 {strides = array<i32>} : memref<256x128xf32, #tpu.memory_space<vmem>>, vector<16xf32>,
    %broadcast_in_dim3A_1568 = arith.constant 201 : i32
    %broadcast_in_dim3A_1569 = vector.broadcast %broadcast_in_dim3A_1568 : i32 to vector<16xi32>
    %gather3A_1570 = tpu.vector_load_idx %arg13[%broadcast_in_dim3A_1569] : memref<256xf32, #tpu.memory_space<vmem>>[vector<16xi32>], vector<16xf32>,
    %swap3A_1571 = arith.constant 201 : i32
    %swap3A_1572 = arith.index_cast %swap3A_1571 : i32 to index
    %swap3A_1573 = arith.constant 0 : index
    %swap3A_1574 = tpu.vector_load %arg15[%swap3A_1572, %swap3A_1573] {strides = array<i32>} : memref<256x128xf32, #tpu.memory_space<vmem>>, vector<16xf32>,
    tpu.vector_store %arg15[%swap3A_1572, %swap3A_1573], %gather3A_1570 {strides = array<i32>} : memref<256x128xf32, #tpu.memory_space<vmem>>, vector<16xf32>,
    %broadcast_in_dim3A_1575 = arith.constant 202 : i32
    %broadcast_in_dim3A_1576 = vector.broadcast %broadcast_in_dim3A_1575 : i32 to vector<16xi32>
    %gather3A_1577 = tpu.vector_load_idx %arg13[%broadcast_in_dim3A_1576] : memref<256xf32, #tpu.memory_space<vmem>>[vector<16xi32>], vector<16xf32>,
    %swap3A_1578 = arith.constant 202 : i32
    %swap3A_1579 = arith.index_cast %swap3A_1578 : i32 to index
    %swap3A_1580 = arith.constant 0 : index
    %swap3A_1581 = tpu.vector_load %arg15[%swap3A_1579, %swap3A_1580] {strides = array<i32>} : memref<256x128xf32, #tpu.memory_space<vmem>>, vector<16xf32>,
    tpu.vector_store %arg15[%swap3A_1579, %swap3A_1580], %gather3A_1577 {strides = array<i32>} : memref<256x128xf32, #tpu.memory_space<vmem>>, vector<16xf32>,
    %broadcast_in_dim3A_1582 = arith.constant 203 : i32
    %broadcast_in_dim3A_1583 = vector.broadcast %broadcast_in_dim3A_1582 : i32 to vector<16xi32>
    %gather3A_1584 = tpu.vector_load_idx %arg13[%broadcast_in_dim3A_1583] : memref<256xf32, #tpu.memory_space<vmem>>[vector<16xi32>], vector<16xf32>,
    %swap3A_1585 = arith.constant 203 : i32
    %swap3A_1586 = arith.index_cast %swap3A_1585 : i32 to index
    %swap3A_1587 = arith.constant 0 : index
    %swap3A_1588 = tpu.vector_load %arg15[%swap3A_1586, %swap3A_1587] {strides = array<i32>} : memref<256x128xf32, #tpu.memory_space<vmem>>, vector<16xf32>,
    tpu.vector_store %arg15[%swap3A_1586, %swap3A_1587], %gather3A_1584 {strides = array<i32>} : memref<256x128xf32, #tpu.memory_space<vmem>>, vector<16xf32>,
    %broadcast_in_dim3A_1589 = arith.constant 204 : i32
    %broadcast_in_dim3A_1590 = vector.broadcast %broadcast_in_dim3A_1589 : i32 to vector<16xi32>
    %gather3A_1591 = tpu.vector_load_idx %arg13[%broadcast_in_dim3A_1590] : memref<256xf32, #tpu.memory_space<vmem>>[vector<16xi32>], vector<16xf32>,
    %swap3A_1592 = arith.constant 204 : i32
    %swap3A_1593 = arith.index_cast %swap3A_1592 : i32 to index
    %swap3A_1594 = arith.constant 0 : index
    %swap3A_1595 = tpu.vector_load %arg15[%swap3A_1593, %swap3A_1594] {strides = array<i32>} : memref<256x128xf32, #tpu.memory_space<vmem>>, vector<16xf32>,
    tpu.vector_store %arg15[%swap3A_1593, %swap3A_1594], %gather3A_1591 {strides = array<i32>} : memref<256x128xf32, #tpu.memory_space<vmem>>, vector<16xf32>,
    %broadcast_in_dim3A_1596 = arith.constant 205 : i32
    %broadcast_in_dim3A_1597 = vector.broadcast %broadcast_in_dim3A_1596 : i32 to vector<16xi32>
    %gather3A_1598 = tpu.vector_load_idx %arg13[%broadcast_in_dim3A_1597] : memref<256xf32, #tpu.memory_space<vmem>>[vector<16xi32>], vector<16xf32>,
    %swap3A_1599 = arith.constant 205 : i32
    %swap3A_1600 = arith.index_cast %swap3A_1599 : i32 to index
    %swap3A_1601 = arith.constant 0 : index
    %swap3A_1602 = tpu.vector_load %arg15[%swap3A_1600, %swap3A_1601] {strides = array<i32>} : memref<256x128xf32, #tpu.memory_space<vmem>>, vector<16xf32>,
    tpu.vector_store %arg15[%swap3A_1600, %swap3A_1601], %gather3A_1598 {strides = array<i32>} : memref<256x128xf32, #tpu.memory_space<vmem>>, vector<16xf32>,
    %broadcast_in_dim3A_1603 = arith.constant 206 : i32
    %broadcast_in_dim3A_1604 = vector.broadcast %broadcast_in_dim3A_1603 : i32 to vector<16xi32>
    %gather3A_1605 = tpu.vector_load_idx %arg13[%broadcast_in_dim3A_1604] : memref<256xf32, #tpu.memory_space<vmem>>[vector<16xi32>], vector<16xf32>,
    %swap3A_1606 = arith.constant 206 : i32
    %swap3A_1607 = arith.index_cast %swap3A_1606 : i32 to index
    %swap3A_1608 = arith.constant 0 : index
    %swap3A_1609 = tpu.vector_load %arg15[%swap3A_1607, %swap3A_1608] {strides = array<i32>} : memref<256x128xf32, #tpu.memory_space<vmem>>, vector<16xf32>,
    tpu.vector_store %arg15[%swap3A_1607, %swap3A_1608], %gather3A_1605 {strides = array<i32>} : memref<256x128xf32, #tpu.memory_space<vmem>>, vector<16xf32>,
    %broadcast_in_dim3A_1610 = arith.constant 207 : i32
    %broadcast_in_dim3A_1611 = vector.broadcast %broadcast_in_dim3A_1610 : i32 to vector<16xi32>
    %gather3A_1612 = tpu.vector_load_idx %arg13[%broadcast_in_dim3A_1611] : memref<256xf32, #tpu.memory_space<vmem>>[vector<16xi32>], vector<16xf32>,
    %swap3A_1613 = arith.constant 207 : i32
    %swap3A_1614 = arith.index_cast %swap3A_1613 : i32 to index
    %swap3A_1615 = arith.constant 0 : index
    %swap3A_1616 = tpu.vector_load %arg15[%swap3A_1614, %swap3A_1615] {strides = array<i32>} : memref<256x128xf32, #tpu.memory_space<vmem>>, vector<16xf32>,
    tpu.vector_store %arg15[%swap3A_1614, %swap3A_1615], %gather3A_1612 {strides = array<i32>} : memref<256x128xf32, #tpu.memory_space<vmem>>, vector<16xf32>,
    %broadcast_in_dim3A_1617 = arith.constant 208 : i32
    %broadcast_in_dim3A_1618 = vector.broadcast %broadcast_in_dim3A_1617 : i32 to vector<16xi32>
    %gather3A_1619 = tpu.vector_load_idx %arg13[%broadcast_in_dim3A_1618] : memref<256xf32, #tpu.memory_space<vmem>>[vector<16xi32>], vector<16xf32>,
    %swap3A_1620 = arith.constant 208 : i32
    %swap3A_1621 = arith.index_cast %swap3A_1620 : i32 to index
    %swap3A_1622 = arith.constant 0 : index
    %swap3A_1623 = tpu.vector_load %arg15[%swap3A_1621, %swap3A_1622] {strides = array<i32>} : memref<256x128xf32, #tpu.memory_space<vmem>>, vector<16xf32>,
    tpu.vector_store %arg15[%swap3A_1621, %swap3A_1622], %gather3A_1619 {strides = array<i32>} : memref<256x128xf32, #tpu.memory_space<vmem>>, vector<16xf32>,
    %broadcast_in_dim3A_1624 = arith.constant 209 : i32
    %broadcast_in_dim3A_1625 = vector.broadcast %broadcast_in_dim3A_1624 : i32 to vector<16xi32>
    %gather3A_1626 = tpu.vector_load_idx %arg13[%broadcast_in_dim3A_1625] : memref<256xf32, #tpu.memory_space<vmem>>[vector<16xi32>], vector<16xf32>,
    %swap3A_1627 = arith.constant 209 : i32
    %swap3A_1628 = arith.index_cast %swap3A_1627 : i32 to index
    %swap3A_1629 = arith.constant 0 : index
    %swap3A_1630 = tpu.vector_load %arg15[%swap3A_1628, %swap3A_1629] {strides = array<i32>} : memref<256x128xf32, #tpu.memory_space<vmem>>, vector<16xf32>,
    tpu.vector_store %arg15[%swap3A_1628, %swap3A_1629], %gather3A_1626 {strides = array<i32>} : memref<256x128xf32, #tpu.memory_space<vmem>>, vector<16xf32>,
    %broadcast_in_dim3A_1631 = arith.constant 210 : i32
    %broadcast_in_dim3A_1632 = vector.broadcast %broadcast_in_dim3A_1631 : i32 to vector<16xi32>
    %gather3A_1633 = tpu.vector_load_idx %arg13[%broadcast_in_dim3A_1632] : memref<256xf32, #tpu.memory_space<vmem>>[vector<16xi32>], vector<16xf32>,
    %swap3A_1634 = arith.constant 210 : i32
    %swap3A_1635 = arith.index_cast %swap3A_1634 : i32 to index
    %swap3A_1636 = arith.constant 0 : index
    %swap3A_1637 = tpu.vector_load %arg15[%swap3A_1635, %swap3A_1636] {strides = array<i32>} : memref<256x128xf32, #tpu.memory_space<vmem>>, vector<16xf32>,
    tpu.vector_store %arg15[%swap3A_1635, %swap3A_1636], %gather3A_1633 {strides = array<i32>} : memref<256x128xf32, #tpu.memory_space<vmem>>, vector<16xf32>,
    %broadcast_in_dim3A_1638 = arith.constant 211 : i32
    %broadcast_in_dim3A_1639 = vector.broadcast %broadcast_in_dim3A_1638 : i32 to vector<16xi32>
    %gather3A_1640 = tpu.vector_load_idx %arg13[%broadcast_in_dim3A_1639] : memref<256xf32, #tpu.memory_space<vmem>>[vector<16xi32>], vector<16xf32>,
    %swap3A_1641 = arith.constant 211 : i32
    %swap3A_1642 = arith.index_cast %swap3A_1641 : i32 to index
    %swap3A_1643 = arith.constant 0 : index
    %swap3A_1644 = tpu.vector_load %arg15[%swap3A_1642, %swap3A_1643] {strides = array<i32>} : memref<256x128xf32, #tpu.memory_space<vmem>>, vector<16xf32>,
    tpu.vector_store %arg15[%swap3A_1642, %swap3A_1643], %gather3A_1640 {strides = array<i32>} : memref<256x128xf32, #tpu.memory_space<vmem>>, vector<16xf32>,
    %broadcast_in_dim3A_1645 = arith.constant 212 : i32
    %broadcast_in_dim3A_1646 = vector.broadcast %broadcast_in_dim3A_1645 : i32 to vector<16xi32>
    %gather3A_1647 = tpu.vector_load_idx %arg13[%broadcast_in_dim3A_1646] : memref<256xf32, #tpu.memory_space<vmem>>[vector<16xi32>], vector<16xf32>,
    %swap3A_1648 = arith.constant 212 : i32
    %swap3A_1649 = arith.index_cast %swap3A_1648 : i32 to index
    %swap3A_1650 = arith.constant 0 : index
    %swap3A_1651 = tpu.vector_load %arg15[%swap3A_1649, %swap3A_1650] {strides = array<i32>} : memref<256x128xf32, #tpu.memory_space<vmem>>, vector<16xf32>,
    tpu.vector_store %arg15[%swap3A_1649, %swap3A_1650], %gather3A_1647 {strides = array<i32>} : memref<256x128xf32, #tpu.memory_space<vmem>>, vector<16xf32>,
    %broadcast_in_dim3A_1652 = arith.constant 213 : i32
    %broadcast_in_dim3A_1653 = vector.broadcast %broadcast_in_dim3A_1652 : i32 to vector<16xi32>
    %gather3A_1654 = tpu.vector_load_idx %arg13[%broadcast_in_dim3A_1653] : memref<256xf32, #tpu.memory_space<vmem>>[vector<16xi32>], vector<16xf32>,
    %swap3A_1655 = arith.constant 213 : i32
    %swap3A_1656 = arith.index_cast %swap3A_1655 : i32 to index
    %swap3A_1657 = arith.constant 0 : index
    %swap3A_1658 = tpu.vector_load %arg15[%swap3A_1656, %swap3A_1657] {strides = array<i32>} : memref<256x128xf32, #tpu.memory_space<vmem>>, vector<16xf32>,
    tpu.vector_store %arg15[%swap3A_1656, %swap3A_1657], %gather3A_1654 {strides = array<i32>} : memref<256x128xf32, #tpu.memory_space<vmem>>, vector<16xf32>,
    %broadcast_in_dim3A_1659 = arith.constant 214 : i32
    %broadcast_in_dim3A_1660 = vector.broadcast %broadcast_in_dim3A_1659 : i32 to vector<16xi32>
    %gather3A_1661 = tpu.vector_load_idx %arg13[%broadcast_in_dim3A_1660] : memref<256xf32, #tpu.memory_space<vmem>>[vector<16xi32>], vector<16xf32>,
    %swap3A_1662 = arith.constant 214 : i32
    %swap3A_1663 = arith.index_cast %swap3A_1662 : i32 to index
    %swap3A_1664 = arith.constant 0 : index
    %swap3A_1665 = tpu.vector_load %arg15[%swap3A_1663, %swap3A_1664] {strides = array<i32>} : memref<256x128xf32, #tpu.memory_space<vmem>>, vector<16xf32>,
    tpu.vector_store %arg15[%swap3A_1663, %swap3A_1664], %gather3A_1661 {strides = array<i32>} : memref<256x128xf32, #tpu.memory_space<vmem>>, vector<16xf32>,
    %broadcast_in_dim3A_1666 = arith.constant 215 : i32
    %broadcast_in_dim3A_1667 = vector.broadcast %broadcast_in_dim3A_1666 : i32 to vector<16xi32>
    %gather3A_1668 = tpu.vector_load_idx %arg13[%broadcast_in_dim3A_1667] : memref<256xf32, #tpu.memory_space<vmem>>[vector<16xi32>], vector<16xf32>,
    %swap3A_1669 = arith.constant 215 : i32
    %swap3A_1670 = arith.index_cast %swap3A_1669 : i32 to index
    %swap3A_1671 = arith.constant 0 : index
    %swap3A_1672 = tpu.vector_load %arg15[%swap3A_1670, %swap3A_1671] {strides = array<i32>} : memref<256x128xf32, #tpu.memory_space<vmem>>, vector<16xf32>,
    tpu.vector_store %arg15[%swap3A_1670, %swap3A_1671], %gather3A_1668 {strides = array<i32>} : memref<256x128xf32, #tpu.memory_space<vmem>>, vector<16xf32>,
    %broadcast_in_dim3A_1673 = arith.constant 216 : i32
    %broadcast_in_dim3A_1674 = vector.broadcast %broadcast_in_dim3A_1673 : i32 to vector<16xi32>
    %gather3A_1675 = tpu.vector_load_idx %arg13[%broadcast_in_dim3A_1674] : memref<256xf32, #tpu.memory_space<vmem>>[vector<16xi32>], vector<16xf32>,
    %swap3A_1676 = arith.constant 216 : i32
    %swap3A_1677 = arith.index_cast %swap3A_1676 : i32 to index
    %swap3A_1678 = arith.constant 0 : index
    %swap3A_1679 = tpu.vector_load %arg15[%swap3A_1677, %swap3A_1678] {strides = array<i32>} : memref<256x128xf32, #tpu.memory_space<vmem>>, vector<16xf32>,
    tpu.vector_store %arg15[%swap3A_1677, %swap3A_1678], %gather3A_1675 {strides = array<i32>} : memref<256x128xf32, #tpu.memory_space<vmem>>, vector<16xf32>,
    %broadcast_in_dim3A_1680 = arith.constant 217 : i32
    %broadcast_in_dim3A_1681 = vector.broadcast %broadcast_in_dim3A_1680 : i32 to vector<16xi32>
    %gather3A_1682 = tpu.vector_load_idx %arg13[%broadcast_in_dim3A_1681] : memref<256xf32, #tpu.memory_space<vmem>>[vector<16xi32>], vector<16xf32>,
    %swap3A_1683 = arith.constant 217 : i32
    %swap3A_1684 = arith.index_cast %swap3A_1683 : i32 to index
    %swap3A_1685 = arith.constant 0 : index
    %swap3A_1686 = tpu.vector_load %arg15[%swap3A_1684, %swap3A_1685] {strides = array<i32>} : memref<256x128xf32, #tpu.memory_space<vmem>>, vector<16xf32>,
    tpu.vector_store %arg15[%swap3A_1684, %swap3A_1685], %gather3A_1682 {strides = array<i32>} : memref<256x128xf32, #tpu.memory_space<vmem>>, vector<16xf32>,
    %broadcast_in_dim3A_1687 = arith.constant 218 : i32
    %broadcast_in_dim3A_1688 = vector.broadcast %broadcast_in_dim3A_1687 : i32 to vector<16xi32>
    %gather3A_1689 = tpu.vector_load_idx %arg13[%broadcast_in_dim3A_1688] : memref<256xf32, #tpu.memory_space<vmem>>[vector<16xi32>], vector<16xf32>,
    %swap3A_1690 = arith.constant 218 : i32
    %swap3A_1691 = arith.index_cast %swap3A_1690 : i32 to index
    %swap3A_1692 = arith.constant 0 : index
    %swap3A_1693 = tpu.vector_load %arg15[%swap3A_1691, %swap3A_1692] {strides = array<i32>} : memref<256x128xf32, #tpu.memory_space<vmem>>, vector<16xf32>,
    tpu.vector_store %arg15[%swap3A_1691, %swap3A_1692], %gather3A_1689 {strides = array<i32>} : memref<256x128xf32, #tpu.memory_space<vmem>>, vector<16xf32>,
    %broadcast_in_dim3A_1694 = arith.constant 219 : i32
    %broadcast_in_dim3A_1695 = vector.broadcast %broadcast_in_dim3A_1694 : i32 to vector<16xi32>
    %gather3A_1696 = tpu.vector_load_idx %arg13[%broadcast_in_dim3A_1695] : memref<256xf32, #tpu.memory_space<vmem>>[vector<16xi32>], vector<16xf32>,
    %swap3A_1697 = arith.constant 219 : i32
    %swap3A_1698 = arith.index_cast %swap3A_1697 : i32 to index
    %swap3A_1699 = arith.constant 0 : index
    %swap3A_1700 = tpu.vector_load %arg15[%swap3A_1698, %swap3A_1699] {strides = array<i32>} : memref<256x128xf32, #tpu.memory_space<vmem>>, vector<16xf32>,
    tpu.vector_store %arg15[%swap3A_1698, %swap3A_1699], %gather3A_1696 {strides = array<i32>} : memref<256x128xf32, #tpu.memory_space<vmem>>, vector<16xf32>,
    %broadcast_in_dim3A_1701 = arith.constant 220 : i32
    %broadcast_in_dim3A_1702 = vector.broadcast %broadcast_in_dim3A_1701 : i32 to vector<16xi32>
    %gather3A_1703 = tpu.vector_load_idx %arg13[%broadcast_in_dim3A_1702] : memref<256xf32, #tpu.memory_space<vmem>>[vector<16xi32>], vector<16xf32>,
    %swap3A_1704 = arith.constant 220 : i32
    %swap3A_1705 = arith.index_cast %swap3A_1704 : i32 to index
    %swap3A_1706 = arith.constant 0 : index
    %swap3A_1707 = tpu.vector_load %arg15[%swap3A_1705, %swap3A_1706] {strides = array<i32>} : memref<256x128xf32, #tpu.memory_space<vmem>>, vector<16xf32>,
    tpu.vector_store %arg15[%swap3A_1705, %swap3A_1706], %gather3A_1703 {strides = array<i32>} : memref<256x128xf32, #tpu.memory_space<vmem>>, vector<16xf32>,
    %broadcast_in_dim3A_1708 = arith.constant 221 : i32
    %broadcast_in_dim3A_1709 = vector.broadcast %broadcast_in_dim3A_1708 : i32 to vector<16xi32>
    %gather3A_1710 = tpu.vector_load_idx %arg13[%broadcast_in_dim3A_1709] : memref<256xf32, #tpu.memory_space<vmem>>[vector<16xi32>], vector<16xf32>,
    %swap3A_1711 = arith.constant 221 : i32
    %swap3A_1712 = arith.index_cast %swap3A_1711 : i32 to index
    %swap3A_1713 = arith.constant 0 : index
    %swap3A_1714 = tpu.vector_load %arg15[%swap3A_1712, %swap3A_1713] {strides = array<i32>} : memref<256x128xf32, #tpu.memory_space<vmem>>, vector<16xf32>,
    tpu.vector_store %arg15[%swap3A_1712, %swap3A_1713], %gather3A_1710 {strides = array<i32>} : memref<256x128xf32, #tpu.memory_space<vmem>>, vector<16xf32>,
    %broadcast_in_dim3A_1715 = arith.constant 222 : i32
    %broadcast_in_dim3A_1716 = vector.broadcast %broadcast_in_dim3A_1715 : i32 to vector<16xi32>
    %gather3A_1717 = tpu.vector_load_idx %arg13[%broadcast_in_dim3A_1716] : memref<256xf32, #tpu.memory_space<vmem>>[vector<16xi32>], vector<16xf32>,
    %swap3A_1718 = arith.constant 222 : i32
    %swap3A_1719 = arith.index_cast %swap3A_1718 : i32 to index
    %swap3A_1720 = arith.constant 0 : index
    %swap3A_1721 = tpu.vector_load %arg15[%swap3A_1719, %swap3A_1720] {strides = array<i32>} : memref<256x128xf32, #tpu.memory_space<vmem>>, vector<16xf32>,
    tpu.vector_store %arg15[%swap3A_1719, %swap3A_1720], %gather3A_1717 {strides = array<i32>} : memref<256x128xf32, #tpu.memory_space<vmem>>, vector<16xf32>,
    %broadcast_in_dim3A_1722 = arith.constant 223 : i32
    %broadcast_in_dim3A_1723 = vector.broadcast %broadcast_in_dim3A_1722 : i32 to vector<16xi32>
    %gather3A_1724 = tpu.vector_load_idx %arg13[%broadcast_in_dim3A_1723] : memref<256xf32, #tpu.memory_space<vmem>>[vector<16xi32>], vector<16xf32>,
    %swap3A_1725 = arith.constant 223 : i32
    %swap3A_1726 = arith.index_cast %swap3A_1725 : i32 to index
    %swap3A_1727 = arith.constant 0 : index
    %swap3A_1728 = tpu.vector_load %arg15[%swap3A_1726, %swap3A_1727] {strides = array<i32>} : memref<256x128xf32, #tpu.memory_space<vmem>>, vector<16xf32>,
    tpu.vector_store %arg15[%swap3A_1726, %swap3A_1727], %gather3A_1724 {strides = array<i32>} : memref<256x128xf32, #tpu.memory_space<vmem>>, vector<16xf32>,
    %broadcast_in_dim3A_1729 = arith.constant 224 : i32
    %broadcast_in_dim3A_1730 = vector.broadcast %broadcast_in_dim3A_1729 : i32 to vector<16xi32>
    %gather3A_1731 = tpu.vector_load_idx %arg13[%broadcast_in_dim3A_1730] : memref<256xf32, #tpu.memory_space<vmem>>[vector<16xi32>], vector<16xf32>,
    %swap3A_1732 = arith.constant 224 : i32
    %swap3A_1733 = arith.index_cast %swap3A_1732 : i32 to index
    %swap3A_1734 = arith.constant 0 : index
    %swap3A_1735 = tpu.vector_load %arg15[%swap3A_1733, %swap3A_1734] {strides = array<i32>} : memref<256x128xf32, #tpu.memory_space<vmem>>, vector<16xf32>,
    tpu.vector_store %arg15[%swap3A_1733, %swap3A_1734], %gather3A_1731 {strides = array<i32>} : memref<256x128xf32, #tpu.memory_space<vmem>>, vector<16xf32>,
    %broadcast_in_dim3A_1736 = arith.constant 225 : i32
    %broadcast_in_dim3A_1737 = vector.broadcast %broadcast_in_dim3A_1736 : i32 to vector<16xi32>
    %gather3A_1738 = tpu.vector_load_idx %arg13[%broadcast_in_dim3A_1737] : memref<256xf32, #tpu.memory_space<vmem>>[vector<16xi32>], vector<16xf32>,
    %swap3A_1739 = arith.constant 225 : i32
    %swap3A_1740 = arith.index_cast %swap3A_1739 : i32 to index
    %swap3A_1741 = arith.constant 0 : index
    %swap3A_1742 = tpu.vector_load %arg15[%swap3A_1740, %swap3A_1741] {strides = array<i32>} : memref<256x128xf32, #tpu.memory_space<vmem>>, vector<16xf32>,
    tpu.vector_store %arg15[%swap3A_1740, %swap3A_1741], %gather3A_1738 {strides = array<i32>} : memref<256x128xf32, #tpu.memory_space<vmem>>, vector<16xf32>,
    %broadcast_in_dim3A_1743 = arith.constant 226 : i32
    %broadcast_in_dim3A_1744 = vector.broadcast %broadcast_in_dim3A_1743 : i32 to vector<16xi32>
    %gather3A_1745 = tpu.vector_load_idx %arg13[%broadcast_in_dim3A_1744] : memref<256xf32, #tpu.memory_space<vmem>>[vector<16xi32>], vector<16xf32>,
    %swap3A_1746 = arith.constant 226 : i32
    %swap3A_1747 = arith.index_cast %swap3A_1746 : i32 to index
    %swap3A_1748 = arith.constant 0 : index
    %swap3A_1749 = tpu.vector_load %arg15[%swap3A_1747, %swap3A_1748] {strides = array<i32>} : memref<256x128xf32, #tpu.memory_space<vmem>>, vector<16xf32>,
    tpu.vector_store %arg15[%swap3A_1747, %swap3A_1748], %gather3A_1745 {strides = array<i32>} : memref<256x128xf32, #tpu.memory_space<vmem>>, vector<16xf32>,
    %broadcast_in_dim3A_1750 = arith.constant 227 : i32
    %broadcast_in_dim3A_1751 = vector.broadcast %broadcast_in_dim3A_1750 : i32 to vector<16xi32>
    %gather3A_1752 = tpu.vector_load_idx %arg13[%broadcast_in_dim3A_1751] : memref<256xf32, #tpu.memory_space<vmem>>[vector<16xi32>], vector<16xf32>,
    %swap3A_1753 = arith.constant 227 : i32
    %swap3A_1754 = arith.index_cast %swap3A_1753 : i32 to index
    %swap3A_1755 = arith.constant 0 : index
    %swap3A_1756 = tpu.vector_load %arg15[%swap3A_1754, %swap3A_1755] {strides = array<i32>} : memref<256x128xf32, #tpu.memory_space<vmem>>, vector<16xf32>,
    tpu.vector_store %arg15[%swap3A_1754, %swap3A_1755], %gather3A_1752 {strides = array<i32>} : memref<256x128xf32, #tpu.memory_space<vmem>>, vector<16xf32>,
    %broadcast_in_dim3A_1757 = arith.constant 228 : i32
    %broadcast_in_dim3A_1758 = vector.broadcast %broadcast_in_dim3A_1757 : i32 to vector<16xi32>
    %gather3A_1759 = tpu.vector_load_idx %arg13[%broadcast_in_dim3A_1758] : memref<256xf32, #tpu.memory_space<vmem>>[vector<16xi32>], vector<16xf32>,
    %swap3A_1760 = arith.constant 228 : i32
    %swap3A_1761 = arith.index_cast %swap3A_1760 : i32 to index
    %swap3A_1762 = arith.constant 0 : index
    %swap3A_1763 = tpu.vector_load %arg15[%swap3A_1761, %swap3A_1762] {strides = array<i32>} : memref<256x128xf32, #tpu.memory_space<vmem>>, vector<16xf32>,
    tpu.vector_store %arg15[%swap3A_1761, %swap3A_1762], %gather3A_1759 {strides = array<i32>} : memref<256x128xf32, #tpu.memory_space<vmem>>, vector<16xf32>,
    %broadcast_in_dim3A_1764 = arith.constant 229 : i32
    %broadcast_in_dim3A_1765 = vector.broadcast %broadcast_in_dim3A_1764 : i32 to vector<16xi32>
    %gather3A_1766 = tpu.vector_load_idx %arg13[%broadcast_in_dim3A_1765] : memref<256xf32, #tpu.memory_space<vmem>>[vector<16xi32>], vector<16xf32>,
    %swap3A_1767 = arith.constant 229 : i32
    %swap3A_1768 = arith.index_cast %swap3A_1767 : i32 to index
    %swap3A_1769 = arith.constant 0 : index
    %swap3A_1770 = tpu.vector_load %arg15[%swap3A_1768, %swap3A_1769] {strides = array<i32>} : memref<256x128xf32, #tpu.memory_space<vmem>>, vector<16xf32>,
    tpu.vector_store %arg15[%swap3A_1768, %swap3A_1769], %gather3A_1766 {strides = array<i32>} : memref<256x128xf32, #tpu.memory_space<vmem>>, vector<16xf32>,
    %broadcast_in_dim3A_1771 = arith.constant 230 : i32
    %broadcast_in_dim3A_1772 = vector.broadcast %broadcast_in_dim3A_1771 : i32 to vector<16xi32>
    %gather3A_1773 = tpu.vector_load_idx %arg13[%broadcast_in_dim3A_1772] : memref<256xf32, #tpu.memory_space<vmem>>[vector<16xi32>], vector<16xf32>,
    %swap3A_1774 = arith.constant 230 : i32
    %swap3A_1775 = arith.index_cast %swap3A_1774 : i32 to index
    %swap3A_1776 = arith.constant 0 : index
    %swap3A_1777 = tpu.vector_load %arg15[%swap3A_1775, %swap3A_1776] {strides = array<i32>} : memref<256x128xf32, #tpu.memory_space<vmem>>, vector<16xf32>,
    tpu.vector_store %arg15[%swap3A_1775, %swap3A_1776], %gather3A_1773 {strides = array<i32>} : memref<256x128xf32, #tpu.memory_space<vmem>>, vector<16xf32>,
    %broadcast_in_dim3A_1778 = arith.constant 231 : i32
    %broadcast_in_dim3A_1779 = vector.broadcast %broadcast_in_dim3A_1778 : i32 to vector<16xi32>
    %gather3A_1780 = tpu.vector_load_idx %arg13[%broadcast_in_dim3A_1779] : memref<256xf32, #tpu.memory_space<vmem>>[vector<16xi32>], vector<16xf32>,
    %swap3A_1781 = arith.constant 231 : i32
    %swap3A_1782 = arith.index_cast %swap3A_1781 : i32 to index
    %swap3A_1783 = arith.constant 0 : index
    %swap3A_1784 = tpu.vector_load %arg15[%swap3A_1782, %swap3A_1783] {strides = array<i32>} : memref<256x128xf32, #tpu.memory_space<vmem>>, vector<16xf32>,
    tpu.vector_store %arg15[%swap3A_1782, %swap3A_1783], %gather3A_1780 {strides = array<i32>} : memref<256x128xf32, #tpu.memory_space<vmem>>, vector<16xf32>,
    %broadcast_in_dim3A_1785 = arith.constant 232 : i32
    %broadcast_in_dim3A_1786 = vector.broadcast %broadcast_in_dim3A_1785 : i32 to vector<16xi32>
    %gather3A_1787 = tpu.vector_load_idx %arg13[%broadcast_in_dim3A_1786] : memref<256xf32, #tpu.memory_space<vmem>>[vector<16xi32>], vector<16xf32>,
    %swap3A_1788 = arith.constant 232 : i32
    %swap3A_1789 = arith.index_cast %swap3A_1788 : i32 to index
    %swap3A_1790 = arith.constant 0 : index
    %swap3A_1791 = tpu.vector_load %arg15[%swap3A_1789, %swap3A_1790] {strides = array<i32>} : memref<256x128xf32, #tpu.memory_space<vmem>>, vector<16xf32>,
    tpu.vector_store %arg15[%swap3A_1789, %swap3A_1790], %gather3A_1787 {strides = array<i32>} : memref<256x128xf32, #tpu.memory_space<vmem>>, vector<16xf32>,
    %broadcast_in_dim3A_1792 = arith.constant 233 : i32
    %broadcast_in_dim3A_1793 = vector.broadcast %broadcast_in_dim3A_1792 : i32 to vector<16xi32>
    %gather3A_1794 = tpu.vector_load_idx %arg13[%broadcast_in_dim3A_1793] : memref<256xf32, #tpu.memory_space<vmem>>[vector<16xi32>], vector<16xf32>,
    %swap3A_1795 = arith.constant 233 : i32
    %swap3A_1796 = arith.index_cast %swap3A_1795 : i32 to index
    %swap3A_1797 = arith.constant 0 : index
    %swap3A_1798 = tpu.vector_load %arg15[%swap3A_1796, %swap3A_1797] {strides = array<i32>} : memref<256x128xf32, #tpu.memory_space<vmem>>, vector<16xf32>,
    tpu.vector_store %arg15[%swap3A_1796, %swap3A_1797], %gather3A_1794 {strides = array<i32>} : memref<256x128xf32, #tpu.memory_space<vmem>>, vector<16xf32>,
    %broadcast_in_dim3A_1799 = arith.constant 234 : i32
    %broadcast_in_dim3A_1800 = vector.broadcast %broadcast_in_dim3A_1799 : i32 to vector<16xi32>
    %gather3A_1801 = tpu.vector_load_idx %arg13[%broadcast_in_dim3A_1800] : memref<256xf32, #tpu.memory_space<vmem>>[vector<16xi32>], vector<16xf32>,
    %swap3A_1802 = arith.constant 234 : i32
    %swap3A_1803 = arith.index_cast %swap3A_1802 : i32 to index
    %swap3A_1804 = arith.constant 0 : index
    %swap3A_1805 = tpu.vector_load %arg15[%swap3A_1803, %swap3A_1804] {strides = array<i32>} : memref<256x128xf32, #tpu.memory_space<vmem>>, vector<16xf32>,
    tpu.vector_store %arg15[%swap3A_1803, %swap3A_1804], %gather3A_1801 {strides = array<i32>} : memref<256x128xf32, #tpu.memory_space<vmem>>, vector<16xf32>,
    %broadcast_in_dim3A_1806 = arith.constant 235 : i32
    %broadcast_in_dim3A_1807 = vector.broadcast %broadcast_in_dim3A_1806 : i32 to vector<16xi32>
    %gather3A_1808 = tpu.vector_load_idx %arg13[%broadcast_in_dim3A_1807] : memref<256xf32, #tpu.memory_space<vmem>>[vector<16xi32>], vector<16xf32>,
    %swap3A_1809 = arith.constant 235 : i32
    %swap3A_1810 = arith.index_cast %swap3A_1809 : i32 to index
    %swap3A_1811 = arith.constant 0 : index
    %swap3A_1812 = tpu.vector_load %arg15[%swap3A_1810, %swap3A_1811] {strides = array<i32>} : memref<256x128xf32, #tpu.memory_space<vmem>>, vector<16xf32>,
    tpu.vector_store %arg15[%swap3A_1810, %swap3A_1811], %gather3A_1808 {strides = array<i32>} : memref<256x128xf32, #tpu.memory_space<vmem>>, vector<16xf32>,
    %broadcast_in_dim3A_1813 = arith.constant 236 : i32
    %broadcast_in_dim3A_1814 = vector.broadcast %broadcast_in_dim3A_1813 : i32 to vector<16xi32>
    %gather3A_1815 = tpu.vector_load_idx %arg13[%broadcast_in_dim3A_1814] : memref<256xf32, #tpu.memory_space<vmem>>[vector<16xi32>], vector<16xf32>,
    %swap3A_1816 = arith.constant 236 : i32
    %swap3A_1817 = arith.index_cast %swap3A_1816 : i32 to index
    %swap3A_1818 = arith.constant 0 : index
    %swap3A_1819 = tpu.vector_load %arg15[%swap3A_1817, %swap3A_1818] {strides = array<i32>} : memref<256x128xf32, #tpu.memory_space<vmem>>, vector<16xf32>,
    tpu.vector_store %arg15[%swap3A_1817, %swap3A_1818], %gather3A_1815 {strides = array<i32>} : memref<256x128xf32, #tpu.memory_space<vmem>>, vector<16xf32>,
    %broadcast_in_dim3A_1820 = arith.constant 237 : i32
    %broadcast_in_dim3A_1821 = vector.broadcast %broadcast_in_dim3A_1820 : i32 to vector<16xi32>
    %gather3A_1822 = tpu.vector_load_idx %arg13[%broadcast_in_dim3A_1821] : memref<256xf32, #tpu.memory_space<vmem>>[vector<16xi32>], vector<16xf32>,
    %swap3A_1823 = arith.constant 237 : i32
    %swap3A_1824 = arith.index_cast %swap3A_1823 : i32 to index
    %swap3A_1825 = arith.constant 0 : index
    %swap3A_1826 = tpu.vector_load %arg15[%swap3A_1824, %swap3A_1825] {strides = array<i32>} : memref<256x128xf32, #tpu.memory_space<vmem>>, vector<16xf32>,
    tpu.vector_store %arg15[%swap3A_1824, %swap3A_1825], %gather3A_1822 {strides = array<i32>} : memref<256x128xf32, #tpu.memory_space<vmem>>, vector<16xf32>,
    %broadcast_in_dim3A_1827 = arith.constant 238 : i32
    %broadcast_in_dim3A_1828 = vector.broadcast %broadcast_in_dim3A_1827 : i32 to vector<16xi32>
    %gather3A_1829 = tpu.vector_load_idx %arg13[%broadcast_in_dim3A_1828] : memref<256xf32, #tpu.memory_space<vmem>>[vector<16xi32>], vector<16xf32>,
    %swap3A_1830 = arith.constant 238 : i32
    %swap3A_1831 = arith.index_cast %swap3A_1830 : i32 to index
    %swap3A_1832 = arith.constant 0 : index
    %swap3A_1833 = tpu.vector_load %arg15[%swap3A_1831, %swap3A_1832] {strides = array<i32>} : memref<256x128xf32, #tpu.memory_space<vmem>>, vector<16xf32>,
    tpu.vector_store %arg15[%swap3A_1831, %swap3A_1832], %gather3A_1829 {strides = array<i32>} : memref<256x128xf32, #tpu.memory_space<vmem>>, vector<16xf32>,
    %broadcast_in_dim3A_1834 = arith.constant 239 : i32
    %broadcast_in_dim3A_1835 = vector.broadcast %broadcast_in_dim3A_1834 : i32 to vector<16xi32>
    %gather3A_1836 = tpu.vector_load_idx %arg13[%broadcast_in_dim3A_1835] : memref<256xf32, #tpu.memory_space<vmem>>[vector<16xi32>], vector<16xf32>,
    %swap3A_1837 = arith.constant 239 : i32
    %swap3A_1838 = arith.index_cast %swap3A_1837 : i32 to index
    %swap3A_1839 = arith.constant 0 : index
    %swap3A_1840 = tpu.vector_load %arg15[%swap3A_1838, %swap3A_1839] {strides = array<i32>} : memref<256x128xf32, #tpu.memory_space<vmem>>, vector<16xf32>,
    tpu.vector_store %arg15[%swap3A_1838, %swap3A_1839], %gather3A_1836 {strides = array<i32>} : memref<256x128xf32, #tpu.memory_space<vmem>>, vector<16xf32>,
    %broadcast_in_dim3A_1841 = arith.constant 240 : i32
    %broadcast_in_dim3A_1842 = vector.broadcast %broadcast_in_dim3A_1841 : i32 to vector<16xi32>
    %gather3A_1843 = tpu.vector_load_idx %arg13[%broadcast_in_dim3A_1842] : memref<256xf32, #tpu.memory_space<vmem>>[vector<16xi32>], vector<16xf32>,
    %swap3A_1844 = arith.constant 240 : i32
    %swap3A_1845 = arith.index_cast %swap3A_1844 : i32 to index
    %swap3A_1846 = arith.constant 0 : index
    %swap3A_1847 = tpu.vector_load %arg15[%swap3A_1845, %swap3A_1846] {strides = array<i32>} : memref<256x128xf32, #tpu.memory_space<vmem>>, vector<16xf32>,
    tpu.vector_store %arg15[%swap3A_1845, %swap3A_1846], %gather3A_1843 {strides = array<i32>} : memref<256x128xf32, #tpu.memory_space<vmem>>, vector<16xf32>,
    %broadcast_in_dim3A_1848 = arith.constant 241 : i32
    %broadcast_in_dim3A_1849 = vector.broadcast %broadcast_in_dim3A_1848 : i32 to vector<16xi32>
    %gather3A_1850 = tpu.vector_load_idx %arg13[%broadcast_in_dim3A_1849] : memref<256xf32, #tpu.memory_space<vmem>>[vector<16xi32>], vector<16xf32>,
    %swap3A_1851 = arith.constant 241 : i32
    %swap3A_1852 = arith.index_cast %swap3A_1851 : i32 to index
    %swap3A_1853 = arith.constant 0 : index
    %swap3A_1854 = tpu.vector_load %arg15[%swap3A_1852, %swap3A_1853] {strides = array<i32>} : memref<256x128xf32, #tpu.memory_space<vmem>>, vector<16xf32>,
    tpu.vector_store %arg15[%swap3A_1852, %swap3A_1853], %gather3A_1850 {strides = array<i32>} : memref<256x128xf32, #tpu.memory_space<vmem>>, vector<16xf32>,
    %broadcast_in_dim3A_1855 = arith.constant 242 : i32
    %broadcast_in_dim3A_1856 = vector.broadcast %broadcast_in_dim3A_1855 : i32 to vector<16xi32>
    %gather3A_1857 = tpu.vector_load_idx %arg13[%broadcast_in_dim3A_1856] : memref<256xf32, #tpu.memory_space<vmem>>[vector<16xi32>], vector<16xf32>,
    %swap3A_1858 = arith.constant 242 : i32
    %swap3A_1859 = arith.index_cast %swap3A_1858 : i32 to index
    %swap3A_1860 = arith.constant 0 : index
    %swap3A_1861 = tpu.vector_load %arg15[%swap3A_1859, %swap3A_1860] {strides = array<i32>} : memref<256x128xf32, #tpu.memory_space<vmem>>, vector<16xf32>,
    tpu.vector_store %arg15[%swap3A_1859, %swap3A_1860], %gather3A_1857 {strides = array<i32>} : memref<256x128xf32, #tpu.memory_space<vmem>>, vector<16xf32>,
    %broadcast_in_dim3A_1862 = arith.constant 243 : i32
    %broadcast_in_dim3A_1863 = vector.broadcast %broadcast_in_dim3A_1862 : i32 to vector<16xi32>
    %gather3A_1864 = tpu.vector_load_idx %arg13[%broadcast_in_dim3A_1863] : memref<256xf32, #tpu.memory_space<vmem>>[vector<16xi32>], vector<16xf32>,
    %swap3A_1865 = arith.constant 243 : i32
    %swap3A_1866 = arith.index_cast %swap3A_1865 : i32 to index
    %swap3A_1867 = arith.constant 0 : index
    %swap3A_1868 = tpu.vector_load %arg15[%swap3A_1866, %swap3A_1867] {strides = array<i32>} : memref<256x128xf32, #tpu.memory_space<vmem>>, vector<16xf32>,
    tpu.vector_store %arg15[%swap3A_1866, %swap3A_1867], %gather3A_1864 {strides = array<i32>} : memref<256x128xf32, #tpu.memory_space<vmem>>, vector<16xf32>,
    %broadcast_in_dim3A_1869 = arith.constant 244 : i32
    %broadcast_in_dim3A_1870 = vector.broadcast %broadcast_in_dim3A_1869 : i32 to vector<16xi32>
    %gather3A_1871 = tpu.vector_load_idx %arg13[%broadcast_in_dim3A_1870] : memref<256xf32, #tpu.memory_space<vmem>>[vector<16xi32>], vector<16xf32>,
    %swap3A_1872 = arith.constant 244 : i32
    %swap3A_1873 = arith.index_cast %swap3A_1872 : i32 to index
    %swap3A_1874 = arith.constant 0 : index
    %swap3A_1875 = tpu.vector_load %arg15[%swap3A_1873, %swap3A_1874] {strides = array<i32>} : memref<256x128xf32, #tpu.memory_space<vmem>>, vector<16xf32>,
    tpu.vector_store %arg15[%swap3A_1873, %swap3A_1874], %gather3A_1871 {strides = array<i32>} : memref<256x128xf32, #tpu.memory_space<vmem>>, vector<16xf32>,
    %broadcast_in_dim3A_1876 = arith.constant 245 : i32
    %broadcast_in_dim3A_1877 = vector.broadcast %broadcast_in_dim3A_1876 : i32 to vector<16xi32>
    %gather3A_1878 = tpu.vector_load_idx %arg13[%broadcast_in_dim3A_1877] : memref<256xf32, #tpu.memory_space<vmem>>[vector<16xi32>], vector<16xf32>,
    %swap3A_1879 = arith.constant 245 : i32
    %swap3A_1880 = arith.index_cast %swap3A_1879 : i32 to index
    %swap3A_1881 = arith.constant 0 : index
    %swap3A_1882 = tpu.vector_load %arg15[%swap3A_1880, %swap3A_1881] {strides = array<i32>} : memref<256x128xf32, #tpu.memory_space<vmem>>, vector<16xf32>,
    tpu.vector_store %arg15[%swap3A_1880, %swap3A_1881], %gather3A_1878 {strides = array<i32>} : memref<256x128xf32, #tpu.memory_space<vmem>>, vector<16xf32>,
    %broadcast_in_dim3A_1883 = arith.constant 246 : i32
    %broadcast_in_dim3A_1884 = vector.broadcast %broadcast_in_dim3A_1883 : i32 to vector<16xi32>
    %gather3A_1885 = tpu.vector_load_idx %arg13[%broadcast_in_dim3A_1884] : memref<256xf32, #tpu.memory_space<vmem>>[vector<16xi32>], vector<16xf32>,
    %swap3A_1886 = arith.constant 246 : i32
    %swap3A_1887 = arith.index_cast %swap3A_1886 : i32 to index
    %swap3A_1888 = arith.constant 0 : index
    %swap3A_1889 = tpu.vector_load %arg15[%swap3A_1887, %swap3A_1888] {strides = array<i32>} : memref<256x128xf32, #tpu.memory_space<vmem>>, vector<16xf32>,
    tpu.vector_store %arg15[%swap3A_1887, %swap3A_1888], %gather3A_1885 {strides = array<i32>} : memref<256x128xf32, #tpu.memory_space<vmem>>, vector<16xf32>,
    %broadcast_in_dim3A_1890 = arith.constant 247 : i32
    %broadcast_in_dim3A_1891 = vector.broadcast %broadcast_in_dim3A_1890 : i32 to vector<16xi32>
    %gather3A_1892 = tpu.vector_load_idx %arg13[%broadcast_in_dim3A_1891] : memref<256xf32, #tpu.memory_space<vmem>>[vector<16xi32>], vector<16xf32>,
    %swap3A_1893 = arith.constant 247 : i32
    %swap3A_1894 = arith.index_cast %swap3A_1893 : i32 to index
    %swap3A_1895 = arith.constant 0 : index
    %swap3A_1896 = tpu.vector_load %arg15[%swap3A_1894, %swap3A_1895] {strides = array<i32>} : memref<256x128xf32, #tpu.memory_space<vmem>>, vector<16xf32>,
    tpu.vector_store %arg15[%swap3A_1894, %swap3A_1895], %gather3A_1892 {strides = array<i32>} : memref<256x128xf32, #tpu.memory_space<vmem>>, vector<16xf32>,
    %broadcast_in_dim3A_1897 = arith.constant 248 : i32
    %broadcast_in_dim3A_1898 = vector.broadcast %broadcast_in_dim3A_1897 : i32 to vector<16xi32>
    %gather3A_1899 = tpu.vector_load_idx %arg13[%broadcast_in_dim3A_1898] : memref<256xf32, #tpu.memory_space<vmem>>[vector<16xi32>], vector<16xf32>,
    %swap3A_1900 = arith.constant 248 : i32
    %swap3A_1901 = arith.index_cast %swap3A_1900 : i32 to index
    %swap3A_1902 = arith.constant 0 : index
    %swap3A_1903 = tpu.vector_load %arg15[%swap3A_1901, %swap3A_1902] {strides = array<i32>} : memref<256x128xf32, #tpu.memory_space<vmem>>, vector<16xf32>,
    tpu.vector_store %arg15[%swap3A_1901, %swap3A_1902], %gather3A_1899 {strides = array<i32>} : memref<256x128xf32, #tpu.memory_space<vmem>>, vector<16xf32>,
    %broadcast_in_dim3A_1904 = arith.constant 249 : i32
    %broadcast_in_dim3A_1905 = vector.broadcast %broadcast_in_dim3A_1904 : i32 to vector<16xi32>
    %gather3A_1906 = tpu.vector_load_idx %arg13[%broadcast_in_dim3A_1905] : memref<256xf32, #tpu.memory_space<vmem>>[vector<16xi32>], vector<16xf32>,
    %swap3A_1907 = arith.constant 249 : i32
    %swap3A_1908 = arith.index_cast %swap3A_1907 : i32 to index
    %swap3A_1909 = arith.constant 0 : index
    %swap3A_1910 = tpu.vector_load %arg15[%swap3A_1908, %swap3A_1909] {strides = array<i32>} : memref<256x128xf32, #tpu.memory_space<vmem>>, vector<16xf32>,
    tpu.vector_store %arg15[%swap3A_1908, %swap3A_1909], %gather3A_1906 {strides = array<i32>} : memref<256x128xf32, #tpu.memory_space<vmem>>, vector<16xf32>,
    %broadcast_in_dim3A_1911 = arith.constant 250 : i32
    %broadcast_in_dim3A_1912 = vector.broadcast %broadcast_in_dim3A_1911 : i32 to vector<16xi32>
    %gather3A_1913 = tpu.vector_load_idx %arg13[%broadcast_in_dim3A_1912] : memref<256xf32, #tpu.memory_space<vmem>>[vector<16xi32>], vector<16xf32>,
    %swap3A_1914 = arith.constant 250 : i32
    %swap3A_1915 = arith.index_cast %swap3A_1914 : i32 to index
    %swap3A_1916 = arith.constant 0 : index
    %swap3A_1917 = tpu.vector_load %arg15[%swap3A_1915, %swap3A_1916] {strides = array<i32>} : memref<256x128xf32, #tpu.memory_space<vmem>>, vector<16xf32>,
    tpu.vector_store %arg15[%swap3A_1915, %swap3A_1916], %gather3A_1913 {strides = array<i32>} : memref<256x128xf32, #tpu.memory_space<vmem>>, vector<16xf32>,
    %broadcast_in_dim3A_1918 = arith.constant 251 : i32
    %broadcast_in_dim3A_1919 = vector.broadcast %broadcast_in_dim3A_1918 : i32 to vector<16xi32>
    %gather3A_1920 = tpu.vector_load_idx %arg13[%broadcast_in_dim3A_1919] : memref<256xf32, #tpu.memory_space<vmem>>[vector<16xi32>], vector<16xf32>,
    %swap3A_1921 = arith.constant 251 : i32
    %swap3A_1922 = arith.index_cast %swap3A_1921 : i32 to index
    %swap3A_1923 = arith.constant 0 : index
    %swap3A_1924 = tpu.vector_load %arg15[%swap3A_1922, %swap3A_1923] {strides = array<i32>} : memref<256x128xf32, #tpu.memory_space<vmem>>, vector<16xf32>,
    tpu.vector_store %arg15[%swap3A_1922, %swap3A_1923], %gather3A_1920 {strides = array<i32>} : memref<256x128xf32, #tpu.memory_space<vmem>>, vector<16xf32>,
    %broadcast_in_dim3A_1925 = arith.constant 252 : i32
    %broadcast_in_dim3A_1926 = vector.broadcast %broadcast_in_dim3A_1925 : i32 to vector<16xi32>
    %gather3A_1927 = tpu.vector_load_idx %arg13[%broadcast_in_dim3A_1926] : memref<256xf32, #tpu.memory_space<vmem>>[vector<16xi32>], vector<16xf32>,
    %swap3A_1928 = arith.constant 252 : i32
    %swap3A_1929 = arith.index_cast %swap3A_1928 : i32 to index
    %swap3A_1930 = arith.constant 0 : index
    %swap3A_1931 = tpu.vector_load %arg15[%swap3A_1929, %swap3A_1930] {strides = array<i32>} : memref<256x128xf32, #tpu.memory_space<vmem>>, vector<16xf32>,
    tpu.vector_store %arg15[%swap3A_1929, %swap3A_1930], %gather3A_1927 {strides = array<i32>} : memref<256x128xf32, #tpu.memory_space<vmem>>, vector<16xf32>,
    %broadcast_in_dim3A_1932 = arith.constant 253 : i32
    %broadcast_in_dim3A_1933 = vector.broadcast %broadcast_in_dim3A_1932 : i32 to vector<16xi32>
    %gather3A_1934 = tpu.vector_load_idx %arg13[%broadcast_in_dim3A_1933] : memref<256xf32, #tpu.memory_space<vmem>>[vector<16xi32>], vector<16xf32>,
    %swap3A_1935 = arith.constant 253 : i32
    %swap3A_1936 = arith.index_cast %swap3A_1935 : i32 to index
    %swap3A_1937 = arith.constant 0 : index
    %swap3A_1938 = tpu.vector_load %arg15[%swap3A_1936, %swap3A_1937] {strides = array<i32>} : memref<256x128xf32, #tpu.memory_space<vmem>>, vector<16xf32>,
    tpu.vector_store %arg15[%swap3A_1936, %swap3A_1937], %gather3A_1934 {strides = array<i32>} : memref<256x128xf32, #tpu.memory_space<vmem>>, vector<16xf32>,
    %broadcast_in_dim3A_1939 = arith.constant 254 : i32
    %broadcast_in_dim3A_1940 = vector.broadcast %broadcast_in_dim3A_1939 : i32 to vector<16xi32>
    %gather3A_1941 = tpu.vector_load_idx %arg13[%broadcast_in_dim3A_1940] : memref<256xf32, #tpu.memory_space<vmem>>[vector<16xi32>], vector<16xf32>,
    %swap3A_1942 = arith.constant 254 : i32
    %swap3A_1943 = arith.index_cast %swap3A_1942 : i32 to index
    %swap3A_1944 = arith.constant 0 : index
    %swap3A_1945 = tpu.vector_load %arg15[%swap3A_1943, %swap3A_1944] {strides = array<i32>} : memref<256x128xf32, #tpu.memory_space<vmem>>, vector<16xf32>,
    tpu.vector_store %arg15[%swap3A_1943, %swap3A_1944], %gather3A_1941 {strides = array<i32>} : memref<256x128xf32, #tpu.memory_space<vmem>>, vector<16xf32>,
    %broadcast_in_dim3A_1946 = arith.constant 255 : i32
    %broadcast_in_dim3A_1947 = vector.broadcast %broadcast_in_dim3A_1946 : i32 to vector<16xi32>
    %gather3A_1948 = tpu.vector_load_idx %arg13[%broadcast_in_dim3A_1947] : memref<256xf32, #tpu.memory_space<vmem>>[vector<16xi32>], vector<16xf32>,
    %swap3A_1949 = arith.constant 255 : i32
    %swap3A_1950 = arith.index_cast %swap3A_1949 : i32 to index
    %swap3A_1951 = arith.constant 0 : index
    %swap3A_1952 = tpu.vector_load %arg15[%swap3A_1950, %swap3A_1951] {strides = array<i32>} : memref<256x128xf32, #tpu.memory_space<vmem>>, vector<16xf32>,
    tpu.vector_store %arg15[%swap3A_1950, %swap3A_1951], %gather3A_1948 {strides = array<i32>} : memref<256x128xf32, #tpu.memory_space<vmem>>, vector<16xf32>,
    %dma_start3A = arith.constant 0 : i32
    %dma_start3A_1953 = arith.constant 0 : i32
    %dma_start3A_1954 = arith.constant 0 : i32
    %dma_start3A_1955 = tpu.memref_slice %arg15[%dma_start3A_1953, %dma_start3A_1954] : memref<256x128xf32, #tpu.memory_space<vmem>> -> memref<32x128xf32, #tpu.memory_space<vmem>>
    %dma_start3A_1956 = arith.constant 0 : i32
    %dma_start3A_1957 = tpu.memref_slice %arg14[%dma_start3A, %dma_start3A_1956] : memref<8x32xi32, #tpu.memory_space<vmem>> -> memref<1x32xi32, #tpu.memory_space<vmem>>
    %dma_start3A_1958 = tpu.memref_squeeze %dma_start3A_1957 : memref<1x32xi32, #tpu.memory_space<vmem>> -> memref<32xi32, #tpu.memory_space<vmem>>
    %dma_start3A_1959 = arith.constant 0 : i32
    %dma_start3A_1960 = arith.constant 0 : i32
    %dma_start3A_1961 = tpu.memref_slice %arg9[%dma_start3A_1959, %dma_start3A_1960] : memref<12288x128xf32, #tpu.memory_space<hbm>> -> memref<12288x128xf32, #tpu.memory_space<hbm>>
    tpu.enqueue_indirect_dma source(%dma_start3A_1955 : memref<32x128xf32, #tpu.memory_space<vmem>>) target(%dma_start3A_1961 : memref<12288x128xf32, #tpu.memory_space<hbm>>) offsets(%dma_start3A_1958 : memref<32xi32, #tpu.memory_space<vmem>>) semaphore(%arg22 : memref<!tpu.dma_semaphore, #tpu.memory_space<semaphore_mem>>)
    %dma_start3A_1962 = arith.constant 1 : i32
    %dma_start3A_1963 = arith.constant 32 : i32
    %dma_start3A_1964 = arith.constant 0 : i32
    %dma_start3A_1965 = tpu.memref_slice %arg15[%dma_start3A_1963, %dma_start3A_1964] : memref<256x128xf32, #tpu.memory_space<vmem>> -> memref<32x128xf32, #tpu.memory_space<vmem>>
    %dma_start3A_1966 = arith.constant 0 : i32
    %dma_start3A_1967 = tpu.memref_slice %arg14[%dma_start3A_1962, %dma_start3A_1966] : memref<8x32xi32, #tpu.memory_space<vmem>> -> memref<1x32xi32, #tpu.memory_space<vmem>>
    %dma_start3A_1968 = tpu.memref_squeeze %dma_start3A_1967 : memref<1x32xi32, #tpu.memory_space<vmem>> -> memref<32xi32, #tpu.memory_space<vmem>>
    %dma_start3A_1969 = arith.constant 0 : i32
    %dma_start3A_1970 = arith.constant 0 : i32
    %dma_start3A_1971 = tpu.memref_slice %arg9[%dma_start3A_1969, %dma_start3A_1970] : memref<12288x128xf32, #tpu.memory_space<hbm>> -> memref<12288x128xf32, #tpu.memory_space<hbm>>
    tpu.enqueue_indirect_dma source(%dma_start3A_1965 : memref<32x128xf32, #tpu.memory_space<vmem>>) target(%dma_start3A_1971 : memref<12288x128xf32, #tpu.memory_space<hbm>>) offsets(%dma_start3A_1968 : memref<32xi32, #tpu.memory_space<vmem>>) semaphore(%arg22 : memref<!tpu.dma_semaphore, #tpu.memory_space<semaphore_mem>>)
    %dma_start3A_1972 = arith.constant 2 : i32
    %dma_start3A_1973 = arith.constant 64 : i32
    %dma_start3A_1974 = arith.constant 0 : i32
    %dma_start3A_1975 = tpu.memref_slice %arg15[%dma_start3A_1973, %dma_start3A_1974] : memref<256x128xf32, #tpu.memory_space<vmem>> -> memref<32x128xf32, #tpu.memory_space<vmem>>
    %dma_start3A_1976 = arith.constant 0 : i32
    %dma_start3A_1977 = tpu.memref_slice %arg14[%dma_start3A_1972, %dma_start3A_1976] : memref<8x32xi32, #tpu.memory_space<vmem>> -> memref<1x32xi32, #tpu.memory_space<vmem>>
    %dma_start3A_1978 = tpu.memref_squeeze %dma_start3A_1977 : memref<1x32xi32, #tpu.memory_space<vmem>> -> memref<32xi32, #tpu.memory_space<vmem>>
    %dma_start3A_1979 = arith.constant 0 : i32
    %dma_start3A_1980 = arith.constant 0 : i32
    %dma_start3A_1981 = tpu.memref_slice %arg9[%dma_start3A_1979, %dma_start3A_1980] : memref<12288x128xf32, #tpu.memory_space<hbm>> -> memref<12288x128xf32, #tpu.memory_space<hbm>>
    tpu.enqueue_indirect_dma source(%dma_start3A_1975 : memref<32x128xf32, #tpu.memory_space<vmem>>) target(%dma_start3A_1981 : memref<12288x128xf32, #tpu.memory_space<hbm>>) offsets(%dma_start3A_1978 : memref<32xi32, #tpu.memory_space<vmem>>) semaphore(%arg22 : memref<!tpu.dma_semaphore, #tpu.memory_space<semaphore_mem>>)
    %dma_start3A_1982 = arith.constant 3 : i32
    %dma_start3A_1983 = arith.constant 96 : i32
    %dma_start3A_1984 = arith.constant 0 : i32
    %dma_start3A_1985 = tpu.memref_slice %arg15[%dma_start3A_1983, %dma_start3A_1984] : memref<256x128xf32, #tpu.memory_space<vmem>> -> memref<32x128xf32, #tpu.memory_space<vmem>>
    %dma_start3A_1986 = arith.constant 0 : i32
    %dma_start3A_1987 = tpu.memref_slice %arg14[%dma_start3A_1982, %dma_start3A_1986] : memref<8x32xi32, #tpu.memory_space<vmem>> -> memref<1x32xi32, #tpu.memory_space<vmem>>
    %dma_start3A_1988 = tpu.memref_squeeze %dma_start3A_1987 : memref<1x32xi32, #tpu.memory_space<vmem>> -> memref<32xi32, #tpu.memory_space<vmem>>
    %dma_start3A_1989 = arith.constant 0 : i32
    %dma_start3A_1990 = arith.constant 0 : i32
    %dma_start3A_1991 = tpu.memref_slice %arg9[%dma_start3A_1989, %dma_start3A_1990] : memref<12288x128xf32, #tpu.memory_space<hbm>> -> memref<12288x128xf32, #tpu.memory_space<hbm>>
    tpu.enqueue_indirect_dma source(%dma_start3A_1985 : memref<32x128xf32, #tpu.memory_space<vmem>>) target(%dma_start3A_1991 : memref<12288x128xf32, #tpu.memory_space<hbm>>) offsets(%dma_start3A_1988 : memref<32xi32, #tpu.memory_space<vmem>>) semaphore(%arg22 : memref<!tpu.dma_semaphore, #tpu.memory_space<semaphore_mem>>)
    %dma_start3A_1992 = arith.constant 4 : i32
    %dma_start3A_1993 = arith.constant 128 : i32
    %dma_start3A_1994 = arith.constant 0 : i32
    %dma_start3A_1995 = tpu.memref_slice %arg15[%dma_start3A_1993, %dma_start3A_1994] : memref<256x128xf32, #tpu.memory_space<vmem>> -> memref<32x128xf32, #tpu.memory_space<vmem>>
    %dma_start3A_1996 = arith.constant 0 : i32
    %dma_start3A_1997 = tpu.memref_slice %arg14[%dma_start3A_1992, %dma_start3A_1996] : memref<8x32xi32, #tpu.memory_space<vmem>> -> memref<1x32xi32, #tpu.memory_space<vmem>>
    %dma_start3A_1998 = tpu.memref_squeeze %dma_start3A_1997 : memref<1x32xi32, #tpu.memory_space<vmem>> -> memref<32xi32, #tpu.memory_space<vmem>>
    %dma_start3A_1999 = arith.constant 0 : i32
    %dma_start3A_2000 = arith.constant 0 : i32
    %dma_start3A_2001 = tpu.memref_slice %arg9[%dma_start3A_1999, %dma_start3A_2000] : memref<12288x128xf32, #tpu.memory_space<hbm>> -> memref<12288x128xf32, #tpu.memory_space<hbm>>
    tpu.enqueue_indirect_dma source(%dma_start3A_1995 : memref<32x128xf32, #tpu.memory_space<vmem>>) target(%dma_start3A_2001 : memref<12288x128xf32, #tpu.memory_space<hbm>>) offsets(%dma_start3A_1998 : memref<32xi32, #tpu.memory_space<vmem>>) semaphore(%arg22 : memref<!tpu.dma_semaphore, #tpu.memory_space<semaphore_mem>>)
    %dma_start3A_2002 = arith.constant 5 : i32
    %dma_start3A_2003 = arith.constant 160 : i32
    %dma_start3A_2004 = arith.constant 0 : i32
    %dma_start3A_2005 = tpu.memref_slice %arg15[%dma_start3A_2003, %dma_start3A_2004] : memref<256x128xf32, #tpu.memory_space<vmem>> -> memref<32x128xf32, #tpu.memory_space<vmem>>
    %dma_start3A_2006 = arith.constant 0 : i32
    %dma_start3A_2007 = tpu.memref_slice %arg14[%dma_start3A_2002, %dma_start3A_2006] : memref<8x32xi32, #tpu.memory_space<vmem>> -> memref<1x32xi32, #tpu.memory_space<vmem>>
    %dma_start3A_2008 = tpu.memref_squeeze %dma_start3A_2007 : memref<1x32xi32, #tpu.memory_space<vmem>> -> memref<32xi32, #tpu.memory_space<vmem>>
    %dma_start3A_2009 = arith.constant 0 : i32
    %dma_start3A_2010 = arith.constant 0 : i32
    %dma_start3A_2011 = tpu.memref_slice %arg9[%dma_start3A_2009, %dma_start3A_2010] : memref<12288x128xf32, #tpu.memory_space<hbm>> -> memref<12288x128xf32, #tpu.memory_space<hbm>>
    tpu.enqueue_indirect_dma source(%dma_start3A_2005 : memref<32x128xf32, #tpu.memory_space<vmem>>) target(%dma_start3A_2011 : memref<12288x128xf32, #tpu.memory_space<hbm>>) offsets(%dma_start3A_2008 : memref<32xi32, #tpu.memory_space<vmem>>) semaphore(%arg22 : memref<!tpu.dma_semaphore, #tpu.memory_space<semaphore_mem>>)
    %dma_start3A_2012 = arith.constant 6 : i32
    %dma_start3A_2013 = arith.constant 192 : i32
    %dma_start3A_2014 = arith.constant 0 : i32
    %dma_start3A_2015 = tpu.memref_slice %arg15[%dma_start3A_2013, %dma_start3A_2014] : memref<256x128xf32, #tpu.memory_space<vmem>> -> memref<32x128xf32, #tpu.memory_space<vmem>>
    %dma_start3A_2016 = arith.constant 0 : i32
    %dma_start3A_2017 = tpu.memref_slice %arg14[%dma_start3A_2012, %dma_start3A_2016] : memref<8x32xi32, #tpu.memory_space<vmem>> -> memref<1x32xi32, #tpu.memory_space<vmem>>
    %dma_start3A_2018 = tpu.memref_squeeze %dma_start3A_2017 : memref<1x32xi32, #tpu.memory_space<vmem>> -> memref<32xi32, #tpu.memory_space<vmem>>
    %dma_start3A_2019 = arith.constant 0 : i32
    %dma_start3A_2020 = arith.constant 0 : i32
    %dma_start3A_2021 = tpu.memref_slice %arg9[%dma_start3A_2019, %dma_start3A_2020] : memref<12288x128xf32, #tpu.memory_space<hbm>> -> memref<12288x128xf32, #tpu.memory_space<hbm>>
    tpu.enqueue_indirect_dma source(%dma_start3A_2015 : memref<32x128xf32, #tpu.memory_space<vmem>>) target(%dma_start3A_2021 : memref<12288x128xf32, #tpu.memory_space<hbm>>) offsets(%dma_start3A_2018 : memref<32xi32, #tpu.memory_space<vmem>>) semaphore(%arg22 : memref<!tpu.dma_semaphore, #tpu.memory_space<semaphore_mem>>)
    %dma_start3A_2022 = arith.constant 7 : i32
    %dma_start3A_2023 = arith.constant 224 : i32
    %dma_start3A_2024 = arith.constant 0 : i32
    %dma_start3A_2025 = tpu.memref_slice %arg15[%dma_start3A_2023, %dma_start3A_2024] : memref<256x128xf32, #tpu.memory_space<vmem>> -> memref<32x128xf32, #tpu.memory_space<vmem>>
    %dma_start3A_2026 = arith.constant 0 : i32
    %dma_start3A_2027 = tpu.memref_slice %arg14[%dma_start3A_2022, %dma_start3A_2026] : memref<8x32xi32, #tpu.memory_space<vmem>> -> memref<1x32xi32, #tpu.memory_space<vmem>>
    %dma_start3A_2028 = tpu.memref_squeeze %dma_start3A_2027 : memref<1x32xi32, #tpu.memory_space<vmem>> -> memref<32xi32, #tpu.memory_space<vmem>>
    %dma_start3A_2029 = arith.constant 0 : i32
    %dma_start3A_2030 = arith.constant 0 : i32
    %dma_start3A_2031 = tpu.memref_slice %arg9[%dma_start3A_2029, %dma_start3A_2030] : memref<12288x128xf32, #tpu.memory_space<hbm>> -> memref<12288x128xf32, #tpu.memory_space<hbm>>
    tpu.enqueue_indirect_dma source(%dma_start3A_2025 : memref<32x128xf32, #tpu.memory_space<vmem>>) target(%dma_start3A_2031 : memref<12288x128xf32, #tpu.memory_space<hbm>>) offsets(%dma_start3A_2028 : memref<32xi32, #tpu.memory_space<vmem>>) semaphore(%arg22 : memref<!tpu.dma_semaphore, #tpu.memory_space<semaphore_mem>>)
    %dma_start3A_2032 = arith.constant 0 : i32
    %dma_start3A_2033 = tpu.memref_slice %arg2[%mul3A_2, %dma_start3A_2032] : memref<8192x1024xf32, #tpu.memory_space<hbm>> -> memref<32x1024xf32, #tpu.memory_space<hbm>>
    %dma_start3A_2034 = arith.constant 0 : i32
    %dma_start3A_2035 = tpu.memref_slice %arg2[%mul3A_2, %dma_start3A_2034] : memref<8192x1024xf32, #tpu.memory_space<hbm>> -> memref<32x1024xf32, #tpu.memory_space<hbm>>
    tpu.enqueue_dma source(%dma_start3A_2035 : memref<32x1024xf32, #tpu.memory_space<hbm>>) target(%arg16 : memref<32x1024xf32, #tpu.memory_space<vmem>>) target_semaphore(%arg18 : memref<!tpu.dma_semaphore, #tpu.memory_space<semaphore_mem>>)
    %add3A_2036 = arith.constant 32 : i32
    %add3A_2037 = arith.addi %mul3A_2, %add3A_2036 : i32
    %dma_start3A_2038 = arith.constant 0 : i32
    %dma_start3A_2039 = tpu.memref_slice %arg2[%add3A_2037, %dma_start3A_2038] : memref<8192x1024xf32, #tpu.memory_space<hbm>> -> memref<32x1024xf32, #tpu.memory_space<hbm>>
    %dma_start3A_2040 = arith.constant 0 : i32
    %dma_start3A_2041 = tpu.memref_slice %arg2[%add3A_2037, %dma_start3A_2040] : memref<8192x1024xf32, #tpu.memory_space<hbm>> -> memref<32x1024xf32, #tpu.memory_space<hbm>>
    tpu.enqueue_dma source(%dma_start3A_2041 : memref<32x1024xf32, #tpu.memory_space<hbm>>) target(%arg17 : memref<32x1024xf32, #tpu.memory_space<vmem>>) target_semaphore(%arg19 : memref<!tpu.dma_semaphore, #tpu.memory_space<semaphore_mem>>)
    %dma_wait3A = arith.constant 0 : i32
    %dma_wait3A_2042 = tpu.memref_slice %arg2[%mul3A_2, %dma_wait3A] : memref<8192x1024xf32, #tpu.memory_space<hbm>> -> memref<32x1024xf32, #tpu.memory_space<hbm>>
    %dma_wait3A_2043 = arith.constant 0 : i32
    %dma_wait3A_2044 = tpu.memref_slice %arg2[%mul3A_2, %dma_wait3A_2043] : memref<8192x1024xf32, #tpu.memory_space<hbm>> -> memref<32x1024xf32, #tpu.memory_space<hbm>>
    tpu.wait_dma2 semaphore(%arg18 : memref<!tpu.dma_semaphore, #tpu.memory_space<semaphore_mem>>) src(%dma_wait3A_2044 : memref<32x1024xf32, #tpu.memory_space<hbm>>) dst(%arg16 : memref<32x1024xf32, #tpu.memory_space<vmem>>)
    %dma_start3A_2045 = arith.constant 0 : i32
    %dma_start3A_2046 = arith.constant 0 : i32
    %dma_start3A_2047 = tpu.memref_slice %arg14[%dma_start3A_2045, %dma_start3A_2046] : memref<8x32xi32, #tpu.memory_space<vmem>> -> memref<1x32xi32, #tpu.memory_space<vmem>>
    %dma_start3A_2048 = tpu.memref_squeeze %dma_start3A_2047 : memref<1x32xi32, #tpu.memory_space<vmem>> -> memref<32xi32, #tpu.memory_space<vmem>>
    %dma_start3A_2049 = arith.constant 0 : i32
    %dma_start3A_2050 = arith.constant 0 : i32
    %dma_start3A_2051 = tpu.memref_slice %arg7[%dma_start3A_2049, %dma_start3A_2050] : memref<12288x1024xf32, #tpu.memory_space<hbm>> -> memref<12288x1024xf32, #tpu.memory_space<hbm>>
    tpu.enqueue_indirect_dma source(%arg16 : memref<32x1024xf32, #tpu.memory_space<vmem>>) target(%dma_start3A_2051 : memref<12288x1024xf32, #tpu.memory_space<hbm>>) offsets(%dma_start3A_2048 : memref<32xi32, #tpu.memory_space<vmem>>) semaphore(%arg20 : memref<!tpu.dma_semaphore, #tpu.memory_space<semaphore_mem>>)
    %dma_wait3A_2052 = arith.constant 0 : i32
    %dma_wait3A_2053 = arith.constant 0 : i32
    %dma_wait3A_2054 = tpu.memref_slice %arg14[%dma_wait3A_2052, %dma_wait3A_2053] : memref<8x32xi32, #tpu.memory_space<vmem>> -> memref<1x32xi32, #tpu.memory_space<vmem>>
    %dma_wait3A_2055 = tpu.memref_squeeze %dma_wait3A_2054 : memref<1x32xi32, #tpu.memory_space<vmem>> -> memref<32xi32, #tpu.memory_space<vmem>>
    %dma_wait3A_2056 = arith.constant 0 : i32
    %dma_wait3A_2057 = arith.constant 0 : i32
    %dma_wait3A_2058 = tpu.memref_slice %arg7[%dma_wait3A_2056, %dma_wait3A_2057] : memref<12288x1024xf32, #tpu.memory_space<hbm>> -> memref<12288x1024xf32, #tpu.memory_space<hbm>>
    tpu.wait_indirect_dma semaphore(%arg20 : memref<!tpu.dma_semaphore, #tpu.memory_space<semaphore_mem>>) src(%arg16 : memref<32x1024xf32, #tpu.memory_space<vmem>>) dst(%dma_wait3A_2058 : memref<12288x1024xf32, #tpu.memory_space<hbm>>)
    %add3A_2059 = arith.constant 64 : i32
    %add3A_2060 = arith.addi %mul3A_2, %add3A_2059 : i32
    %dma_start3A_2061 = arith.constant 0 : i32
    %dma_start3A_2062 = tpu.memref_slice %arg2[%add3A_2060, %dma_start3A_2061] : memref<8192x1024xf32, #tpu.memory_space<hbm>> -> memref<32x1024xf32, #tpu.memory_space<hbm>>
    %dma_start3A_2063 = arith.constant 0 : i32
    %dma_start3A_2064 = tpu.memref_slice %arg2[%add3A_2060, %dma_start3A_2063] : memref<8192x1024xf32, #tpu.memory_space<hbm>> -> memref<32x1024xf32, #tpu.memory_space<hbm>>
    tpu.enqueue_dma source(%dma_start3A_2064 : memref<32x1024xf32, #tpu.memory_space<hbm>>) target(%arg16 : memref<32x1024xf32, #tpu.memory_space<vmem>>) target_semaphore(%arg18 : memref<!tpu.dma_semaphore, #tpu.memory_space<semaphore_mem>>)
    %dma_wait3A_2065 = arith.constant 0 : i32
    %dma_wait3A_2066 = tpu.memref_slice %arg2[%add3A_2037, %dma_wait3A_2065] : memref<8192x1024xf32, #tpu.memory_space<hbm>> -> memref<32x1024xf32, #tpu.memory_space<hbm>>
    %dma_wait3A_2067 = arith.constant 0 : i32
    %dma_wait3A_2068 = tpu.memref_slice %arg2[%add3A_2037, %dma_wait3A_2067] : memref<8192x1024xf32, #tpu.memory_space<hbm>> -> memref<32x1024xf32, #tpu.memory_space<hbm>>
    tpu.wait_dma2 semaphore(%arg19 : memref<!tpu.dma_semaphore, #tpu.memory_space<semaphore_mem>>) src(%dma_wait3A_2068 : memref<32x1024xf32, #tpu.memory_space<hbm>>) dst(%arg17 : memref<32x1024xf32, #tpu.memory_space<vmem>>)
    %dma_start3A_2069 = arith.constant 1 : i32
    %dma_start3A_2070 = arith.constant 0 : i32
    %dma_start3A_2071 = tpu.memref_slice %arg14[%dma_start3A_2069, %dma_start3A_2070] : memref<8x32xi32, #tpu.memory_space<vmem>> -> memref<1x32xi32, #tpu.memory_space<vmem>>
    %dma_start3A_2072 = tpu.memref_squeeze %dma_start3A_2071 : memref<1x32xi32, #tpu.memory_space<vmem>> -> memref<32xi32, #tpu.memory_space<vmem>>
    %dma_start3A_2073 = arith.constant 0 : i32
    %dma_start3A_2074 = arith.constant 0 : i32
    %dma_start3A_2075 = tpu.memref_slice %arg7[%dma_start3A_2073, %dma_start3A_2074] : memref<12288x1024xf32, #tpu.memory_space<hbm>> -> memref<12288x1024xf32, #tpu.memory_space<hbm>>
    tpu.enqueue_indirect_dma source(%arg17 : memref<32x1024xf32, #tpu.memory_space<vmem>>) target(%dma_start3A_2075 : memref<12288x1024xf32, #tpu.memory_space<hbm>>) offsets(%dma_start3A_2072 : memref<32xi32, #tpu.memory_space<vmem>>) semaphore(%arg21 : memref<!tpu.dma_semaphore, #tpu.memory_space<semaphore_mem>>)
    %dma_wait3A_2076 = arith.constant 1 : i32
    %dma_wait3A_2077 = arith.constant 0 : i32
    %dma_wait3A_2078 = tpu.memref_slice %arg14[%dma_wait3A_2076, %dma_wait3A_2077] : memref<8x32xi32, #tpu.memory_space<vmem>> -> memref<1x32xi32, #tpu.memory_space<vmem>>
    %dma_wait3A_2079 = tpu.memref_squeeze %dma_wait3A_2078 : memref<1x32xi32, #tpu.memory_space<vmem>> -> memref<32xi32, #tpu.memory_space<vmem>>
    %dma_wait3A_2080 = arith.constant 0 : i32
    %dma_wait3A_2081 = arith.constant 0 : i32
    %dma_wait3A_2082 = tpu.memref_slice %arg7[%dma_wait3A_2080, %dma_wait3A_2081] : memref<12288x1024xf32, #tpu.memory_space<hbm>> -> memref<12288x1024xf32, #tpu.memory_space<hbm>>
    tpu.wait_indirect_dma semaphore(%arg21 : memref<!tpu.dma_semaphore, #tpu.memory_space<semaphore_mem>>) src(%arg17 : memref<32x1024xf32, #tpu.memory_space<vmem>>) dst(%dma_wait3A_2082 : memref<12288x1024xf32, #tpu.memory_space<hbm>>)
    %add3A_2083 = arith.constant 96 : i32
    %add3A_2084 = arith.addi %mul3A_2, %add3A_2083 : i32
    %dma_start3A_2085 = arith.constant 0 : i32
    %dma_start3A_2086 = tpu.memref_slice %arg2[%add3A_2084, %dma_start3A_2085] : memref<8192x1024xf32, #tpu.memory_space<hbm>> -> memref<32x1024xf32, #tpu.memory_space<hbm>>
    %dma_start3A_2087 = arith.constant 0 : i32
    %dma_start3A_2088 = tpu.memref_slice %arg2[%add3A_2084, %dma_start3A_2087] : memref<8192x1024xf32, #tpu.memory_space<hbm>> -> memref<32x1024xf32, #tpu.memory_space<hbm>>
    tpu.enqueue_dma source(%dma_start3A_2088 : memref<32x1024xf32, #tpu.memory_space<hbm>>) target(%arg17 : memref<32x1024xf32, #tpu.memory_space<vmem>>) target_semaphore(%arg19 : memref<!tpu.dma_semaphore, #tpu.memory_space<semaphore_mem>>)
    %dma_wait3A_2089 = arith.constant 0 : i32
    %dma_wait3A_2090 = tpu.memref_slice %arg2[%add3A_2060, %dma_wait3A_2089] : memref<8192x1024xf32, #tpu.memory_space<hbm>> -> memref<32x1024xf32, #tpu.memory_space<hbm>>
    %dma_wait3A_2091 = arith.constant 0 : i32
    %dma_wait3A_2092 = tpu.memref_slice %arg2[%add3A_2060, %dma_wait3A_2091] : memref<8192x1024xf32, #tpu.memory_space<hbm>> -> memref<32x1024xf32, #tpu.memory_space<hbm>>
    tpu.wait_dma2 semaphore(%arg18 : memref<!tpu.dma_semaphore, #tpu.memory_space<semaphore_mem>>) src(%dma_wait3A_2092 : memref<32x1024xf32, #tpu.memory_space<hbm>>) dst(%arg16 : memref<32x1024xf32, #tpu.memory_space<vmem>>)
    %dma_start3A_2093 = arith.constant 2 : i32
    %dma_start3A_2094 = arith.constant 0 : i32
    %dma_start3A_2095 = tpu.memref_slice %arg14[%dma_start3A_2093, %dma_start3A_2094] : memref<8x32xi32, #tpu.memory_space<vmem>> -> memref<1x32xi32, #tpu.memory_space<vmem>>
    %dma_start3A_2096 = tpu.memref_squeeze %dma_start3A_2095 : memref<1x32xi32, #tpu.memory_space<vmem>> -> memref<32xi32, #tpu.memory_space<vmem>>
    %dma_start3A_2097 = arith.constant 0 : i32
    %dma_start3A_2098 = arith.constant 0 : i32
    %dma_start3A_2099 = tpu.memref_slice %arg7[%dma_start3A_2097, %dma_start3A_2098] : memref<12288x1024xf32, #tpu.memory_space<hbm>> -> memref<12288x1024xf32, #tpu.memory_space<hbm>>
    tpu.enqueue_indirect_dma source(%arg16 : memref<32x1024xf32, #tpu.memory_space<vmem>>) target(%dma_start3A_2099 : memref<12288x1024xf32, #tpu.memory_space<hbm>>) offsets(%dma_start3A_2096 : memref<32xi32, #tpu.memory_space<vmem>>) semaphore(%arg20 : memref<!tpu.dma_semaphore, #tpu.memory_space<semaphore_mem>>)
    %dma_wait3A_2100 = arith.constant 2 : i32
    %dma_wait3A_2101 = arith.constant 0 : i32
    %dma_wait3A_2102 = tpu.memref_slice %arg14[%dma_wait3A_2100, %dma_wait3A_2101] : memref<8x32xi32, #tpu.memory_space<vmem>> -> memref<1x32xi32, #tpu.memory_space<vmem>>
    %dma_wait3A_2103 = tpu.memref_squeeze %dma_wait3A_2102 : memref<1x32xi32, #tpu.memory_space<vmem>> -> memref<32xi32, #tpu.memory_space<vmem>>
    %dma_wait3A_2104 = arith.constant 0 : i32
    %dma_wait3A_2105 = arith.constant 0 : i32
    %dma_wait3A_2106 = tpu.memref_slice %arg7[%dma_wait3A_2104, %dma_wait3A_2105] : memref<12288x1024xf32, #tpu.memory_space<hbm>> -> memref<12288x1024xf32, #tpu.memory_space<hbm>>
    tpu.wait_indirect_dma semaphore(%arg20 : memref<!tpu.dma_semaphore, #tpu.memory_space<semaphore_mem>>) src(%arg16 : memref<32x1024xf32, #tpu.memory_space<vmem>>) dst(%dma_wait3A_2106 : memref<12288x1024xf32, #tpu.memory_space<hbm>>)
    %add3A_2107 = arith.constant 128 : i32
    %add3A_2108 = arith.addi %mul3A_2, %add3A_2107 : i32
    %dma_start3A_2109 = arith.constant 0 : i32
    %dma_start3A_2110 = tpu.memref_slice %arg2[%add3A_2108, %dma_start3A_2109] : memref<8192x1024xf32, #tpu.memory_space<hbm>> -> memref<32x1024xf32, #tpu.memory_space<hbm>>
    %dma_start3A_2111 = arith.constant 0 : i32
    %dma_start3A_2112 = tpu.memref_slice %arg2[%add3A_2108, %dma_start3A_2111] : memref<8192x1024xf32, #tpu.memory_space<hbm>> -> memref<32x1024xf32, #tpu.memory_space<hbm>>
    tpu.enqueue_dma source(%dma_start3A_2112 : memref<32x1024xf32, #tpu.memory_space<hbm>>) target(%arg16 : memref<32x1024xf32, #tpu.memory_space<vmem>>) target_semaphore(%arg18 : memref<!tpu.dma_semaphore, #tpu.memory_space<semaphore_mem>>)
    %dma_wait3A_2113 = arith.constant 0 : i32
    %dma_wait3A_2114 = tpu.memref_slice %arg2[%add3A_2084, %dma_wait3A_2113] : memref<8192x1024xf32, #tpu.memory_space<hbm>> -> memref<32x1024xf32, #tpu.memory_space<hbm>>
    %dma_wait3A_2115 = arith.constant 0 : i32
    %dma_wait3A_2116 = tpu.memref_slice %arg2[%add3A_2084, %dma_wait3A_2115] : memref<8192x1024xf32, #tpu.memory_space<hbm>> -> memref<32x1024xf32, #tpu.memory_space<hbm>>
    tpu.wait_dma2 semaphore(%arg19 : memref<!tpu.dma_semaphore, #tpu.memory_space<semaphore_mem>>) src(%dma_wait3A_2116 : memref<32x1024xf32, #tpu.memory_space<hbm>>) dst(%arg17 : memref<32x1024xf32, #tpu.memory_space<vmem>>)
    %dma_start3A_2117 = arith.constant 3 : i32
    %dma_start3A_2118 = arith.constant 0 : i32
    %dma_start3A_2119 = tpu.memref_slice %arg14[%dma_start3A_2117, %dma_start3A_2118] : memref<8x32xi32, #tpu.memory_space<vmem>> -> memref<1x32xi32, #tpu.memory_space<vmem>>
    %dma_start3A_2120 = tpu.memref_squeeze %dma_start3A_2119 : memref<1x32xi32, #tpu.memory_space<vmem>> -> memref<32xi32, #tpu.memory_space<vmem>>
    %dma_start3A_2121 = arith.constant 0 : i32
    %dma_start3A_2122 = arith.constant 0 : i32
    %dma_start3A_2123 = tpu.memref_slice %arg7[%dma_start3A_2121, %dma_start3A_2122] : memref<12288x1024xf32, #tpu.memory_space<hbm>> -> memref<12288x1024xf32, #tpu.memory_space<hbm>>
    tpu.enqueue_indirect_dma source(%arg17 : memref<32x1024xf32, #tpu.memory_space<vmem>>) target(%dma_start3A_2123 : memref<12288x1024xf32, #tpu.memory_space<hbm>>) offsets(%dma_start3A_2120 : memref<32xi32, #tpu.memory_space<vmem>>) semaphore(%arg21 : memref<!tpu.dma_semaphore, #tpu.memory_space<semaphore_mem>>)
    %dma_wait3A_2124 = arith.constant 3 : i32
    %dma_wait3A_2125 = arith.constant 0 : i32
    %dma_wait3A_2126 = tpu.memref_slice %arg14[%dma_wait3A_2124, %dma_wait3A_2125] : memref<8x32xi32, #tpu.memory_space<vmem>> -> memref<1x32xi32, #tpu.memory_space<vmem>>
    %dma_wait3A_2127 = tpu.memref_squeeze %dma_wait3A_2126 : memref<1x32xi32, #tpu.memory_space<vmem>> -> memref<32xi32, #tpu.memory_space<vmem>>
    %dma_wait3A_2128 = arith.constant 0 : i32
    %dma_wait3A_2129 = arith.constant 0 : i32
    %dma_wait3A_2130 = tpu.memref_slice %arg7[%dma_wait3A_2128, %dma_wait3A_2129] : memref<12288x1024xf32, #tpu.memory_space<hbm>> -> memref<12288x1024xf32, #tpu.memory_space<hbm>>
    tpu.wait_indirect_dma semaphore(%arg21 : memref<!tpu.dma_semaphore, #tpu.memory_space<semaphore_mem>>) src(%arg17 : memref<32x1024xf32, #tpu.memory_space<vmem>>) dst(%dma_wait3A_2130 : memref<12288x1024xf32, #tpu.memory_space<hbm>>)
    %add3A_2131 = arith.constant 160 : i32
    %add3A_2132 = arith.addi %mul3A_2, %add3A_2131 : i32
    %dma_start3A_2133 = arith.constant 0 : i32
    %dma_start3A_2134 = tpu.memref_slice %arg2[%add3A_2132, %dma_start3A_2133] : memref<8192x1024xf32, #tpu.memory_space<hbm>> -> memref<32x1024xf32, #tpu.memory_space<hbm>>
    %dma_start3A_2135 = arith.constant 0 : i32
    %dma_start3A_2136 = tpu.memref_slice %arg2[%add3A_2132, %dma_start3A_2135] : memref<8192x1024xf32, #tpu.memory_space<hbm>> -> memref<32x1024xf32, #tpu.memory_space<hbm>>
    tpu.enqueue_dma source(%dma_start3A_2136 : memref<32x1024xf32, #tpu.memory_space<hbm>>) target(%arg17 : memref<32x1024xf32, #tpu.memory_space<vmem>>) target_semaphore(%arg19 : memref<!tpu.dma_semaphore, #tpu.memory_space<semaphore_mem>>)
    %dma_wait3A_2137 = arith.constant 0 : i32
    %dma_wait3A_2138 = tpu.memref_slice %arg2[%add3A_2108, %dma_wait3A_2137] : memref<8192x1024xf32, #tpu.memory_space<hbm>> -> memref<32x1024xf32, #tpu.memory_space<hbm>>
    %dma_wait3A_2139 = arith.constant 0 : i32
    %dma_wait3A_2140 = tpu.memref_slice %arg2[%add3A_2108, %dma_wait3A_2139] : memref<8192x1024xf32, #tpu.memory_space<hbm>> -> memref<32x1024xf32, #tpu.memory_space<hbm>>
    tpu.wait_dma2 semaphore(%arg18 : memref<!tpu.dma_semaphore, #tpu.memory_space<semaphore_mem>>) src(%dma_wait3A_2140 : memref<32x1024xf32, #tpu.memory_space<hbm>>) dst(%arg16 : memref<32x1024xf32, #tpu.memory_space<vmem>>)
    %dma_start3A_2141 = arith.constant 4 : i32
    %dma_start3A_2142 = arith.constant 0 : i32
    %dma_start3A_2143 = tpu.memref_slice %arg14[%dma_start3A_2141, %dma_start3A_2142] : memref<8x32xi32, #tpu.memory_space<vmem>> -> memref<1x32xi32, #tpu.memory_space<vmem>>
    %dma_start3A_2144 = tpu.memref_squeeze %dma_start3A_2143 : memref<1x32xi32, #tpu.memory_space<vmem>> -> memref<32xi32, #tpu.memory_space<vmem>>
    %dma_start3A_2145 = arith.constant 0 : i32
    %dma_start3A_2146 = arith.constant 0 : i32
    %dma_start3A_2147 = tpu.memref_slice %arg7[%dma_start3A_2145, %dma_start3A_2146] : memref<12288x1024xf32, #tpu.memory_space<hbm>> -> memref<12288x1024xf32, #tpu.memory_space<hbm>>
    tpu.enqueue_indirect_dma source(%arg16 : memref<32x1024xf32, #tpu.memory_space<vmem>>) target(%dma_start3A_2147 : memref<12288x1024xf32, #tpu.memory_space<hbm>>) offsets(%dma_start3A_2144 : memref<32xi32, #tpu.memory_space<vmem>>) semaphore(%arg20 : memref<!tpu.dma_semaphore, #tpu.memory_space<semaphore_mem>>)
    %dma_wait3A_2148 = arith.constant 4 : i32
    %dma_wait3A_2149 = arith.constant 0 : i32
    %dma_wait3A_2150 = tpu.memref_slice %arg14[%dma_wait3A_2148, %dma_wait3A_2149] : memref<8x32xi32, #tpu.memory_space<vmem>> -> memref<1x32xi32, #tpu.memory_space<vmem>>
    %dma_wait3A_2151 = tpu.memref_squeeze %dma_wait3A_2150 : memref<1x32xi32, #tpu.memory_space<vmem>> -> memref<32xi32, #tpu.memory_space<vmem>>
    %dma_wait3A_2152 = arith.constant 0 : i32
    %dma_wait3A_2153 = arith.constant 0 : i32
    %dma_wait3A_2154 = tpu.memref_slice %arg7[%dma_wait3A_2152, %dma_wait3A_2153] : memref<12288x1024xf32, #tpu.memory_space<hbm>> -> memref<12288x1024xf32, #tpu.memory_space<hbm>>
    tpu.wait_indirect_dma semaphore(%arg20 : memref<!tpu.dma_semaphore, #tpu.memory_space<semaphore_mem>>) src(%arg16 : memref<32x1024xf32, #tpu.memory_space<vmem>>) dst(%dma_wait3A_2154 : memref<12288x1024xf32, #tpu.memory_space<hbm>>)
    %add3A_2155 = arith.constant 192 : i32
    %add3A_2156 = arith.addi %mul3A_2, %add3A_2155 : i32
    %dma_start3A_2157 = arith.constant 0 : i32
    %dma_start3A_2158 = tpu.memref_slice %arg2[%add3A_2156, %dma_start3A_2157] : memref<8192x1024xf32, #tpu.memory_space<hbm>> -> memref<32x1024xf32, #tpu.memory_space<hbm>>
    %dma_start3A_2159 = arith.constant 0 : i32
    %dma_start3A_2160 = tpu.memref_slice %arg2[%add3A_2156, %dma_start3A_2159] : memref<8192x1024xf32, #tpu.memory_space<hbm>> -> memref<32x1024xf32, #tpu.memory_space<hbm>>
    tpu.enqueue_dma source(%dma_start3A_2160 : memref<32x1024xf32, #tpu.memory_space<hbm>>) target(%arg16 : memref<32x1024xf32, #tpu.memory_space<vmem>>) target_semaphore(%arg18 : memref<!tpu.dma_semaphore, #tpu.memory_space<semaphore_mem>>)
    %dma_wait3A_2161 = arith.constant 0 : i32
    %dma_wait3A_2162 = tpu.memref_slice %arg2[%add3A_2132, %dma_wait3A_2161] : memref<8192x1024xf32, #tpu.memory_space<hbm>> -> memref<32x1024xf32, #tpu.memory_space<hbm>>
    %dma_wait3A_2163 = arith.constant 0 : i32
    %dma_wait3A_2164 = tpu.memref_slice %arg2[%add3A_2132, %dma_wait3A_2163] : memref<8192x1024xf32, #tpu.memory_space<hbm>> -> memref<32x1024xf32, #tpu.memory_space<hbm>>
    tpu.wait_dma2 semaphore(%arg19 : memref<!tpu.dma_semaphore, #tpu.memory_space<semaphore_mem>>) src(%dma_wait3A_2164 : memref<32x1024xf32, #tpu.memory_space<hbm>>) dst(%arg17 : memref<32x1024xf32, #tpu.memory_space<vmem>>)
    %dma_start3A_2165 = arith.constant 5 : i32
    %dma_start3A_2166 = arith.constant 0 : i32
    %dma_start3A_2167 = tpu.memref_slice %arg14[%dma_start3A_2165, %dma_start3A_2166] : memref<8x32xi32, #tpu.memory_space<vmem>> -> memref<1x32xi32, #tpu.memory_space<vmem>>
    %dma_start3A_2168 = tpu.memref_squeeze %dma_start3A_2167 : memref<1x32xi32, #tpu.memory_space<vmem>> -> memref<32xi32, #tpu.memory_space<vmem>>
    %dma_start3A_2169 = arith.constant 0 : i32
    %dma_start3A_2170 = arith.constant 0 : i32
    %dma_start3A_2171 = tpu.memref_slice %arg7[%dma_start3A_2169, %dma_start3A_2170] : memref<12288x1024xf32, #tpu.memory_space<hbm>> -> memref<12288x1024xf32, #tpu.memory_space<hbm>>
    tpu.enqueue_indirect_dma source(%arg17 : memref<32x1024xf32, #tpu.memory_space<vmem>>) target(%dma_start3A_2171 : memref<12288x1024xf32, #tpu.memory_space<hbm>>) offsets(%dma_start3A_2168 : memref<32xi32, #tpu.memory_space<vmem>>) semaphore(%arg21 : memref<!tpu.dma_semaphore, #tpu.memory_space<semaphore_mem>>)
    %dma_wait3A_2172 = arith.constant 5 : i32
    %dma_wait3A_2173 = arith.constant 0 : i32
    %dma_wait3A_2174 = tpu.memref_slice %arg14[%dma_wait3A_2172, %dma_wait3A_2173] : memref<8x32xi32, #tpu.memory_space<vmem>> -> memref<1x32xi32, #tpu.memory_space<vmem>>
    %dma_wait3A_2175 = tpu.memref_squeeze %dma_wait3A_2174 : memref<1x32xi32, #tpu.memory_space<vmem>> -> memref<32xi32, #tpu.memory_space<vmem>>
    %dma_wait3A_2176 = arith.constant 0 : i32
    %dma_wait3A_2177 = arith.constant 0 : i32
    %dma_wait3A_2178 = tpu.memref_slice %arg7[%dma_wait3A_2176, %dma_wait3A_2177] : memref<12288x1024xf32, #tpu.memory_space<hbm>> -> memref<12288x1024xf32, #tpu.memory_space<hbm>>
    tpu.wait_indirect_dma semaphore(%arg21 : memref<!tpu.dma_semaphore, #tpu.memory_space<semaphore_mem>>) src(%arg17 : memref<32x1024xf32, #tpu.memory_space<vmem>>) dst(%dma_wait3A_2178 : memref<12288x1024xf32, #tpu.memory_space<hbm>>)
    %add3A_2179 = arith.constant 224 : i32
    %add3A_2180 = arith.addi %mul3A_2, %add3A_2179 : i32
    %dma_start3A_2181 = arith.constant 0 : i32
    %dma_start3A_2182 = tpu.memref_slice %arg2[%add3A_2180, %dma_start3A_2181] : memref<8192x1024xf32, #tpu.memory_space<hbm>> -> memref<32x1024xf32, #tpu.memory_space<hbm>>
    %dma_start3A_2183 = arith.constant 0 : i32
    %dma_start3A_2184 = tpu.memref_slice %arg2[%add3A_2180, %dma_start3A_2183] : memref<8192x1024xf32, #tpu.memory_space<hbm>> -> memref<32x1024xf32, #tpu.memory_space<hbm>>
    tpu.enqueue_dma source(%dma_start3A_2184 : memref<32x1024xf32, #tpu.memory_space<hbm>>) target(%arg17 : memref<32x1024xf32, #tpu.memory_space<vmem>>) target_semaphore(%arg19 : memref<!tpu.dma_semaphore, #tpu.memory_space<semaphore_mem>>)
    %dma_wait3A_2185 = arith.constant 0 : i32
    %dma_wait3A_2186 = tpu.memref_slice %arg2[%add3A_2156, %dma_wait3A_2185] : memref<8192x1024xf32, #tpu.memory_space<hbm>> -> memref<32x1024xf32, #tpu.memory_space<hbm>>
    %dma_wait3A_2187 = arith.constant 0 : i32
    %dma_wait3A_2188 = tpu.memref_slice %arg2[%add3A_2156, %dma_wait3A_2187] : memref<8192x1024xf32, #tpu.memory_space<hbm>> -> memref<32x1024xf32, #tpu.memory_space<hbm>>
    tpu.wait_dma2 semaphore(%arg18 : memref<!tpu.dma_semaphore, #tpu.memory_space<semaphore_mem>>) src(%dma_wait3A_2188 : memref<32x1024xf32, #tpu.memory_space<hbm>>) dst(%arg16 : memref<32x1024xf32, #tpu.memory_space<vmem>>)
    %dma_start3A_2189 = arith.constant 6 : i32
    %dma_start3A_2190 = arith.constant 0 : i32
    %dma_start3A_2191 = tpu.memref_slice %arg14[%dma_start3A_2189, %dma_start3A_2190] : memref<8x32xi32, #tpu.memory_space<vmem>> -> memref<1x32xi32, #tpu.memory_space<vmem>>
    %dma_start3A_2192 = tpu.memref_squeeze %dma_start3A_2191 : memref<1x32xi32, #tpu.memory_space<vmem>> -> memref<32xi32, #tpu.memory_space<vmem>>
    %dma_start3A_2193 = arith.constant 0 : i32
    %dma_start3A_2194 = arith.constant 0 : i32
    %dma_start3A_2195 = tpu.memref_slice %arg7[%dma_start3A_2193, %dma_start3A_2194] : memref<12288x1024xf32, #tpu.memory_space<hbm>> -> memref<12288x1024xf32, #tpu.memory_space<hbm>>
    tpu.enqueue_indirect_dma source(%arg16 : memref<32x1024xf32, #tpu.memory_space<vmem>>) target(%dma_start3A_2195 : memref<12288x1024xf32, #tpu.memory_space<hbm>>) offsets(%dma_start3A_2192 : memref<32xi32, #tpu.memory_space<vmem>>) semaphore(%arg20 : memref<!tpu.dma_semaphore, #tpu.memory_space<semaphore_mem>>)
    %dma_wait3A_2196 = arith.constant 0 : i32
    %dma_wait3A_2197 = tpu.memref_slice %arg2[%add3A_2180, %dma_wait3A_2196] : memref<8192x1024xf32, #tpu.memory_space<hbm>> -> memref<32x1024xf32, #tpu.memory_space<hbm>>
    %dma_wait3A_2198 = arith.constant 0 : i32
    %dma_wait3A_2199 = tpu.memref_slice %arg2[%add3A_2180, %dma_wait3A_2198] : memref<8192x1024xf32, #tpu.memory_space<hbm>> -> memref<32x1024xf32, #tpu.memory_space<hbm>>
    tpu.wait_dma2 semaphore(%arg19 : memref<!tpu.dma_semaphore, #tpu.memory_space<semaphore_mem>>) src(%dma_wait3A_2199 : memref<32x1024xf32, #tpu.memory_space<hbm>>) dst(%arg17 : memref<32x1024xf32, #tpu.memory_space<vmem>>)
    %dma_start3A_2200 = arith.constant 7 : i32
    %dma_start3A_2201 = arith.constant 0 : i32
    %dma_start3A_2202 = tpu.memref_slice %arg14[%dma_start3A_2200, %dma_start3A_2201] : memref<8x32xi32, #tpu.memory_space<vmem>> -> memref<1x32xi32, #tpu.memory_space<vmem>>
    %dma_start3A_2203 = tpu.memref_squeeze %dma_start3A_2202 : memref<1x32xi32, #tpu.memory_space<vmem>> -> memref<32xi32, #tpu.memory_space<vmem>>
    %dma_start3A_2204 = arith.constant 0 : i32
    %dma_start3A_2205 = arith.constant 0 : i32
    %dma_start3A_2206 = tpu.memref_slice %arg7[%dma_start3A_2204, %dma_start3A_2205] : memref<12288x1024xf32, #tpu.memory_space<hbm>> -> memref<12288x1024xf32, #tpu.memory_space<hbm>>
    tpu.enqueue_indirect_dma source(%arg17 : memref<32x1024xf32, #tpu.memory_space<vmem>>) target(%dma_start3A_2206 : memref<12288x1024xf32, #tpu.memory_space<hbm>>) offsets(%dma_start3A_2203 : memref<32xi32, #tpu.memory_space<vmem>>) semaphore(%arg21 : memref<!tpu.dma_semaphore, #tpu.memory_space<semaphore_mem>>)
    %dma_wait3A_2207 = arith.constant 6 : i32
    %dma_wait3A_2208 = arith.constant 0 : i32
    %dma_wait3A_2209 = tpu.memref_slice %arg14[%dma_wait3A_2207, %dma_wait3A_2208] : memref<8x32xi32, #tpu.memory_space<vmem>> -> memref<1x32xi32, #tpu.memory_space<vmem>>
    %dma_wait3A_2210 = tpu.memref_squeeze %dma_wait3A_2209 : memref<1x32xi32, #tpu.memory_space<vmem>> -> memref<32xi32, #tpu.memory_space<vmem>>
    %dma_wait3A_2211 = arith.constant 0 : i32
    %dma_wait3A_2212 = arith.constant 0 : i32
    %dma_wait3A_2213 = tpu.memref_slice %arg7[%dma_wait3A_2211, %dma_wait3A_2212] : memref<12288x1024xf32, #tpu.memory_space<hbm>> -> memref<12288x1024xf32, #tpu.memory_space<hbm>>
    tpu.wait_indirect_dma semaphore(%arg20 : memref<!tpu.dma_semaphore, #tpu.memory_space<semaphore_mem>>) src(%arg16 : memref<32x1024xf32, #tpu.memory_space<vmem>>) dst(%dma_wait3A_2213 : memref<12288x1024xf32, #tpu.memory_space<hbm>>)
    %dma_wait3A_2214 = arith.constant 7 : i32
    %dma_wait3A_2215 = arith.constant 0 : i32
    %dma_wait3A_2216 = tpu.memref_slice %arg14[%dma_wait3A_2214, %dma_wait3A_2215] : memref<8x32xi32, #tpu.memory_space<vmem>> -> memref<1x32xi32, #tpu.memory_space<vmem>>
    %dma_wait3A_2217 = tpu.memref_squeeze %dma_wait3A_2216 : memref<1x32xi32, #tpu.memory_space<vmem>> -> memref<32xi32, #tpu.memory_space<vmem>>
    %dma_wait3A_2218 = arith.constant 0 : i32
    %dma_wait3A_2219 = arith.constant 0 : i32
    %dma_wait3A_2220 = tpu.memref_slice %arg7[%dma_wait3A_2218, %dma_wait3A_2219] : memref<12288x1024xf32, #tpu.memory_space<hbm>> -> memref<12288x1024xf32, #tpu.memory_space<hbm>>
    tpu.wait_indirect_dma semaphore(%arg21 : memref<!tpu.dma_semaphore, #tpu.memory_space<semaphore_mem>>) src(%arg17 : memref<32x1024xf32, #tpu.memory_space<vmem>>) dst(%dma_wait3A_2220 : memref<12288x1024xf32, #tpu.memory_space<hbm>>)
    %dma_wait3A_2221 = arith.constant 0 : i32
    %dma_wait3A_2222 = arith.constant 0 : i32
    %dma_wait3A_2223 = arith.constant 0 : i32
    %dma_wait3A_2224 = tpu.memref_slice %arg15[%dma_wait3A_2222, %dma_wait3A_2223] : memref<256x128xf32, #tpu.memory_space<vmem>> -> memref<32x128xf32, #tpu.memory_space<vmem>>
    %dma_wait3A_2225 = arith.constant 0 : i32
    %dma_wait3A_2226 = tpu.memref_slice %arg14[%dma_wait3A_2221, %dma_wait3A_2225] : memref<8x32xi32, #tpu.memory_space<vmem>> -> memref<1x32xi32, #tpu.memory_space<vmem>>
    %dma_wait3A_2227 = tpu.memref_squeeze %dma_wait3A_2226 : memref<1x32xi32, #tpu.memory_space<vmem>> -> memref<32xi32, #tpu.memory_space<vmem>>
    %dma_wait3A_2228 = arith.constant 0 : i32
    %dma_wait3A_2229 = arith.constant 0 : i32
    %dma_wait3A_2230 = tpu.memref_slice %arg9[%dma_wait3A_2228, %dma_wait3A_2229] : memref<12288x128xf32, #tpu.memory_space<hbm>> -> memref<12288x128xf32, #tpu.memory_space<hbm>>
    tpu.wait_indirect_dma semaphore(%arg22 : memref<!tpu.dma_semaphore, #tpu.memory_space<semaphore_mem>>) src(%dma_wait3A_2224 : memref<32x128xf32, #tpu.memory_space<vmem>>) dst(%dma_wait3A_2230 : memref<12288x128xf32, #tpu.memory_space<hbm>>)
    %dma_wait3A_2231 = arith.constant 1 : i32
    %dma_wait3A_2232 = arith.constant 32 : i32
    %dma_wait3A_2233 = arith.constant 0 : i32
    %dma_wait3A_2234 = tpu.memref_slice %arg15[%dma_wait3A_2232, %dma_wait3A_2233] : memref<256x128xf32, #tpu.memory_space<vmem>> -> memref<32x128xf32, #tpu.memory_space<vmem>>
    %dma_wait3A_2235 = arith.constant 0 : i32
    %dma_wait3A_2236 = tpu.memref_slice %arg14[%dma_wait3A_2231, %dma_wait3A_2235] : memref<8x32xi32, #tpu.memory_space<vmem>> -> memref<1x32xi32, #tpu.memory_space<vmem>>
    %dma_wait3A_2237 = tpu.memref_squeeze %dma_wait3A_2236 : memref<1x32xi32, #tpu.memory_space<vmem>> -> memref<32xi32, #tpu.memory_space<vmem>>
    %dma_wait3A_2238 = arith.constant 0 : i32
    %dma_wait3A_2239 = arith.constant 0 : i32
    %dma_wait3A_2240 = tpu.memref_slice %arg9[%dma_wait3A_2238, %dma_wait3A_2239] : memref<12288x128xf32, #tpu.memory_space<hbm>> -> memref<12288x128xf32, #tpu.memory_space<hbm>>
    tpu.wait_indirect_dma semaphore(%arg22 : memref<!tpu.dma_semaphore, #tpu.memory_space<semaphore_mem>>) src(%dma_wait3A_2234 : memref<32x128xf32, #tpu.memory_space<vmem>>) dst(%dma_wait3A_2240 : memref<12288x128xf32, #tpu.memory_space<hbm>>)
    %dma_wait3A_2241 = arith.constant 2 : i32
    %dma_wait3A_2242 = arith.constant 64 : i32
    %dma_wait3A_2243 = arith.constant 0 : i32
    %dma_wait3A_2244 = tpu.memref_slice %arg15[%dma_wait3A_2242, %dma_wait3A_2243] : memref<256x128xf32, #tpu.memory_space<vmem>> -> memref<32x128xf32, #tpu.memory_space<vmem>>
    %dma_wait3A_2245 = arith.constant 0 : i32
    %dma_wait3A_2246 = tpu.memref_slice %arg14[%dma_wait3A_2241, %dma_wait3A_2245] : memref<8x32xi32, #tpu.memory_space<vmem>> -> memref<1x32xi32, #tpu.memory_space<vmem>>
    %dma_wait3A_2247 = tpu.memref_squeeze %dma_wait3A_2246 : memref<1x32xi32, #tpu.memory_space<vmem>> -> memref<32xi32, #tpu.memory_space<vmem>>
    %dma_wait3A_2248 = arith.constant 0 : i32
    %dma_wait3A_2249 = arith.constant 0 : i32
    %dma_wait3A_2250 = tpu.memref_slice %arg9[%dma_wait3A_2248, %dma_wait3A_2249] : memref<12288x128xf32, #tpu.memory_space<hbm>> -> memref<12288x128xf32, #tpu.memory_space<hbm>>
    tpu.wait_indirect_dma semaphore(%arg22 : memref<!tpu.dma_semaphore, #tpu.memory_space<semaphore_mem>>) src(%dma_wait3A_2244 : memref<32x128xf32, #tpu.memory_space<vmem>>) dst(%dma_wait3A_2250 : memref<12288x128xf32, #tpu.memory_space<hbm>>)
    %dma_wait3A_2251 = arith.constant 3 : i32
    %dma_wait3A_2252 = arith.constant 96 : i32
    %dma_wait3A_2253 = arith.constant 0 : i32
    %dma_wait3A_2254 = tpu.memref_slice %arg15[%dma_wait3A_2252, %dma_wait3A_2253] : memref<256x128xf32, #tpu.memory_space<vmem>> -> memref<32x128xf32, #tpu.memory_space<vmem>>
    %dma_wait3A_2255 = arith.constant 0 : i32
    %dma_wait3A_2256 = tpu.memref_slice %arg14[%dma_wait3A_2251, %dma_wait3A_2255] : memref<8x32xi32, #tpu.memory_space<vmem>> -> memref<1x32xi32, #tpu.memory_space<vmem>>
    %dma_wait3A_2257 = tpu.memref_squeeze %dma_wait3A_2256 : memref<1x32xi32, #tpu.memory_space<vmem>> -> memref<32xi32, #tpu.memory_space<vmem>>
    %dma_wait3A_2258 = arith.constant 0 : i32
    %dma_wait3A_2259 = arith.constant 0 : i32
    %dma_wait3A_2260 = tpu.memref_slice %arg9[%dma_wait3A_2258, %dma_wait3A_2259] : memref<12288x128xf32, #tpu.memory_space<hbm>> -> memref<12288x128xf32, #tpu.memory_space<hbm>>
    tpu.wait_indirect_dma semaphore(%arg22 : memref<!tpu.dma_semaphore, #tpu.memory_space<semaphore_mem>>) src(%dma_wait3A_2254 : memref<32x128xf32, #tpu.memory_space<vmem>>) dst(%dma_wait3A_2260 : memref<12288x128xf32, #tpu.memory_space<hbm>>)
    %dma_wait3A_2261 = arith.constant 4 : i32
    %dma_wait3A_2262 = arith.constant 128 : i32
    %dma_wait3A_2263 = arith.constant 0 : i32
    %dma_wait3A_2264 = tpu.memref_slice %arg15[%dma_wait3A_2262, %dma_wait3A_2263] : memref<256x128xf32, #tpu.memory_space<vmem>> -> memref<32x128xf32, #tpu.memory_space<vmem>>
    %dma_wait3A_2265 = arith.constant 0 : i32
    %dma_wait3A_2266 = tpu.memref_slice %arg14[%dma_wait3A_2261, %dma_wait3A_2265] : memref<8x32xi32, #tpu.memory_space<vmem>> -> memref<1x32xi32, #tpu.memory_space<vmem>>
    %dma_wait3A_2267 = tpu.memref_squeeze %dma_wait3A_2266 : memref<1x32xi32, #tpu.memory_space<vmem>> -> memref<32xi32, #tpu.memory_space<vmem>>
    %dma_wait3A_2268 = arith.constant 0 : i32
    %dma_wait3A_2269 = arith.constant 0 : i32
    %dma_wait3A_2270 = tpu.memref_slice %arg9[%dma_wait3A_2268, %dma_wait3A_2269] : memref<12288x128xf32, #tpu.memory_space<hbm>> -> memref<12288x128xf32, #tpu.memory_space<hbm>>
    tpu.wait_indirect_dma semaphore(%arg22 : memref<!tpu.dma_semaphore, #tpu.memory_space<semaphore_mem>>) src(%dma_wait3A_2264 : memref<32x128xf32, #tpu.memory_space<vmem>>) dst(%dma_wait3A_2270 : memref<12288x128xf32, #tpu.memory_space<hbm>>)
    %dma_wait3A_2271 = arith.constant 5 : i32
    %dma_wait3A_2272 = arith.constant 160 : i32
    %dma_wait3A_2273 = arith.constant 0 : i32
    %dma_wait3A_2274 = tpu.memref_slice %arg15[%dma_wait3A_2272, %dma_wait3A_2273] : memref<256x128xf32, #tpu.memory_space<vmem>> -> memref<32x128xf32, #tpu.memory_space<vmem>>
    %dma_wait3A_2275 = arith.constant 0 : i32
    %dma_wait3A_2276 = tpu.memref_slice %arg14[%dma_wait3A_2271, %dma_wait3A_2275] : memref<8x32xi32, #tpu.memory_space<vmem>> -> memref<1x32xi32, #tpu.memory_space<vmem>>
    %dma_wait3A_2277 = tpu.memref_squeeze %dma_wait3A_2276 : memref<1x32xi32, #tpu.memory_space<vmem>> -> memref<32xi32, #tpu.memory_space<vmem>>
    %dma_wait3A_2278 = arith.constant 0 : i32
    %dma_wait3A_2279 = arith.constant 0 : i32
    %dma_wait3A_2280 = tpu.memref_slice %arg9[%dma_wait3A_2278, %dma_wait3A_2279] : memref<12288x128xf32, #tpu.memory_space<hbm>> -> memref<12288x128xf32, #tpu.memory_space<hbm>>
    tpu.wait_indirect_dma semaphore(%arg22 : memref<!tpu.dma_semaphore, #tpu.memory_space<semaphore_mem>>) src(%dma_wait3A_2274 : memref<32x128xf32, #tpu.memory_space<vmem>>) dst(%dma_wait3A_2280 : memref<12288x128xf32, #tpu.memory_space<hbm>>)
    %dma_wait3A_2281 = arith.constant 6 : i32
    %dma_wait3A_2282 = arith.constant 192 : i32
    %dma_wait3A_2283 = arith.constant 0 : i32
    %dma_wait3A_2284 = tpu.memref_slice %arg15[%dma_wait3A_2282, %dma_wait3A_2283] : memref<256x128xf32, #tpu.memory_space<vmem>> -> memref<32x128xf32, #tpu.memory_space<vmem>>
    %dma_wait3A_2285 = arith.constant 0 : i32
    %dma_wait3A_2286 = tpu.memref_slice %arg14[%dma_wait3A_2281, %dma_wait3A_2285] : memref<8x32xi32, #tpu.memory_space<vmem>> -> memref<1x32xi32, #tpu.memory_space<vmem>>
    %dma_wait3A_2287 = tpu.memref_squeeze %dma_wait3A_2286 : memref<1x32xi32, #tpu.memory_space<vmem>> -> memref<32xi32, #tpu.memory_space<vmem>>
    %dma_wait3A_2288 = arith.constant 0 : i32
    %dma_wait3A_2289 = arith.constant 0 : i32
    %dma_wait3A_2290 = tpu.memref_slice %arg9[%dma_wait3A_2288, %dma_wait3A_2289] : memref<12288x128xf32, #tpu.memory_space<hbm>> -> memref<12288x128xf32, #tpu.memory_space<hbm>>
    tpu.wait_indirect_dma semaphore(%arg22 : memref<!tpu.dma_semaphore, #tpu.memory_space<semaphore_mem>>) src(%dma_wait3A_2284 : memref<32x128xf32, #tpu.memory_space<vmem>>) dst(%dma_wait3A_2290 : memref<12288x128xf32, #tpu.memory_space<hbm>>)
    %dma_wait3A_2291 = arith.constant 7 : i32
    %dma_wait3A_2292 = arith.constant 224 : i32
    %dma_wait3A_2293 = arith.constant 0 : i32
    %dma_wait3A_2294 = tpu.memref_slice %arg15[%dma_wait3A_2292, %dma_wait3A_2293] : memref<256x128xf32, #tpu.memory_space<vmem>> -> memref<32x128xf32, #tpu.memory_space<vmem>>
    %dma_wait3A_2295 = arith.constant 0 : i32
    %dma_wait3A_2296 = tpu.memref_slice %arg14[%dma_wait3A_2291, %dma_wait3A_2295] : memref<8x32xi32, #tpu.memory_space<vmem>> -> memref<1x32xi32, #tpu.memory_space<vmem>>
    %dma_wait3A_2297 = tpu.memref_squeeze %dma_wait3A_2296 : memref<1x32xi32, #tpu.memory_space<vmem>> -> memref<32xi32, #tpu.memory_space<vmem>>
    %dma_wait3A_2298 = arith.constant 0 : i32
    %dma_wait3A_2299 = arith.constant 0 : i32
    %dma_wait3A_2300 = tpu.memref_slice %arg9[%dma_wait3A_2298, %dma_wait3A_2299] : memref<12288x128xf32, #tpu.memory_space<hbm>> -> memref<12288x128xf32, #tpu.memory_space<hbm>>
    tpu.wait_indirect_dma semaphore(%arg22 : memref<!tpu.dma_semaphore, #tpu.memory_space<semaphore_mem>>) src(%dma_wait3A_2294 : memref<32x128xf32, #tpu.memory_space<vmem>>) dst(%dma_wait3A_2300 : memref<12288x128xf32, #tpu.memory_space<hbm>>)
    return
  }
}

#map = affine_map<(d0, d1) -> (0, 0)>
#map1 = affine_map<(d0, d1) -> (0)>
module attributes {stable_mosaic.version = 14 : i64} {
  func.func @k(%arg0: i32, %arg1: i32, %arg2: memref<12288x1024xf32, #tpu.memory_space<hbm>>, %arg3: memref<8192xi32, #tpu.memory_space<hbm>>, %arg4: memref<8192x1024xf32, #tpu.memory_space<hbm>>, %arg5: memref<256xi32, #tpu.memory_space<vmem>>, %arg6: memref<32x1024xf32, #tpu.memory_space<vmem>>, %arg7: memref<32x1024xf32, #tpu.memory_space<vmem>>, %arg8: memref<!tpu.dma_semaphore, #tpu.memory_space<semaphore_mem>>, %arg9: memref<!tpu.dma_semaphore, #tpu.memory_space<semaphore_mem>>, %arg10: memref<!tpu.dma_semaphore, #tpu.memory_space<semaphore_mem>>, %arg11: memref<!tpu.dma_semaphore, #tpu.memory_space<semaphore_mem>>) attributes {dimension_semantics = [#tpu.dimension_semantics<core_parallel>, #tpu.dimension_semantics<subcore_parallel>], iteration_bounds = array<i64: 2, 16>, scalar_prefetch = 0 : i64, scratch_operands = 7 : i64, tpu.core_type = #tpu.core_type<sc_vector_subcore>, window_params = [{transform_indices = #map}, {transform_indices = #map1}, {transform_indices = #map}]} {
    %mul3A = arith.constant 2 : i32
    %mul3A_0 = arith.muli %arg1, %mul3A : i32
    %add3A = arith.addi %mul3A_0, %arg0 : i32
    %mul3A_1 = arith.constant 256 : i32
    %mul3A_2 = arith.muli %add3A, %mul3A_1 : i32
    "tpu.region"() ({
      %run_scoped3A = tpu.sem_alloc : memref<!tpu.dma_semaphore, #tpu.memory_space<semaphore_mem>>
      %dma_start3A_161 = tpu.memref_slice %arg3[%mul3A_2] : memref<8192xi32, #tpu.memory_space<hbm>> -> memref<256xi32, #tpu.memory_space<hbm>>
      %dma_start3A_162 = tpu.memref_slice %arg3[%mul3A_2] : memref<8192xi32, #tpu.memory_space<hbm>> -> memref<256xi32, #tpu.memory_space<hbm>>
      tpu.enqueue_dma source(%dma_start3A_162 : memref<256xi32, #tpu.memory_space<hbm>>) target(%arg5 : memref<256xi32, #tpu.memory_space<vmem>>) target_semaphore(%run_scoped3A : memref<!tpu.dma_semaphore, #tpu.memory_space<semaphore_mem>>)
      %dma_wait3A_163 = tpu.memref_slice %arg3[%mul3A_2] : memref<8192xi32, #tpu.memory_space<hbm>> -> memref<256xi32, #tpu.memory_space<hbm>>
      %dma_wait3A_164 = tpu.memref_slice %arg3[%mul3A_2] : memref<8192xi32, #tpu.memory_space<hbm>> -> memref<256xi32, #tpu.memory_space<hbm>>
      tpu.wait_dma2 semaphore(%run_scoped3A : memref<!tpu.dma_semaphore, #tpu.memory_space<semaphore_mem>>) src(%dma_wait3A_164 : memref<256xi32, #tpu.memory_space<hbm>>) dst(%arg5 : memref<256xi32, #tpu.memory_space<vmem>>)
      tpu.yield
    }) : () -> ()
    %dma_start3A = arith.constant 0 : i32
    %dma_start3A_3 = tpu.memref_slice %arg5[%dma_start3A] : memref<256xi32, #tpu.memory_space<vmem>> -> memref<32xi32, #tpu.memory_space<vmem>>
    %dma_start3A_4 = arith.constant 0 : i32
    %dma_start3A_5 = arith.constant 0 : i32
    %dma_start3A_6 = tpu.memref_slice %arg2[%dma_start3A_4, %dma_start3A_5] : memref<12288x1024xf32, #tpu.memory_space<hbm>> -> memref<12288x1024xf32, #tpu.memory_space<hbm>>
    tpu.enqueue_indirect_dma source(%dma_start3A_6 : memref<12288x1024xf32, #tpu.memory_space<hbm>>) target(%arg6 : memref<32x1024xf32, #tpu.memory_space<vmem>>) offsets(%dma_start3A_3 : memref<32xi32, #tpu.memory_space<vmem>>) semaphore(%arg8 : memref<!tpu.dma_semaphore, #tpu.memory_space<semaphore_mem>>)
    %dma_start3A_7 = arith.constant 32 : i32
    %dma_start3A_8 = tpu.memref_slice %arg5[%dma_start3A_7] : memref<256xi32, #tpu.memory_space<vmem>> -> memref<32xi32, #tpu.memory_space<vmem>>
    %dma_start3A_9 = arith.constant 0 : i32
    %dma_start3A_10 = arith.constant 0 : i32
    %dma_start3A_11 = tpu.memref_slice %arg2[%dma_start3A_9, %dma_start3A_10] : memref<12288x1024xf32, #tpu.memory_space<hbm>> -> memref<12288x1024xf32, #tpu.memory_space<hbm>>
    tpu.enqueue_indirect_dma source(%dma_start3A_11 : memref<12288x1024xf32, #tpu.memory_space<hbm>>) target(%arg7 : memref<32x1024xf32, #tpu.memory_space<vmem>>) offsets(%dma_start3A_8 : memref<32xi32, #tpu.memory_space<vmem>>) semaphore(%arg9 : memref<!tpu.dma_semaphore, #tpu.memory_space<semaphore_mem>>)
    %dma_wait3A = arith.constant 0 : i32
    %dma_wait3A_12 = tpu.memref_slice %arg5[%dma_wait3A] : memref<256xi32, #tpu.memory_space<vmem>> -> memref<32xi32, #tpu.memory_space<vmem>>
    %dma_wait3A_13 = arith.constant 0 : i32
    %dma_wait3A_14 = arith.constant 0 : i32
    %dma_wait3A_15 = tpu.memref_slice %arg2[%dma_wait3A_13, %dma_wait3A_14] : memref<12288x1024xf32, #tpu.memory_space<hbm>> -> memref<12288x1024xf32, #tpu.memory_space<hbm>>
    tpu.wait_indirect_dma semaphore(%arg8 : memref<!tpu.dma_semaphore, #tpu.memory_space<semaphore_mem>>) src(%dma_wait3A_15 : memref<12288x1024xf32, #tpu.memory_space<hbm>>) dst(%arg6 : memref<32x1024xf32, #tpu.memory_space<vmem>>)
    %add3A_16 = arith.constant 0 : i32
    %add3A_17 = arith.addi %mul3A_2, %add3A_16 : i32
    %dma_start3A_18 = arith.constant 0 : i32
    %dma_start3A_19 = tpu.memref_slice %arg4[%add3A_17, %dma_start3A_18] : memref<8192x1024xf32, #tpu.memory_space<hbm>> -> memref<32x1024xf32, #tpu.memory_space<hbm>>
    %dma_start3A_20 = arith.constant 0 : i32
    %dma_start3A_21 = tpu.memref_slice %arg4[%add3A_17, %dma_start3A_20] : memref<8192x1024xf32, #tpu.memory_space<hbm>> -> memref<32x1024xf32, #tpu.memory_space<hbm>>
    tpu.enqueue_dma source(%arg6 : memref<32x1024xf32, #tpu.memory_space<vmem>>) target(%dma_start3A_21 : memref<32x1024xf32, #tpu.memory_space<hbm>>) target_semaphore(%arg10 : memref<!tpu.dma_semaphore, #tpu.memory_space<semaphore_mem>>)
    %dma_wait3A_22 = arith.constant 0 : i32
    %dma_wait3A_23 = tpu.memref_slice %arg4[%add3A_17, %dma_wait3A_22] : memref<8192x1024xf32, #tpu.memory_space<hbm>> -> memref<32x1024xf32, #tpu.memory_space<hbm>>
    %dma_wait3A_24 = arith.constant 0 : i32
    %dma_wait3A_25 = tpu.memref_slice %arg4[%add3A_17, %dma_wait3A_24] : memref<8192x1024xf32, #tpu.memory_space<hbm>> -> memref<32x1024xf32, #tpu.memory_space<hbm>>
    tpu.wait_dma2 semaphore(%arg10 : memref<!tpu.dma_semaphore, #tpu.memory_space<semaphore_mem>>) src(%arg6 : memref<32x1024xf32, #tpu.memory_space<vmem>>) dst(%dma_wait3A_25 : memref<32x1024xf32, #tpu.memory_space<hbm>>)
    %dma_start3A_26 = arith.constant 64 : i32
    %dma_start3A_27 = tpu.memref_slice %arg5[%dma_start3A_26] : memref<256xi32, #tpu.memory_space<vmem>> -> memref<32xi32, #tpu.memory_space<vmem>>
    %dma_start3A_28 = arith.constant 0 : i32
    %dma_start3A_29 = arith.constant 0 : i32
    %dma_start3A_30 = tpu.memref_slice %arg2[%dma_start3A_28, %dma_start3A_29] : memref<12288x1024xf32, #tpu.memory_space<hbm>> -> memref<12288x1024xf32, #tpu.memory_space<hbm>>
    tpu.enqueue_indirect_dma source(%dma_start3A_30 : memref<12288x1024xf32, #tpu.memory_space<hbm>>) target(%arg6 : memref<32x1024xf32, #tpu.memory_space<vmem>>) offsets(%dma_start3A_27 : memref<32xi32, #tpu.memory_space<vmem>>) semaphore(%arg8 : memref<!tpu.dma_semaphore, #tpu.memory_space<semaphore_mem>>)
    %dma_wait3A_31 = arith.constant 32 : i32
    %dma_wait3A_32 = tpu.memref_slice %arg5[%dma_wait3A_31] : memref<256xi32, #tpu.memory_space<vmem>> -> memref<32xi32, #tpu.memory_space<vmem>>
    %dma_wait3A_33 = arith.constant 0 : i32
    %dma_wait3A_34 = arith.constant 0 : i32
    %dma_wait3A_35 = tpu.memref_slice %arg2[%dma_wait3A_33, %dma_wait3A_34] : memref<12288x1024xf32, #tpu.memory_space<hbm>> -> memref<12288x1024xf32, #tpu.memory_space<hbm>>
    tpu.wait_indirect_dma semaphore(%arg9 : memref<!tpu.dma_semaphore, #tpu.memory_space<semaphore_mem>>) src(%dma_wait3A_35 : memref<12288x1024xf32, #tpu.memory_space<hbm>>) dst(%arg7 : memref<32x1024xf32, #tpu.memory_space<vmem>>)
    %add3A_36 = arith.constant 32 : i32
    %add3A_37 = arith.addi %mul3A_2, %add3A_36 : i32
    %dma_start3A_38 = arith.constant 0 : i32
    %dma_start3A_39 = tpu.memref_slice %arg4[%add3A_37, %dma_start3A_38] : memref<8192x1024xf32, #tpu.memory_space<hbm>> -> memref<32x1024xf32, #tpu.memory_space<hbm>>
    %dma_start3A_40 = arith.constant 0 : i32
    %dma_start3A_41 = tpu.memref_slice %arg4[%add3A_37, %dma_start3A_40] : memref<8192x1024xf32, #tpu.memory_space<hbm>> -> memref<32x1024xf32, #tpu.memory_space<hbm>>
    tpu.enqueue_dma source(%arg7 : memref<32x1024xf32, #tpu.memory_space<vmem>>) target(%dma_start3A_41 : memref<32x1024xf32, #tpu.memory_space<hbm>>) target_semaphore(%arg11 : memref<!tpu.dma_semaphore, #tpu.memory_space<semaphore_mem>>)
    %dma_wait3A_42 = arith.constant 0 : i32
    %dma_wait3A_43 = tpu.memref_slice %arg4[%add3A_37, %dma_wait3A_42] : memref<8192x1024xf32, #tpu.memory_space<hbm>> -> memref<32x1024xf32, #tpu.memory_space<hbm>>
    %dma_wait3A_44 = arith.constant 0 : i32
    %dma_wait3A_45 = tpu.memref_slice %arg4[%add3A_37, %dma_wait3A_44] : memref<8192x1024xf32, #tpu.memory_space<hbm>> -> memref<32x1024xf32, #tpu.memory_space<hbm>>
    tpu.wait_dma2 semaphore(%arg11 : memref<!tpu.dma_semaphore, #tpu.memory_space<semaphore_mem>>) src(%arg7 : memref<32x1024xf32, #tpu.memory_space<vmem>>) dst(%dma_wait3A_45 : memref<32x1024xf32, #tpu.memory_space<hbm>>)
    %dma_start3A_46 = arith.constant 96 : i32
    %dma_start3A_47 = tpu.memref_slice %arg5[%dma_start3A_46] : memref<256xi32, #tpu.memory_space<vmem>> -> memref<32xi32, #tpu.memory_space<vmem>>
    %dma_start3A_48 = arith.constant 0 : i32
    %dma_start3A_49 = arith.constant 0 : i32
    %dma_start3A_50 = tpu.memref_slice %arg2[%dma_start3A_48, %dma_start3A_49] : memref<12288x1024xf32, #tpu.memory_space<hbm>> -> memref<12288x1024xf32, #tpu.memory_space<hbm>>
    tpu.enqueue_indirect_dma source(%dma_start3A_50 : memref<12288x1024xf32, #tpu.memory_space<hbm>>) target(%arg7 : memref<32x1024xf32, #tpu.memory_space<vmem>>) offsets(%dma_start3A_47 : memref<32xi32, #tpu.memory_space<vmem>>) semaphore(%arg9 : memref<!tpu.dma_semaphore, #tpu.memory_space<semaphore_mem>>)
    %dma_wait3A_51 = arith.constant 64 : i32
    %dma_wait3A_52 = tpu.memref_slice %arg5[%dma_wait3A_51] : memref<256xi32, #tpu.memory_space<vmem>> -> memref<32xi32, #tpu.memory_space<vmem>>
    %dma_wait3A_53 = arith.constant 0 : i32
    %dma_wait3A_54 = arith.constant 0 : i32
    %dma_wait3A_55 = tpu.memref_slice %arg2[%dma_wait3A_53, %dma_wait3A_54] : memref<12288x1024xf32, #tpu.memory_space<hbm>> -> memref<12288x1024xf32, #tpu.memory_space<hbm>>
    tpu.wait_indirect_dma semaphore(%arg8 : memref<!tpu.dma_semaphore, #tpu.memory_space<semaphore_mem>>) src(%dma_wait3A_55 : memref<12288x1024xf32, #tpu.memory_space<hbm>>) dst(%arg6 : memref<32x1024xf32, #tpu.memory_space<vmem>>)
    %add3A_56 = arith.constant 64 : i32
    %add3A_57 = arith.addi %mul3A_2, %add3A_56 : i32
    %dma_start3A_58 = arith.constant 0 : i32
    %dma_start3A_59 = tpu.memref_slice %arg4[%add3A_57, %dma_start3A_58] : memref<8192x1024xf32, #tpu.memory_space<hbm>> -> memref<32x1024xf32, #tpu.memory_space<hbm>>
    %dma_start3A_60 = arith.constant 0 : i32
    %dma_start3A_61 = tpu.memref_slice %arg4[%add3A_57, %dma_start3A_60] : memref<8192x1024xf32, #tpu.memory_space<hbm>> -> memref<32x1024xf32, #tpu.memory_space<hbm>>
    tpu.enqueue_dma source(%arg6 : memref<32x1024xf32, #tpu.memory_space<vmem>>) target(%dma_start3A_61 : memref<32x1024xf32, #tpu.memory_space<hbm>>) target_semaphore(%arg10 : memref<!tpu.dma_semaphore, #tpu.memory_space<semaphore_mem>>)
    %dma_wait3A_62 = arith.constant 0 : i32
    %dma_wait3A_63 = tpu.memref_slice %arg4[%add3A_57, %dma_wait3A_62] : memref<8192x1024xf32, #tpu.memory_space<hbm>> -> memref<32x1024xf32, #tpu.memory_space<hbm>>
    %dma_wait3A_64 = arith.constant 0 : i32
    %dma_wait3A_65 = tpu.memref_slice %arg4[%add3A_57, %dma_wait3A_64] : memref<8192x1024xf32, #tpu.memory_space<hbm>> -> memref<32x1024xf32, #tpu.memory_space<hbm>>
    tpu.wait_dma2 semaphore(%arg10 : memref<!tpu.dma_semaphore, #tpu.memory_space<semaphore_mem>>) src(%arg6 : memref<32x1024xf32, #tpu.memory_space<vmem>>) dst(%dma_wait3A_65 : memref<32x1024xf32, #tpu.memory_space<hbm>>)
    %dma_start3A_66 = arith.constant 128 : i32
    %dma_start3A_67 = tpu.memref_slice %arg5[%dma_start3A_66] : memref<256xi32, #tpu.memory_space<vmem>> -> memref<32xi32, #tpu.memory_space<vmem>>
    %dma_start3A_68 = arith.constant 0 : i32
    %dma_start3A_69 = arith.constant 0 : i32
    %dma_start3A_70 = tpu.memref_slice %arg2[%dma_start3A_68, %dma_start3A_69] : memref<12288x1024xf32, #tpu.memory_space<hbm>> -> memref<12288x1024xf32, #tpu.memory_space<hbm>>
    tpu.enqueue_indirect_dma source(%dma_start3A_70 : memref<12288x1024xf32, #tpu.memory_space<hbm>>) target(%arg6 : memref<32x1024xf32, #tpu.memory_space<vmem>>) offsets(%dma_start3A_67 : memref<32xi32, #tpu.memory_space<vmem>>) semaphore(%arg8 : memref<!tpu.dma_semaphore, #tpu.memory_space<semaphore_mem>>)
    %dma_wait3A_71 = arith.constant 96 : i32
    %dma_wait3A_72 = tpu.memref_slice %arg5[%dma_wait3A_71] : memref<256xi32, #tpu.memory_space<vmem>> -> memref<32xi32, #tpu.memory_space<vmem>>
    %dma_wait3A_73 = arith.constant 0 : i32
    %dma_wait3A_74 = arith.constant 0 : i32
    %dma_wait3A_75 = tpu.memref_slice %arg2[%dma_wait3A_73, %dma_wait3A_74] : memref<12288x1024xf32, #tpu.memory_space<hbm>> -> memref<12288x1024xf32, #tpu.memory_space<hbm>>
    tpu.wait_indirect_dma semaphore(%arg9 : memref<!tpu.dma_semaphore, #tpu.memory_space<semaphore_mem>>) src(%dma_wait3A_75 : memref<12288x1024xf32, #tpu.memory_space<hbm>>) dst(%arg7 : memref<32x1024xf32, #tpu.memory_space<vmem>>)
    %add3A_76 = arith.constant 96 : i32
    %add3A_77 = arith.addi %mul3A_2, %add3A_76 : i32
    %dma_start3A_78 = arith.constant 0 : i32
    %dma_start3A_79 = tpu.memref_slice %arg4[%add3A_77, %dma_start3A_78] : memref<8192x1024xf32, #tpu.memory_space<hbm>> -> memref<32x1024xf32, #tpu.memory_space<hbm>>
    %dma_start3A_80 = arith.constant 0 : i32
    %dma_start3A_81 = tpu.memref_slice %arg4[%add3A_77, %dma_start3A_80] : memref<8192x1024xf32, #tpu.memory_space<hbm>> -> memref<32x1024xf32, #tpu.memory_space<hbm>>
    tpu.enqueue_dma source(%arg7 : memref<32x1024xf32, #tpu.memory_space<vmem>>) target(%dma_start3A_81 : memref<32x1024xf32, #tpu.memory_space<hbm>>) target_semaphore(%arg11 : memref<!tpu.dma_semaphore, #tpu.memory_space<semaphore_mem>>)
    %dma_wait3A_82 = arith.constant 0 : i32
    %dma_wait3A_83 = tpu.memref_slice %arg4[%add3A_77, %dma_wait3A_82] : memref<8192x1024xf32, #tpu.memory_space<hbm>> -> memref<32x1024xf32, #tpu.memory_space<hbm>>
    %dma_wait3A_84 = arith.constant 0 : i32
    %dma_wait3A_85 = tpu.memref_slice %arg4[%add3A_77, %dma_wait3A_84] : memref<8192x1024xf32, #tpu.memory_space<hbm>> -> memref<32x1024xf32, #tpu.memory_space<hbm>>
    tpu.wait_dma2 semaphore(%arg11 : memref<!tpu.dma_semaphore, #tpu.memory_space<semaphore_mem>>) src(%arg7 : memref<32x1024xf32, #tpu.memory_space<vmem>>) dst(%dma_wait3A_85 : memref<32x1024xf32, #tpu.memory_space<hbm>>)
    %dma_start3A_86 = arith.constant 160 : i32
    %dma_start3A_87 = tpu.memref_slice %arg5[%dma_start3A_86] : memref<256xi32, #tpu.memory_space<vmem>> -> memref<32xi32, #tpu.memory_space<vmem>>
    %dma_start3A_88 = arith.constant 0 : i32
    %dma_start3A_89 = arith.constant 0 : i32
    %dma_start3A_90 = tpu.memref_slice %arg2[%dma_start3A_88, %dma_start3A_89] : memref<12288x1024xf32, #tpu.memory_space<hbm>> -> memref<12288x1024xf32, #tpu.memory_space<hbm>>
    tpu.enqueue_indirect_dma source(%dma_start3A_90 : memref<12288x1024xf32, #tpu.memory_space<hbm>>) target(%arg7 : memref<32x1024xf32, #tpu.memory_space<vmem>>) offsets(%dma_start3A_87 : memref<32xi32, #tpu.memory_space<vmem>>) semaphore(%arg9 : memref<!tpu.dma_semaphore, #tpu.memory_space<semaphore_mem>>)
    %dma_wait3A_91 = arith.constant 128 : i32
    %dma_wait3A_92 = tpu.memref_slice %arg5[%dma_wait3A_91] : memref<256xi32, #tpu.memory_space<vmem>> -> memref<32xi32, #tpu.memory_space<vmem>>
    %dma_wait3A_93 = arith.constant 0 : i32
    %dma_wait3A_94 = arith.constant 0 : i32
    %dma_wait3A_95 = tpu.memref_slice %arg2[%dma_wait3A_93, %dma_wait3A_94] : memref<12288x1024xf32, #tpu.memory_space<hbm>> -> memref<12288x1024xf32, #tpu.memory_space<hbm>>
    tpu.wait_indirect_dma semaphore(%arg8 : memref<!tpu.dma_semaphore, #tpu.memory_space<semaphore_mem>>) src(%dma_wait3A_95 : memref<12288x1024xf32, #tpu.memory_space<hbm>>) dst(%arg6 : memref<32x1024xf32, #tpu.memory_space<vmem>>)
    %add3A_96 = arith.constant 128 : i32
    %add3A_97 = arith.addi %mul3A_2, %add3A_96 : i32
    %dma_start3A_98 = arith.constant 0 : i32
    %dma_start3A_99 = tpu.memref_slice %arg4[%add3A_97, %dma_start3A_98] : memref<8192x1024xf32, #tpu.memory_space<hbm>> -> memref<32x1024xf32, #tpu.memory_space<hbm>>
    %dma_start3A_100 = arith.constant 0 : i32
    %dma_start3A_101 = tpu.memref_slice %arg4[%add3A_97, %dma_start3A_100] : memref<8192x1024xf32, #tpu.memory_space<hbm>> -> memref<32x1024xf32, #tpu.memory_space<hbm>>
    tpu.enqueue_dma source(%arg6 : memref<32x1024xf32, #tpu.memory_space<vmem>>) target(%dma_start3A_101 : memref<32x1024xf32, #tpu.memory_space<hbm>>) target_semaphore(%arg10 : memref<!tpu.dma_semaphore, #tpu.memory_space<semaphore_mem>>)
    %dma_wait3A_102 = arith.constant 0 : i32
    %dma_wait3A_103 = tpu.memref_slice %arg4[%add3A_97, %dma_wait3A_102] : memref<8192x1024xf32, #tpu.memory_space<hbm>> -> memref<32x1024xf32, #tpu.memory_space<hbm>>
    %dma_wait3A_104 = arith.constant 0 : i32
    %dma_wait3A_105 = tpu.memref_slice %arg4[%add3A_97, %dma_wait3A_104] : memref<8192x1024xf32, #tpu.memory_space<hbm>> -> memref<32x1024xf32, #tpu.memory_space<hbm>>
    tpu.wait_dma2 semaphore(%arg10 : memref<!tpu.dma_semaphore, #tpu.memory_space<semaphore_mem>>) src(%arg6 : memref<32x1024xf32, #tpu.memory_space<vmem>>) dst(%dma_wait3A_105 : memref<32x1024xf32, #tpu.memory_space<hbm>>)
    %dma_start3A_106 = arith.constant 192 : i32
    %dma_start3A_107 = tpu.memref_slice %arg5[%dma_start3A_106] : memref<256xi32, #tpu.memory_space<vmem>> -> memref<32xi32, #tpu.memory_space<vmem>>
    %dma_start3A_108 = arith.constant 0 : i32
    %dma_start3A_109 = arith.constant 0 : i32
    %dma_start3A_110 = tpu.memref_slice %arg2[%dma_start3A_108, %dma_start3A_109] : memref<12288x1024xf32, #tpu.memory_space<hbm>> -> memref<12288x1024xf32, #tpu.memory_space<hbm>>
    tpu.enqueue_indirect_dma source(%dma_start3A_110 : memref<12288x1024xf32, #tpu.memory_space<hbm>>) target(%arg6 : memref<32x1024xf32, #tpu.memory_space<vmem>>) offsets(%dma_start3A_107 : memref<32xi32, #tpu.memory_space<vmem>>) semaphore(%arg8 : memref<!tpu.dma_semaphore, #tpu.memory_space<semaphore_mem>>)
    %dma_wait3A_111 = arith.constant 160 : i32
    %dma_wait3A_112 = tpu.memref_slice %arg5[%dma_wait3A_111] : memref<256xi32, #tpu.memory_space<vmem>> -> memref<32xi32, #tpu.memory_space<vmem>>
    %dma_wait3A_113 = arith.constant 0 : i32
    %dma_wait3A_114 = arith.constant 0 : i32
    %dma_wait3A_115 = tpu.memref_slice %arg2[%dma_wait3A_113, %dma_wait3A_114] : memref<12288x1024xf32, #tpu.memory_space<hbm>> -> memref<12288x1024xf32, #tpu.memory_space<hbm>>
    tpu.wait_indirect_dma semaphore(%arg9 : memref<!tpu.dma_semaphore, #tpu.memory_space<semaphore_mem>>) src(%dma_wait3A_115 : memref<12288x1024xf32, #tpu.memory_space<hbm>>) dst(%arg7 : memref<32x1024xf32, #tpu.memory_space<vmem>>)
    %add3A_116 = arith.constant 160 : i32
    %add3A_117 = arith.addi %mul3A_2, %add3A_116 : i32
    %dma_start3A_118 = arith.constant 0 : i32
    %dma_start3A_119 = tpu.memref_slice %arg4[%add3A_117, %dma_start3A_118] : memref<8192x1024xf32, #tpu.memory_space<hbm>> -> memref<32x1024xf32, #tpu.memory_space<hbm>>
    %dma_start3A_120 = arith.constant 0 : i32
    %dma_start3A_121 = tpu.memref_slice %arg4[%add3A_117, %dma_start3A_120] : memref<8192x1024xf32, #tpu.memory_space<hbm>> -> memref<32x1024xf32, #tpu.memory_space<hbm>>
    tpu.enqueue_dma source(%arg7 : memref<32x1024xf32, #tpu.memory_space<vmem>>) target(%dma_start3A_121 : memref<32x1024xf32, #tpu.memory_space<hbm>>) target_semaphore(%arg11 : memref<!tpu.dma_semaphore, #tpu.memory_space<semaphore_mem>>)
    %dma_wait3A_122 = arith.constant 0 : i32
    %dma_wait3A_123 = tpu.memref_slice %arg4[%add3A_117, %dma_wait3A_122] : memref<8192x1024xf32, #tpu.memory_space<hbm>> -> memref<32x1024xf32, #tpu.memory_space<hbm>>
    %dma_wait3A_124 = arith.constant 0 : i32
    %dma_wait3A_125 = tpu.memref_slice %arg4[%add3A_117, %dma_wait3A_124] : memref<8192x1024xf32, #tpu.memory_space<hbm>> -> memref<32x1024xf32, #tpu.memory_space<hbm>>
    tpu.wait_dma2 semaphore(%arg11 : memref<!tpu.dma_semaphore, #tpu.memory_space<semaphore_mem>>) src(%arg7 : memref<32x1024xf32, #tpu.memory_space<vmem>>) dst(%dma_wait3A_125 : memref<32x1024xf32, #tpu.memory_space<hbm>>)
    %dma_start3A_126 = arith.constant 224 : i32
    %dma_start3A_127 = tpu.memref_slice %arg5[%dma_start3A_126] : memref<256xi32, #tpu.memory_space<vmem>> -> memref<32xi32, #tpu.memory_space<vmem>>
    %dma_start3A_128 = arith.constant 0 : i32
    %dma_start3A_129 = arith.constant 0 : i32
    %dma_start3A_130 = tpu.memref_slice %arg2[%dma_start3A_128, %dma_start3A_129] : memref<12288x1024xf32, #tpu.memory_space<hbm>> -> memref<12288x1024xf32, #tpu.memory_space<hbm>>
    tpu.enqueue_indirect_dma source(%dma_start3A_130 : memref<12288x1024xf32, #tpu.memory_space<hbm>>) target(%arg7 : memref<32x1024xf32, #tpu.memory_space<vmem>>) offsets(%dma_start3A_127 : memref<32xi32, #tpu.memory_space<vmem>>) semaphore(%arg9 : memref<!tpu.dma_semaphore, #tpu.memory_space<semaphore_mem>>)
    %dma_wait3A_131 = arith.constant 192 : i32
    %dma_wait3A_132 = tpu.memref_slice %arg5[%dma_wait3A_131] : memref<256xi32, #tpu.memory_space<vmem>> -> memref<32xi32, #tpu.memory_space<vmem>>
    %dma_wait3A_133 = arith.constant 0 : i32
    %dma_wait3A_134 = arith.constant 0 : i32
    %dma_wait3A_135 = tpu.memref_slice %arg2[%dma_wait3A_133, %dma_wait3A_134] : memref<12288x1024xf32, #tpu.memory_space<hbm>> -> memref<12288x1024xf32, #tpu.memory_space<hbm>>
    tpu.wait_indirect_dma semaphore(%arg8 : memref<!tpu.dma_semaphore, #tpu.memory_space<semaphore_mem>>) src(%dma_wait3A_135 : memref<12288x1024xf32, #tpu.memory_space<hbm>>) dst(%arg6 : memref<32x1024xf32, #tpu.memory_space<vmem>>)
    %add3A_136 = arith.constant 192 : i32
    %add3A_137 = arith.addi %mul3A_2, %add3A_136 : i32
    %dma_start3A_138 = arith.constant 0 : i32
    %dma_start3A_139 = tpu.memref_slice %arg4[%add3A_137, %dma_start3A_138] : memref<8192x1024xf32, #tpu.memory_space<hbm>> -> memref<32x1024xf32, #tpu.memory_space<hbm>>
    %dma_start3A_140 = arith.constant 0 : i32
    %dma_start3A_141 = tpu.memref_slice %arg4[%add3A_137, %dma_start3A_140] : memref<8192x1024xf32, #tpu.memory_space<hbm>> -> memref<32x1024xf32, #tpu.memory_space<hbm>>
    tpu.enqueue_dma source(%arg6 : memref<32x1024xf32, #tpu.memory_space<vmem>>) target(%dma_start3A_141 : memref<32x1024xf32, #tpu.memory_space<hbm>>) target_semaphore(%arg10 : memref<!tpu.dma_semaphore, #tpu.memory_space<semaphore_mem>>)
    %dma_wait3A_142 = arith.constant 224 : i32
    %dma_wait3A_143 = tpu.memref_slice %arg5[%dma_wait3A_142] : memref<256xi32, #tpu.memory_space<vmem>> -> memref<32xi32, #tpu.memory_space<vmem>>
    %dma_wait3A_144 = arith.constant 0 : i32
    %dma_wait3A_145 = arith.constant 0 : i32
    %dma_wait3A_146 = tpu.memref_slice %arg2[%dma_wait3A_144, %dma_wait3A_145] : memref<12288x1024xf32, #tpu.memory_space<hbm>> -> memref<12288x1024xf32, #tpu.memory_space<hbm>>
    tpu.wait_indirect_dma semaphore(%arg9 : memref<!tpu.dma_semaphore, #tpu.memory_space<semaphore_mem>>) src(%dma_wait3A_146 : memref<12288x1024xf32, #tpu.memory_space<hbm>>) dst(%arg7 : memref<32x1024xf32, #tpu.memory_space<vmem>>)
    %add3A_147 = arith.constant 224 : i32
    %add3A_148 = arith.addi %mul3A_2, %add3A_147 : i32
    %dma_start3A_149 = arith.constant 0 : i32
    %dma_start3A_150 = tpu.memref_slice %arg4[%add3A_148, %dma_start3A_149] : memref<8192x1024xf32, #tpu.memory_space<hbm>> -> memref<32x1024xf32, #tpu.memory_space<hbm>>
    %dma_start3A_151 = arith.constant 0 : i32
    %dma_start3A_152 = tpu.memref_slice %arg4[%add3A_148, %dma_start3A_151] : memref<8192x1024xf32, #tpu.memory_space<hbm>> -> memref<32x1024xf32, #tpu.memory_space<hbm>>
    tpu.enqueue_dma source(%arg7 : memref<32x1024xf32, #tpu.memory_space<vmem>>) target(%dma_start3A_152 : memref<32x1024xf32, #tpu.memory_space<hbm>>) target_semaphore(%arg11 : memref<!tpu.dma_semaphore, #tpu.memory_space<semaphore_mem>>)
    %dma_wait3A_153 = arith.constant 0 : i32
    %dma_wait3A_154 = tpu.memref_slice %arg4[%add3A_137, %dma_wait3A_153] : memref<8192x1024xf32, #tpu.memory_space<hbm>> -> memref<32x1024xf32, #tpu.memory_space<hbm>>
    %dma_wait3A_155 = arith.constant 0 : i32
    %dma_wait3A_156 = tpu.memref_slice %arg4[%add3A_137, %dma_wait3A_155] : memref<8192x1024xf32, #tpu.memory_space<hbm>> -> memref<32x1024xf32, #tpu.memory_space<hbm>>
    tpu.wait_dma2 semaphore(%arg10 : memref<!tpu.dma_semaphore, #tpu.memory_space<semaphore_mem>>) src(%arg6 : memref<32x1024xf32, #tpu.memory_space<vmem>>) dst(%dma_wait3A_156 : memref<32x1024xf32, #tpu.memory_space<hbm>>)
    %dma_wait3A_157 = arith.constant 0 : i32
    %dma_wait3A_158 = tpu.memref_slice %arg4[%add3A_148, %dma_wait3A_157] : memref<8192x1024xf32, #tpu.memory_space<hbm>> -> memref<32x1024xf32, #tpu.memory_space<hbm>>
    %dma_wait3A_159 = arith.constant 0 : i32
    %dma_wait3A_160 = tpu.memref_slice %arg4[%add3A_148, %dma_wait3A_159] : memref<8192x1024xf32, #tpu.memory_space<hbm>> -> memref<32x1024xf32, #tpu.memory_space<hbm>>
    tpu.wait_dma2 semaphore(%arg11 : memref<!tpu.dma_semaphore, #tpu.memory_space<semaphore_mem>>) src(%arg7 : memref<32x1024xf32, #tpu.memory_space<vmem>>) dst(%dma_wait3A_160 : memref<32x1024xf32, #tpu.memory_space<hbm>>)
    return
  }
}

module attributes {stable_mosaic.version = 14 : i64} {
  func.func @_router_body(%arg0: i32, %arg1: memref<512x1024xf32, #tpu.memory_space<vmem>>, %arg2: memref<8x1024xf32, #tpu.memory_space<vmem>>, %arg3: memref<1x8xf32, #tpu.memory_space<vmem>>, %arg4: memref<512x512xbf16, #tpu.memory_space<vmem>>, %arg5: memref<512x1xf32, #tpu.memory_space<vmem>>, %arg6: memref<512x1xi32, #tpu.memory_space<vmem>>, %arg7: memref<512x1xi32, #tpu.memory_space<vmem>>, %arg8: memref<1x8xf32, #tpu.memory_space<vmem>>, %arg9: memref<1x8xf32, #tpu.memory_space<vmem>>, %arg10: memref<1x8xf32, #tpu.memory_space<vmem>>, %arg11: memref<1x8xf32, #tpu.memory_space<vmem>>) attributes {dimension_semantics = [#tpu.dimension_semantics<arbitrary>], iteration_bounds = array<i64: 16>, scalar_prefetch = 0 : i64, scratch_operands = 2 : i64, tpu.core_type = #tpu.core_type<tc>, window_params = [{transform_indices = @transform_0, window_bounds = array<i64: 512, 1024>}, {pipeline_mode = #tpu.pipeline_mode<synchronous>, transform_indices = @transform_1, window_bounds = array<i64: 8, 1024>}, {pipeline_mode = #tpu.pipeline_mode<synchronous>, transform_indices = @transform_2, window_bounds = array<i64: 1, 8>}, {pipeline_mode = #tpu.pipeline_mode<synchronous>, transform_indices = @transform_3, window_bounds = array<i64: 512, 512>}, {transform_indices = @transform_4, window_bounds = array<i64: 512, 1>}, {transform_indices = @transform_5, window_bounds = array<i64: 512, 1>}, {transform_indices = @transform_6, window_bounds = array<i64: 512, 1>}, {pipeline_mode = #tpu.pipeline_mode<synchronous>, transform_indices = @transform_7, window_bounds = array<i64: 1, 8>}, {pipeline_mode = #tpu.pipeline_mode<synchronous>, transform_indices = @transform_8, window_bounds = array<i64: 1, 8>}]} {
    %eq3A = arith.constant 0 : i32
    %eq3A_0 = arith.cmpi eq, %arg0, %eq3A : i32
    %convert_element_type3A = arith.extui %eq3A_0 : i1 to i32
    %cond3A = arith.constant 0 : i32
    %cond3A_1 = arith.cmpi ne, %convert_element_type3A, %cond3A : i32
    scf.if %cond3A_1 {
      %broadcast_in_dim3A_79 = arith.constant 0.000000e+00 : f32
      %broadcast_in_dim3A_80 = vector.broadcast %broadcast_in_dim3A_79 : f32 to vector<1x8xf32>
      %swap3A_81 = arith.constant 0 : index
      %swap3A_82 = arith.constant 0 : index
      %swap3A_83 = vector.load %arg10[%swap3A_81, %swap3A_82] : memref<1x8xf32, #tpu.memory_space<vmem>>, vector<1x8xf32>
      tpu.vector_store %arg10[%swap3A_81, %swap3A_82], %broadcast_in_dim3A_80 {strides = array<i32>} : memref<1x8xf32, #tpu.memory_space<vmem>>, vector<1x8xf32>,
      %broadcast_in_dim3A_84 = arith.constant 0.000000e+00 : f32
      %broadcast_in_dim3A_85 = vector.broadcast %broadcast_in_dim3A_84 : f32 to vector<1x8xf32>
      %swap3A_86 = arith.constant 0 : index
      %swap3A_87 = arith.constant 0 : index
      %swap3A_88 = vector.load %arg11[%swap3A_86, %swap3A_87] : memref<1x8xf32, #tpu.memory_space<vmem>>, vector<1x8xf32>
      tpu.vector_store %arg11[%swap3A_86, %swap3A_87], %broadcast_in_dim3A_85 {strides = array<i32>} : memref<1x8xf32, #tpu.memory_space<vmem>>, vector<1x8xf32>,
    } else {
    }
    %get3A = arith.constant 0 : index
    %get3A_2 = arith.constant 0 : index
    %get3A_3 = vector.load %arg1[%get3A, %get3A_2] : memref<512x1024xf32, #tpu.memory_space<vmem>>, vector<512x1024xf32>
    %convert_element_type3A_4 = arith.truncf %get3A_3 : vector<512x1024xf32> to vector<512x1024xbf16>
    %get3A_5 = arith.constant 0 : index
    %get3A_6 = arith.constant 0 : index
    %get3A_7 = vector.load %arg2[%get3A_5, %get3A_6] : memref<8x1024xf32, #tpu.memory_space<vmem>>, vector<8x1024xf32>
    %convert_element_type3A_8 = arith.truncf %get3A_7 : vector<8x1024xf32> to vector<8x1024xbf16>
    %dot_general3A = arith.constant dense<0.000000e+00> : vector<512x8xf32>
    %dot_general3A_9 = tpu.matmul %convert_element_type3A_4, %convert_element_type3A_8, %dot_general3A {dimension_numbers = #tpu.dot_dimension_numbers<[1], [1], [0], [0], [0, 0, 1, 0], [], []>, transpose_lhs_hint = false} : vector<512x1024xbf16>, vector<8x1024xbf16>, vector<512x8xf32> -> vector<512x8xf32>
    %get3A_10 = arith.constant 0 : index
    %get3A_11 = arith.constant 0 : index
    %get3A_12 = vector.load %arg3[%get3A_10, %get3A_11] : memref<1x8xf32, #tpu.memory_space<vmem>>, vector<1x8xf32>
    %add3A = vector.broadcast %get3A_12 : vector<1x8xf32> to vector<512x8xf32>
    %add3A_13 = arith.addf %dot_general3A_9, %add3A : vector<512x8xf32>
    %reduce_max3A = arith.constant dense<0xFF800000> : vector<512xf32>
    %reduce_max3A_14 = vector.multi_reduction <maximumf>, %add3A_13, %reduce_max3A [1] : vector<512x8xf32> to vector<512xf32>
    %broadcast_in_dim3A = vector.shape_cast %reduce_max3A_14 : vector<512xf32> to vector<512x1xf32>
    %sub3A = vector.broadcast %broadcast_in_dim3A : vector<512x1xf32> to vector<512x8xf32>
    %sub3A_15 = arith.subf %add3A_13, %sub3A : vector<512x8xf32>
    %exp3A = math.exp %sub3A_15 : vector<512x8xf32>
    %reduce_sum3A = arith.constant dense<0.000000e+00> : vector<512xf32>
    %reduce_sum3A_16 = vector.multi_reduction <add>, %exp3A, %reduce_sum3A [1] : vector<512x8xf32> to vector<512xf32>
    %broadcast_in_dim3A_17 = vector.shape_cast %reduce_sum3A_16 : vector<512xf32> to vector<512x1xf32>
    %div3A = vector.broadcast %broadcast_in_dim3A_17 : vector<512x1xf32> to vector<512x8xf32>
    %div3A_18 = arith.divf %exp3A, %div3A : vector<512x8xf32>
    %reduce_max3A_19 = arith.constant dense<0xFF800000> : vector<512xf32>
    %reduce_max3A_20 = vector.multi_reduction <maximumf>, %div3A_18, %reduce_max3A_19 [1] : vector<512x8xf32> to vector<512xf32>
    %broadcast_in_dim3A_21 = vector.shape_cast %reduce_max3A_20 : vector<512xf32> to vector<512x1xf32>
    %iota3A = tpu.iota {dimensions = array<i32: 1>} : vector<512x8xi32>
    %eq3A_22 = vector.broadcast %broadcast_in_dim3A_21 : vector<512x1xf32> to vector<512x8xf32>
    %eq3A_23 = arith.cmpf oeq, %div3A_18, %eq3A_22 : vector<512x8xf32>
    %jit3A = arith.constant 8 : i32
    %broadcast_in_dim3A_24 = vector.broadcast %jit3A : i32 to vector<512x8xi32>
    %select_n3A = arith.select %eq3A_23, %iota3A, %broadcast_in_dim3A_24 : vector<512x8xi1>, vector<512x8xi32>
    %reduce_min3A = arith.constant dense<2147483647> : vector<512xi32>
    %reduce_min3A_25 = vector.multi_reduction <minsi>, %select_n3A, %reduce_min3A [1] : vector<512x8xi32> to vector<512xi32>
    %broadcast_in_dim3A_26 = vector.shape_cast %reduce_min3A_25 : vector<512xi32> to vector<512x1xi32>
    %eq3A_27 = vector.broadcast %broadcast_in_dim3A_26 : vector<512x1xi32> to vector<512x8xi32>
    %eq3A_28 = arith.cmpi eq, %iota3A, %eq3A_27 : vector<512x8xi32>
    %convert_element_type3A_29 = arith.extui %eq3A_28 : vector<512x8xi1> to vector<512x8xi32>
    %convert_element_type3A_30 = arith.sitofp %convert_element_type3A_29 : vector<512x8xi32> to vector<512x8xf32>
    %get3A_31 = arith.constant 0 : index
    %get3A_32 = arith.constant 0 : index
    %get3A_33 = vector.load %arg4[%get3A_31, %get3A_32] : memref<512x512xbf16, #tpu.memory_space<vmem>>, vector<512x512xbf16>
    %convert_element_type3A_34 = arith.truncf %convert_element_type3A_30 : vector<512x8xf32> to vector<512x8xbf16>
    %dot_general3A_35 = arith.constant dense<0.000000e+00> : vector<512x8xf32>
    %dot_general3A_36 = tpu.matmul %get3A_33, %convert_element_type3A_34, %dot_general3A_35 {dimension_numbers = #tpu.dot_dimension_numbers<[1], [0], [0], [1], [0, 0, 1, 1], [], []>, transpose_lhs_hint = false} : vector<512x512xbf16>, vector<512x8xbf16>, vector<512x8xf32> -> vector<512x8xf32>
    %get3A_37 = arith.constant 0 : index
    %get3A_38 = arith.constant 0 : index
    %get3A_39 = vector.load %arg10[%get3A_37, %get3A_38] : memref<1x8xf32, #tpu.memory_space<vmem>>, vector<1x8xf32>
    %add3A_40 = vector.broadcast %get3A_39 : vector<1x8xf32> to vector<512x8xf32>
    %add3A_41 = arith.addf %dot_general3A_36, %add3A_40 : vector<512x8xf32>
    %mul3A = arith.mulf %add3A_41, %convert_element_type3A_30 : vector<512x8xf32>
    %reduce_sum3A_42 = arith.constant dense<0.000000e+00> : vector<512xf32>
    %reduce_sum3A_43 = vector.multi_reduction <add>, %mul3A, %reduce_sum3A_42 [1] : vector<512x8xf32> to vector<512xf32>
    %broadcast_in_dim3A_44 = vector.shape_cast %reduce_sum3A_43 : vector<512xf32> to vector<512x1xf32>
    %swap3A = arith.constant 0 : index
    %swap3A_45 = arith.constant 0 : index
    %swap3A_46 = vector.load %arg5[%swap3A, %swap3A_45] : memref<512x1xf32, #tpu.memory_space<vmem>>, vector<512x1xf32>
    tpu.vector_store %arg5[%swap3A, %swap3A_45], %broadcast_in_dim3A_21 {strides = array<i32>} : memref<512x1xf32, #tpu.memory_space<vmem>>, vector<512x1xf32>,
    %swap3A_47 = arith.constant 0 : index
    %swap3A_48 = arith.constant 0 : index
    %swap3A_49 = vector.load %arg6[%swap3A_47, %swap3A_48] : memref<512x1xi32, #tpu.memory_space<vmem>>, vector<512x1xi32>
    tpu.vector_store %arg6[%swap3A_47, %swap3A_48], %broadcast_in_dim3A_26 {strides = array<i32>} : memref<512x1xi32, #tpu.memory_space<vmem>>, vector<512x1xi32>,
    %convert_element_type3A_50 = arith.fptosi %broadcast_in_dim3A_44 : vector<512x1xf32> to vector<512x1xi32>
    %swap3A_51 = arith.constant 0 : index
    %swap3A_52 = arith.constant 0 : index
    %swap3A_53 = vector.load %arg7[%swap3A_51, %swap3A_52] : memref<512x1xi32, #tpu.memory_space<vmem>>, vector<512x1xi32>
    tpu.vector_store %arg7[%swap3A_51, %swap3A_52], %convert_element_type3A_50 {strides = array<i32>} : memref<512x1xi32, #tpu.memory_space<vmem>>, vector<512x1xi32>,
    %get3A_54 = arith.constant 0 : index
    %get3A_55 = arith.constant 0 : index
    %get3A_56 = vector.load %arg10[%get3A_54, %get3A_55] : memref<1x8xf32, #tpu.memory_space<vmem>>, vector<1x8xf32>
    %reduce_sum3A_57 = arith.constant dense<0.000000e+00> : vector<8xf32>
    %reduce_sum3A_58 = vector.multi_reduction <add>, %convert_element_type3A_30, %reduce_sum3A_57 [0] : vector<512x8xf32> to vector<8xf32>
    %broadcast_in_dim3A_59 = vector.shape_cast %reduce_sum3A_58 : vector<8xf32> to vector<1x8xf32>
    %add3A_60 = arith.addf %get3A_56, %broadcast_in_dim3A_59 : vector<1x8xf32>
    %swap3A_61 = arith.constant 0 : index
    %swap3A_62 = arith.constant 0 : index
    %swap3A_63 = vector.load %arg10[%swap3A_61, %swap3A_62] : memref<1x8xf32, #tpu.memory_space<vmem>>, vector<1x8xf32>
    tpu.vector_store %arg10[%swap3A_61, %swap3A_62], %add3A_60 {strides = array<i32>} : memref<1x8xf32, #tpu.memory_space<vmem>>, vector<1x8xf32>,
    %get3A_64 = arith.constant 0 : index
    %get3A_65 = arith.constant 0 : index
    %get3A_66 = vector.load %arg11[%get3A_64, %get3A_65] : memref<1x8xf32, #tpu.memory_space<vmem>>, vector<1x8xf32>
    %reduce_sum3A_67 = arith.constant dense<0.000000e+00> : vector<8xf32>
    %reduce_sum3A_68 = vector.multi_reduction <add>, %div3A_18, %reduce_sum3A_67 [0] : vector<512x8xf32> to vector<8xf32>
    %broadcast_in_dim3A_69 = vector.shape_cast %reduce_sum3A_68 : vector<8xf32> to vector<1x8xf32>
    %add3A_70 = arith.addf %get3A_66, %broadcast_in_dim3A_69 : vector<1x8xf32>
    %swap3A_71 = arith.constant 0 : index
    %swap3A_72 = arith.constant 0 : index
    %swap3A_73 = vector.load %arg11[%swap3A_71, %swap3A_72] : memref<1x8xf32, #tpu.memory_space<vmem>>, vector<1x8xf32>
    tpu.vector_store %arg11[%swap3A_71, %swap3A_72], %add3A_70 {strides = array<i32>} : memref<1x8xf32, #tpu.memory_space<vmem>>, vector<1x8xf32>,
    %eq3A_74 = arith.constant 15 : i32
    %eq3A_75 = arith.cmpi eq, %arg0, %eq3A_74 : i32
    %convert_element_type3A_76 = arith.extui %eq3A_75 : i1 to i32
    %cond3A_77 = arith.constant 0 : i32
    %cond3A_78 = arith.cmpi ne, %convert_element_type3A_76, %cond3A_77 : i32
    scf.if %cond3A_78 {
      %get3A_79 = arith.constant 0 : index
      %get3A_80 = arith.constant 0 : index
      %get3A_81 = vector.load %arg10[%get3A_79, %get3A_80] : memref<1x8xf32, #tpu.memory_space<vmem>>, vector<1x8xf32>
      %swap3A_82 = arith.constant 0 : index
      %swap3A_83 = arith.constant 0 : index
      %swap3A_84 = vector.load %arg8[%swap3A_82, %swap3A_83] : memref<1x8xf32, #tpu.memory_space<vmem>>, vector<1x8xf32>
      tpu.vector_store %arg8[%swap3A_82, %swap3A_83], %get3A_81 {strides = array<i32>} : memref<1x8xf32, #tpu.memory_space<vmem>>, vector<1x8xf32>,
      %get3A_85 = arith.constant 0 : index
      %get3A_86 = arith.constant 0 : index
      %get3A_87 = vector.load %arg11[%get3A_85, %get3A_86] : memref<1x8xf32, #tpu.memory_space<vmem>>, vector<1x8xf32>
      %swap3A_88 = arith.constant 0 : index
      %swap3A_89 = arith.constant 0 : index
      %swap3A_90 = vector.load %arg9[%swap3A_88, %swap3A_89] : memref<1x8xf32, #tpu.memory_space<vmem>>, vector<1x8xf32>
      tpu.vector_store %arg9[%swap3A_88, %swap3A_89], %get3A_87 {strides = array<i32>} : memref<1x8xf32, #tpu.memory_space<vmem>>, vector<1x8xf32>,
    } else {
    }
    return
  }
  func.func @transform_0(%arg0: i32) -> (i32, i32) {
    %c0_i32 = arith.constant 0 : i32
    %c0_i32_0 = arith.constant 0 : i32
    return %arg0, %c0_i32 : i32, i32
  }
  func.func @transform_1(%arg0: i32) -> (i32, i32) {
    %c0_i32 = arith.constant 0 : i32
    %c0_i32_0 = arith.constant 0 : i32
    %c0_i32_1 = arith.constant 0 : i32
    return %c0_i32, %c0_i32_0 : i32, i32
  }
  func.func @transform_2(%arg0: i32) -> (i32, i32) {
    %c0_i32 = arith.constant 0 : i32
    %c0_i32_0 = arith.constant 0 : i32
    %c0_i32_1 = arith.constant 0 : i32
    return %c0_i32, %c0_i32_0 : i32, i32
  }
  func.func @transform_3(%arg0: i32) -> (i32, i32) {
    %c0_i32 = arith.constant 0 : i32
    %c0_i32_0 = arith.constant 0 : i32
    %c0_i32_1 = arith.constant 0 : i32
    return %c0_i32, %c0_i32_0 : i32, i32
  }
  func.func @transform_4(%arg0: i32) -> (i32, i32) {
    %c0_i32 = arith.constant 0 : i32
    %c0_i32_0 = arith.constant 0 : i32
    return %arg0, %c0_i32 : i32, i32
  }
  func.func @transform_5(%arg0: i32) -> (i32, i32) {
    %c0_i32 = arith.constant 0 : i32
    %c0_i32_0 = arith.constant 0 : i32
    return %arg0, %c0_i32 : i32, i32
  }
  func.func @transform_6(%arg0: i32) -> (i32, i32) {
    %c0_i32 = arith.constant 0 : i32
    %c0_i32_0 = arith.constant 0 : i32
    return %arg0, %c0_i32 : i32, i32
  }
  func.func @transform_7(%arg0: i32) -> (i32, i32) {
    %c0_i32 = arith.constant 0 : i32
    %c0_i32_0 = arith.constant 0 : i32
    %c0_i32_1 = arith.constant 0 : i32
    return %c0_i32, %c0_i32_0 : i32, i32
  }
  func.func @transform_8(%arg0: i32) -> (i32, i32) {
    %c0_i32 = arith.constant 0 : i32
    %c0_i32_0 = arith.constant 0 : i32
    %c0_i32_1 = arith.constant 0 : i32
    return %c0_i32, %c0_i32_0 : i32, i32
  }
}

module attributes {stable_mosaic.version = 14 : i64} {
  func.func @_ffn_body(%arg0: i32, %arg1: memref<24xi32, #tpu.memory_space<smem>>, %arg2: memref<1xi32, #tpu.memory_space<smem>>, %arg3: memref<512x1024xf32, #tpu.memory_space<vmem>>, %arg4: memref<512x128xf32, #tpu.memory_space<vmem>>, %arg5: memref<1x4096x1024xbf16, #tpu.memory_space<vmem>>, %arg6: memref<1x1x4096xf32, #tpu.memory_space<vmem>>, %arg7: memref<1x1024x4096xbf16, #tpu.memory_space<vmem>>, %arg8: memref<1x1x1024xf32, #tpu.memory_space<vmem>>, %arg9: memref<512x1024xf32, #tpu.memory_space<vmem>>) attributes {dimension_semantics = [#tpu.dimension_semantics<arbitrary>], iteration_bounds = array<i64: 24>, scalar_prefetch = 2 : i64, scratch_operands = 0 : i64, tpu.core_type = #tpu.core_type<tc>, window_params = [{transform_indices = @transform_0, window_bounds = array<i64: 512, 1024>}, {transform_indices = @transform_1, window_bounds = array<i64: 512, 128>}, {transform_indices = @transform_2, window_bounds = array<i64: 1, 4096, 1024>}, {transform_indices = @transform_3, window_bounds = array<i64: 1, 1, 4096>}, {transform_indices = @transform_4, window_bounds = array<i64: 1, 1024, 4096>}, {transform_indices = @transform_5, window_bounds = array<i64: 1, 1, 1024>}, {transform_indices = @transform_6, window_bounds = array<i64: 512, 1024>}]} {
    %get3A = arith.constant 0 : index
    %get3A_0 = memref.load %arg2[%get3A] : memref<1xi32, #tpu.memory_space<smem>>
    %lt3A = arith.cmpi slt, %arg0, %get3A_0 : i32
    %convert_element_type3A = arith.extui %lt3A : i1 to i32
    %cond3A = arith.constant 0 : i32
    %cond3A_1 = arith.cmpi ne, %convert_element_type3A, %cond3A : i32
    scf.if %cond3A_1 {
      %get3A_2 = arith.constant 0 : index
      %get3A_3 = arith.constant 0 : index
      %get3A_4 = vector.load %arg3[%get3A_2, %get3A_3] : memref<512x1024xf32, #tpu.memory_space<vmem>>, vector<512x1024xf32>
      %convert_element_type3A_5 = arith.truncf %get3A_4 : vector<512x1024xf32> to vector<512x1024xbf16>
      %get3A_6 = arith.constant 0 : index
      %get3A_7 = arith.constant 0 : index
      %get3A_8 = arith.constant 0 : index
      %get3A_9 = vector.load %arg5[%get3A_6, %get3A_7, %get3A_8] : memref<1x4096x1024xbf16, #tpu.memory_space<vmem>>, vector<1x4096x1024xbf16>
      %get3A_10 = vector.shape_cast %get3A_9 : vector<1x4096x1024xbf16> to vector<4096x1024xbf16>
      %dot_general3A = arith.constant dense<0.000000e+00> : vector<512x4096xf32>
      %dot_general3A_11 = tpu.matmul %convert_element_type3A_5, %get3A_10, %dot_general3A {dimension_numbers = #tpu.dot_dimension_numbers<[1], [1], [0], [0], [0, 0, 1, 0], [], []>, transpose_lhs_hint = false} : vector<512x1024xbf16>, vector<4096x1024xbf16>, vector<512x4096xf32> -> vector<512x4096xf32>
      %get3A_12 = arith.constant 0 : index
      %get3A_13 = arith.constant 0 : index
      %get3A_14 = arith.constant 0 : index
      %get3A_15 = vector.load %arg6[%get3A_12, %get3A_13, %get3A_14] : memref<1x1x4096xf32, #tpu.memory_space<vmem>>, vector<1x1x4096xf32>
      %get3A_16 = vector.shape_cast %get3A_15 : vector<1x1x4096xf32> to vector<1x4096xf32>
      %add3A = vector.broadcast %get3A_16 : vector<1x4096xf32> to vector<512x4096xf32>
      %add3A_17 = arith.addf %dot_general3A_11, %add3A : vector<512x4096xf32>
      %max3A = arith.constant 0.000000e+00 : f32
      %max3A_18 = vector.broadcast %max3A : f32 to vector<512x4096xf32>
      %max3A_19 = arith.maximumf %add3A_17, %max3A_18 : vector<512x4096xf32>
      %convert_element_type3A_20 = arith.truncf %max3A_19 : vector<512x4096xf32> to vector<512x4096xbf16>
      %get3A_21 = arith.constant 0 : index
      %get3A_22 = arith.constant 0 : index
      %get3A_23 = arith.constant 0 : index
      %get3A_24 = vector.load %arg7[%get3A_21, %get3A_22, %get3A_23] : memref<1x1024x4096xbf16, #tpu.memory_space<vmem>>, vector<1x1024x4096xbf16>
      %get3A_25 = vector.shape_cast %get3A_24 : vector<1x1024x4096xbf16> to vector<1024x4096xbf16>
      %dot_general3A_26 = arith.constant dense<0.000000e+00> : vector<512x1024xf32>
      %dot_general3A_27 = tpu.matmul %convert_element_type3A_20, %get3A_25, %dot_general3A_26 {dimension_numbers = #tpu.dot_dimension_numbers<[1], [1], [0], [0], [0, 0, 1, 0], [], []>, transpose_lhs_hint = false} : vector<512x4096xbf16>, vector<1024x4096xbf16>, vector<512x1024xf32> -> vector<512x1024xf32>
      %get3A_28 = arith.constant 0 : index
      %get3A_29 = arith.constant 0 : index
      %get3A_30 = arith.constant 0 : index
      %get3A_31 = vector.load %arg8[%get3A_28, %get3A_29, %get3A_30] : memref<1x1x1024xf32, #tpu.memory_space<vmem>>, vector<1x1x1024xf32>
      %get3A_32 = vector.shape_cast %get3A_31 : vector<1x1x1024xf32> to vector<1x1024xf32>
      %add3A_33 = vector.broadcast %get3A_32 : vector<1x1024xf32> to vector<512x1024xf32>
      %add3A_34 = arith.addf %dot_general3A_27, %add3A_33 : vector<512x1024xf32>
      %get3A_35 = arith.constant 0 : index
      %get3A_36 = arith.constant 0 : index
      %get3A_37 = vector.load %arg4[%get3A_35, %get3A_36] : memref<512x128xf32, #tpu.memory_space<vmem>>, vector<512x1xf32>
      %mul3A = vector.broadcast %get3A_37 : vector<512x1xf32> to vector<512x1024xf32>
      %mul3A_38 = arith.mulf %add3A_34, %mul3A : vector<512x1024xf32>
      %swap3A = arith.constant 0 : index
      %swap3A_39 = arith.constant 0 : index
      %swap3A_40 = vector.load %arg9[%swap3A, %swap3A_39] : memref<512x1024xf32, #tpu.memory_space<vmem>>, vector<512x1024xf32>
      tpu.vector_store %arg9[%swap3A, %swap3A_39], %mul3A_38 {strides = array<i32>} : memref<512x1024xf32, #tpu.memory_space<vmem>>, vector<512x1024xf32>,
    } else {
    }
    return
  }
  func.func @transform_0(%arg0: i32, %arg1: memref<24xi32, #tpu.memory_space<smem>>, %arg2: memref<1xi32, #tpu.memory_space<smem>>) -> (i32, i32) {
    %get3A = arith.constant 0 : index
    %get3A_0 = memref.load %arg2[%get3A] : memref<1xi32, #tpu.memory_space<smem>>
    %sub3A = arith.constant 1 : i32
    %sub3A_1 = arith.subi %get3A_0, %sub3A : i32
    %min3A = arith.minsi %arg0, %sub3A_1 : i32
    %c0_i32 = arith.constant 0 : i32
    %c0_i32_2 = arith.constant 0 : i32
    return %min3A, %c0_i32 : i32, i32
  }
  func.func @transform_1(%arg0: i32, %arg1: memref<24xi32, #tpu.memory_space<smem>>, %arg2: memref<1xi32, #tpu.memory_space<smem>>) -> (i32, i32) {
    %get3A = arith.constant 0 : index
    %get3A_0 = memref.load %arg2[%get3A] : memref<1xi32, #tpu.memory_space<smem>>
    %sub3A = arith.constant 1 : i32
    %sub3A_1 = arith.subi %get3A_0, %sub3A : i32
    %min3A = arith.minsi %arg0, %sub3A_1 : i32
    %c0_i32 = arith.constant 0 : i32
    %c0_i32_2 = arith.constant 0 : i32
    return %min3A, %c0_i32 : i32, i32
  }
  func.func @transform_2(%arg0: i32, %arg1: memref<24xi32, #tpu.memory_space<smem>>, %arg2: memref<1xi32, #tpu.memory_space<smem>>) -> (i32, i32, i32) {
    %get3A = arith.constant 0 : index
    %get3A_0 = memref.load %arg2[%get3A] : memref<1xi32, #tpu.memory_space<smem>>
    %sub3A = arith.constant 1 : i32
    %sub3A_1 = arith.subi %get3A_0, %sub3A : i32
    %min3A = arith.minsi %arg0, %sub3A_1 : i32
    %get3A_2 = arith.index_cast %min3A : i32 to index
    %get3A_3 = memref.load %arg1[%get3A_2] : memref<24xi32, #tpu.memory_space<smem>>
    %c0_i32 = arith.constant 0 : i32
    %c0_i32_4 = arith.constant 0 : i32
    %c0_i32_5 = arith.constant 0 : i32
    return %get3A_3, %c0_i32, %c0_i32_4 : i32, i32, i32
  }
  func.func @transform_3(%arg0: i32, %arg1: memref<24xi32, #tpu.memory_space<smem>>, %arg2: memref<1xi32, #tpu.memory_space<smem>>) -> (i32, i32, i32) {
    %get3A = arith.constant 0 : index
    %get3A_0 = memref.load %arg2[%get3A] : memref<1xi32, #tpu.memory_space<smem>>
    %sub3A = arith.constant 1 : i32
    %sub3A_1 = arith.subi %get3A_0, %sub3A : i32
    %min3A = arith.minsi %arg0, %sub3A_1 : i32
    %get3A_2 = arith.index_cast %min3A : i32 to index
    %get3A_3 = memref.load %arg1[%get3A_2] : memref<24xi32, #tpu.memory_space<smem>>
    %c0_i32 = arith.constant 0 : i32
    %c0_i32_4 = arith.constant 0 : i32
    %c0_i32_5 = arith.constant 0 : i32
    return %get3A_3, %c0_i32, %c0_i32_4 : i32, i32, i32
  }
  func.func @transform_4(%arg0: i32, %arg1: memref<24xi32, #tpu.memory_space<smem>>, %arg2: memref<1xi32, #tpu.memory_space<smem>>) -> (i32, i32, i32) {
    %get3A = arith.constant 0 : index
    %get3A_0 = memref.load %arg2[%get3A] : memref<1xi32, #tpu.memory_space<smem>>
    %sub3A = arith.constant 1 : i32
    %sub3A_1 = arith.subi %get3A_0, %sub3A : i32
    %min3A = arith.minsi %arg0, %sub3A_1 : i32
    %get3A_2 = arith.index_cast %min3A : i32 to index
    %get3A_3 = memref.load %arg1[%get3A_2] : memref<24xi32, #tpu.memory_space<smem>>
    %c0_i32 = arith.constant 0 : i32
    %c0_i32_4 = arith.constant 0 : i32
    %c0_i32_5 = arith.constant 0 : i32
    return %get3A_3, %c0_i32, %c0_i32_4 : i32, i32, i32
  }
  func.func @transform_5(%arg0: i32, %arg1: memref<24xi32, #tpu.memory_space<smem>>, %arg2: memref<1xi32, #tpu.memory_space<smem>>) -> (i32, i32, i32) {
    %get3A = arith.constant 0 : index
    %get3A_0 = memref.load %arg2[%get3A] : memref<1xi32, #tpu.memory_space<smem>>
    %sub3A = arith.constant 1 : i32
    %sub3A_1 = arith.subi %get3A_0, %sub3A : i32
    %min3A = arith.minsi %arg0, %sub3A_1 : i32
    %get3A_2 = arith.index_cast %min3A : i32 to index
    %get3A_3 = memref.load %arg1[%get3A_2] : memref<24xi32, #tpu.memory_space<smem>>
    %c0_i32 = arith.constant 0 : i32
    %c0_i32_4 = arith.constant 0 : i32
    %c0_i32_5 = arith.constant 0 : i32
    return %get3A_3, %c0_i32, %c0_i32_4 : i32, i32, i32
  }
  func.func @transform_6(%arg0: i32, %arg1: memref<24xi32, #tpu.memory_space<smem>>, %arg2: memref<1xi32, #tpu.memory_space<smem>>) -> (i32, i32) {
    %get3A = arith.constant 0 : index
    %get3A_0 = memref.load %arg2[%get3A] : memref<1xi32, #tpu.memory_space<smem>>
    %sub3A = arith.constant 1 : i32
    %sub3A_1 = arith.subi %get3A_0, %sub3A : i32
    %min3A = arith.minsi %arg0, %sub3A_1 : i32
    %c0_i32 = arith.constant 0 : i32
    %c0_i32_2 = arith.constant 0 : i32
    return %min3A, %c0_i32 : i32, i32
  }
}

</mosaic_0001>

<sc_bundles>
// kernel: kernel.6.cloned.1.call-start
scs
__scs_entry_jumppad:
0x0: {  	(pc) =	sbr.rel $0x88, $3  }
0x1: {  	(tag) =	ssettag $0x0;
	lr =	simm.s32 $0x1  }
0x2: {  	[smem:$0x3F9A] =	sst lr;
	_ =	strace $0xD0000000  }
0x3: {  	_ = 	snop  }
0x4: {  	_ = 	snop  }
0x5: {  	_ = 	snop  }
0x6: {  	_ = 	snop  }
0x7: {  	_ = 	snop  }
__scs_overlays_trampoline_lowered:
0x8: {  	[smem:$0x3FA9] =	sst s0  }
0x9: {  	[smem:$0x3FAA] =	sst s1  }
0xa: {  	[smem:$0x3FAB] =	sst s2  }
0xb: {  	[smem:$0x3FAC] =	sst s3  }
0xc: {  	[smem:$0x3FAD] =	sst s4  }
0xd: {  	[smem:$0x3FAE] =	sst s5  }
0xe: {  	[smem:$0x3FAF] =	sst s6  }
0xf: {  	[smem:$0x3FB0] =	sst s7  }
0x10: {  	[smem:$0x3FB1] =	sst s8  }
0x11: {  	[smem:$0x3FB2] =	sst s9;
	s0 =	simm.s32 @!p0 $0x0  }
0x12: {  	s1 =	sld [smem:$0x3F98];
	s0 =	simm.s32 @p0 $0x1  }
0x13: {  	[smem:$0x3FB3] =	sst s0;
	s0 =	simm.s32 @!p1 $0x0  }
0x14: {  	s2 =	sld [smem:$0x3F97];
	s0 =	simm.s32 @p1 $0x1  }
0x15: {  	[smem:$0x3FB4] =	sst s0;
	s0 =	simm.s32 @!p2 $0x0  }
0x16: {  	s3 =	sld [smem:$0x3FDB];
	s0 =	simm.s32 @p2 $0x1  }
0x17: {  	s4 =	simm.s32 $0x1BF5;
	[smem:$0x3FB6] =	sst s0  }
0x18: {  	s0 =	sld [smem:$0x3F99];
	_ =	swait.ge [sflag:s4], $0x0  }
0x19: {  	s7 =	sld [smem:$0x3F9A]  }
0x1a: {  	s8 =	sadd.s32 $0xFFFFE003, lr  }
0x1b: {  	s9 =	sadd.s32 $0xFFFFFEF7, lr;
	s5 =	simm.s32 $0xFFFFFFFF;
	p2 =	slt.u32 s8, $0xFFFFF086  }
0x1c: {  	p1 =	slt.u32 s9, $0xF7A;
	s5 =	simm.s32 @!p2 $0x0  }
0x1d: {  	s5 =	simm.s32 @p1 $0x1;
	p0 =	seq.s32 s7, s2  }
0x1e: {  	s7 =	smul.u32 @!p0 $0xF7A, s2;
	p2 =	seq.s32 @!p0 s5, $0x0  }
0x1f: {  	s9 =	smul.u32 $0xF7A, s1;
	s8 =	simm.s32 @!p0 $0x1BF5;
	p2 =	por !p2, p0  }
0x20: {  	[sflag:s8] =	ssyncset.s32 @!p0 $0xFFFFF086;
	s6 =	sadd.s32 @!p0 s3, s7;
	s7 =	simm.s32 @!p0 $0x108  }
0x21: {  	s3 =	sadd.s32 s3, s9;
	s6 =	sadd.s32 @!p0 $0x88, s6;
	s7 =	simm.s32 @p2 $0x1082  }
0x22: {  	[simem:s7], [sflag:s8] =	dma.local @!p0 [hbm:s6], $0xF7A  }
0x23: {  	s9 =	sor.u32 $0xD0000000, s2;
	s6 =	simm.s32 $0x108;
	_ =	swait.ge @!p0 [sflag:s8], $0x0  }
0x24: {  	s3 =	sadd.s32 $0x88, s3;
	s6 =	simm.s32 @!p1 $0x1082;
	[sflag:s4] =	ssyncset.s32 $0xFFFFF086  }
0x25: {  	[simem:s6], [sflag:s4] =	dma.local [hbm:s3], $0xF7A  }
0x26: {  	[smem:$0x3F9A] =	sst s1;
	(tag) =	ssettag s2;
	_ =	strace s9  }
0x27: {  	s1 =	sld [smem:$0x3FAA]  }
0x28: {  	s2 =	sld [smem:$0x3FAB]  }
0x29: {  	s4 =	sld [smem:$0x3FAD]  }
0x2a: {  	p0 =	seq.s32 s5, $0x0;
	s5 =	sld [smem:$0x3FAE]  }
0x2b: {  	s6 =	sld [smem:$0x3FAF]  }
0x2c: {  	s7 =	sld [smem:$0x3FB0]  }
0x2d: {  	s3 =	simm.s32 $0x108;
	s8 =	sld [smem:$0x3FB1]  }
0x2e: {  	s3 =	simm.s32 @!p0 $0x1082;
	s9 =	sld [smem:$0x3FB2]  }
0x2f: {  	lr =	sadd.s32 s0, s3;
	s0 =	sld [smem:$0x3FA9]  }
0x30: {  	s3 =	sld [smem:$0x3FAC]  }
0x31: {  	[smem:$0x3FB5] =	sst s10  }
0x32: {  	s10 =	sld [smem:$0x3FB3];
	_ =	sdelay $0x3  }
0x33: {  	p0 =	seq.s32 s10, $0x1;
	s10 =	sld [smem:$0x3FB5];
	_ =	sdelay $0x3  }
0x34: {  	[smem:$0x3FB5] =	sst s10  }
0x35: {  	s10 =	sld [smem:$0x3FB4];
	_ =	sdelay $0x3  }
0x36: {  	p1 =	seq.s32 s10, $0x1;
	s10 =	sld [smem:$0x3FB5];
	_ =	sdelay $0x3  }
0x37: {  	[smem:$0x3FB5] =	sst s10  }
0x38: {  	s10 =	sld [smem:$0x3FB6]  }
0x39: {  	_ = 	snop;
	(pc) =	sbr.ind lr, $3  }
0x3a: {  	_ = 	snop  }
0x3b: {  	_ = 	snop  }
0x3c: {  	p2 =	seq.s32 s10, $0x1;
	s10 =	sld [smem:$0x3FB5]  }
0x3d: {  	_ =	shalt  }
0x3e: {  	_ =	shalt  }
0x3f: {  	_ =	shalt  }
0x40: {  	_ =	shalt  }
0x41: {  	_ =	shalt  }
0x42: {  	_ =	shalt  }
0x43: {  	_ =	shalt  }
0x44: {  	_ =	shalt  }
0x45: {  	_ =	shalt  }
0x46: {  	_ =	shalt  }
0x47: {  	_ =	shalt  }
0x48: {  	_ =	shalt  }
0x49: {  	_ =	shalt  }
0x4a: {  	_ =	shalt  }
0x4b: {  	_ =	shalt  }
0x4c: {  	_ =	shalt  }
0x4d: {  	_ =	shalt  }
0x4e: {  	_ =	shalt  }
0x4f: {  	_ =	shalt  }
0x50: {  	_ =	shalt  }
0x51: {  	_ =	shalt  }
0x52: {  	_ =	shalt  }
0x53: {  	_ =	shalt  }
0x54: {  	_ =	shalt  }
0x55: {  	_ =	shalt  }
0x56: {  	_ =	shalt  }
0x57: {  	_ =	shalt  }
0x58: {  	_ =	shalt  }
0x59: {  	_ =	shalt  }
0x5a: {  	_ =	shalt  }
0x5b: {  	_ =	shalt  }
0x5c: {  	_ =	shalt  }
0x5d: {  	_ =	shalt  }
0x5e: {  	_ =	shalt  }
0x5f: {  	_ =	shalt  }
0x60: {  	_ =	shalt  }
0x61: {  	_ =	shalt  }
0x62: {  	_ =	shalt  }
0x63: {  	_ =	shalt  }
0x64: {  	_ =	shalt  }
0x65: {  	_ =	shalt  }
0x66: {  	_ =	shalt  }
0x67: {  	_ =	shalt  }
0x68: {  	_ =	shalt  }
0x69: {  	_ =	shalt  }
0x6a: {  	_ =	shalt  }
0x6b: {  	_ =	shalt  }
0x6c: {  	_ =	shalt  }
0x6d: {  	_ =	shalt  }
0x6e: {  	_ =	shalt  }
0x6f: {  	_ =	shalt  }
0x70: {  	_ =	shalt  }
0x71: {  	_ =	shalt  }
0x72: {  	_ =	shalt  }
0x73: {  	_ =	shalt  }
0x74: {  	_ =	shalt  }
0x75: {  	_ =	shalt  }
0x76: {  	_ =	shalt  }
0x77: {  	_ =	shalt  }
0x78: {  	_ =	shalt  }
0x79: {  	_ =	shalt  }
0x7a: {  	_ =	shalt  }
0x7b: {  	_ =	shalt  }
0x7c: {  	_ =	shalt  }
0x7d: {  	_ =	shalt  }
0x7e: {  	_ =	shalt  }
0x7f: {  	_ =	shalt  }
0x80: {  	_ =	shalt  }
0x81: {  	_ =	shalt  }
0x82: {  	_ =	shalt  }
0x83: {  	_ =	shalt  }
0x84: {  	_ =	shalt  }
0x85: {  	_ =	shalt  }
0x86: {  	_ =	shalt  }
0x87: {  	_ =	shalt  }
.Lfunc_end0:
.L_simem_size_0:
called_computation_lowered:
.L_overlay_start_0:
0x88: {  	s2 =	sld [smem:$0x3FD9]  }
0x89: {  	s3 =	sld [smem:$0x3FFE];
	_ =	sdelay $0x1  }
0x8a: {  	s1 =	srdreg.scid  }
0x8b: {  	s0 =	sand.u32 $0x1, s1  }
0x8c: {  	s14 =	sshll.u32 s0, $0xA;
	s2 =	sadd.s32 s3, s2  }
0x8d: {  	s2 =	sadd.s32 s2, s14  }
0x8e: {  	[smem:$0x3FC1] =	sst s2  }
0x8f: {  	_ = 	snop  }
0x90: {  	s2 =	sld [smem:$0x3FD0];
	_ =	sdelay $0x2  }
0x91: {  	s15 =	simm.s32 $0xA;
	s4 =	simm.s32 $0x10  }
0x92: {  	[smem:s4], [sflag:s15] =	dma.local [hbm:s2], $0x1  }
0x93: {  	_ =	swait.eq [sflag:s15], $0x1  }
0x94: {  	[sflag:s15] =	ssyncset.done $0x0  }
0x95: {  	s16 =	sld [smem:$0x10];
	[sflag:s15] =	ssyncadd.s32 $0xFFFFFFFF  }
0x96: {  	s17 =	sld [smem:$0x14];
	(tm) =	ssettm $0x1  }
0x97: {  	s18 =	sld [smem:$0x3FFB];
	_ =	sdelay $0x3  }
0x98: {  	_ =	strace s18  }
0x99: {  	s4 =	sld [smem:$0x3FFC];
	_ =	sdelay $0x3  }
0x9a: {  	_ =	strace s4  }
0x9b: {  	s4 =	sld [smem:$0x3FFD];
	_ =	sdelay $0x3  }
0x9c: {  	_ =	strace s4  }
0x9d: {  	_ =	strace $0x8FFFFFFF  }
0x9e: {  	s19 =	sld [smem:$0x3FDB];
	_ =	sdelay $0x1  }
0x9f: {  	s5 =	simm.s32 $_scs_section_size  }
0xa0: {  	s6 =	simm.s32 $_size__tile_overlayer_lowered;
	s7 =	simm.s32 $_tile_overlayer_lowered  }
0xa1: {  	s22 =	simm.s32 $0x1BFF;
	s21 =	sshll.u32 s7, $0x1;
	s4 =	sadd.s32 s5, s19  }
0xa2: {  	s8 =	simm.s32 $0x0;
	s20 =	sshll.u32 s6, $0x1;
	s6 =	sadd.s32 s21, s4  }
0xa3: {  	[timem:s8], [sflag:s22] =	dma.local [hbm:s6], s20  }
0xa4: {  	_ =	swait.ge [sflag:s22], s20  }
0xa5: {  	s5 =	ssub.s32 $0x0, s20;
	[sflag:s22] =	ssyncset.done $0x0  }
0xa6: {  	[sflag:s22] =	ssyncadd.s32 s5;
	_ =	sdelay $0x1  }
0xa7: {  	s23 =	simm.s32 $0x1B8B  }
0xa8: {  	_ =	swait.ge [sflag:s23], $0x1  }
0xa9: {  	[sflag:s23] =	ssyncset.done $0x0  }
0xaa: {  	s25 =	simm.s32 $0x1B8E;
	s24 =	sld [smem:$0x3FFE];
	[sflag:s23] =	ssyncadd.s32 $0xFFFFFFFF  }
0xab: {  	s26 =	simm.s32 $execute0_lowered;
	[smem:$0x3FD2] =	sst s25  }
0xac: {  	s6 =	sshll.u32 s26, $0x1;
	_ =	strace $0x80000046;
	[dreg:$0x1] =	wrdreg $0xFFFFFFFF  }
0xad: {  	s28 =	simm.s32 $_size_execute0_lowered;
	s4 =	sadd.s32 s4, s6;
	[dreg:$0x0] =	wrdreg $0x0  }
0xae: {  	s6 =	sshll.u32 s28, $0x1;
	[dreg:$0x2] =	wrdreg s4  }
0xaf: {  	[dreg:$0x3] =	wrdreg s6  }
0xb0: {  	[dreg:$0x4] =	wrdreg $0xC0  }
0xb1: {  	_ =	task [dreg:s8], $0x5FFFF  }
0xb2: {  	[dreg:$0x1] =	wrdreg $0xFFFFFFFF  }
0xb3: {  	[dreg:$0x0] =	wrdreg $0x60  }
0xb4: {  	[dreg:$0x2] =	wrdreg s16  }
0xb5: {  	[dreg:$0x3] =	wrdreg s24  }
0xb6: {  	[dreg:$0x4] =	wrdreg s17  }
0xb7: {  	[dreg:$0x5] =	wrdreg $0x9  }
0xb8: {  	_ =	task.clear_ibuf [dreg:s8], $0x6FFFF;
	_ =	strace $0x90000046  }
0xb9: {  	s29 =	simm.s32 $0x9;
	_ =	strace $0x80000048  }
0xba: {  	_ =	swait.ge [sflag:s29], $0x1  }
0xbb: {  	[sflag:s29] =	ssyncadd.s32 $0xFFFFFFFF  }
0xbc: {  	_ =	strace $0x90000048  }
0xbd: {  	_ =	sfence  }
0xbe: {  	s30 =	sld [smem:$0x0];
	_ =	sdelay $0x2  }
0xbf: {  	s31 =	sshll.u32 s1, $0xD;
	s1 =	sshrl.u32 s1, $0x2  }
0xc0: {  	s3 =	sand.u32 $0x4000, s31;
	s1 =	sadd.s32 s1, s30  }
0xc1: {  	s0 =	sor.u32 s3, s0;
	s1 =	sshll.u32 s1, $0x11  }
0xc2: {  	s0 =	sor.u32 s1, s0  }
0xc3: {  	s0 =	sadd.s32 $0x8F2B, s0  }
0xc4: {  	[sflag:s0] =	ssyncadd.remote.s32 $0x1  }
0xc5: {  	_ =	sfence.sel $0xFFFF  }
0xc6: {  	[dreg:$0x0] =	wrdreg $0xFFFFFFFF;
	(pc) =	sbr.abs _section_cstart, $3  }
0xc7: {  	[dreg:$0x1] =	wrdreg $0xFFFFFFFF  }
0xc8: {  	_ =	task.clear_ibuf [dreg:s8], $0x2FFFF;
	_ =	strace $0x9FFFFFFF  }
0xc9: {  	(tm) =	ssettm $0x7FFFFFFF  }
tec
execute0_lowered:
.L_overlay_start_1:
0x0: {  	(tag) =	ssettag $0x1  }
0x1: {  	s3 =	rddreg [dreg:$0x0]  }
0x2: {  	s1 =	rddreg [dreg:$0x1];
	s2 =	stileid.u32  }
0x3: {  	s4 =	rddreg [dreg:$0x2];
	s5 =	sshll.u32 s2, $0x1;
	s2 =	simm.s32 $0x0  }
0x4: {  	s8 =	sadd.s32 $0xC00, s1;
	[smem:$0x7FF] =	sst s2  }
0x5: {  	s12 =	simm.s32 $0x100;
	_ =	strace $0x80000047;
	[dreg:$0x4] =	wrdreg s8  }
0x6: {  	s13 =	simm.s32 $0x780;
	[dreg:$0x10] =	wrdreg s12  }
0x7: {  	s14 =	simm.s32 $0x400;
	[dreg:$0x11] =	wrdreg s13  }
0x8: {  	s15 =	simm.s32 $0x1780;
	[dreg:$0x12] =	wrdreg s14  }
0x9: {  	s16 =	simm.s32 $0x480;
	[dreg:$0x13] =	wrdreg s15  }
0xa: {  	s17 =	simm.s32 $0x2780;
	[dreg:$0x14] =	wrdreg s16  }
0xb: {  	s18 =	simm.s32 $0x500;
	[dreg:$0x15] =	wrdreg s17  }
0xc: {  	s0 =	srdreg.scid;
	s20 =	simm.s32 $0x3780;
	[dreg:$0x16] =	wrdreg s18  }
0xd: {  	s21 =	simm.s32 $0x580;
	s22 =	simm.s32 $0x4780;
	[dreg:$0x17] =	wrdreg s20  }
0xe: {  	s23 =	simm.s32 $0x600;
	s24 =	simm.s32 $0x680;
	[dreg:$0x18] =	wrdreg s21  }
0xf: {  	vm0 =	vmmov $0xffff;
	v5 =	vimm.s32 $0xC6;
	v6 =	vimm.s32 $0xC7;
	s25 =	simm.s32 $0x6780;
	s26 =	simm.s32 $0x700;
	[dreg:$0x19] =	wrdreg s22  }
0x10: {  	v7 =	vimm.s32 $0xC8;
	v8 =	vimm.s32 $0xC9;
	v9 =	vimm.s32 $0xCA;
	s31 =	simm.s32 $0x2;
	s0 =	sand.u32 $0x1, s0;
	[dreg:$0x1a] =	wrdreg s23  }
0x11: {  	v10 =	vimm.s32 $0xCB;
	v11 =	vimm.s32 $0xCC;
	v12 =	vimm.s32 $0xCD;
	s29 =	sadd.s32 $0x1E00, s1;
	s5 =	sor.u32 s0, s5;
	[dreg:$0x1c] =	wrdreg s24  }
0x12: {  	v13 =	vimm.s32 $0xCE;
	v14 =	vimm.s32 $0xCF;
	v15 =	vimm.s32 $0xD0;
	s0 =	ssub.s32 $0x2, s0;
	s6 =	sshll.u32 s5, $0x5;
	[dreg:$0x1d] =	wrdreg s25  }
0x13: {  	v16 =	vimm.s32 $0xD1;
	v17 =	vimm.s32 $0xD2;
	v18 =	vimm.s32 $0xD3;
	s28 =	sshll.u32 s5, $0x7;
	[dreg:$0x1e] =	wrdreg s26;
	s17 =	simm.s32 $0x5780  }
0x14: {  	v19 =	vimm.s32 $0xD4;
	v20 =	vimm.s32 $0xD5;
	v21 =	vimm.s32 $0xD6;
	s5 =	sshll.u32 s5, $0xF;
	s4 =	sadd.s32 s4, s6;
	[dreg:$0x1b] =	wrdreg s17  }
0x15: {  	v22 =	vimm.s32 $0xD7;
	v23 =	vimm.s32 $0xD8;
	v24 =	vimm.s32 $0xD9;
	s7 =	sadd.s32 s6, s1;
	s5 =	sadd.s32 s3, s5;
	[dreg:$0x7] =	wrdreg s4  }
0x16: {  	v25 =	vimm.s32 $0xDA;
	v26 =	vimm.s32 $0xDB;
	v27 =	vimm.s32 $0xDC;
	s8 =	sadd.s32 s28, s1;
	s28 =	simm.s32 $0x7780;
	[smem:$0x7FC] =	sst s5  }
0x17: {  	v28 =	vimm.s32 $0xDD;
	v29 =	vimm.s32 $0xDE;
	v30 =	vimm.s32 $0xDF;
	s19 =	sshrl.u32 s0, $0x1;
	s9 =	sadd.s32 $0x400, s7;
	[dreg:$0x1f] =	wrdreg s28  }
0x18: {  	v31 =	vimm.s32 $0xE0;
	v32 =	vimm.s32 $0xE1;
	v33 =	vimm.s32 $0xE2;
	s18 =	sadd.s32 $0x1F00, s1;
	s7 =	sadd.s32 $0x800, s7;
	[dreg:$0x5] =	wrdreg s9  }
0x19: {  	v34 =	vimm.s32 $0xE3;
	v35 =	vimm.s32 $0xE4;
	v36 =	vimm.s32 $0xE5;
	s23 =	simm.s32 $0x5;
	s30 =	sadd.s32 $0xE00, s8;
	[dreg:$0x6] =	wrdreg s7  }
0x1a: {  	v37 =	vimm.s32 $0xE6;
	v38 =	vimm.s32 $0xE7;
	v39 =	vimm.s32 $0xE8;
	s20 =	simm.s32 $0x10780;
	s3 =	sadd.s32 $0x1000, s5;
	[dreg:$0x8] =	wrdreg s30  }
0x1b: {  	v40 =	vimm.s32 $0xE9;
	v41 =	vimm.s32 $0xEA;
	v42 =	vimm.s32 $0xEB;
	s24 =	simm.s32 $0x1;
	s6 =	sadd.s32 $0x2000, s5;
	[dreg:$0x9] =	wrdreg s3  }
0x1c: {  	v43 =	vimm.s32 $0xEC;
	v44 =	vimm.s32 $0xED;
	v45 =	vimm.s32 $0xEE;
	s25 =	simm.s32 $0x3;
	s8 =	sadd.s32 $0x4000, s5;
	[dreg:$0xa] =	wrdreg s6  }
0x1d: {  	v46 =	vimm.s32 $0xEF;
	v47 =	vimm.s32 $0xF1;
	v48 =	vimm.s32 $0xF2;
	s0 =	ssub.s32 s0, s19;
	s10 =	sadd.s32 $0x6000, s5;
	[dreg:$0xc] =	wrdreg s8  }
0x1e: {  	v49 =	vimm.s32 $0xF3;
	v50 =	vimm.s32 $0xF4;
	v51 =	vimm.s32 $0xF5;
	s19 =	sadd.s32 $0x2100, s1;
	s11 =	sadd.s32 $0x7000, s5;
	[dreg:$0xe] =	wrdreg s10  }
0x1f: {  	v52 =	vimm.s32 $0xF6;
	v53 =	vimm.s32 $0xF7;
	v54 =	vimm.s32 $0xF8;
	s4 =	sadd.s32 $0x2000, s1;
	s7 =	sadd.s32 $0x3000, s5;
	[dreg:$0xf] =	wrdreg s11  }
0x20: {  	v55 =	vimm.s32 $0xF9;
	v56 =	vimm.s32 $0xFA;
	v57 =	vimm.s32 $0xF0;
	s9 =	sadd.s32 $0x5000, s5;
	s5 =	smax.u32 s0, $0x1;
	[dreg:$0xb] =	wrdreg s7  }
0x21: {  	v58 =	vimm.s32 $0xFB;
	v59 =	vimm.s32 $0xFC;
	v60 =	vimm.s32 $0xFD;
	s8 =	simm.s32 $0x280;
	s30 =	sadd.s32 $0x181E00, s1;
	[dreg:$0xd] =	wrdreg s9  }
0x22: {  	v61 =	vimm.s32 $0xFE;
	v62 =	vimm.s32 $0xFF;
	v63 =	vlaneseq.u32;
	s11 =	simm.s32 $0x8780;
	s1 =	simm.s32 $0x4;
	[smem:$0x7FD] =	sst s30  }
.LBB2_1:
0x23: {  	[smem:$0x7FB] =	sst s5  }
0x24: {  	s0 =	rddreg [dreg:$0x5];
	s3 =	simm.s32 $0x6  }
0x25: {  	[tilespmem:s2], [sflag:$0x6] =	stream.linear.gather [hbm4b:s0+s2], $0x100, $0x38;
	[tilespmem:$0x18780] =	vst v63  }
0x26: {  	_ =	swait.ge [sflag:s3], $0x100  }
0x27: {  	s30 =	rddreg [dreg:$0x6];
	[sflag:s3] =	ssyncset.done $0x0  }
0x28: {  	s9 =	rddreg [dreg:$0x10];
	[sflag:s3] =	ssyncadd.s32 $0xFFFFFF00  }
0x29: {  	[tilespmem:s9], [sflag:$0x6] =	stream.linear.gather [hbm4b:s30+s2], $0x100, $0x38;
	[tilespmem:$0x18780] =	vst v63  }
0x2a: {  	_ =	swait.ge [sflag:s3], $0x100  }
0x2b: {  	[sflag:s3] =	ssyncset.done $0x0  }
0x2c: {  	s6 =	simm.s32 $0x200;
	s5 =	rddreg [dreg:$0x4];
	[sflag:s3] =	ssyncadd.s32 $0xFFFFFF00  }
0x2d: {  	[tilespmem:s6], [sflag:$0x6] =	stream.linear.gather [hbm4b:s5+s2], $0x80, $0x38;
	[tilespmem:$0x18780] =	vst v63  }
0x2e: {  	_ =	swait.ge [sflag:s3], $0x80  }
0x2f: {  	[sflag:s3] =	ssyncset.done $0x0  }
0x30: {  	s7 =	rddreg [dreg:$0x7];
	[sflag:s3] =	ssyncadd.s32 $0xFFFFFF80  }
0x31: {  	[tilespmem:s8], [sflag:$0x6] =	stream.linear.gather [hbm4b:s7+s2], $0x100, $0x38;
	[tilespmem:$0x18780] =	vst v63  }
0x32: {  	_ =	swait.ge [sflag:s3], $0x100  }
0x33: {  	[sflag:s3] =	ssyncset.done $0x0  }
0x34: {  	[sflag:s3] =	ssyncadd.s32 $0xFFFFFF00  }
0x35: {  	v0 =	vld [tilespmem:$0x0];
	_ =	sdelay $0x5  }
0x36: {  	v1 =	vld [tilespmem:$0x100]  }
0x37: {  	v2 =	vld [tilespmem:$0x10]  }
0x38: {  	v0 =	vld.idx.msk [tilespmem:v0+s6+$0x0], $0xffff;
	_ =	sdelay $0x4  }
0x39: {  	v0 =	vadd.s32 v1, v0;
	v1 =	vld [tilespmem:$0x110]  }
0x3a: {  	[tilespmem:$0x380] =	vst v0;
	v0 =	vld [tilespmem:$0x20]  }
0x3b: {  	v2 =	vld.idx.msk [tilespmem:v2+s6+$0x0], $0xffff;
	_ =	sdelay $0x4  }
0x3c: {  	v1 =	vadd.s32 v1, v2;
	v2 =	vld [tilespmem:$0x120]  }
0x3d: {  	[tilespmem:$0x390] =	vst v1;
	v1 =	vld [tilespmem:$0x30]  }
0x3e: {  	v0 =	vld.idx.msk [tilespmem:v0+s6+$0x0], $0xffff;
	_ =	sdelay $0x4  }
0x3f: {  	v0 =	vadd.s32 v2, v0;
	v2 =	vld [tilespmem:$0x130]  }
0x40: {  	[tilespmem:$0x400] =	vst v0;
	v0 =	vld [tilespmem:$0x40]  }
0x41: {  	v1 =	vld.idx.msk [tilespmem:v1+s6+$0x0], $0xffff;
	_ =	sdelay $0x4  }
0x42: {  	v1 =	vadd.s32 v2, v1;
	v2 =	vld [tilespmem:$0x140]  }
0x43: {  	[tilespmem:$0x410] =	vst v1;
	v1 =	vld [tilespmem:$0x50]  }
0x44: {  	v0 =	vld.idx.msk [tilespmem:v0+s6+$0x0], $0xffff;
	_ =	sdelay $0x4  }
0x45: {  	v0 =	vadd.s32 v2, v0;
	v2 =	vld [tilespmem:$0x150]  }
0x46: {  	[tilespmem:$0x480] =	vst v0;
	v0 =	vld [tilespmem:$0x60]  }
0x47: {  	v1 =	vld.idx.msk [tilespmem:v1+s6+$0x0], $0xffff;
	_ =	sdelay $0x4  }
0x48: {  	v1 =	vadd.s32 v2, v1;
	v2 =	vld [tilespmem:$0x160]  }
0x49: {  	[tilespmem:$0x490] =	vst v1;
	v1 =	vld [tilespmem:$0x70]  }
0x4a: {  	v0 =	vld.idx.msk [tilespmem:v0+s6+$0x0], $0xffff;
	_ =	sdelay $0x4  }
0x4b: {  	v0 =	vadd.s32 v2, v0;
	v2 =	vld [tilespmem:$0x170]  }
0x4c: {  	[tilespmem:$0x500] =	vst v0;
	v0 =	vld [tilespmem:$0x80]  }
0x4d: {  	v1 =	vld.idx.msk [tilespmem:v1+s6+$0x0], $0xffff;
	_ =	sdelay $0x4  }
0x4e: {  	v1 =	vadd.s32 v2, v1;
	v2 =	vld [tilespmem:$0x180]  }
0x4f: {  	[tilespmem:$0x510] =	vst v1;
	v1 =	vld [tilespmem:$0x90]  }
0x50: {  	v0 =	vld.idx.msk [tilespmem:v0+s6+$0x0], $0xffff;
	_ =	sdelay $0x4  }
0x51: {  	v0 =	vadd.s32 v2, v0;
	v2 =	vld [tilespmem:$0x190]  }
0x52: {  	[tilespmem:$0x580] =	vst v0;
	v0 =	vld [tilespmem:$0xA0]  }
0x53: {  	v1 =	vld.idx.msk [tilespmem:v1+s6+$0x0], $0xffff;
	_ =	sdelay $0x4  }
0x54: {  	v1 =	vadd.s32 v2, v1;
	v2 =	vld [tilespmem:$0x1A0]  }
0x55: {  	[tilespmem:$0x590] =	vst v1;
	v1 =	vld [tilespmem:$0xB0]  }
0x56: {  	v0 =	vld.idx.msk [tilespmem:v0+s6+$0x0], $0xffff;
	_ =	sdelay $0x4  }
0x57: {  	v0 =	vadd.s32 v2, v0;
	v2 =	vld [tilespmem:$0x1B0]  }
0x58: {  	[tilespmem:$0x600] =	vst v0;
	v0 =	vld [tilespmem:$0xC0]  }
0x59: {  	v1 =	vld.idx.msk [tilespmem:v1+s6+$0x0], $0xffff;
	_ =	sdelay $0x4  }
0x5a: {  	v1 =	vadd.s32 v2, v1;
	v2 =	vld [tilespmem:$0x1C0]  }
0x5b: {  	[tilespmem:$0x610] =	vst v1;
	v1 =	vld [tilespmem:$0xD0]  }
0x5c: {  	v0 =	vld.idx.msk [tilespmem:v0+s6+$0x0], $0xffff;
	_ =	sdelay $0x4  }
0x5d: {  	v0 =	vadd.s32 v2, v0;
	v2 =	vld [tilespmem:$0x1D0]  }
0x5e: {  	[tilespmem:$0x680] =	vst v0;
	v0 =	vld [tilespmem:$0xE0]  }
0x5f: {  	v1 =	vld.idx.msk [tilespmem:v1+s6+$0x0], $0xffff;
	_ =	sdelay $0x4  }
0x60: {  	v1 =	vadd.s32 v2, v1;
	v2 =	vld [tilespmem:$0x1E0]  }
0x61: {  	[tilespmem:$0x690] =	vst v1;
	v1 =	vld [tilespmem:$0xF0]  }
0x62: {  	v0 =	vld.idx.msk [tilespmem:v0+s6+$0x0], $0xffff;
	_ =	sdelay $0x4  }
0x63: {  	v0 =	vadd.s32 v2, v0  }
0x64: {  	[tilespmem:$0x700] =	vst v0;
	v0 =	vld [tilespmem:$0x1F0]  }
0x65: {  	v1 =	vld.idx.msk [tilespmem:v1+s6+$0x0], $0xffff;
	_ =	sdelay $0x4  }
0x66: {  	v0 =	vadd.s32 v0, v1  }
0x67: {  	s13 =	simm.s32 $0x380;
	s9 =	rddreg [dreg:$0x8];
	[tilespmem:$0x710] =	vst v0  }
0x68: {  	[hbm4b:s9+s2] =	stream.linear.scatter [tilespmem:s13], [sflag:$0x6], $0x400, $0x38;
	[tilespmem:$0x18780] =	vst v63  }
0x69: {  	_ =	swait.ge [sflag:s3], $0x400  }
0x6a: {  	[sflag:s3] =	ssyncset.done $0x0  }
0x6b: {  	[sflag:s3] =	ssyncadd.s32 $0xFFFFFC00  }
0x6c: {  	v0 =	vld.msk [tilespmem:s8+$0x0], $0xffff;
	_ =	sdelay $0x4  }
0x6d: {  	[tilespmem:$0x780] =	vst v0;
	v0 =	vimm.s32 $0x1;
	_ =	sdelay $0x4  }
0x6e: {  	v0 =	vld.idx.msk [tilespmem:v0+s8+$0x0], $0xffff;
	_ =	sdelay $0x4  }
0x6f: {  	[tilespmem:$0x800] =	vst v0;
	v0 =	vimm.s32 $0x2;
	_ =	sdelay $0x4  }
0x70: {  	v0 =	vld.idx.msk [tilespmem:v0+s8+$0x0], $0xffff;
	_ =	sdelay $0x4  }
0x71: {  	[tilespmem:$0x880] =	vst v0;
	v0 =	vimm.s32 $0x3;
	_ =	sdelay $0x4  }
0x72: {  	v0 =	vld.idx.msk [tilespmem:v0+s8+$0x0], $0xffff;
	_ =	sdelay $0x4  }
0x73: {  	[tilespmem:$0x900] =	vst v0;
	v0 =	vimm.s32 $0x4;
	_ =	sdelay $0x4  }
0x74: {  	v0 =	vld.idx.msk [tilespmem:v0+s8+$0x0], $0xffff;
	_ =	sdelay $0x4  }
0x75: {  	[tilespmem:$0x980] =	vst v0;
	v0 =	vimm.s32 $0x5;
	_ =	sdelay $0x4  }
0x76: {  	v0 =	vld.idx.msk [tilespmem:v0+s8+$0x0], $0xffff;
	_ =	sdelay $0x4  }
0x77: {  	[tilespmem:$0xA00] =	vst v0;
	v0 =	vimm.s32 $0x6;
	_ =	sdelay $0x4  }
0x78: {  	v0 =	vld.idx.msk [tilespmem:v0+s8+$0x0], $0xffff;
	_ =	sdelay $0x4  }
0x79: {  	[tilespmem:$0xA80] =	vst v0;
	v0 =	vimm.s32 $0x7;
	_ =	sdelay $0x4  }
0x7a: {  	v0 =	vld.idx.msk [tilespmem:v0+s8+$0x0], $0xffff;
	_ =	sdelay $0x4  }
0x7b: {  	[tilespmem:$0xB00] =	vst v0;
	v0 =	vimm.s32 $0x8;
	_ =	sdelay $0x4  }
0x7c: {  	v0 =	vld.idx.msk [tilespmem:v0+s8+$0x0], $0xffff;
	_ =	sdelay $0x4  }
0x7d: {  	[tilespmem:$0xB80] =	vst v0;
	v0 =	vimm.s32 $0x9;
	_ =	sdelay $0x4  }
0x7e: {  	v0 =	vld.idx.msk [tilespmem:v0+s8+$0x0], $0xffff;
	_ =	sdelay $0x4  }
0x7f: {  	[tilespmem:$0xC00] =	vst v0;
	v0 =	vimm.s32 $0xA;
	_ =	sdelay $0x4  }
0x80: {  	v0 =	vld.idx.msk [tilespmem:v0+s8+$0x0], $0xffff;
	_ =	sdelay $0x4  }
0x81: {  	[tilespmem:$0xC80] =	vst v0;
	v0 =	vimm.s32 $0xB;
	_ =	sdelay $0x4  }
0x82: {  	v0 =	vld.idx.msk [tilespmem:v0+s8+$0x0], $0xffff;
	_ =	sdelay $0x4  }
0x83: {  	[tilespmem:$0xD00] =	vst v0;
	v0 =	vimm.s32 $0xC;
	_ =	sdelay $0x4  }
0x84: {  	v0 =	vld.idx.msk [tilespmem:v0+s8+$0x0], $0xffff;
	_ =	sdelay $0x4  }
0x85: {  	[tilespmem:$0xD80] =	vst v0;
	v0 =	vimm.s32 $0xD;
	_ =	sdelay $0x4  }
0x86: {  	v0 =	vld.idx.msk [tilespmem:v0+s8+$0x0], $0xffff;
	_ =	sdelay $0x4  }
0x87: {  	[tilespmem:$0xE00] =	vst v0;
	v0 =	vimm.s32 $0xE;
	_ =	sdelay $0x4  }
0x88: {  	v0 =	vld.idx.msk [tilespmem:v0+s8+$0x0], $0xffff;
	_ =	sdelay $0x4  }
0x89: {  	[tilespmem:$0xE80] =	vst v0;
	v0 =	vimm.s32 $0xF;
	_ =	sdelay $0x4  }
0x8a: {  	v0 =	vld.idx.msk [tilespmem:v0+s8+$0x0], $0xffff;
	_ =	sdelay $0x4  }
0x8b: {  	[tilespmem:$0xF00] =	vst v0;
	v0 =	vimm.s32 $0x10;
	_ =	sdelay $0x4  }
0x8c: {  	v0 =	vld.idx.msk [tilespmem:v0+s8+$0x0], $0xffff;
	_ =	sdelay $0x4  }
0x8d: {  	[tilespmem:$0xF80] =	vst v0;
	v0 =	vimm.s32 $0x11;
	_ =	sdelay $0x4  }
0x8e: {  	v0 =	vld.idx.msk [tilespmem:v0+s8+$0x0], $0xffff;
	_ =	sdelay $0x4  }
0x8f: {  	[tilespmem:$0x1000] =	vst v0;
	v0 =	vimm.s32 $0x12;
	_ =	sdelay $0x4  }
0x90: {  	v0 =	vld.idx.msk [tilespmem:v0+s8+$0x0], $0xffff;
	_ =	sdelay $0x4  }
0x91: {  	[tilespmem:$0x1080] =	vst v0;
	v0 =	vimm.s32 $0x13;
	_ =	sdelay $0x4  }
0x92: {  	v0 =	vld.idx.msk [tilespmem:v0+s8+$0x0], $0xffff;
	_ =	sdelay $0x4  }
0x93: {  	[tilespmem:$0x1100] =	vst v0;
	v0 =	vimm.s32 $0x14;
	_ =	sdelay $0x4  }
0x94: {  	v0 =	vld.idx.msk [tilespmem:v0+s8+$0x0], $0xffff;
	_ =	sdelay $0x4  }
0x95: {  	[tilespmem:$0x1180] =	vst v0;
	v0 =	vimm.s32 $0x15;
	_ =	sdelay $0x4  }
0x96: {  	v0 =	vld.idx.msk [tilespmem:v0+s8+$0x0], $0xffff;
	_ =	sdelay $0x4  }
0x97: {  	[tilespmem:$0x1200] =	vst v0;
	v0 =	vimm.s32 $0x16;
	_ =	sdelay $0x4  }
0x98: {  	v0 =	vld.idx.msk [tilespmem:v0+s8+$0x0], $0xffff;
	_ =	sdelay $0x4  }
0x99: {  	[tilespmem:$0x1280] =	vst v0;
	v0 =	vimm.s32 $0x17;
	_ =	sdelay $0x4  }
0x9a: {  	v0 =	vld.idx.msk [tilespmem:v0+s8+$0x0], $0xffff;
	_ =	sdelay $0x4  }
0x9b: {  	[tilespmem:$0x1300] =	vst v0;
	v0 =	vimm.s32 $0x18;
	_ =	sdelay $0x4  }
0x9c: {  	v0 =	vld.idx.msk [tilespmem:v0+s8+$0x0], $0xffff;
	_ =	sdelay $0x4  }
0x9d: {  	[tilespmem:$0x1380] =	vst v0;
	v0 =	vimm.s32 $0x19;
	_ =	sdelay $0x4  }
0x9e: {  	v0 =	vld.idx.msk [tilespmem:v0+s8+$0x0], $0xffff;
	_ =	sdelay $0x4  }
0x9f: {  	[tilespmem:$0x1400] =	vst v0;
	v0 =	vimm.s32 $0x1A;
	_ =	sdelay $0x4  }
0xa0: {  	v0 =	vld.idx.msk [tilespmem:v0+s8+$0x0], $0xffff;
	_ =	sdelay $0x4  }
0xa1: {  	[tilespmem:$0x1480] =	vst v0;
	v0 =	vimm.s32 $0x1B;
	_ =	sdelay $0x4  }
0xa2: {  	v0 =	vld.idx.msk [tilespmem:v0+s8+$0x0], $0xffff;
	_ =	sdelay $0x4  }
0xa3: {  	[tilespmem:$0x1500] =	vst v0;
	v0 =	vimm.s32 $0x1C;
	_ =	sdelay $0x4  }
0xa4: {  	v0 =	vld.idx.msk [tilespmem:v0+s8+$0x0], $0xffff;
	_ =	sdelay $0x4  }
0xa5: {  	[tilespmem:$0x1580] =	vst v0;
	v0 =	vimm.s32 $0x1D;
	_ =	sdelay $0x4  }
0xa6: {  	v0 =	vld.idx.msk [tilespmem:v0+s8+$0x0], $0xffff;
	_ =	sdelay $0x4  }
0xa7: {  	[tilespmem:$0x1600] =	vst v0;
	v0 =	vimm.s32 $0x1E;
	_ =	sdelay $0x4  }
0xa8: {  	v0 =	vld.idx.msk [tilespmem:v0+s8+$0x0], $0xffff;
	_ =	sdelay $0x4  }
0xa9: {  	[tilespmem:$0x1680] =	vst v0;
	v0 =	vimm.s32 $0x1F;
	_ =	sdelay $0x4  }
0xaa: {  	v0 =	vld.idx.msk [tilespmem:v0+s8+$0x0], $0xffff;
	_ =	sdelay $0x4  }
0xab: {  	[tilespmem:$0x1700] =	vst v0;
	v0 =	vimm.s32 $0x20;
	_ =	sdelay $0x4  }
0xac: {  	v0 =	vld.idx.msk [tilespmem:v0+s8+$0x0], $0xffff;
	_ =	sdelay $0x4  }
0xad: {  	[tilespmem:$0x1780] =	vst v0;
	v0 =	vimm.s32 $0x21;
	_ =	sdelay $0x4  }
0xae: {  	v0 =	vld.idx.msk [tilespmem:v0+s8+$0x0], $0xffff;
	_ =	sdelay $0x4  }
0xaf: {  	[tilespmem:$0x1800] =	vst v0;
	v0 =	vimm.s32 $0x22;
	_ =	sdelay $0x4  }
0xb0: {  	v0 =	vld.idx.msk [tilespmem:v0+s8+$0x0], $0xffff;
	_ =	sdelay $0x4  }
0xb1: {  	[tilespmem:$0x1880] =	vst v0;
	v0 =	vimm.s32 $0x23;
	_ =	sdelay $0x4  }
0xb2: {  	v0 =	vld.idx.msk [tilespmem:v0+s8+$0x0], $0xffff;
	_ =	sdelay $0x4  }
0xb3: {  	[tilespmem:$0x1900] =	vst v0;
	v0 =	vimm.s32 $0x24;
	_ =	sdelay $0x4  }
0xb4: {  	v0 =	vld.idx.msk [tilespmem:v0+s8+$0x0], $0xffff;
	_ =	sdelay $0x4  }
0xb5: {  	[tilespmem:$0x1980] =	vst v0;
	v0 =	vimm.s32 $0x25;
	_ =	sdelay $0x4  }
0xb6: {  	v0 =	vld.idx.msk [tilespmem:v0+s8+$0x0], $0xffff;
	_ =	sdelay $0x4  }
0xb7: {  	[tilespmem:$0x1A00] =	vst v0;
	v0 =	vimm.s32 $0x26;
	_ =	sdelay $0x4  }
0xb8: {  	v0 =	vld.idx.msk [tilespmem:v0+s8+$0x0], $0xffff;
	_ =	sdelay $0x4  }
0xb9: {  	[tilespmem:$0x1A80] =	vst v0;
	v0 =	vimm.s32 $0x27;
	_ =	sdelay $0x4  }
0xba: {  	v0 =	vld.idx.msk [tilespmem:v0+s8+$0x0], $0xffff;
	_ =	sdelay $0x4  }
0xbb: {  	[tilespmem:$0x1B00] =	vst v0;
	v0 =	vimm.s32 $0x28;
	_ =	sdelay $0x4  }
0xbc: {  	v0 =	vld.idx.msk [tilespmem:v0+s8+$0x0], $0xffff;
	_ =	sdelay $0x4  }
0xbd: {  	[tilespmem:$0x1B80] =	vst v0;
	v0 =	vimm.s32 $0x29;
	_ =	sdelay $0x4  }
0xbe: {  	v0 =	vld.idx.msk [tilespmem:v0+s8+$0x0], $0xffff;
	_ =	sdelay $0x4  }
0xbf: {  	[tilespmem:$0x1C00] =	vst v0;
	v0 =	vimm.s32 $0x2A;
	_ =	sdelay $0x4  }
0xc0: {  	v0 =	vld.idx.msk [tilespmem:v0+s8+$0x0], $0xffff;
	_ =	sdelay $0x4  }
0xc1: {  	[tilespmem:$0x1C80] =	vst v0;
	v0 =	vimm.s32 $0x2B;
	_ =	sdelay $0x4  }
0xc2: {  	v0 =	vld.idx.msk [tilespmem:v0+s8+$0x0], $0xffff;
	_ =	sdelay $0x4  }
0xc3: {  	[tilespmem:$0x1D00] =	vst v0;
	v0 =	vimm.s32 $0x2C;
	_ =	sdelay $0x4  }
0xc4: {  	v0 =	vld.idx.msk [tilespmem:v0+s8+$0x0], $0xffff;
	_ =	sdelay $0x4  }
0xc5: {  	[tilespmem:$0x1D80] =	vst v0;
	v0 =	vimm.s32 $0x2D;
	_ =	sdelay $0x4  }
0xc6: {  	v0 =	vld.idx.msk [tilespmem:v0+s8+$0x0], $0xffff;
	_ =	sdelay $0x4  }
0xc7: {  	[tilespmem:$0x1E00] =	vst v0;
	v0 =	vimm.s32 $0x2E;
	_ =	sdelay $0x4  }
0xc8: {  	v0 =	vld.idx.msk [tilespmem:v0+s8+$0x0], $0xffff;
	_ =	sdelay $0x4  }
0xc9: {  	[tilespmem:$0x1E80] =	vst v0;
	v0 =	vimm.s32 $0x2F;
	_ =	sdelay $0x4  }
0xca: {  	v0 =	vld.idx.msk [tilespmem:v0+s8+$0x0], $0xffff;
	_ =	sdelay $0x4  }
0xcb: {  	[tilespmem:$0x1F00] =	vst v0;
	v0 =	vimm.s32 $0x30;
	_ =	sdelay $0x4  }
0xcc: {  	v0 =	vld.idx.msk [tilespmem:v0+s8+$0x0], $0xffff;
	_ =	sdelay $0x4  }
0xcd: {  	[tilespmem:$0x1F80] =	vst v0;
	v0 =	vimm.s32 $0x31;
	_ =	sdelay $0x4  }
0xce: {  	v0 =	vld.idx.msk [tilespmem:v0+s8+$0x0], $0xffff;
	_ =	sdelay $0x4  }
0xcf: {  	[tilespmem:$0x2000] =	vst v0;
	v0 =	vimm.s32 $0x32;
	_ =	sdelay $0x4  }
0xd0: {  	v0 =	vld.idx.msk [tilespmem:v0+s8+$0x0], $0xffff;
	_ =	sdelay $0x4  }
0xd1: {  	[tilespmem:$0x2080] =	vst v0;
	v0 =	vimm.s32 $0x33;
	_ =	sdelay $0x4  }
0xd2: {  	v0 =	vld.idx.msk [tilespmem:v0+s8+$0x0], $0xffff;
	_ =	sdelay $0x4  }
0xd3: {  	[tilespmem:$0x2100] =	vst v0;
	v0 =	vimm.s32 $0x34;
	_ =	sdelay $0x4  }
0xd4: {  	v0 =	vld.idx.msk [tilespmem:v0+s8+$0x0], $0xffff;
	_ =	sdelay $0x4  }
0xd5: {  	[tilespmem:$0x2180] =	vst v0;
	v0 =	vimm.s32 $0x35;
	_ =	sdelay $0x4  }
0xd6: {  	v0 =	vld.idx.msk [tilespmem:v0+s8+$0x0], $0xffff;
	_ =	sdelay $0x4  }
0xd7: {  	[tilespmem:$0x2200] =	vst v0;
	v0 =	vimm.s32 $0x36;
	_ =	sdelay $0x4  }
0xd8: {  	v0 =	vld.idx.msk [tilespmem:v0+s8+$0x0], $0xffff;
	_ =	sdelay $0x4  }
0xd9: {  	[tilespmem:$0x2280] =	vst v0;
	v0 =	vimm.s32 $0x37;
	_ =	sdelay $0x4  }
0xda: {  	v0 =	vld.idx.msk [tilespmem:v0+s8+$0x0], $0xffff;
	_ =	sdelay $0x4  }
0xdb: {  	[tilespmem:$0x2300] =	vst v0;
	v0 =	vimm.s32 $0x38;
	_ =	sdelay $0x4  }
0xdc: {  	v0 =	vld.idx.msk [tilespmem:v0+s8+$0x0], $0xffff;
	_ =	sdelay $0x4  }
0xdd: {  	[tilespmem:$0x2380] =	vst v0;
	v0 =	vimm.s32 $0x39;
	_ =	sdelay $0x4  }
0xde: {  	v0 =	vld.idx.msk [tilespmem:v0+s8+$0x0], $0xffff;
	_ =	sdelay $0x4  }
0xdf: {  	[tilespmem:$0x2400] =	vst v0;
	v0 =	vimm.s32 $0x3A;
	_ =	sdelay $0x4  }
0xe0: {  	v0 =	vld.idx.msk [tilespmem:v0+s8+$0x0], $0xffff;
	_ =	sdelay $0x4  }
0xe1: {  	[tilespmem:$0x2480] =	vst v0;
	v0 =	vimm.s32 $0x3B;
	_ =	sdelay $0x4  }
0xe2: {  	v0 =	vld.idx.msk [tilespmem:v0+s8+$0x0], $0xffff;
	_ =	sdelay $0x4  }
0xe3: {  	[tilespmem:$0x2500] =	vst v0;
	v0 =	vimm.s32 $0x3C;
	_ =	sdelay $0x4  }
0xe4: {  	v0 =	vld.idx.msk [tilespmem:v0+s8+$0x0], $0xffff;
	_ =	sdelay $0x4  }
0xe5: {  	[tilespmem:$0x2580] =	vst v0;
	v0 =	vimm.s32 $0x3D;
	_ =	sdelay $0x4  }
0xe6: {  	v0 =	vld.idx.msk [tilespmem:v0+s8+$0x0], $0xffff;
	_ =	sdelay $0x4  }
0xe7: {  	[tilespmem:$0x2600] =	vst v0;
	v0 =	vimm.s32 $0x3E;
	_ =	sdelay $0x4  }
0xe8: {  	v0 =	vld.idx.msk [tilespmem:v0+s8+$0x0], $0xffff;
	_ =	sdelay $0x4  }
0xe9: {  	[tilespmem:$0x2680] =	vst v0;
	v0 =	vimm.s32 $0x3F;
	_ =	sdelay $0x4  }
0xea: {  	v0 =	vld.idx.msk [tilespmem:v0+s8+$0x0], $0xffff;
	_ =	sdelay $0x4  }
0xeb: {  	[tilespmem:$0x2700] =	vst v0;
	v0 =	vimm.s32 $0x40;
	_ =	sdelay $0x4  }
0xec: {  	v0 =	vld.idx.msk [tilespmem:v0+s8+$0x0], $0xffff;
	_ =	sdelay $0x4  }
0xed: {  	[tilespmem:$0x2780] =	vst v0;
	v0 =	vimm.s32 $0x41;
	_ =	sdelay $0x4  }
0xee: {  	v0 =	vld.idx.msk [tilespmem:v0+s8+$0x0], $0xffff;
	_ =	sdelay $0x4  }
0xef: {  	[tilespmem:$0x2800] =	vst v0;
	v0 =	vimm.s32 $0x42;
	_ =	sdelay $0x4  }
0xf0: {  	v0 =	vld.idx.msk [tilespmem:v0+s8+$0x0], $0xffff;
	_ =	sdelay $0x4  }
0xf1: {  	[tilespmem:$0x2880] =	vst v0;
	v0 =	vimm.s32 $0x43;
	_ =	sdelay $0x4  }
0xf2: {  	v0 =	vld.idx.msk [tilespmem:v0+s8+$0x0], $0xffff;
	_ =	sdelay $0x4  }
0xf3: {  	[tilespmem:$0x2900] =	vst v0;
	v0 =	vimm.s32 $0x44;
	_ =	sdelay $0x4  }
0xf4: {  	v0 =	vld.idx.msk [tilespmem:v0+s8+$0x0], $0xffff;
	_ =	sdelay $0x4  }
0xf5: {  	[tilespmem:$0x2980] =	vst v0;
	v0 =	vimm.s32 $0x45;
	_ =	sdelay $0x4  }
0xf6: {  	v0 =	vld.idx.msk [tilespmem:v0+s8+$0x0], $0xffff;
	_ =	sdelay $0x4  }
0xf7: {  	[tilespmem:$0x2A00] =	vst v0;
	v0 =	vimm.s32 $0x46;
	_ =	sdelay $0x4  }
0xf8: {  	v0 =	vld.idx.msk [tilespmem:v0+s8+$0x0], $0xffff;
	_ =	sdelay $0x4  }
0xf9: {  	[tilespmem:$0x2A80] =	vst v0;
	v0 =	vimm.s32 $0x47;
	_ =	sdelay $0x4  }
0xfa: {  	v0 =	vld.idx.msk [tilespmem:v0+s8+$0x0], $0xffff;
	_ =	sdelay $0x4  }
0xfb: {  	[tilespmem:$0x2B00] =	vst v0;
	v0 =	vimm.s32 $0x48;
	_ =	sdelay $0x4  }
0xfc: {  	v0 =	vld.idx.msk [tilespmem:v0+s8+$0x0], $0xffff;
	_ =	sdelay $0x4  }
0xfd: {  	[tilespmem:$0x2B80] =	vst v0;
	v0 =	vimm.s32 $0x49;
	_ =	sdelay $0x4  }
0xfe: {  	v0 =	vld.idx.msk [tilespmem:v0+s8+$0x0], $0xffff;
	_ =	sdelay $0x4  }
0xff: {  	[tilespmem:$0x2C00] =	vst v0;
	v0 =	vimm.s32 $0x4A;
	_ =	sdelay $0x4  }
0x100: {  	v0 =	vld.idx.msk [tilespmem:v0+s8+$0x0], $0xffff;
	_ =	sdelay $0x4  }
0x101: {  	[tilespmem:$0x2C80] =	vst v0;
	v0 =	vimm.s32 $0x4B;
	_ =	sdelay $0x4  }
0x102: {  	v0 =	vld.idx.msk [tilespmem:v0+s8+$0x0], $0xffff;
	_ =	sdelay $0x4  }
0x103: {  	[tilespmem:$0x2D00] =	vst v0;
	v0 =	vimm.s32 $0x4C;
	_ =	sdelay $0x4  }
0x104: {  	v0 =	vld.idx.msk [tilespmem:v0+s8+$0x0], $0xffff;
	_ =	sdelay $0x4  }
0x105: {  	[tilespmem:$0x2D80] =	vst v0;
	v0 =	vimm.s32 $0x4D;
	_ =	sdelay $0x4  }
0x106: {  	v0 =	vld.idx.msk [tilespmem:v0+s8+$0x0], $0xffff;
	_ =	sdelay $0x4  }
0x107: {  	[tilespmem:$0x2E00] =	vst v0;
	v0 =	vimm.s32 $0x4E;
	_ =	sdelay $0x4  }
0x108: {  	v0 =	vld.idx.msk [tilespmem:v0+s8+$0x0], $0xffff;
	_ =	sdelay $0x4  }
0x109: {  	[tilespmem:$0x2E80] =	vst v0;
	v0 =	vimm.s32 $0x4F;
	_ =	sdelay $0x4  }
0x10a: {  	v0 =	vld.idx.msk [tilespmem:v0+s8+$0x0], $0xffff;
	_ =	sdelay $0x4  }
0x10b: {  	[tilespmem:$0x2F00] =	vst v0;
	v0 =	vimm.s32 $0x50;
	_ =	sdelay $0x4  }
0x10c: {  	v0 =	vld.idx.msk [tilespmem:v0+s8+$0x0], $0xffff;
	_ =	sdelay $0x4  }
0x10d: {  	[tilespmem:$0x2F80] =	vst v0;
	v0 =	vimm.s32 $0x51;
	_ =	sdelay $0x4  }
0x10e: {  	v0 =	vld.idx.msk [tilespmem:v0+s8+$0x0], $0xffff;
	_ =	sdelay $0x4  }
0x10f: {  	[tilespmem:$0x3000] =	vst v0;
	v0 =	vimm.s32 $0x52;
	_ =	sdelay $0x4  }
0x110: {  	v0 =	vld.idx.msk [tilespmem:v0+s8+$0x0], $0xffff;
	_ =	sdelay $0x4  }
0x111: {  	[tilespmem:$0x3080] =	vst v0;
	v0 =	vimm.s32 $0x53;
	_ =	sdelay $0x4  }
0x112: {  	v0 =	vld.idx.msk [tilespmem:v0+s8+$0x0], $0xffff;
	_ =	sdelay $0x4  }
0x113: {  	[tilespmem:$0x3100] =	vst v0;
	v0 =	vimm.s32 $0x54;
	_ =	sdelay $0x4  }
0x114: {  	v0 =	vld.idx.msk [tilespmem:v0+s8+$0x0], $0xffff;
	_ =	sdelay $0x4  }
0x115: {  	[tilespmem:$0x3180] =	vst v0;
	v0 =	vimm.s32 $0x55;
	_ =	sdelay $0x4  }
0x116: {  	v0 =	vld.idx.msk [tilespmem:v0+s8+$0x0], $0xffff;
	_ =	sdelay $0x4  }
0x117: {  	[tilespmem:$0x3200] =	vst v0;
	v0 =	vimm.s32 $0x56;
	_ =	sdelay $0x4  }
0x118: {  	v0 =	vld.idx.msk [tilespmem:v0+s8+$0x0], $0xffff;
	_ =	sdelay $0x4  }
0x119: {  	[tilespmem:$0x3280] =	vst v0;
	v0 =	vimm.s32 $0x57;
	_ =	sdelay $0x4  }
0x11a: {  	v0 =	vld.idx.msk [tilespmem:v0+s8+$0x0], $0xffff;
	_ =	sdelay $0x4  }
0x11b: {  	[tilespmem:$0x3300] =	vst v0;
	v0 =	vimm.s32 $0x58;
	_ =	sdelay $0x4  }
0x11c: {  	v0 =	vld.idx.msk [tilespmem:v0+s8+$0x0], $0xffff;
	_ =	sdelay $0x4  }
0x11d: {  	[tilespmem:$0x3380] =	vst v0;
	v0 =	vimm.s32 $0x59;
	_ =	sdelay $0x4  }
0x11e: {  	v0 =	vld.idx.msk [tilespmem:v0+s8+$0x0], $0xffff;
	_ =	sdelay $0x4  }
0x11f: {  	[tilespmem:$0x3400] =	vst v0;
	v0 =	vimm.s32 $0x5A;
	_ =	sdelay $0x4  }
0x120: {  	v0 =	vld.idx.msk [tilespmem:v0+s8+$0x0], $0xffff;
	_ =	sdelay $0x4  }
0x121: {  	[tilespmem:$0x3480] =	vst v0;
	v0 =	vimm.s32 $0x5B;
	_ =	sdelay $0x4  }
0x122: {  	v0 =	vld.idx.msk [tilespmem:v0+s8+$0x0], $0xffff;
	_ =	sdelay $0x4  }
0x123: {  	[tilespmem:$0x3500] =	vst v0;
	v0 =	vimm.s32 $0x5C;
	_ =	sdelay $0x4  }
0x124: {  	v0 =	vld.idx.msk [tilespmem:v0+s8+$0x0], $0xffff;
	_ =	sdelay $0x4  }
0x125: {  	[tilespmem:$0x3580] =	vst v0;
	v0 =	vimm.s32 $0x5D;
	_ =	sdelay $0x4  }
0x126: {  	v0 =	vld.idx.msk [tilespmem:v0+s8+$0x0], $0xffff;
	_ =	sdelay $0x4  }
0x127: {  	[tilespmem:$0x3600] =	vst v0;
	v0 =	vimm.s32 $0x5E;
	_ =	sdelay $0x4  }
0x128: {  	v0 =	vld.idx.msk [tilespmem:v0+s8+$0x0], $0xffff;
	_ =	sdelay $0x4  }
0x129: {  	[tilespmem:$0x3680] =	vst v0;
	v0 =	vimm.s32 $0x5F;
	_ =	sdelay $0x4  }
0x12a: {  	v0 =	vld.idx.msk [tilespmem:v0+s8+$0x0], $0xffff;
	_ =	sdelay $0x4  }
0x12b: {  	[tilespmem:$0x3700] =	vst v0;
	v0 =	vimm.s32 $0x60;
	_ =	sdelay $0x4  }
0x12c: {  	v0 =	vld.idx.msk [tilespmem:v0+s8+$0x0], $0xffff;
	_ =	sdelay $0x4  }
0x12d: {  	[tilespmem:$0x3780] =	vst v0;
	v0 =	vimm.s32 $0x61;
	_ =	sdelay $0x4  }
0x12e: {  	v0 =	vld.idx.msk [tilespmem:v0+s8+$0x0], $0xffff;
	_ =	sdelay $0x4  }
0x12f: {  	[tilespmem:$0x3800] =	vst v0;
	v0 =	vimm.s32 $0x62;
	_ =	sdelay $0x4  }
0x130: {  	v0 =	vld.idx.msk [tilespmem:v0+s8+$0x0], $0xffff;
	_ =	sdelay $0x4  }
0x131: {  	[tilespmem:$0x3880] =	vst v0;
	v0 =	vimm.s32 $0x63;
	_ =	sdelay $0x4  }
0x132: {  	v0 =	vld.idx.msk [tilespmem:v0+s8+$0x0], $0xffff;
	_ =	sdelay $0x4  }
0x133: {  	[tilespmem:$0x3900] =	vst v0;
	v0 =	vimm.s32 $0x64;
	_ =	sdelay $0x4  }
0x134: {  	v0 =	vld.idx.msk [tilespmem:v0+s8+$0x0], $0xffff;
	_ =	sdelay $0x4  }
0x135: {  	[tilespmem:$0x3980] =	vst v0;
	v0 =	vimm.s32 $0x65;
	_ =	sdelay $0x4  }
0x136: {  	v0 =	vld.idx.msk [tilespmem:v0+s8+$0x0], $0xffff;
	_ =	sdelay $0x4  }
0x137: {  	[tilespmem:$0x3A00] =	vst v0;
	v0 =	vimm.s32 $0x66;
	_ =	sdelay $0x4  }
0x138: {  	v0 =	vld.idx.msk [tilespmem:v0+s8+$0x0], $0xffff;
	_ =	sdelay $0x4  }
0x139: {  	[tilespmem:$0x3A80] =	vst v0;
	v0 =	vimm.s32 $0x67;
	_ =	sdelay $0x4  }
0x13a: {  	v0 =	vld.idx.msk [tilespmem:v0+s8+$0x0], $0xffff;
	_ =	sdelay $0x4  }
0x13b: {  	[tilespmem:$0x3B00] =	vst v0;
	v0 =	vimm.s32 $0x68;
	_ =	sdelay $0x4  }
0x13c: {  	v0 =	vld.idx.msk [tilespmem:v0+s8+$0x0], $0xffff;
	_ =	sdelay $0x4  }
0x13d: {  	[tilespmem:$0x3B80] =	vst v0;
	v0 =	vimm.s32 $0x69;
	_ =	sdelay $0x4  }
0x13e: {  	v0 =	vld.idx.msk [tilespmem:v0+s8+$0x0], $0xffff;
	_ =	sdelay $0x4  }
0x13f: {  	[tilespmem:$0x3C00] =	vst v0;
	v0 =	vimm.s32 $0x6A;
	_ =	sdelay $0x4  }
0x140: {  	v0 =	vld.idx.msk [tilespmem:v0+s8+$0x0], $0xffff;
	_ =	sdelay $0x4  }
0x141: {  	[tilespmem:$0x3C80] =	vst v0;
	v0 =	vimm.s32 $0x6B;
	_ =	sdelay $0x4  }
0x142: {  	v0 =	vld.idx.msk [tilespmem:v0+s8+$0x0], $0xffff;
	_ =	sdelay $0x4  }
0x143: {  	[tilespmem:$0x3D00] =	vst v0;
	v0 =	vimm.s32 $0x6C;
	_ =	sdelay $0x4  }
0x144: {  	v0 =	vld.idx.msk [tilespmem:v0+s8+$0x0], $0xffff;
	_ =	sdelay $0x4  }
0x145: {  	[tilespmem:$0x3D80] =	vst v0;
	v0 =	vimm.s32 $0x6D;
	_ =	sdelay $0x4  }
0x146: {  	v0 =	vld.idx.msk [tilespmem:v0+s8+$0x0], $0xffff;
	_ =	sdelay $0x4  }
0x147: {  	[tilespmem:$0x3E00] =	vst v0;
	v0 =	vimm.s32 $0x6E;
	_ =	sdelay $0x4  }
0x148: {  	v0 =	vld.idx.msk [tilespmem:v0+s8+$0x0], $0xffff;
	_ =	sdelay $0x4  }
0x149: {  	[tilespmem:$0x3E80] =	vst v0;
	v0 =	vimm.s32 $0x6F;
	_ =	sdelay $0x4  }
0x14a: {  	v0 =	vld.idx.msk [tilespmem:v0+s8+$0x0], $0xffff;
	_ =	sdelay $0x4  }
0x14b: {  	[tilespmem:$0x3F00] =	vst v0;
	v0 =	vimm.s32 $0x70;
	_ =	sdelay $0x4  }
0x14c: {  	v0 =	vld.idx.msk [tilespmem:v0+s8+$0x0], $0xffff;
	_ =	sdelay $0x4  }
0x14d: {  	[tilespmem:$0x3F80] =	vst v0;
	v0 =	vimm.s32 $0x71;
	_ =	sdelay $0x4  }
0x14e: {  	v0 =	vld.idx.msk [tilespmem:v0+s8+$0x0], $0xffff;
	_ =	sdelay $0x4  }
0x14f: {  	[tilespmem:$0x4000] =	vst v0;
	v0 =	vimm.s32 $0x72;
	_ =	sdelay $0x4  }
0x150: {  	v0 =	vld.idx.msk [tilespmem:v0+s8+$0x0], $0xffff;
	_ =	sdelay $0x4  }
0x151: {  	[tilespmem:$0x4080] =	vst v0;
	v0 =	vimm.s32 $0x73;
	_ =	sdelay $0x4  }
0x152: {  	v0 =	vld.idx.msk [tilespmem:v0+s8+$0x0], $0xffff;
	_ =	sdelay $0x4  }
0x153: {  	[tilespmem:$0x4100] =	vst v0;
	v0 =	vimm.s32 $0x74;
	_ =	sdelay $0x4  }
0x154: {  	v0 =	vld.idx.msk [tilespmem:v0+s8+$0x0], $0xffff;
	_ =	sdelay $0x4  }
0x155: {  	[tilespmem:$0x4180] =	vst v0;
	v0 =	vimm.s32 $0x75;
	_ =	sdelay $0x4  }
0x156: {  	v0 =	vld.idx.msk [tilespmem:v0+s8+$0x0], $0xffff;
	_ =	sdelay $0x4  }
0x157: {  	[tilespmem:$0x4200] =	vst v0;
	v0 =	vimm.s32 $0x76;
	_ =	sdelay $0x4  }
0x158: {  	v0 =	vld.idx.msk [tilespmem:v0+s8+$0x0], $0xffff;
	_ =	sdelay $0x4  }
0x159: {  	[tilespmem:$0x4280] =	vst v0;
	v0 =	vimm.s32 $0x77;
	_ =	sdelay $0x4  }
0x15a: {  	v0 =	vld.idx.msk [tilespmem:v0+s8+$0x0], $0xffff;
	_ =	sdelay $0x4  }
0x15b: {  	[tilespmem:$0x4300] =	vst v0;
	v0 =	vimm.s32 $0x78;
	_ =	sdelay $0x4  }
0x15c: {  	v0 =	vld.idx.msk [tilespmem:v0+s8+$0x0], $0xffff;
	_ =	sdelay $0x4  }
0x15d: {  	[tilespmem:$0x4380] =	vst v0;
	v0 =	vimm.s32 $0x79;
	_ =	sdelay $0x4  }
0x15e: {  	v0 =	vld.idx.msk [tilespmem:v0+s8+$0x0], $0xffff;
	_ =	sdelay $0x4  }
0x15f: {  	[tilespmem:$0x4400] =	vst v0;
	v0 =	vimm.s32 $0x7A;
	_ =	sdelay $0x4  }
0x160: {  	v0 =	vld.idx.msk [tilespmem:v0+s8+$0x0], $0xffff;
	_ =	sdelay $0x4  }
0x161: {  	[tilespmem:$0x4480] =	vst v0;
	v0 =	vimm.s32 $0x7B;
	_ =	sdelay $0x4  }
0x162: {  	v0 =	vld.idx.msk [tilespmem:v0+s8+$0x0], $0xffff;
	_ =	sdelay $0x4  }
0x163: {  	[tilespmem:$0x4500] =	vst v0;
	v0 =	vimm.s32 $0x7C;
	_ =	sdelay $0x4  }
0x164: {  	v0 =	vld.idx.msk [tilespmem:v0+s8+$0x0], $0xffff;
	_ =	sdelay $0x4  }
0x165: {  	[tilespmem:$0x4580] =	vst v0;
	v0 =	vimm.s32 $0x7D;
	_ =	sdelay $0x4  }
0x166: {  	v0 =	vld.idx.msk [tilespmem:v0+s8+$0x0], $0xffff;
	_ =	sdelay $0x4  }
0x167: {  	[tilespmem:$0x4600] =	vst v0;
	v0 =	vimm.s32 $0x7E;
	_ =	sdelay $0x4  }
0x168: {  	v0 =	vld.idx.msk [tilespmem:v0+s8+$0x0], $0xffff;
	_ =	sdelay $0x4  }
0x169: {  	[tilespmem:$0x4680] =	vst v0;
	v0 =	vimm.s32 $0x7F;
	_ =	sdelay $0x4  }
0x16a: {  	v0 =	vld.idx.msk [tilespmem:v0+s8+$0x0], $0xffff;
	_ =	sdelay $0x4  }
0x16b: {  	[tilespmem:$0x4700] =	vst v0;
	v0 =	vimm.s32 $0x80;
	_ =	sdelay $0x4  }
0x16c: {  	v0 =	vld.idx.msk [tilespmem:v0+s8+$0x0], $0xffff;
	_ =	sdelay $0x4  }
0x16d: {  	[tilespmem:$0x4780] =	vst v0;
	v0 =	vimm.s32 $0x81;
	_ =	sdelay $0x4  }
0x16e: {  	v0 =	vld.idx.msk [tilespmem:v0+s8+$0x0], $0xffff;
	_ =	sdelay $0x4  }
0x16f: {  	[tilespmem:$0x4800] =	vst v0;
	v0 =	vimm.s32 $0x82;
	_ =	sdelay $0x4  }
0x170: {  	v0 =	vld.idx.msk [tilespmem:v0+s8+$0x0], $0xffff;
	_ =	sdelay $0x4  }
0x171: {  	[tilespmem:$0x4880] =	vst v0;
	v0 =	vimm.s32 $0x83;
	_ =	sdelay $0x4  }
0x172: {  	v0 =	vld.idx.msk [tilespmem:v0+s8+$0x0], $0xffff;
	_ =	sdelay $0x4  }
0x173: {  	[tilespmem:$0x4900] =	vst v0;
	v0 =	vimm.s32 $0x84;
	_ =	sdelay $0x4  }
0x174: {  	v0 =	vld.idx.msk [tilespmem:v0+s8+$0x0], $0xffff;
	_ =	sdelay $0x4  }
0x175: {  	[tilespmem:$0x4980] =	vst v0;
	v0 =	vimm.s32 $0x85;
	_ =	sdelay $0x4  }
0x176: {  	v0 =	vld.idx.msk [tilespmem:v0+s8+$0x0], $0xffff;
	_ =	sdelay $0x4  }
0x177: {  	[tilespmem:$0x4A00] =	vst v0;
	v0 =	vimm.s32 $0x86;
	_ =	sdelay $0x4  }
0x178: {  	v0 =	vld.idx.msk [tilespmem:v0+s8+$0x0], $0xffff;
	_ =	sdelay $0x4  }
0x179: {  	[tilespmem:$0x4A80] =	vst v0;
	v0 =	vimm.s32 $0x87;
	_ =	sdelay $0x4  }
0x17a: {  	v0 =	vld.idx.msk [tilespmem:v0+s8+$0x0], $0xffff;
	_ =	sdelay $0x4  }
0x17b: {  	[tilespmem:$0x4B00] =	vst v0;
	v0 =	vimm.s32 $0x88;
	_ =	sdelay $0x4  }
0x17c: {  	v0 =	vld.idx.msk [tilespmem:v0+s8+$0x0], $0xffff;
	_ =	sdelay $0x4  }
0x17d: {  	[tilespmem:$0x4B80] =	vst v0;
	v0 =	vimm.s32 $0x89;
	_ =	sdelay $0x4  }
0x17e: {  	v0 =	vld.idx.msk [tilespmem:v0+s8+$0x0], $0xffff;
	_ =	sdelay $0x4  }
0x17f: {  	[tilespmem:$0x4C00] =	vst v0;
	v0 =	vimm.s32 $0x8A;
	_ =	sdelay $0x4  }
0x180: {  	v0 =	vld.idx.msk [tilespmem:v0+s8+$0x0], $0xffff;
	_ =	sdelay $0x4  }
0x181: {  	[tilespmem:$0x4C80] =	vst v0;
	v0 =	vimm.s32 $0x8B;
	_ =	sdelay $0x4  }
0x182: {  	v0 =	vld.idx.msk [tilespmem:v0+s8+$0x0], $0xffff;
	_ =	sdelay $0x4  }
0x183: {  	[tilespmem:$0x4D00] =	vst v0;
	v0 =	vimm.s32 $0x8C;
	_ =	sdelay $0x4  }
0x184: {  	v0 =	vld.idx.msk [tilespmem:v0+s8+$0x0], $0xffff;
	_ =	sdelay $0x4  }
0x185: {  	[tilespmem:$0x4D80] =	vst v0;
	v0 =	vimm.s32 $0x8D;
	_ =	sdelay $0x4  }
0x186: {  	v0 =	vld.idx.msk [tilespmem:v0+s8+$0x0], $0xffff;
	_ =	sdelay $0x4  }
0x187: {  	[tilespmem:$0x4E00] =	vst v0;
	v0 =	vimm.s32 $0x8E;
	_ =	sdelay $0x4  }
0x188: {  	v0 =	vld.idx.msk [tilespmem:v0+s8+$0x0], $0xffff;
	_ =	sdelay $0x4  }
0x189: {  	[tilespmem:$0x4E80] =	vst v0;
	v0 =	vimm.s32 $0x8F;
	_ =	sdelay $0x4  }
0x18a: {  	v0 =	vld.idx.msk [tilespmem:v0+s8+$0x0], $0xffff;
	_ =	sdelay $0x4  }
0x18b: {  	[tilespmem:$0x4F00] =	vst v0;
	v0 =	vimm.s32 $0x90;
	_ =	sdelay $0x4  }
0x18c: {  	v0 =	vld.idx.msk [tilespmem:v0+s8+$0x0], $0xffff;
	_ =	sdelay $0x4  }
0x18d: {  	[tilespmem:$0x4F80] =	vst v0;
	v0 =	vimm.s32 $0x91;
	_ =	sdelay $0x4  }
0x18e: {  	v0 =	vld.idx.msk [tilespmem:v0+s8+$0x0], $0xffff;
	_ =	sdelay $0x4  }
0x18f: {  	[tilespmem:$0x5000] =	vst v0;
	v0 =	vimm.s32 $0x92;
	_ =	sdelay $0x4  }
0x190: {  	v0 =	vld.idx.msk [tilespmem:v0+s8+$0x0], $0xffff;
	_ =	sdelay $0x4  }
0x191: {  	[tilespmem:$0x5080] =	vst v0;
	v0 =	vimm.s32 $0x93;
	_ =	sdelay $0x4  }
0x192: {  	v0 =	vld.idx.msk [tilespmem:v0+s8+$0x0], $0xffff;
	_ =	sdelay $0x4  }
0x193: {  	[tilespmem:$0x5100] =	vst v0;
	v0 =	vimm.s32 $0x94;
	_ =	sdelay $0x4  }
0x194: {  	v0 =	vld.idx.msk [tilespmem:v0+s8+$0x0], $0xffff;
	_ =	sdelay $0x4  }
0x195: {  	[tilespmem:$0x5180] =	vst v0;
	v0 =	vimm.s32 $0x95;
	_ =	sdelay $0x4  }
0x196: {  	v0 =	vld.idx.msk [tilespmem:v0+s8+$0x0], $0xffff;
	_ =	sdelay $0x4  }
0x197: {  	[tilespmem:$0x5200] =	vst v0;
	v0 =	vimm.s32 $0x96;
	_ =	sdelay $0x4  }
0x198: {  	v0 =	vld.idx.msk [tilespmem:v0+s8+$0x0], $0xffff;
	_ =	sdelay $0x4  }
0x199: {  	[tilespmem:$0x5280] =	vst v0;
	v0 =	vimm.s32 $0x97;
	_ =	sdelay $0x4  }
0x19a: {  	v0 =	vld.idx.msk [tilespmem:v0+s8+$0x0], $0xffff;
	_ =	sdelay $0x4  }
0x19b: {  	[tilespmem:$0x5300] =	vst v0;
	v0 =	vimm.s32 $0x98;
	_ =	sdelay $0x4  }
0x19c: {  	v0 =	vld.idx.msk [tilespmem:v0+s8+$0x0], $0xffff;
	_ =	sdelay $0x4  }
0x19d: {  	[tilespmem:$0x5380] =	vst v0;
	v0 =	vimm.s32 $0x99;
	_ =	sdelay $0x4  }
0x19e: {  	v0 =	vld.idx.msk [tilespmem:v0+s8+$0x0], $0xffff;
	_ =	sdelay $0x4  }
0x19f: {  	[tilespmem:$0x5400] =	vst v0;
	v0 =	vimm.s32 $0x9A;
	_ =	sdelay $0x4  }
0x1a0: {  	v0 =	vld.idx.msk [tilespmem:v0+s8+$0x0], $0xffff;
	_ =	sdelay $0x4  }
0x1a1: {  	[tilespmem:$0x5480] =	vst v0;
	v0 =	vimm.s32 $0x9B;
	_ =	sdelay $0x4  }
0x1a2: {  	v0 =	vld.idx.msk [tilespmem:v0+s8+$0x0], $0xffff;
	_ =	sdelay $0x4  }
0x1a3: {  	[tilespmem:$0x5500] =	vst v0;
	v0 =	vimm.s32 $0x9C;
	_ =	sdelay $0x4  }
0x1a4: {  	v0 =	vld.idx.msk [tilespmem:v0+s8+$0x0], $0xffff;
	_ =	sdelay $0x4  }
0x1a5: {  	[tilespmem:$0x5580] =	vst v0;
	v0 =	vimm.s32 $0x9D;
	_ =	sdelay $0x4  }
0x1a6: {  	v0 =	vld.idx.msk [tilespmem:v0+s8+$0x0], $0xffff;
	_ =	sdelay $0x4  }
0x1a7: {  	[tilespmem:$0x5600] =	vst v0;
	v0 =	vimm.s32 $0x9E;
	_ =	sdelay $0x4  }
0x1a8: {  	v0 =	vld.idx.msk [tilespmem:v0+s8+$0x0], $0xffff;
	_ =	sdelay $0x4  }
0x1a9: {  	[tilespmem:$0x5680] =	vst v0;
	v0 =	vimm.s32 $0x9F;
	_ =	sdelay $0x4  }
0x1aa: {  	v0 =	vld.idx.msk [tilespmem:v0+s8+$0x0], $0xffff;
	_ =	sdelay $0x4  }
0x1ab: {  	[tilespmem:$0x5700] =	vst v0;
	v0 =	vimm.s32 $0xA0;
	_ =	sdelay $0x4  }
0x1ac: {  	v0 =	vld.idx.msk [tilespmem:v0+s8+$0x0], $0xffff;
	_ =	sdelay $0x4  }
0x1ad: {  	[tilespmem:$0x5780] =	vst v0;
	v0 =	vimm.s32 $0xA1;
	_ =	sdelay $0x4  }
0x1ae: {  	v0 =	vld.idx.msk [tilespmem:v0+s8+$0x0], $0xffff;
	_ =	sdelay $0x4  }
0x1af: {  	[tilespmem:$0x5800] =	vst v0;
	v0 =	vimm.s32 $0xA2;
	_ =	sdelay $0x4  }
0x1b0: {  	v0 =	vld.idx.msk [tilespmem:v0+s8+$0x0], $0xffff;
	_ =	sdelay $0x4  }
0x1b1: {  	[tilespmem:$0x5880] =	vst v0;
	v0 =	vimm.s32 $0xA3;
	_ =	sdelay $0x4  }
0x1b2: {  	v0 =	vld.idx.msk [tilespmem:v0+s8+$0x0], $0xffff;
	_ =	sdelay $0x4  }
0x1b3: {  	[tilespmem:$0x5900] =	vst v0;
	v0 =	vimm.s32 $0xA4;
	_ =	sdelay $0x4  }
0x1b4: {  	v0 =	vld.idx.msk [tilespmem:v0+s8+$0x0], $0xffff;
	_ =	sdelay $0x4  }
0x1b5: {  	[tilespmem:$0x5980] =	vst v0;
	v0 =	vimm.s32 $0xA5;
	_ =	sdelay $0x4  }
0x1b6: {  	v0 =	vld.idx.msk [tilespmem:v0+s8+$0x0], $0xffff;
	_ =	sdelay $0x4  }
0x1b7: {  	[tilespmem:$0x5A00] =	vst v0;
	v0 =	vimm.s32 $0xA6;
	_ =	sdelay $0x4  }
0x1b8: {  	v0 =	vld.idx.msk [tilespmem:v0+s8+$0x0], $0xffff;
	_ =	sdelay $0x4  }
0x1b9: {  	[tilespmem:$0x5A80] =	vst v0;
	v0 =	vimm.s32 $0xA7;
	_ =	sdelay $0x4  }
0x1ba: {  	v0 =	vld.idx.msk [tilespmem:v0+s8+$0x0], $0xffff;
	_ =	sdelay $0x4  }
0x1bb: {  	[tilespmem:$0x5B00] =	vst v0;
	v0 =	vimm.s32 $0xA8;
	_ =	sdelay $0x4  }
0x1bc: {  	v0 =	vld.idx.msk [tilespmem:v0+s8+$0x0], $0xffff;
	_ =	sdelay $0x4  }
0x1bd: {  	[tilespmem:$0x5B80] =	vst v0;
	v0 =	vimm.s32 $0xA9;
	_ =	sdelay $0x4  }
0x1be: {  	v0 =	vld.idx.msk [tilespmem:v0+s8+$0x0], $0xffff;
	_ =	sdelay $0x4  }
0x1bf: {  	[tilespmem:$0x5C00] =	vst v0;
	v0 =	vimm.s32 $0xAA;
	_ =	sdelay $0x4  }
0x1c0: {  	v0 =	vld.idx.msk [tilespmem:v0+s8+$0x0], $0xffff;
	_ =	sdelay $0x4  }
0x1c1: {  	[tilespmem:$0x5C80] =	vst v0;
	v0 =	vimm.s32 $0xAB;
	_ =	sdelay $0x4  }
0x1c2: {  	v0 =	vld.idx.msk [tilespmem:v0+s8+$0x0], $0xffff;
	_ =	sdelay $0x4  }
0x1c3: {  	[tilespmem:$0x5D00] =	vst v0;
	v0 =	vimm.s32 $0xAC;
	_ =	sdelay $0x4  }
0x1c4: {  	v0 =	vld.idx.msk [tilespmem:v0+s8+$0x0], $0xffff;
	_ =	sdelay $0x4  }
0x1c5: {  	[tilespmem:$0x5D80] =	vst v0;
	v0 =	vimm.s32 $0xAD;
	_ =	sdelay $0x4  }
0x1c6: {  	v0 =	vld.idx.msk [tilespmem:v0+s8+$0x0], $0xffff;
	_ =	sdelay $0x4  }
0x1c7: {  	[tilespmem:$0x5E00] =	vst v0;
	v0 =	vimm.s32 $0xAE;
	_ =	sdelay $0x4  }
0x1c8: {  	v0 =	vld.idx.msk [tilespmem:v0+s8+$0x0], $0xffff;
	_ =	sdelay $0x4  }
0x1c9: {  	[tilespmem:$0x5E80] =	vst v0;
	v0 =	vimm.s32 $0xAF;
	_ =	sdelay $0x4  }
0x1ca: {  	v0 =	vld.idx.msk [tilespmem:v0+s8+$0x0], $0xffff;
	_ =	sdelay $0x4  }
0x1cb: {  	[tilespmem:$0x5F00] =	vst v0;
	v0 =	vimm.s32 $0xB0;
	_ =	sdelay $0x4  }
0x1cc: {  	v0 =	vld.idx.msk [tilespmem:v0+s8+$0x0], $0xffff;
	_ =	sdelay $0x4  }
0x1cd: {  	[tilespmem:$0x5F80] =	vst v0;
	v0 =	vimm.s32 $0xB1;
	_ =	sdelay $0x4  }
0x1ce: {  	v0 =	vld.idx.msk [tilespmem:v0+s8+$0x0], $0xffff;
	_ =	sdelay $0x4  }
0x1cf: {  	[tilespmem:$0x6000] =	vst v0;
	v0 =	vimm.s32 $0xB2;
	_ =	sdelay $0x4  }
0x1d0: {  	v0 =	vld.idx.msk [tilespmem:v0+s8+$0x0], $0xffff;
	_ =	sdelay $0x4  }
0x1d1: {  	[tilespmem:$0x6080] =	vst v0;
	v0 =	vimm.s32 $0xB3;
	_ =	sdelay $0x4  }
0x1d2: {  	v0 =	vld.idx.msk [tilespmem:v0+s8+$0x0], $0xffff;
	_ =	sdelay $0x4  }
0x1d3: {  	[tilespmem:$0x6100] =	vst v0;
	v0 =	vimm.s32 $0xB4;
	_ =	sdelay $0x4  }
0x1d4: {  	v0 =	vld.idx.msk [tilespmem:v0+s8+$0x0], $0xffff;
	_ =	sdelay $0x4  }
0x1d5: {  	[tilespmem:$0x6180] =	vst v0;
	v0 =	vimm.s32 $0xB5;
	_ =	sdelay $0x4  }
0x1d6: {  	v0 =	vld.idx.msk [tilespmem:v0+s8+$0x0], $0xffff;
	_ =	sdelay $0x4  }
0x1d7: {  	[tilespmem:$0x6200] =	vst v0;
	v0 =	vimm.s32 $0xB6;
	_ =	sdelay $0x4  }
0x1d8: {  	v0 =	vld.idx.msk [tilespmem:v0+s8+$0x0], $0xffff;
	_ =	sdelay $0x4  }
0x1d9: {  	[tilespmem:$0x6280] =	vst v0;
	v0 =	vimm.s32 $0xB7;
	_ =	sdelay $0x4  }
0x1da: {  	v0 =	vld.idx.msk [tilespmem:v0+s8+$0x0], $0xffff;
	_ =	sdelay $0x4  }
0x1db: {  	[tilespmem:$0x6300] =	vst v0;
	v0 =	vimm.s32 $0xB8;
	_ =	sdelay $0x4  }
0x1dc: {  	v0 =	vld.idx.msk [tilespmem:v0+s8+$0x0], $0xffff;
	_ =	sdelay $0x4  }
0x1dd: {  	[tilespmem:$0x6380] =	vst v0;
	v0 =	vimm.s32 $0xB9;
	_ =	sdelay $0x4  }
0x1de: {  	v0 =	vld.idx.msk [tilespmem:v0+s8+$0x0], $0xffff;
	_ =	sdelay $0x4  }
0x1df: {  	[tilespmem:$0x6400] =	vst v0;
	v0 =	vimm.s32 $0xBA;
	_ =	sdelay $0x4  }
0x1e0: {  	v0 =	vld.idx.msk [tilespmem:v0+s8+$0x0], $0xffff;
	_ =	sdelay $0x4  }
0x1e1: {  	[tilespmem:$0x6480] =	vst v0;
	v0 =	vimm.s32 $0xBB;
	_ =	sdelay $0x4  }
0x1e2: {  	v0 =	vld.idx.msk [tilespmem:v0+s8+$0x0], $0xffff;
	_ =	sdelay $0x4  }
0x1e3: {  	[tilespmem:$0x6500] =	vst v0;
	v0 =	vimm.s32 $0xBC;
	_ =	sdelay $0x4  }
0x1e4: {  	v0 =	vld.idx.msk [tilespmem:v0+s8+$0x0], $0xffff;
	_ =	sdelay $0x4  }
0x1e5: {  	[tilespmem:$0x6580] =	vst v0;
	v0 =	vimm.s32 $0xBD;
	_ =	sdelay $0x4  }
0x1e6: {  	v0 =	vld.idx.msk [tilespmem:v0+s8+$0x0], $0xffff;
	_ =	sdelay $0x4  }
0x1e7: {  	[tilespmem:$0x6600] =	vst v0;
	v0 =	vimm.s32 $0xBE;
	_ =	sdelay $0x4  }
0x1e8: {  	v0 =	vld.idx.msk [tilespmem:v0+s8+$0x0], $0xffff;
	_ =	sdelay $0x4  }
0x1e9: {  	[tilespmem:$0x6680] =	vst v0;
	v0 =	vimm.s32 $0xBF;
	_ =	sdelay $0x4  }
0x1ea: {  	v0 =	vld.idx.msk [tilespmem:v0+s8+$0x0], $0xffff;
	_ =	sdelay $0x4  }
0x1eb: {  	[tilespmem:$0x6700] =	vst v0;
	v0 =	vimm.s32 $0xC0;
	_ =	sdelay $0x4  }
0x1ec: {  	v0 =	vld.idx.msk [tilespmem:v0+s8+$0x0], $0xffff;
	_ =	sdelay $0x4  }
0x1ed: {  	[tilespmem:$0x6780] =	vst v0;
	v0 =	vimm.s32 $0xC1;
	_ =	sdelay $0x4  }
0x1ee: {  	v0 =	vld.idx.msk [tilespmem:v0+s8+$0x0], $0xffff;
	_ =	sdelay $0x4  }
0x1ef: {  	[tilespmem:$0x6800] =	vst v0;
	v0 =	vimm.s32 $0xC2;
	_ =	sdelay $0x4  }
0x1f0: {  	v0 =	vld.idx.msk [tilespmem:v0+s8+$0x0], $0xffff;
	_ =	sdelay $0x4  }
0x1f1: {  	[tilespmem:$0x6880] =	vst v0;
	v0 =	vimm.s32 $0xC3;
	_ =	sdelay $0x4  }
0x1f2: {  	v0 =	vld.idx.msk [tilespmem:v0+s8+$0x0], $0xffff;
	_ =	sdelay $0x4  }
0x1f3: {  	[tilespmem:$0x6900] =	vst v0;
	v0 =	vimm.s32 $0xC4;
	_ =	sdelay $0x4  }
0x1f4: {  	v0 =	vld.idx.msk [tilespmem:v0+s8+$0x0], $0xffff;
	_ =	sdelay $0x4  }
0x1f5: {  	[tilespmem:$0x6980] =	vst v0;
	v0 =	vimm.s32 $0xC5;
	_ =	sdelay $0x4  }
0x1f6: {  	v0 =	vld.idx.msk [tilespmem:v0+s8+$0x0], $0xffff;
	_ =	sdelay $0x4  }
0x1f7: {  	[tilespmem:$0x6A00] =	vst v0  }
0x1f8: {  	v0 =	vld.idx.msk [tilespmem:v5+s8+$0x0], $0xffff;
	_ =	sdelay $0x4  }
0x1f9: {  	[tilespmem:$0x6A80] =	vst v0  }
0x1fa: {  	v0 =	vld.idx.msk [tilespmem:v6+s8+$0x0], $0xffff;
	_ =	sdelay $0x4  }
0x1fb: {  	[tilespmem:$0x6B00] =	vst v0  }
0x1fc: {  	v0 =	vld.idx.msk [tilespmem:v7+s8+$0x0], $0xffff;
	_ =	sdelay $0x4  }
0x1fd: {  	[tilespmem:$0x6B80] =	vst v0  }
0x1fe: {  	v0 =	vld.idx.msk [tilespmem:v8+s8+$0x0], $0xffff;
	_ =	sdelay $0x4  }
0x1ff: {  	[tilespmem:$0x6C00] =	vst v0  }
0x200: {  	v0 =	vld.idx.msk [tilespmem:v9+s8+$0x0], $0xffff;
	_ =	sdelay $0x4  }
0x201: {  	[tilespmem:$0x6C80] =	vst v0  }
0x202: {  	v0 =	vld.idx.msk [tilespmem:v10+s8+$0x0], $0xffff;
	_ =	sdelay $0x4  }
0x203: {  	[tilespmem:$0x6D00] =	vst v0  }
0x204: {  	v0 =	vld.idx.msk [tilespmem:v11+s8+$0x0], $0xffff;
	_ =	sdelay $0x4  }
0x205: {  	[tilespmem:$0x6D80] =	vst v0  }
0x206: {  	v0 =	vld.idx.msk [tilespmem:v12+s8+$0x0], $0xffff;
	_ =	sdelay $0x4  }
0x207: {  	[tilespmem:$0x6E00] =	vst v0  }
0x208: {  	v0 =	vld.idx.msk [tilespmem:v13+s8+$0x0], $0xffff;
	_ =	sdelay $0x4  }
0x209: {  	[tilespmem:$0x6E80] =	vst v0  }
0x20a: {  	v0 =	vld.idx.msk [tilespmem:v14+s8+$0x0], $0xffff;
	_ =	sdelay $0x4  }
0x20b: {  	[tilespmem:$0x6F00] =	vst v0  }
0x20c: {  	v0 =	vld.idx.msk [tilespmem:v15+s8+$0x0], $0xffff;
	_ =	sdelay $0x4  }
0x20d: {  	[tilespmem:$0x6F80] =	vst v0  }
0x20e: {  	v0 =	vld.idx.msk [tilespmem:v16+s8+$0x0], $0xffff;
	_ =	sdelay $0x4  }
0x20f: {  	[tilespmem:$0x7000] =	vst v0  }
0x210: {  	v0 =	vld.idx.msk [tilespmem:v17+s8+$0x0], $0xffff;
	_ =	sdelay $0x4  }
0x211: {  	[tilespmem:$0x7080] =	vst v0  }
0x212: {  	v0 =	vld.idx.msk [tilespmem:v18+s8+$0x0], $0xffff;
	_ =	sdelay $0x4  }
0x213: {  	[tilespmem:$0x7100] =	vst v0  }
0x214: {  	v0 =	vld.idx.msk [tilespmem:v19+s8+$0x0], $0xffff;
	_ =	sdelay $0x4  }
0x215: {  	[tilespmem:$0x7180] =	vst v0  }
0x216: {  	v0 =	vld.idx.msk [tilespmem:v20+s8+$0x0], $0xffff;
	_ =	sdelay $0x4  }
0x217: {  	[tilespmem:$0x7200] =	vst v0  }
0x218: {  	v0 =	vld.idx.msk [tilespmem:v21+s8+$0x0], $0xffff;
	_ =	sdelay $0x4  }
0x219: {  	[tilespmem:$0x7280] =	vst v0  }
0x21a: {  	v0 =	vld.idx.msk [tilespmem:v22+s8+$0x0], $0xffff;
	_ =	sdelay $0x4  }
0x21b: {  	[tilespmem:$0x7300] =	vst v0  }
0x21c: {  	v0 =	vld.idx.msk [tilespmem:v23+s8+$0x0], $0xffff;
	_ =	sdelay $0x4  }
0x21d: {  	[tilespmem:$0x7380] =	vst v0  }
0x21e: {  	v0 =	vld.idx.msk [tilespmem:v24+s8+$0x0], $0xffff;
	_ =	sdelay $0x4  }
0x21f: {  	[tilespmem:$0x7400] =	vst v0  }
0x220: {  	v0 =	vld.idx.msk [tilespmem:v25+s8+$0x0], $0xffff;
	_ =	sdelay $0x4  }
0x221: {  	[tilespmem:$0x7480] =	vst v0  }
0x222: {  	v0 =	vld.idx.msk [tilespmem:v26+s8+$0x0], $0xffff;
	_ =	sdelay $0x4  }
0x223: {  	[tilespmem:$0x7500] =	vst v0  }
0x224: {  	v0 =	vld.idx.msk [tilespmem:v27+s8+$0x0], $0xffff;
	_ =	sdelay $0x4  }
0x225: {  	[tilespmem:$0x7580] =	vst v0  }
0x226: {  	v0 =	vld.idx.msk [tilespmem:v28+s8+$0x0], $0xffff;
	_ =	sdelay $0x4  }
0x227: {  	[tilespmem:$0x7600] =	vst v0  }
0x228: {  	v0 =	vld.idx.msk [tilespmem:v29+s8+$0x0], $0xffff;
	_ =	sdelay $0x4  }
0x229: {  	[tilespmem:$0x7680] =	vst v0  }
0x22a: {  	v0 =	vld.idx.msk [tilespmem:v30+s8+$0x0], $0xffff;
	_ =	sdelay $0x4  }
0x22b: {  	[tilespmem:$0x7700] =	vst v0  }
0x22c: {  	v0 =	vld.idx.msk [tilespmem:v31+s8+$0x0], $0xffff;
	_ =	sdelay $0x4  }
0x22d: {  	[tilespmem:$0x7780] =	vst v0  }
0x22e: {  	v0 =	vld.idx.msk [tilespmem:v32+s8+$0x0], $0xffff;
	_ =	sdelay $0x4  }
0x22f: {  	[tilespmem:$0x7800] =	vst v0  }
0x230: {  	v0 =	vld.idx.msk [tilespmem:v33+s8+$0x0], $0xffff;
	_ =	sdelay $0x4  }
0x231: {  	[tilespmem:$0x7880] =	vst v0  }
0x232: {  	v0 =	vld.idx.msk [tilespmem:v34+s8+$0x0], $0xffff;
	_ =	sdelay $0x4  }
0x233: {  	[tilespmem:$0x7900] =	vst v0  }
0x234: {  	v0 =	vld.idx.msk [tilespmem:v35+s8+$0x0], $0xffff;
	_ =	sdelay $0x4  }
0x235: {  	[tilespmem:$0x7980] =	vst v0  }
0x236: {  	v0 =	vld.idx.msk [tilespmem:v36+s8+$0x0], $0xffff;
	_ =	sdelay $0x4  }
0x237: {  	[tilespmem:$0x7A00] =	vst v0  }
0x238: {  	v0 =	vld.idx.msk [tilespmem:v37+s8+$0x0], $0xffff;
	_ =	sdelay $0x4  }
0x239: {  	[tilespmem:$0x7A80] =	vst v0  }
0x23a: {  	v0 =	vld.idx.msk [tilespmem:v38+s8+$0x0], $0xffff;
	_ =	sdelay $0x4  }
0x23b: {  	[tilespmem:$0x7B00] =	vst v0  }
0x23c: {  	v0 =	vld.idx.msk [tilespmem:v39+s8+$0x0], $0xffff;
	_ =	sdelay $0x4  }
0x23d: {  	[tilespmem:$0x7B80] =	vst v0  }
0x23e: {  	v0 =	vld.idx.msk [tilespmem:v40+s8+$0x0], $0xffff;
	_ =	sdelay $0x4  }
0x23f: {  	[tilespmem:$0x7C00] =	vst v0  }
0x240: {  	v0 =	vld.idx.msk [tilespmem:v41+s8+$0x0], $0xffff;
	_ =	sdelay $0x4  }
0x241: {  	[tilespmem:$0x7C80] =	vst v0  }
0x242: {  	v0 =	vld.idx.msk [tilespmem:v42+s8+$0x0], $0xffff;
	_ =	sdelay $0x4  }
0x243: {  	[tilespmem:$0x7D00] =	vst v0  }
0x244: {  	v0 =	vld.idx.msk [tilespmem:v43+s8+$0x0], $0xffff;
	_ =	sdelay $0x4  }
0x245: {  	[tilespmem:$0x7D80] =	vst v0  }
0x246: {  	v0 =	vld.idx.msk [tilespmem:v44+s8+$0x0], $0xffff;
	_ =	sdelay $0x4  }
0x247: {  	[tilespmem:$0x7E00] =	vst v0  }
0x248: {  	v0 =	vld.idx.msk [tilespmem:v45+s8+$0x0], $0xffff;
	_ =	sdelay $0x4  }
0x249: {  	[tilespmem:$0x7E80] =	vst v0  }
0x24a: {  	v0 =	vld.idx.msk [tilespmem:v46+s8+$0x0], $0xffff;
	_ =	sdelay $0x4  }
0x24b: {  	[tilespmem:$0x7F00] =	vst v0  }
0x24c: {  	v0 =	vld.idx.msk [tilespmem:v57+s8+$0x0], $0xffff;
	_ =	sdelay $0x4  }
0x24d: {  	[tilespmem:$0x7F80] =	vst v0  }
0x24e: {  	v0 =	vld.idx.msk [tilespmem:v47+s8+$0x0], $0xffff;
	_ =	sdelay $0x4  }
0x24f: {  	[tilespmem:$0x8000] =	vst v0  }
0x250: {  	v0 =	vld.idx.msk [tilespmem:v48+s8+$0x0], $0xffff;
	_ =	sdelay $0x4  }
0x251: {  	[tilespmem:$0x8080] =	vst v0  }
0x252: {  	v0 =	vld.idx.msk [tilespmem:v49+s8+$0x0], $0xffff;
	_ =	sdelay $0x4  }
0x253: {  	[tilespmem:$0x8100] =	vst v0  }
0x254: {  	v0 =	vld.idx.msk [tilespmem:v50+s8+$0x0], $0xffff;
	_ =	sdelay $0x4  }
0x255: {  	[tilespmem:$0x8180] =	vst v0  }
0x256: {  	v0 =	vld.idx.msk [tilespmem:v51+s8+$0x0], $0xffff;
	_ =	sdelay $0x4  }
0x257: {  	[tilespmem:$0x8200] =	vst v0  }
0x258: {  	v0 =	vld.idx.msk [tilespmem:v52+s8+$0x0], $0xffff;
	_ =	sdelay $0x4  }
0x259: {  	[tilespmem:$0x8280] =	vst v0  }
0x25a: {  	v0 =	vld.idx.msk [tilespmem:v53+s8+$0x0], $0xffff;
	_ =	sdelay $0x4  }
0x25b: {  	[tilespmem:$0x8300] =	vst v0  }
0x25c: {  	v0 =	vld.idx.msk [tilespmem:v54+s8+$0x0], $0xffff;
	_ =	sdelay $0x4  }
0x25d: {  	[tilespmem:$0x8380] =	vst v0  }
0x25e: {  	v0 =	vld.idx.msk [tilespmem:v55+s8+$0x0], $0xffff;
	_ =	sdelay $0x4  }
0x25f: {  	[tilespmem:$0x8400] =	vst v0  }
0x260: {  	v0 =	vld.idx.msk [tilespmem:v56+s8+$0x0], $0xffff;
	_ =	sdelay $0x4  }
0x261: {  	[tilespmem:$0x8480] =	vst v0  }
0x262: {  	v0 =	vld.idx.msk [tilespmem:v58+s8+$0x0], $0xffff;
	_ =	sdelay $0x4  }
0x263: {  	[tilespmem:$0x8500] =	vst v0  }
0x264: {  	v0 =	vld.idx.msk [tilespmem:v59+s8+$0x0], $0xffff;
	_ =	sdelay $0x4  }
0x265: {  	[tilespmem:$0x8580] =	vst v0  }
0x266: {  	v0 =	vld.idx.msk [tilespmem:v60+s8+$0x0], $0xffff;
	_ =	sdelay $0x4  }
0x267: {  	[tilespmem:$0x8600] =	vst v0  }
0x268: {  	v0 =	vld.idx.msk [tilespmem:v61+s8+$0x0], $0xffff;
	_ =	sdelay $0x1  }
0x269: {  	s10 =	rddreg [dreg:$0x11]  }
0x26a: {  	s12 =	rddreg [dreg:$0x12]  }
0x26b: {  	s14 =	rddreg [dreg:$0x13]  }
0x26c: {  	s15 =	sld [smem:$0x7FD];
	[tilespmem:$0x8680] =	vst v0  }
0x26d: {  	s16 =	rddreg [dreg:$0x14];
	v0 =	vld.idx.msk [tilespmem:v62+s8+$0x0], $0xffff  }
0x26e: {  	s17 =	rddreg [dreg:$0x15]  }
0x26f: {  	s21 =	rddreg [dreg:$0x16]  }
0x270: {  	s22 =	rddreg [dreg:$0x17]  }
0x271: {  	s26 =	rddreg [dreg:$0x18]  }
0x272: {  	s6 =	simm.s32 $0x20;
	s28 =	rddreg [dreg:$0x19];
	[tilespmem:$0x8700] =	vst v0  }
0x273: {  	[hbm4b:s15+s6] =	stream.indirect.scatter [tilespmem:s10], [sflag:$0x5], $0x80, s13, s6, $0xb8;
	[tilespmem:$0x18780] =	vst v63  }
0x274: {  	s30 =	rddreg [dreg:$0x1a]  }
0x275: {  	[hbm4b:s15+s6] =	stream.indirect.scatter [tilespmem:s14], [sflag:$0x5], $0x80, s12, s6, $0xb8;
	[tilespmem:$0x18780] =	vst v63  }
0x276: {  	s7 =	rddreg [dreg:$0x1b]  }
0x277: {  	[hbm4b:s15+s6] =	stream.indirect.scatter [tilespmem:s17], [sflag:$0x5], $0x80, s16, s6, $0xb8;
	[tilespmem:$0x18780] =	vst v63  }
0x278: {  	s10 =	rddreg [dreg:$0x1c]  }
0x279: {  	[hbm4b:s15+s6] =	stream.indirect.scatter [tilespmem:s22], [sflag:$0x5], $0x80, s21, s6, $0xb8;
	[tilespmem:$0x18780] =	vst v63  }
0x27a: {  	s13 =	rddreg [dreg:$0x1e]  }
0x27b: {  	[hbm4b:s15+s6] =	stream.indirect.scatter [tilespmem:s28], [sflag:$0x5], $0x80, s26, s6, $0xb8;
	[tilespmem:$0x18780] =	vst v63  }
0x27c: {  	s12 =	rddreg [dreg:$0x1d]  }
0x27d: {  	[hbm4b:s15+s6] =	stream.indirect.scatter [tilespmem:s7], [sflag:$0x5], $0x80, s30, s6, $0xb8;
	[tilespmem:$0x18780] =	vst v63  }
0x27e: {  	s14 =	rddreg [dreg:$0x1f]  }
0x27f: {  	[hbm4b:s15+s6] =	stream.indirect.scatter [tilespmem:s12], [sflag:$0x5], $0x80, s10, s6, $0xb8;
	[tilespmem:$0x18780] =	vst v63  }
0x280: {  	s16 =	sld [smem:$0x7FC]  }
0x281: {  	[hbm4b:s15+s6] =	stream.indirect.scatter [tilespmem:s14], [sflag:$0x5], $0x80, s13, s6, $0xb8;
	[tilespmem:$0x18780] =	vst v63  }
0x282: {  	_ = 	snop  }
0x283: {  	[tilespmem:s11], [sflag:$0x1] =	stream.linear.gather [hbm4b:s16+s2], $0x8000, $0x38;
	[tilespmem:$0x18780] =	vst v63  }
0x284: {  	s15 =	rddreg [dreg:$0x9]  }
0x285: {  	[tilespmem:s20], [sflag:$0x2] =	stream.linear.gather [hbm4b:s15+s2], $0x8000, $0x38;
	[tilespmem:$0x18780] =	vst v63  }
0x286: {  	_ =	swait.ge [sflag:s24], $0x8000  }
0x287: {  	[sflag:s24] =	ssyncset.done $0x0  }
0x288: {  	[sflag:s24] =	ssyncadd.s32 $0xFFFF8000  }
0x289: {  	v0 =	vld [tilespmem:$0x380];
	_ =	sdelay $0x4  }
0x28a: {  	v1 =	vshll.u32 v0, $0x3  }
0x28b: {  	v0 =	vand.u32 $0x7, v0;
	v1 =	vand.u32 $0xFFFFFFC0, v1  }
0x28c: {  	v3 =	vor.u32 v0, v1;
	v1 =	vand.u32 $0x7, v63;
	v0 =	vshrl.u32 v63, $0x3  }
0x28d: {  	v2 =	vperm.xlane v3, v1;
	v0 =	vmul.u32 $0x8, v0;
	_ =	sdelay $0x1  }
0x28e: {  	v4 =	vadd.s32 v0, v2;
	_ =	sdelay $0x4  }
0x28f: {  	v2 =	vor.u32 $0x8, v63;
	[hbm4b:s29+s2] =	stream.indirect_vreg.scatter [tilespmem:s11], [sflag:$0x3], $0x80, v4, vm0, $0xb8;
	[tilespmem:$0x18780] =	vst v63  }
0x290: {  	s17 =	simm.s32 $0x8F80;
	v3 =	vperm.xlane v3, v2  }
0x291: {  	[hbm4b:s18+s2] =	stream.indirect_vreg.scatter [tilespmem:s17], [sflag:$0x3], $0x80, v4, vm0, $0xb8;
	[tilespmem:$0x18780] =	vst v63  }
0x292: {  	s21 =	simm.s32 $0x9780;
	v3 =	vadd.s32 v0, v3  }
0x293: {  	[hbm4b:s4+s2] =	stream.indirect_vreg.scatter [tilespmem:s21], [sflag:$0x3], $0x80, v4, vm0, $0xb8;
	[tilespmem:$0x18780] =	vst v63  }
0x294: {  	s22 =	simm.s32 $0x9F80  }
0x295: {  	[hbm4b:s19+s2] =	stream.indirect_vreg.scatter [tilespmem:s22], [sflag:$0x3], $0x80, v4, vm0, $0xb8;
	[tilespmem:$0x18780] =	vst v63  }
0x296: {  	s26 =	simm.s32 $0xA780  }
0x297: {  	[hbm4b:s29+s2] =	stream.indirect_vreg.scatter [tilespmem:s26], [sflag:$0x3], $0x80, v3, vm0, $0xb8;
	[tilespmem:$0x18780] =	vst v63  }
0x298: {  	s30 =	simm.s32 $0xAF80  }
0x299: {  	[hbm4b:s18+s2] =	stream.indirect_vreg.scatter [tilespmem:s30], [sflag:$0x3], $0x80, v3, vm0, $0xb8;
	[tilespmem:$0x18780] =	vst v63  }
0x29a: {  	s3 =	simm.s32 $0xB780  }
0x29b: {  	[hbm4b:s4+s2] =	stream.indirect_vreg.scatter [tilespmem:s3], [sflag:$0x3], $0x80, v3, vm0, $0xb8;
	[tilespmem:$0x18780] =	vst v63  }
0x29c: {  	s5 =	simm.s32 $0xBF80  }
0x29d: {  	[hbm4b:s19+s2] =	stream.indirect_vreg.scatter [tilespmem:s5], [sflag:$0x3], $0x80, v3, vm0, $0xb8;
	[tilespmem:$0x18780] =	vst v63  }
0x29e: {  	v3 =	vld [tilespmem:$0x390];
	_ =	sdelay $0x4  }
0x29f: {  	v4 =	vshll.u32 v3, $0x3  }
0x2a0: {  	v3 =	vand.u32 $0x7, v3;
	v4 =	vand.u32 $0xFFFFFFC0, v4  }
0x2a1: {  	v3 =	vor.u32 v3, v4  }
0x2a2: {  	v4 =	vperm.xlane v3, v1;
	_ =	sdelay $0x1  }
0x2a3: {  	v4 =	vadd.s32 v0, v4;
	_ =	sdelay $0x3  }
0x2a4: {  	s6 =	simm.s32 $0xC780  }
0x2a5: {  	[hbm4b:s29+s2] =	stream.indirect_vreg.scatter [tilespmem:s6], [sflag:$0x3], $0x80, v4, vm0, $0xb8;
	[tilespmem:$0x18780] =	vst v63  }
0x2a6: {  	s7 =	simm.s32 $0xCF80;
	v3 =	vperm.xlane v3, v2  }
0x2a7: {  	[hbm4b:s18+s2] =	stream.indirect_vreg.scatter [tilespmem:s7], [sflag:$0x3], $0x80, v4, vm0, $0xb8;
	[tilespmem:$0x18780] =	vst v63  }
0x2a8: {  	s9 =	simm.s32 $0xD780;
	v3 =	vadd.s32 v0, v3  }
0x2a9: {  	[hbm4b:s4+s2] =	stream.indirect_vreg.scatter [tilespmem:s9], [sflag:$0x3], $0x80, v4, vm0, $0xb8;
	[tilespmem:$0x18780] =	vst v63  }
0x2aa: {  	s10 =	simm.s32 $0xDF80  }
0x2ab: {  	[hbm4b:s19+s2] =	stream.indirect_vreg.scatter [tilespmem:s10], [sflag:$0x3], $0x80, v4, vm0, $0xb8;
	[tilespmem:$0x18780] =	vst v63  }
0x2ac: {  	s12 =	simm.s32 $0xE780  }
0x2ad: {  	[hbm4b:s29+s2] =	stream.indirect_vreg.scatter [tilespmem:s12], [sflag:$0x3], $0x80, v3, vm0, $0xb8;
	[tilespmem:$0x18780] =	vst v63  }
0x2ae: {  	s13 =	simm.s32 $0xEF80  }
0x2af: {  	[hbm4b:s18+s2] =	stream.indirect_vreg.scatter [tilespmem:s13], [sflag:$0x3], $0x80, v3, vm0, $0xb8;
	[tilespmem:$0x18780] =	vst v63  }
0x2b0: {  	s3 =	simm.s32 $0xF780  }
0x2b1: {  	[hbm4b:s4+s2] =	stream.indirect_vreg.scatter [tilespmem:s3], [sflag:$0x3], $0x80, v3, vm0, $0xb8;
	[tilespmem:$0x18780] =	vst v63  }
0x2b2: {  	s5 =	simm.s32 $0xFF80  }
0x2b3: {  	[hbm4b:s19+s2] =	stream.indirect_vreg.scatter [tilespmem:s5], [sflag:$0x3], $0x80, v3, vm0, $0xb8;
	[tilespmem:$0x18780] =	vst v63  }
0x2b4: {  	_ =	swait.ge [sflag:s25], $0x8000  }
0x2b5: {  	[sflag:s25] =	ssyncset.done $0x0  }
0x2b6: {  	s6 =	rddreg [dreg:$0xa];
	[sflag:s25] =	ssyncadd.s32 $0xFFFF8000  }
0x2b7: {  	[tilespmem:s11], [sflag:$0x1] =	stream.linear.gather [hbm4b:s6+s2], $0x8000, $0x38;
	[tilespmem:$0x18780] =	vst v63  }
0x2b8: {  	_ =	swait.ge [sflag:s31], $0x8000  }
0x2b9: {  	[sflag:s31] =	ssyncset.done $0x0  }
0x2ba: {  	[sflag:s31] =	ssyncadd.s32 $0xFFFF8000  }
0x2bb: {  	v3 =	vld [tilespmem:$0x400];
	_ =	sdelay $0x4  }
0x2bc: {  	v4 =	vshll.u32 v3, $0x3  }
0x2bd: {  	v3 =	vand.u32 $0x7, v3;
	v4 =	vand.u32 $0xFFFFFFC0, v4  }
0x2be: {  	v3 =	vor.u32 v3, v4  }
0x2bf: {  	v4 =	vperm.xlane v3, v1;
	_ =	sdelay $0x1  }
0x2c0: {  	v4 =	vadd.s32 v0, v4;
	_ =	sdelay $0x4  }
0x2c1: {  	[hbm4b:s29+s2] =	stream.indirect_vreg.scatter [tilespmem:s20], [sflag:$0x4], $0x80, v4, vm0, $0xb8;
	[tilespmem:$0x18780] =	vst v63  }
0x2c2: {  	s7 =	simm.s32 $0x10F80;
	v3 =	vperm.xlane v3, v2  }
0x2c3: {  	[hbm4b:s18+s2] =	stream.indirect_vreg.scatter [tilespmem:s7], [sflag:$0x4], $0x80, v4, vm0, $0xb8;
	[tilespmem:$0x18780] =	vst v63  }
0x2c4: {  	s9 =	simm.s32 $0x11780;
	v3 =	vadd.s32 v0, v3  }
0x2c5: {  	[hbm4b:s4+s2] =	stream.indirect_vreg.scatter [tilespmem:s9], [sflag:$0x4], $0x80, v4, vm0, $0xb8;
	[tilespmem:$0x18780] =	vst v63  }
0x2c6: {  	s10 =	simm.s32 $0x11F80  }
0x2c7: {  	[hbm4b:s19+s2] =	stream.indirect_vreg.scatter [tilespmem:s10], [sflag:$0x4], $0x80, v4, vm0, $0xb8;
	[tilespmem:$0x18780] =	vst v63  }
0x2c8: {  	s12 =	simm.s32 $0x12780  }
0x2c9: {  	[hbm4b:s29+s2] =	stream.indirect_vreg.scatter [tilespmem:s12], [sflag:$0x4], $0x80, v3, vm0, $0xb8;
	[tilespmem:$0x18780] =	vst v63  }
0x2ca: {  	s3 =	simm.s32 $0x12F80  }
0x2cb: {  	[hbm4b:s18+s2] =	stream.indirect_vreg.scatter [tilespmem:s3], [sflag:$0x4], $0x80, v3, vm0, $0xb8;
	[tilespmem:$0x18780] =	vst v63  }
0x2cc: {  	s5 =	simm.s32 $0x13780  }
0x2cd: {  	[hbm4b:s4+s2] =	stream.indirect_vreg.scatter [tilespmem:s5], [sflag:$0x4], $0x80, v3, vm0, $0xb8;
	[tilespmem:$0x18780] =	vst v63  }
0x2ce: {  	s6 =	simm.s32 $0x13F80  }
0x2cf: {  	[hbm4b:s19+s2] =	stream.indirect_vreg.scatter [tilespmem:s6], [sflag:$0x4], $0x80, v3, vm0, $0xb8;
	[tilespmem:$0x18780] =	vst v63  }
0x2d0: {  	v3 =	vld [tilespmem:$0x410];
	_ =	sdelay $0x4  }
0x2d1: {  	v4 =	vshll.u32 v3, $0x3  }
0x2d2: {  	v3 =	vand.u32 $0x7, v3;
	v4 =	vand.u32 $0xFFFFFFC0, v4  }
0x2d3: {  	v3 =	vor.u32 v3, v4  }
0x2d4: {  	v4 =	vperm.xlane v3, v1;
	_ =	sdelay $0x1  }
0x2d5: {  	v4 =	vadd.s32 v0, v4;
	_ =	sdelay $0x3  }
0x2d6: {  	s10 =	simm.s32 $0x14780  }
0x2d7: {  	[hbm4b:s29+s2] =	stream.indirect_vreg.scatter [tilespmem:s10], [sflag:$0x4], $0x80, v4, vm0, $0xb8;
	[tilespmem:$0x18780] =	vst v63  }
0x2d8: {  	s12 =	simm.s32 $0x14F80;
	v3 =	vperm.xlane v3, v2  }
0x2d9: {  	[hbm4b:s18+s2] =	stream.indirect_vreg.scatter [tilespmem:s12], [sflag:$0x4], $0x80, v4, vm0, $0xb8;
	[tilespmem:$0x18780] =	vst v63  }
0x2da: {  	s0 =	simm.s32 $0x15780;
	v3 =	vadd.s32 v0, v3  }
0x2db: {  	[hbm4b:s4+s2] =	stream.indirect_vreg.scatter [tilespmem:s0], [sflag:$0x4], $0x80, v4, vm0, $0xb8;
	[tilespmem:$0x18780] =	vst v63  }
0x2dc: {  	s0 =	simm.s32 $0x15F80  }
0x2dd: {  	[hbm4b:s19+s2] =	stream.indirect_vreg.scatter [tilespmem:s0], [sflag:$0x4], $0x80, v4, vm0, $0xb8;
	[tilespmem:$0x18780] =	vst v63  }
0x2de: {  	s0 =	simm.s32 $0x16780  }
0x2df: {  	[hbm4b:s29+s2] =	stream.indirect_vreg.scatter [tilespmem:s0], [sflag:$0x4], $0x80, v3, vm0, $0xb8;
	[tilespmem:$0x18780] =	vst v63  }
0x2e0: {  	s0 =	simm.s32 $0x16F80  }
0x2e1: {  	[hbm4b:s18+s2] =	stream.indirect_vreg.scatter [tilespmem:s0], [sflag:$0x4], $0x80, v3, vm0, $0xb8;
	[tilespmem:$0x18780] =	vst v63  }
0x2e2: {  	s0 =	simm.s32 $0x17780  }
0x2e3: {  	[hbm4b:s4+s2] =	stream.indirect_vreg.scatter [tilespmem:s0], [sflag:$0x4], $0x80, v3, vm0, $0xb8;
	[tilespmem:$0x18780] =	vst v63  }
0x2e4: {  	s0 =	simm.s32 $0x17F80  }
0x2e5: {  	[hbm4b:s19+s2] =	stream.indirect_vreg.scatter [tilespmem:s0], [sflag:$0x4], $0x80, v3, vm0, $0xb8;
	[tilespmem:$0x18780] =	vst v63  }
0x2e6: {  	_ =	swait.ge [sflag:s1], $0x8000  }
0x2e7: {  	[sflag:s1] =	ssyncset.done $0x0  }
0x2e8: {  	s0 =	rddreg [dreg:$0xb];
	[sflag:s1] =	ssyncadd.s32 $0xFFFF8000  }
0x2e9: {  	[tilespmem:s20], [sflag:$0x2] =	stream.linear.gather [hbm4b:s0+s2], $0x8000, $0x38;
	[tilespmem:$0x18780] =	vst v63  }
0x2ea: {  	_ =	swait.ge [sflag:s24], $0x8000  }
0x2eb: {  	[sflag:s24] =	ssyncset.done $0x0  }
0x2ec: {  	[sflag:s24] =	ssyncadd.s32 $0xFFFF8000  }
0x2ed: {  	v3 =	vld [tilespmem:$0x480];
	_ =	sdelay $0x4  }
0x2ee: {  	v4 =	vshll.u32 v3, $0x3  }
0x2ef: {  	v3 =	vand.u32 $0x7, v3;
	v4 =	vand.u32 $0xFFFFFFC0, v4  }
0x2f0: {  	v3 =	vor.u32 v3, v4  }
0x2f1: {  	v4 =	vperm.xlane v3, v1;
	_ =	sdelay $0x1  }
0x2f2: {  	v4 =	vadd.s32 v0, v4;
	_ =	sdelay $0x4  }
0x2f3: {  	[hbm4b:s29+s2] =	stream.indirect_vreg.scatter [tilespmem:s11], [sflag:$0x3], $0x80, v4, vm0, $0xb8;
	[tilespmem:$0x18780] =	vst v63  }
0x2f4: {  	s14 =	simm.s32 $0x8F80;
	v3 =	vperm.xlane v3, v2  }
0x2f5: {  	[hbm4b:s18+s2] =	stream.indirect_vreg.scatter [tilespmem:s14], [sflag:$0x3], $0x80, v4, vm0, $0xb8;
	[tilespmem:$0x18780] =	vst v63  }
0x2f6: {  	s28 =	simm.s32 $0x9780;
	v3 =	vadd.s32 v0, v3  }
0x2f7: {  	[hbm4b:s4+s2] =	stream.indirect_vreg.scatter [tilespmem:s28], [sflag:$0x3], $0x80, v4, vm0, $0xb8;
	[tilespmem:$0x18780] =	vst v63  }
0x2f8: {  	s21 =	simm.s32 $0x9F80  }
0x2f9: {  	[hbm4b:s19+s2] =	stream.indirect_vreg.scatter [tilespmem:s21], [sflag:$0x3], $0x80, v4, vm0, $0xb8;
	[tilespmem:$0x18780] =	vst v63  }
0x2fa: {  	s22 =	simm.s32 $0xA780  }
0x2fb: {  	[hbm4b:s29+s2] =	stream.indirect_vreg.scatter [tilespmem:s22], [sflag:$0x3], $0x80, v3, vm0, $0xb8;
	[tilespmem:$0x18780] =	vst v63  }
0x2fc: {  	s26 =	simm.s32 $0xAF80  }
0x2fd: {  	[hbm4b:s18+s2] =	stream.indirect_vreg.scatter [tilespmem:s26], [sflag:$0x3], $0x80, v3, vm0, $0xb8;
	[tilespmem:$0x18780] =	vst v63  }
0x2fe: {  	s30 =	simm.s32 $0xB780  }
0x2ff: {  	[hbm4b:s4+s2] =	stream.indirect_vreg.scatter [tilespmem:s30], [sflag:$0x3], $0x80, v3, vm0, $0xb8;
	[tilespmem:$0x18780] =	vst v63  }
0x300: {  	s15 =	simm.s32 $0xBF80  }
0x301: {  	[hbm4b:s19+s2] =	stream.indirect_vreg.scatter [tilespmem:s15], [sflag:$0x3], $0x80, v3, vm0, $0xb8;
	[tilespmem:$0x18780] =	vst v63  }
0x302: {  	v3 =	vld [tilespmem:$0x490];
	_ =	sdelay $0x4  }
0x303: {  	v4 =	vshll.u32 v3, $0x3  }
0x304: {  	v3 =	vand.u32 $0x7, v3;
	v4 =	vand.u32 $0xFFFFFFC0, v4  }
0x305: {  	v3 =	vor.u32 v3, v4  }
0x306: {  	v4 =	vperm.xlane v3, v1;
	_ =	sdelay $0x1  }
0x307: {  	v4 =	vadd.s32 v0, v4;
	_ =	sdelay $0x3  }
0x308: {  	s16 =	simm.s32 $0xC780  }
0x309: {  	[hbm4b:s29+s2] =	stream.indirect_vreg.scatter [tilespmem:s16], [sflag:$0x3], $0x80, v4, vm0, $0xb8;
	[tilespmem:$0x18780] =	vst v63  }
0x30a: {  	s17 =	simm.s32 $0xCF80;
	v3 =	vperm.xlane v3, v2  }
0x30b: {  	[hbm4b:s18+s2] =	stream.indirect_vreg.scatter [tilespmem:s17], [sflag:$0x3], $0x80, v4, vm0, $0xb8;
	[tilespmem:$0x18780] =	vst v63  }
0x30c: {  	v3 =	vadd.s32 v0, v3;
	s16 =	simm.s32 $0xD780  }
0x30d: {  	[hbm4b:s4+s2] =	stream.indirect_vreg.scatter [tilespmem:s16], [sflag:$0x3], $0x80, v4, vm0, $0xb8;
	[tilespmem:$0x18780] =	vst v63  }
0x30e: {  	s17 =	simm.s32 $0xDF80  }
0x30f: {  	[hbm4b:s19+s2] =	stream.indirect_vreg.scatter [tilespmem:s17], [sflag:$0x3], $0x80, v4, vm0, $0xb8;
	[tilespmem:$0x18780] =	vst v63  }
0x310: {  	s15 =	simm.s32 $0xE780  }
0x311: {  	[hbm4b:s29+s2] =	stream.indirect_vreg.scatter [tilespmem:s15], [sflag:$0x3], $0x80, v3, vm0, $0xb8;
	[tilespmem:$0x18780] =	vst v63  }
0x312: {  	s16 =	simm.s32 $0xEF80  }
0x313: {  	[hbm4b:s18+s2] =	stream.indirect_vreg.scatter [tilespmem:s16], [sflag:$0x3], $0x80, v3, vm0, $0xb8;
	[tilespmem:$0x18780] =	vst v63  }
0x314: {  	s0 =	simm.s32 $0xF780  }
0x315: {  	[hbm4b:s4+s2] =	stream.indirect_vreg.scatter [tilespmem:s0], [sflag:$0x3], $0x80, v3, vm0, $0xb8;
	[tilespmem:$0x18780] =	vst v63  }
0x316: {  	s0 =	simm.s32 $0xFF80  }
0x317: {  	[hbm4b:s19+s2] =	stream.indirect_vreg.scatter [tilespmem:s0], [sflag:$0x3], $0x80, v3, vm0, $0xb8;
	[tilespmem:$0x18780] =	vst v63  }
0x318: {  	_ =	swait.ge [sflag:s25], $0x8000  }
0x319: {  	[sflag:s25] =	ssyncset.done $0x0  }
0x31a: {  	s0 =	rddreg [dreg:$0xc];
	[sflag:s25] =	ssyncadd.s32 $0xFFFF8000  }
0x31b: {  	[tilespmem:s11], [sflag:$0x1] =	stream.linear.gather [hbm4b:s0+s2], $0x8000, $0x38;
	[tilespmem:$0x18780] =	vst v63  }
0x31c: {  	_ =	swait.ge [sflag:s31], $0x8000  }
0x31d: {  	[sflag:s31] =	ssyncset.done $0x0  }
0x31e: {  	[sflag:s31] =	ssyncadd.s32 $0xFFFF8000  }
0x31f: {  	v3 =	vld [tilespmem:$0x500];
	_ =	sdelay $0x4  }
0x320: {  	v4 =	vshll.u32 v3, $0x3  }
0x321: {  	v3 =	vand.u32 $0x7, v3;
	v4 =	vand.u32 $0xFFFFFFC0, v4  }
0x322: {  	v3 =	vor.u32 v3, v4  }
0x323: {  	v4 =	vperm.xlane v3, v1;
	_ =	sdelay $0x1  }
0x324: {  	v4 =	vadd.s32 v0, v4;
	_ =	sdelay $0x4  }
0x325: {  	[hbm4b:s29+s2] =	stream.indirect_vreg.scatter [tilespmem:s20], [sflag:$0x4], $0x80, v4, vm0, $0xb8;
	[tilespmem:$0x18780] =	vst v63  }
0x326: {  	s13 =	simm.s32 $0x10F80;
	v3 =	vperm.xlane v3, v2  }
0x327: {  	[hbm4b:s18+s2] =	stream.indirect_vreg.scatter [tilespmem:s13], [sflag:$0x4], $0x80, v4, vm0, $0xb8;
	[tilespmem:$0x18780] =	vst v63  }
0x328: {  	v3 =	vadd.s32 v0, v3;
	s13 =	simm.s32 $0x11780  }
0x329: {  	[hbm4b:s4+s2] =	stream.indirect_vreg.scatter [tilespmem:s13], [sflag:$0x4], $0x80, v4, vm0, $0xb8;
	[tilespmem:$0x18780] =	vst v63  }
0x32a: {  	s9 =	simm.s32 $0x11F80  }
0x32b: {  	[hbm4b:s19+s2] =	stream.indirect_vreg.scatter [tilespmem:s9], [sflag:$0x4], $0x80, v4, vm0, $0xb8;
	[tilespmem:$0x18780] =	vst v63  }
0x32c: {  	s7 =	simm.s32 $0x12780  }
0x32d: {  	[hbm4b:s29+s2] =	stream.indirect_vreg.scatter [tilespmem:s7], [sflag:$0x4], $0x80, v3, vm0, $0xb8;
	[tilespmem:$0x18780] =	vst v63  }
0x32e: {  	s3 =	simm.s32 $0x12F80  }
0x32f: {  	[hbm4b:s18+s2] =	stream.indirect_vreg.scatter [tilespmem:s3], [sflag:$0x4], $0x80, v3, vm0, $0xb8;
	[tilespmem:$0x18780] =	vst v63  }
0x330: {  	s5 =	simm.s32 $0x13780  }
0x331: {  	[hbm4b:s4+s2] =	stream.indirect_vreg.scatter [tilespmem:s5], [sflag:$0x4], $0x80, v3, vm0, $0xb8;
	[tilespmem:$0x18780] =	vst v63  }
0x332: {  	s6 =	simm.s32 $0x13F80  }
0x333: {  	[hbm4b:s19+s2] =	stream.indirect_vreg.scatter [tilespmem:s6], [sflag:$0x4], $0x80, v3, vm0, $0xb8;
	[tilespmem:$0x18780] =	vst v63  }
0x334: {  	v3 =	vld [tilespmem:$0x510];
	_ =	sdelay $0x4  }
0x335: {  	v4 =	vshll.u32 v3, $0x3  }
0x336: {  	v3 =	vand.u32 $0x7, v3;
	v4 =	vand.u32 $0xFFFFFFC0, v4  }
0x337: {  	v3 =	vor.u32 v3, v4  }
0x338: {  	v4 =	vperm.xlane v3, v1;
	_ =	sdelay $0x1  }
0x339: {  	v4 =	vadd.s32 v0, v4;
	_ =	sdelay $0x3  }
0x33a: {  	s10 =	simm.s32 $0x14780  }
0x33b: {  	[hbm4b:s29+s2] =	stream.indirect_vreg.scatter [tilespmem:s10], [sflag:$0x4], $0x80, v4, vm0, $0xb8;
	[tilespmem:$0x18780] =	vst v63  }
0x33c: {  	s12 =	simm.s32 $0x14F80;
	v3 =	vperm.xlane v3, v2  }
0x33d: {  	[hbm4b:s18+s2] =	stream.indirect_vreg.scatter [tilespmem:s12], [sflag:$0x4], $0x80, v4, vm0, $0xb8;
	[tilespmem:$0x18780] =	vst v63  }
0x33e: {  	v3 =	vadd.s32 v0, v3;
	s10 =	simm.s32 $0x15780  }
0x33f: {  	[hbm4b:s4+s2] =	stream.indirect_vreg.scatter [tilespmem:s10], [sflag:$0x4], $0x80, v4, vm0, $0xb8;
	[tilespmem:$0x18780] =	vst v63  }
0x340: {  	s12 =	simm.s32 $0x15F80  }
0x341: {  	[hbm4b:s19+s2] =	stream.indirect_vreg.scatter [tilespmem:s12], [sflag:$0x4], $0x80, v4, vm0, $0xb8;
	[tilespmem:$0x18780] =	vst v63  }
0x342: {  	s5 =	simm.s32 $0x16780  }
0x343: {  	[hbm4b:s29+s2] =	stream.indirect_vreg.scatter [tilespmem:s5], [sflag:$0x4], $0x80, v3, vm0, $0xb8;
	[tilespmem:$0x18780] =	vst v63  }
0x344: {  	s10 =	simm.s32 $0x16F80  }
0x345: {  	[hbm4b:s18+s2] =	stream.indirect_vreg.scatter [tilespmem:s10], [sflag:$0x4], $0x80, v3, vm0, $0xb8;
	[tilespmem:$0x18780] =	vst v63  }
0x346: {  	s12 =	simm.s32 $0x17780  }
0x347: {  	[hbm4b:s4+s2] =	stream.indirect_vreg.scatter [tilespmem:s12], [sflag:$0x4], $0x80, v3, vm0, $0xb8;
	[tilespmem:$0x18780] =	vst v63  }
0x348: {  	s5 =	simm.s32 $0x17F80  }
0x349: {  	[hbm4b:s19+s2] =	stream.indirect_vreg.scatter [tilespmem:s5], [sflag:$0x4], $0x80, v3, vm0, $0xb8;
	[tilespmem:$0x18780] =	vst v63  }
0x34a: {  	_ =	swait.ge [sflag:s1], $0x8000  }
0x34b: {  	[sflag:s1] =	ssyncset.done $0x0  }
0x34c: {  	s10 =	rddreg [dreg:$0xd];
	[sflag:s1] =	ssyncadd.s32 $0xFFFF8000  }
0x34d: {  	[tilespmem:s20], [sflag:$0x2] =	stream.linear.gather [hbm4b:s10+s2], $0x8000, $0x38;
	[tilespmem:$0x18780] =	vst v63  }
0x34e: {  	_ =	swait.ge [sflag:s24], $0x8000  }
0x34f: {  	[sflag:s24] =	ssyncset.done $0x0  }
0x350: {  	[sflag:s24] =	ssyncadd.s32 $0xFFFF8000  }
0x351: {  	v3 =	vld [tilespmem:$0x580];
	_ =	sdelay $0x4  }
0x352: {  	v4 =	vshll.u32 v3, $0x3  }
0x353: {  	v3 =	vand.u32 $0x7, v3;
	v4 =	vand.u32 $0xFFFFFFC0, v4  }
0x354: {  	v3 =	vor.u32 v3, v4  }
0x355: {  	v4 =	vperm.xlane v3, v1;
	_ =	sdelay $0x1  }
0x356: {  	v4 =	vadd.s32 v0, v4;
	_ =	sdelay $0x4  }
0x357: {  	[hbm4b:s29+s2] =	stream.indirect_vreg.scatter [tilespmem:s11], [sflag:$0x3], $0x80, v4, vm0, $0xb8;
	[tilespmem:$0x18780] =	vst v63  }
0x358: {  	s12 =	simm.s32 $0x8F80;
	v3 =	vperm.xlane v3, v2  }
0x359: {  	[hbm4b:s18+s2] =	stream.indirect_vreg.scatter [tilespmem:s12], [sflag:$0x3], $0x80, v4, vm0, $0xb8;
	[tilespmem:$0x18780] =	vst v63  }
0x35a: {  	s14 =	simm.s32 $0x9780;
	v3 =	vadd.s32 v0, v3  }
0x35b: {  	[hbm4b:s4+s2] =	stream.indirect_vreg.scatter [tilespmem:s14], [sflag:$0x3], $0x80, v4, vm0, $0xb8;
	[tilespmem:$0x18780] =	vst v63  }
0x35c: {  	s21 =	simm.s32 $0x9F80  }
0x35d: {  	[hbm4b:s19+s2] =	stream.indirect_vreg.scatter [tilespmem:s21], [sflag:$0x3], $0x80, v4, vm0, $0xb8;
	[tilespmem:$0x18780] =	vst v63  }
0x35e: {  	s22 =	simm.s32 $0xA780  }
0x35f: {  	[hbm4b:s29+s2] =	stream.indirect_vreg.scatter [tilespmem:s22], [sflag:$0x3], $0x80, v3, vm0, $0xb8;
	[tilespmem:$0x18780] =	vst v63  }
0x360: {  	s26 =	simm.s32 $0xAF80  }
0x361: {  	[hbm4b:s18+s2] =	stream.indirect_vreg.scatter [tilespmem:s26], [sflag:$0x3], $0x80, v3, vm0, $0xb8;
	[tilespmem:$0x18780] =	vst v63  }
0x362: {  	s28 =	simm.s32 $0xB780  }
0x363: {  	[hbm4b:s4+s2] =	stream.indirect_vreg.scatter [tilespmem:s28], [sflag:$0x3], $0x80, v3, vm0, $0xb8;
	[tilespmem:$0x18780] =	vst v63  }
0x364: {  	s26 =	simm.s32 $0xBF80  }
0x365: {  	[hbm4b:s19+s2] =	stream.indirect_vreg.scatter [tilespmem:s26], [sflag:$0x3], $0x80, v3, vm0, $0xb8;
	[tilespmem:$0x18780] =	vst v63  }
0x366: {  	v3 =	vld [tilespmem:$0x590];
	_ =	sdelay $0x4  }
0x367: {  	v4 =	vshll.u32 v3, $0x3  }
0x368: {  	v3 =	vand.u32 $0x7, v3;
	v4 =	vand.u32 $0xFFFFFFC0, v4  }
0x369: {  	v3 =	vor.u32 v3, v4  }
0x36a: {  	v4 =	vperm.xlane v3, v1;
	_ =	sdelay $0x1  }
0x36b: {  	v4 =	vadd.s32 v0, v4;
	_ =	sdelay $0x3  }
0x36c: {  	s28 =	simm.s32 $0xC780  }
0x36d: {  	[hbm4b:s29+s2] =	stream.indirect_vreg.scatter [tilespmem:s28], [sflag:$0x3], $0x80, v4, vm0, $0xb8;
	[tilespmem:$0x18780] =	vst v63  }
0x36e: {  	s5 =	simm.s32 $0xCF80;
	v3 =	vperm.xlane v3, v2  }
0x36f: {  	[hbm4b:s18+s2] =	stream.indirect_vreg.scatter [tilespmem:s5], [sflag:$0x3], $0x80, v4, vm0, $0xb8;
	[tilespmem:$0x18780] =	vst v63  }
0x370: {  	s30 =	simm.s32 $0xD780;
	v3 =	vadd.s32 v0, v3  }
0x371: {  	[hbm4b:s4+s2] =	stream.indirect_vreg.scatter [tilespmem:s30], [sflag:$0x3], $0x80, v4, vm0, $0xb8;
	[tilespmem:$0x18780] =	vst v63  }
0x372: {  	s17 =	simm.s32 $0xDF80  }
0x373: {  	[hbm4b:s19+s2] =	stream.indirect_vreg.scatter [tilespmem:s17], [sflag:$0x3], $0x80, v4, vm0, $0xb8;
	[tilespmem:$0x18780] =	vst v63  }
0x374: {  	s15 =	simm.s32 $0xE780  }
0x375: {  	[hbm4b:s29+s2] =	stream.indirect_vreg.scatter [tilespmem:s15], [sflag:$0x3], $0x80, v3, vm0, $0xb8;
	[tilespmem:$0x18780] =	vst v63  }
0x376: {  	s16 =	simm.s32 $0xEF80  }
0x377: {  	[hbm4b:s18+s2] =	stream.indirect_vreg.scatter [tilespmem:s16], [sflag:$0x3], $0x80, v3, vm0, $0xb8;
	[tilespmem:$0x18780] =	vst v63  }
0x378: {  	s10 =	simm.s32 $0xF780  }
0x379: {  	[hbm4b:s4+s2] =	stream.indirect_vreg.scatter [tilespmem:s10], [sflag:$0x3], $0x80, v3, vm0, $0xb8;
	[tilespmem:$0x18780] =	vst v63  }
0x37a: {  	s12 =	simm.s32 $0xFF80  }
0x37b: {  	[hbm4b:s19+s2] =	stream.indirect_vreg.scatter [tilespmem:s12], [sflag:$0x3], $0x80, v3, vm0, $0xb8;
	[tilespmem:$0x18780] =	vst v63  }
0x37c: {  	_ =	swait.ge [sflag:s25], $0x8000  }
0x37d: {  	[sflag:s25] =	ssyncset.done $0x0  }
0x37e: {  	s14 =	rddreg [dreg:$0xe];
	[sflag:s25] =	ssyncadd.s32 $0xFFFF8000  }
0x37f: {  	[tilespmem:s11], [sflag:$0x1] =	stream.linear.gather [hbm4b:s14+s2], $0x8000, $0x38;
	[tilespmem:$0x18780] =	vst v63  }
0x380: {  	_ =	swait.ge [sflag:s31], $0x8000  }
0x381: {  	[sflag:s31] =	ssyncset.done $0x0  }
0x382: {  	[sflag:s31] =	ssyncadd.s32 $0xFFFF8000  }
0x383: {  	v3 =	vld [tilespmem:$0x600];
	_ =	sdelay $0x4  }
0x384: {  	v4 =	vshll.u32 v3, $0x3  }
0x385: {  	v3 =	vand.u32 $0x7, v3;
	v4 =	vand.u32 $0xFFFFFFC0, v4  }
0x386: {  	v3 =	vor.u32 v3, v4  }
0x387: {  	v4 =	vperm.xlane v3, v1;
	_ =	sdelay $0x1  }
0x388: {  	v4 =	vadd.s32 v0, v4;
	_ =	sdelay $0x4  }
0x389: {  	[hbm4b:s29+s2] =	stream.indirect_vreg.scatter [tilespmem:s20], [sflag:$0x4], $0x80, v4, vm0, $0xb8;
	[tilespmem:$0x18780] =	vst v63  }
0x38a: {  	s15 =	simm.s32 $0x10F80;
	v3 =	vperm.xlane v3, v2  }
0x38b: {  	[hbm4b:s18+s2] =	stream.indirect_vreg.scatter [tilespmem:s15], [sflag:$0x4], $0x80, v4, vm0, $0xb8;
	[tilespmem:$0x18780] =	vst v63  }
0x38c: {  	s13 =	simm.s32 $0x11780;
	v3 =	vadd.s32 v0, v3  }
0x38d: {  	[hbm4b:s4+s2] =	stream.indirect_vreg.scatter [tilespmem:s13], [sflag:$0x4], $0x80, v4, vm0, $0xb8;
	[tilespmem:$0x18780] =	vst v63  }
0x38e: {  	s9 =	simm.s32 $0x11F80  }
0x38f: {  	[hbm4b:s19+s2] =	stream.indirect_vreg.scatter [tilespmem:s9], [sflag:$0x4], $0x80, v4, vm0, $0xb8;
	[tilespmem:$0x18780] =	vst v63  }
0x390: {  	s16 =	simm.s32 $0x12780  }
0x391: {  	[hbm4b:s29+s2] =	stream.indirect_vreg.scatter [tilespmem:s16], [sflag:$0x4], $0x80, v3, vm0, $0xb8;
	[tilespmem:$0x18780] =	vst v63  }
0x392: {  	s7 =	simm.s32 $0x12F80  }
0x393: {  	[hbm4b:s18+s2] =	stream.indirect_vreg.scatter [tilespmem:s7], [sflag:$0x4], $0x80, v3, vm0, $0xb8;
	[tilespmem:$0x18780] =	vst v63  }
0x394: {  	s17 =	simm.s32 $0x13780  }
0x395: {  	[hbm4b:s4+s2] =	stream.indirect_vreg.scatter [tilespmem:s17], [sflag:$0x4], $0x80, v3, vm0, $0xb8;
	[tilespmem:$0x18780] =	vst v63  }
0x396: {  	s21 =	simm.s32 $0x13F80  }
0x397: {  	[hbm4b:s19+s2] =	stream.indirect_vreg.scatter [tilespmem:s21], [sflag:$0x4], $0x80, v3, vm0, $0xb8;
	[tilespmem:$0x18780] =	vst v63  }
0x398: {  	v3 =	vld [tilespmem:$0x610];
	_ =	sdelay $0x4  }
0x399: {  	v4 =	vshll.u32 v3, $0x3  }
0x39a: {  	v3 =	vand.u32 $0x7, v3;
	v4 =	vand.u32 $0xFFFFFFC0, v4  }
0x39b: {  	v3 =	vor.u32 v3, v4  }
0x39c: {  	v4 =	vperm.xlane v3, v1;
	_ =	sdelay $0x1  }
0x39d: {  	v4 =	vadd.s32 v0, v4;
	_ =	sdelay $0x3  }
0x39e: {  	s3 =	simm.s32 $0x14780  }
0x39f: {  	[hbm4b:s29+s2] =	stream.indirect_vreg.scatter [tilespmem:s3], [sflag:$0x4], $0x80, v4, vm0, $0xb8;
	[tilespmem:$0x18780] =	vst v63  }
0x3a0: {  	s6 =	simm.s32 $0x14F80;
	v3 =	vperm.xlane v3, v2  }
0x3a1: {  	[hbm4b:s18+s2] =	stream.indirect_vreg.scatter [tilespmem:s6], [sflag:$0x4], $0x80, v4, vm0, $0xb8;
	[tilespmem:$0x18780] =	vst v63  }
0x3a2: {  	s30 =	simm.s32 $0x15780;
	v3 =	vadd.s32 v0, v3  }
0x3a3: {  	[hbm4b:s4+s2] =	stream.indirect_vreg.scatter [tilespmem:s30], [sflag:$0x4], $0x80, v4, vm0, $0xb8;
	[tilespmem:$0x18780] =	vst v63  }
0x3a4: {  	s3 =	simm.s32 $0x15F80  }
0x3a5: {  	[hbm4b:s19+s2] =	stream.indirect_vreg.scatter [tilespmem:s3], [sflag:$0x4], $0x80, v4, vm0, $0xb8;
	[tilespmem:$0x18780] =	vst v63  }
0x3a6: {  	s6 =	simm.s32 $0x16780  }
0x3a7: {  	[hbm4b:s29+s2] =	stream.indirect_vreg.scatter [tilespmem:s6], [sflag:$0x4], $0x80, v3, vm0, $0xb8;
	[tilespmem:$0x18780] =	vst v63  }
0x3a8: {  	s7 =	simm.s32 $0x16F80  }
0x3a9: {  	[hbm4b:s18+s2] =	stream.indirect_vreg.scatter [tilespmem:s7], [sflag:$0x4], $0x80, v3, vm0, $0xb8;
	[tilespmem:$0x18780] =	vst v63  }
0x3aa: {  	s9 =	simm.s32 $0x17780  }
0x3ab: {  	[hbm4b:s4+s2] =	stream.indirect_vreg.scatter [tilespmem:s9], [sflag:$0x4], $0x80, v3, vm0, $0xb8;
	[tilespmem:$0x18780] =	vst v63  }
0x3ac: {  	s10 =	simm.s32 $0x17F80  }
0x3ad: {  	[hbm4b:s19+s2] =	stream.indirect_vreg.scatter [tilespmem:s10], [sflag:$0x4], $0x80, v3, vm0, $0xb8;
	[tilespmem:$0x18780] =	vst v63  }
0x3ae: {  	_ =	swait.ge [sflag:s1], $0x8000  }
0x3af: {  	[sflag:s1] =	ssyncset.done $0x0  }
0x3b0: {  	s0 =	rddreg [dreg:$0xf];
	[sflag:s1] =	ssyncadd.s32 $0xFFFF8000  }
0x3b1: {  	[tilespmem:s20], [sflag:$0x2] =	stream.linear.gather [hbm4b:s0+s2], $0x8000, $0x38;
	[tilespmem:$0x18780] =	vst v63  }
0x3b2: {  	_ =	swait.ge [sflag:s24], $0x8000  }
0x3b3: {  	[sflag:s24] =	ssyncset.done $0x0  }
0x3b4: {  	[sflag:s24] =	ssyncadd.s32 $0xFFFF8000  }
0x3b5: {  	v3 =	vld [tilespmem:$0x680];
	_ =	sdelay $0x4  }
0x3b6: {  	v4 =	vshll.u32 v3, $0x3  }
0x3b7: {  	v3 =	vand.u32 $0x7, v3;
	v4 =	vand.u32 $0xFFFFFFC0, v4  }
0x3b8: {  	v3 =	vor.u32 v3, v4  }
0x3b9: {  	v4 =	vperm.xlane v3, v1;
	_ =	sdelay $0x1  }
0x3ba: {  	v4 =	vadd.s32 v0, v4;
	_ =	sdelay $0x4  }
0x3bb: {  	[hbm4b:s29+s2] =	stream.indirect_vreg.scatter [tilespmem:s11], [sflag:$0x3], $0x80, v4, vm0, $0xb8;
	[tilespmem:$0x18780] =	vst v63  }
0x3bc: {  	s0 =	simm.s32 $0x8F80;
	v3 =	vperm.xlane v3, v2  }
0x3bd: {  	[hbm4b:s18+s2] =	stream.indirect_vreg.scatter [tilespmem:s0], [sflag:$0x3], $0x80, v4, vm0, $0xb8;
	[tilespmem:$0x18780] =	vst v63  }
0x3be: {  	v3 =	vadd.s32 v0, v3;
	s0 =	simm.s32 $0x9780  }
0x3bf: {  	[hbm4b:s4+s2] =	stream.indirect_vreg.scatter [tilespmem:s0], [sflag:$0x3], $0x80, v4, vm0, $0xb8;
	[tilespmem:$0x18780] =	vst v63  }
0x3c0: {  	s0 =	simm.s32 $0x9F80  }
0x3c1: {  	[hbm4b:s19+s2] =	stream.indirect_vreg.scatter [tilespmem:s0], [sflag:$0x3], $0x80, v4, vm0, $0xb8;
	[tilespmem:$0x18780] =	vst v63  }
0x3c2: {  	s0 =	simm.s32 $0xA780  }
0x3c3: {  	[hbm4b:s29+s2] =	stream.indirect_vreg.scatter [tilespmem:s0], [sflag:$0x3], $0x80, v3, vm0, $0xb8;
	[tilespmem:$0x18780] =	vst v63  }
0x3c4: {  	s0 =	simm.s32 $0xAF80  }
0x3c5: {  	[hbm4b:s18+s2] =	stream.indirect_vreg.scatter [tilespmem:s0], [sflag:$0x3], $0x80, v3, vm0, $0xb8;
	[tilespmem:$0x18780] =	vst v63  }
0x3c6: {  	s0 =	simm.s32 $0xB780  }
0x3c7: {  	[hbm4b:s4+s2] =	stream.indirect_vreg.scatter [tilespmem:s0], [sflag:$0x3], $0x80, v3, vm0, $0xb8;
	[tilespmem:$0x18780] =	vst v63  }
0x3c8: {  	s0 =	simm.s32 $0xBF80  }
0x3c9: {  	[hbm4b:s19+s2] =	stream.indirect_vreg.scatter [tilespmem:s0], [sflag:$0x3], $0x80, v3, vm0, $0xb8;
	[tilespmem:$0x18780] =	vst v63  }
0x3ca: {  	v3 =	vld [tilespmem:$0x690];
	_ =	sdelay $0x4  }
0x3cb: {  	v4 =	vshll.u32 v3, $0x3  }
0x3cc: {  	v3 =	vand.u32 $0x7, v3;
	v4 =	vand.u32 $0xFFFFFFC0, v4  }
0x3cd: {  	v3 =	vor.u32 v3, v4  }
0x3ce: {  	v4 =	vperm.xlane v3, v1;
	_ =	sdelay $0x1  }
0x3cf: {  	v4 =	vadd.s32 v0, v4;
	_ =	sdelay $0x3  }
0x3d0: {  	s0 =	simm.s32 $0xC780  }
0x3d1: {  	[hbm4b:s29+s2] =	stream.indirect_vreg.scatter [tilespmem:s0], [sflag:$0x3], $0x80, v4, vm0, $0xb8;
	[tilespmem:$0x18780] =	vst v63  }
0x3d2: {  	v3 =	vperm.xlane v3, v2;
	s0 =	simm.s32 $0xCF80  }
0x3d3: {  	[hbm4b:s18+s2] =	stream.indirect_vreg.scatter [tilespmem:s0], [sflag:$0x3], $0x80, v4, vm0, $0xb8;
	[tilespmem:$0x18780] =	vst v63  }
0x3d4: {  	s28 =	simm.s32 $0xD780;
	v3 =	vadd.s32 v0, v3  }
0x3d5: {  	[hbm4b:s4+s2] =	stream.indirect_vreg.scatter [tilespmem:s28], [sflag:$0x3], $0x80, v4, vm0, $0xb8;
	[tilespmem:$0x18780] =	vst v63  }
0x3d6: {  	s26 =	simm.s32 $0xDF80  }
0x3d7: {  	[hbm4b:s19+s2] =	stream.indirect_vreg.scatter [tilespmem:s26], [sflag:$0x3], $0x80, v4, vm0, $0xb8;
	[tilespmem:$0x18780] =	vst v63  }
0x3d8: {  	s28 =	simm.s32 $0xE780  }
0x3d9: {  	[hbm4b:s29+s2] =	stream.indirect_vreg.scatter [tilespmem:s28], [sflag:$0x3], $0x80, v3, vm0, $0xb8;
	[tilespmem:$0x18780] =	vst v63  }
0x3da: {  	s26 =	simm.s32 $0xEF80  }
0x3db: {  	[hbm4b:s18+s2] =	stream.indirect_vreg.scatter [tilespmem:s26], [sflag:$0x3], $0x80, v3, vm0, $0xb8;
	[tilespmem:$0x18780] =	vst v63  }
0x3dc: {  	s28 =	simm.s32 $0xF780  }
0x3dd: {  	[hbm4b:s4+s2] =	stream.indirect_vreg.scatter [tilespmem:s28], [sflag:$0x3], $0x80, v3, vm0, $0xb8;
	[tilespmem:$0x18780] =	vst v63  }
0x3de: {  	s26 =	simm.s32 $0xFF80  }
0x3df: {  	[hbm4b:s19+s2] =	stream.indirect_vreg.scatter [tilespmem:s26], [sflag:$0x3], $0x80, v3, vm0, $0xb8;
	[tilespmem:$0x18780] =	vst v63  }
0x3e0: {  	_ =	swait.ge [sflag:s31], $0x8000  }
0x3e1: {  	[sflag:s31] =	ssyncset.done $0x0  }
0x3e2: {  	[sflag:s31] =	ssyncadd.s32 $0xFFFF8000  }
0x3e3: {  	v3 =	vld [tilespmem:$0x700];
	_ =	sdelay $0x4  }
0x3e4: {  	v4 =	vshll.u32 v3, $0x3  }
0x3e5: {  	v3 =	vand.u32 $0x7, v3;
	v4 =	vand.u32 $0xFFFFFFC0, v4  }
0x3e6: {  	v3 =	vor.u32 v3, v4  }
0x3e7: {  	v4 =	vperm.xlane v3, v1;
	_ =	sdelay $0x1  }
0x3e8: {  	v4 =	vadd.s32 v0, v4;
	_ =	sdelay $0x4  }
0x3e9: {  	[hbm4b:s29+s2] =	stream.indirect_vreg.scatter [tilespmem:s20], [sflag:$0x4], $0x80, v4, vm0, $0xb8;
	[tilespmem:$0x18780] =	vst v63  }
0x3ea: {  	s15 =	simm.s32 $0x10F80;
	v3 =	vperm.xlane v3, v2  }
0x3eb: {  	[hbm4b:s18+s2] =	stream.indirect_vreg.scatter [tilespmem:s15], [sflag:$0x4], $0x80, v4, vm0, $0xb8;
	[tilespmem:$0x18780] =	vst v63  }
0x3ec: {  	s13 =	simm.s32 $0x11780;
	v3 =	vadd.s32 v0, v3  }
0x3ed: {  	[hbm4b:s4+s2] =	stream.indirect_vreg.scatter [tilespmem:s13], [sflag:$0x4], $0x80, v4, vm0, $0xb8;
	[tilespmem:$0x18780] =	vst v63  }
0x3ee: {  	s5 =	simm.s32 $0x11F80  }
0x3ef: {  	[hbm4b:s19+s2] =	stream.indirect_vreg.scatter [tilespmem:s5], [sflag:$0x4], $0x80, v4, vm0, $0xb8;
	[tilespmem:$0x18780] =	vst v63  }
0x3f0: {  	s22 =	simm.s32 $0x12780  }
0x3f1: {  	[hbm4b:s29+s2] =	stream.indirect_vreg.scatter [tilespmem:s22], [sflag:$0x4], $0x80, v3, vm0, $0xb8;
	[tilespmem:$0x18780] =	vst v63  }
0x3f2: {  	s16 =	simm.s32 $0x12F80  }
0x3f3: {  	[hbm4b:s18+s2] =	stream.indirect_vreg.scatter [tilespmem:s16], [sflag:$0x4], $0x80, v3, vm0, $0xb8;
	[tilespmem:$0x18780] =	vst v63  }
0x3f4: {  	s17 =	simm.s32 $0x13780  }
0x3f5: {  	[hbm4b:s4+s2] =	stream.indirect_vreg.scatter [tilespmem:s17], [sflag:$0x4], $0x80, v3, vm0, $0xb8;
	[tilespmem:$0x18780] =	vst v63  }
0x3f6: {  	s21 =	simm.s32 $0x13F80  }
0x3f7: {  	[hbm4b:s19+s2] =	stream.indirect_vreg.scatter [tilespmem:s21], [sflag:$0x4], $0x80, v3, vm0, $0xb8;
	[tilespmem:$0x18780] =	vst v63  }
0x3f8: {  	v3 =	vld [tilespmem:$0x710];
	_ =	sdelay $0x4  }
0x3f9: {  	v4 =	vshll.u32 v3, $0x3  }
0x3fa: {  	v3 =	vand.u32 $0x7, v3;
	v4 =	vand.u32 $0xFFFFFFC0, v4  }
0x3fb: {  	v3 =	vor.u32 v3, v4  }
0x3fc: {  	v1 =	vperm.xlane v3, v1;
	_ =	sdelay $0x1  }
0x3fd: {  	v1 =	vadd.s32 v0, v1;
	_ =	sdelay $0x3  }
0x3fe: {  	s12 =	simm.s32 $0x14780  }
0x3ff: {  	[hbm4b:s29+s2] =	stream.indirect_vreg.scatter [tilespmem:s12], [sflag:$0x4], $0x80, v1, vm0, $0xb8;
	[tilespmem:$0x18780] =	vst v63  }
0x400: {  	s14 =	simm.s32 $0x14F80;
	v2 =	vperm.xlane v3, v2  }
0x401: {  	[hbm4b:s18+s2] =	stream.indirect_vreg.scatter [tilespmem:s14], [sflag:$0x4], $0x80, v1, vm0, $0xb8;
	[tilespmem:$0x18780] =	vst v63  }
0x402: {  	s30 =	simm.s32 $0x15780;
	v0 =	vadd.s32 v0, v2  }
0x403: {  	[hbm4b:s4+s2] =	stream.indirect_vreg.scatter [tilespmem:s30], [sflag:$0x4], $0x80, v1, vm0, $0xb8;
	[tilespmem:$0x18780] =	vst v63  }
0x404: {  	s3 =	simm.s32 $0x15F80  }
0x405: {  	[hbm4b:s19+s2] =	stream.indirect_vreg.scatter [tilespmem:s3], [sflag:$0x4], $0x80, v1, vm0, $0xb8;
	[tilespmem:$0x18780] =	vst v63  }
0x406: {  	s6 =	simm.s32 $0x16780  }
0x407: {  	[hbm4b:s29+s2] =	stream.indirect_vreg.scatter [tilespmem:s6], [sflag:$0x4], $0x80, v0, vm0, $0xb8;
	[tilespmem:$0x18780] =	vst v63  }
0x408: {  	s7 =	simm.s32 $0x16F80  }
0x409: {  	[hbm4b:s18+s2] =	stream.indirect_vreg.scatter [tilespmem:s7], [sflag:$0x4], $0x80, v0, vm0, $0xb8;
	[tilespmem:$0x18780] =	vst v63  }
0x40a: {  	s9 =	simm.s32 $0x17780  }
0x40b: {  	[hbm4b:s4+s2] =	stream.indirect_vreg.scatter [tilespmem:s9], [sflag:$0x4], $0x80, v0, vm0, $0xb8;
	[tilespmem:$0x18780] =	vst v63  }
0x40c: {  	s10 =	simm.s32 $0x17F80  }
0x40d: {  	[hbm4b:s19+s2] =	stream.indirect_vreg.scatter [tilespmem:s10], [sflag:$0x4], $0x80, v0, vm0, $0xb8;
	[tilespmem:$0x18780] =	vst v63  }
0x40e: {  	s28 =	sld [smem:$0x7FB];
	_ =	swait.ge [sflag:s25], $0x8000  }
0x40f: {  	[sflag:s25] =	ssyncset.done $0x0  }
0x410: {  	[sflag:s25] =	ssyncadd.s32 $0xFFFF8000  }
0x411: {  	_ =	swait.ge [sflag:s1], $0x8000  }
0x412: {  	[sflag:s1] =	ssyncset.done $0x0  }
0x413: {  	[sflag:s1] =	ssyncadd.s32 $0xFFFF8000  }
0x414: {  	_ =	swait.ge [sflag:s23], $0x1000  }
0x415: {  	[sflag:s23] =	ssyncset.done $0x0  }
0x416: {  	[sflag:s23] =	ssyncadd.s32 $0xFFFFF000  }
0x417: {  	_ =	swait.ge [sflag:s23], $0x1000  }
0x418: {  	[sflag:s23] =	ssyncset.done $0x0  }
0x419: {  	[sflag:s23] =	ssyncadd.s32 $0xFFFFF000  }
0x41a: {  	_ =	swait.ge [sflag:s23], $0x1000  }
0x41b: {  	[sflag:s23] =	ssyncset.done $0x0  }
0x41c: {  	[sflag:s23] =	ssyncadd.s32 $0xFFFFF000  }
0x41d: {  	_ =	swait.ge [sflag:s23], $0x1000  }
0x41e: {  	[sflag:s23] =	ssyncset.done $0x0  }
0x41f: {  	[sflag:s23] =	ssyncadd.s32 $0xFFFFF000  }
0x420: {  	_ =	swait.ge [sflag:s23], $0x1000  }
0x421: {  	[sflag:s23] =	ssyncset.done $0x0  }
0x422: {  	[sflag:s23] =	ssyncadd.s32 $0xFFFFF000  }
0x423: {  	_ =	swait.ge [sflag:s23], $0x1000  }
0x424: {  	[sflag:s23] =	ssyncset.done $0x0  }
0x425: {  	[sflag:s23] =	ssyncadd.s32 $0xFFFFF000  }
0x426: {  	p0 =	sne.s32 s28, $0x1;
	_ =	swait.ge [sflag:s23], $0x1000  }
.Ltmp0:
0x427: {  	[sflag:s23] =	ssyncset.done $0x0;
	(pc) =	sbr.rel @p0 .LBB2_1-.Ltmp0, $4  }
0x428: {  	[sflag:s23] =	ssyncadd.s32 $0xFFFFF000  }
0x429: {  	_ =	swait.ge [sflag:s23], $0x1000  }
0x42a: {  	[sflag:s23] =	ssyncset.done $0x0  }
0x42b: {  	s5 =	sadd.s32 $0xFFFFFFFF, s28;
	[sflag:s23] =	ssyncadd.s32 $0xFFFFF000  }
0x42c: {  	_ =	sfence.sel $0x180000  }
0x42d: {  	[bflag:$0x0] =	sbarrier.arrive $0xFFFF  }
0x42e: {  	_ =	strace $0x90000047  }
0x42f: {  	s0 =	stileid.u32;
	[bflag:$0x2] =	sbarrier.arrive $0xFFFF  }
0x430: {  	p0 =	sne.s32 s0, $0x0;
	s0 =	rddreg [dreg:$0x3]  }
0x431: {  	s0 =	sadd.s32 @!p0 $0x100000, s0  }
0x432: {  	[sflag:s0] =	ssyncadd.tile.s32 @!p0 $0x1;
	_ =	shalt  }
.Lfunc_end2:
_tile_overlayer_lowered:
.L_overlay_start_2:
0x433: {  	(tag) =	ssettag $0x2  }
0x434: {  	s0 =	rddreg [dreg:$0x0];
	s2 =	stileid.u32  }
0x435: {  	s1 =	rddreg [dreg:$0x1];
	p0 =	sne.s32 s2, $0x0  }
0x436: {  	s3 =	rddreg [dreg:$0x2];
	[bflag:$0x3] =	sbarrier.arrive $0xFFFF;
	s2 =	simm.s32 @!p0 $0x1C06  }
0x437: {  	[timem:s3], [sflag:s2] =	dma.local @!p0 [hbm:s0], s1  }
0x438: {  	s0 =	simm.s32 @!p0 $0x6  }
0x439: {  	_ =	swait.ge @!p0 [sflag:s0], s1  }
0x43a: {  	s1 =	ssub.s32 @!p0 $0x0, s1;
	[sflag:s0] =	ssyncset.done @!p0 $0x0  }
0x43b: {  	[sflag:s0] =	ssyncadd.s32 @!p0 s1  }
0x43c: {  	[bflag:$0x3] =	sbarrier.arrive $0xFFFF  }
0x43d: {  	_ =	shalt  }

// kernel: kernel.9.cloned.1.call-start
scs
__scs_entry_jumppad:
0x0: {  	(pc) =	sbr.rel $0x88, $3  }
0x1: {  	(tag) =	ssettag $0x0;
	lr =	simm.s32 $0x1  }
0x2: {  	[smem:$0x3F9A] =	sst lr;
	_ =	strace $0xD0000000  }
0x3: {  	_ = 	snop  }
0x4: {  	_ = 	snop  }
0x5: {  	_ = 	snop  }
0x6: {  	_ = 	snop  }
0x7: {  	_ = 	snop  }
__scs_overlays_trampoline_lowered:
0x8: {  	[smem:$0x3FA9] =	sst s0  }
0x9: {  	[smem:$0x3FAA] =	sst s1  }
0xa: {  	[smem:$0x3FAB] =	sst s2  }
0xb: {  	[smem:$0x3FAC] =	sst s3  }
0xc: {  	[smem:$0x3FAD] =	sst s4  }
0xd: {  	[smem:$0x3FAE] =	sst s5  }
0xe: {  	[smem:$0x3FAF] =	sst s6  }
0xf: {  	[smem:$0x3FB0] =	sst s7  }
0x10: {  	[smem:$0x3FB1] =	sst s8  }
0x11: {  	[smem:$0x3FB2] =	sst s9;
	s0 =	simm.s32 @!p0 $0x0  }
0x12: {  	s1 =	sld [smem:$0x3F98];
	s0 =	simm.s32 @p0 $0x1  }
0x13: {  	[smem:$0x3FB3] =	sst s0;
	s0 =	simm.s32 @!p1 $0x0  }
0x14: {  	s2 =	sld [smem:$0x3F97];
	s0 =	simm.s32 @p1 $0x1  }
0x15: {  	[smem:$0x3FB4] =	sst s0;
	s0 =	simm.s32 @!p2 $0x0  }
0x16: {  	s3 =	sld [smem:$0x3FDB];
	s0 =	simm.s32 @p2 $0x1  }
0x17: {  	s4 =	simm.s32 $0x1BF5;
	[smem:$0x3FB6] =	sst s0  }
0x18: {  	s0 =	sld [smem:$0x3F99];
	_ =	swait.ge [sflag:s4], $0x0  }
0x19: {  	s7 =	sld [smem:$0x3F9A]  }
0x1a: {  	s8 =	sadd.s32 $0xFFFFE003, lr  }
0x1b: {  	s9 =	sadd.s32 $0xFFFFFEF7, lr;
	s5 =	simm.s32 $0xFFFFFFFF;
	p2 =	slt.u32 s8, $0xFFFFF086  }
0x1c: {  	p1 =	slt.u32 s9, $0xF7A;
	s5 =	simm.s32 @!p2 $0x0  }
0x1d: {  	s5 =	simm.s32 @p1 $0x1;
	p0 =	seq.s32 s7, s2  }
0x1e: {  	s7 =	smul.u32 @!p0 $0xF7A, s2;
	p2 =	seq.s32 @!p0 s5, $0x0  }
0x1f: {  	s9 =	smul.u32 $0xF7A, s1;
	s8 =	simm.s32 @!p0 $0x1BF5;
	p2 =	por !p2, p0  }
0x20: {  	[sflag:s8] =	ssyncset.s32 @!p0 $0xFFFFF086;
	s6 =	sadd.s32 @!p0 s3, s7;
	s7 =	simm.s32 @!p0 $0x108  }
0x21: {  	s3 =	sadd.s32 s3, s9;
	s6 =	sadd.s32 @!p0 $0x88, s6;
	s7 =	simm.s32 @p2 $0x1082  }
0x22: {  	[simem:s7], [sflag:s8] =	dma.local @!p0 [hbm:s6], $0xF7A  }
0x23: {  	s9 =	sor.u32 $0xD0000000, s2;
	s6 =	simm.s32 $0x108;
	_ =	swait.ge @!p0 [sflag:s8], $0x0  }
0x24: {  	s3 =	sadd.s32 $0x88, s3;
	s6 =	simm.s32 @!p1 $0x1082;
	[sflag:s4] =	ssyncset.s32 $0xFFFFF086  }
0x25: {  	[simem:s6], [sflag:s4] =	dma.local [hbm:s3], $0xF7A  }
0x26: {  	[smem:$0x3F9A] =	sst s1;
	(tag) =	ssettag s2;
	_ =	strace s9  }
0x27: {  	s1 =	sld [smem:$0x3FAA]  }
0x28: {  	s2 =	sld [smem:$0x3FAB]  }
0x29: {  	s4 =	sld [smem:$0x3FAD]  }
0x2a: {  	p0 =	seq.s32 s5, $0x0;
	s5 =	sld [smem:$0x3FAE]  }
0x2b: {  	s6 =	sld [smem:$0x3FAF]  }
0x2c: {  	s7 =	sld [smem:$0x3FB0]  }
0x2d: {  	s3 =	simm.s32 $0x108;
	s8 =	sld [smem:$0x3FB1]  }
0x2e: {  	s3 =	simm.s32 @!p0 $0x1082;
	s9 =	sld [smem:$0x3FB2]  }
0x2f: {  	lr =	sadd.s32 s0, s3;
	s0 =	sld [smem:$0x3FA9]  }
0x30: {  	s3 =	sld [smem:$0x3FAC]  }
0x31: {  	[smem:$0x3FB5] =	sst s10  }
0x32: {  	s10 =	sld [smem:$0x3FB3];
	_ =	sdelay $0x3  }
0x33: {  	p0 =	seq.s32 s10, $0x1;
	s10 =	sld [smem:$0x3FB5];
	_ =	sdelay $0x3  }
0x34: {  	[smem:$0x3FB5] =	sst s10  }
0x35: {  	s10 =	sld [smem:$0x3FB4];
	_ =	sdelay $0x3  }
0x36: {  	p1 =	seq.s32 s10, $0x1;
	s10 =	sld [smem:$0x3FB5];
	_ =	sdelay $0x3  }
0x37: {  	[smem:$0x3FB5] =	sst s10  }
0x38: {  	s10 =	sld [smem:$0x3FB6]  }
0x39: {  	_ = 	snop;
	(pc) =	sbr.ind lr, $3  }
0x3a: {  	_ = 	snop  }
0x3b: {  	_ = 	snop  }
0x3c: {  	p2 =	seq.s32 s10, $0x1;
	s10 =	sld [smem:$0x3FB5]  }
0x3d: {  	_ =	shalt  }
0x3e: {  	_ =	shalt  }
0x3f: {  	_ =	shalt  }
0x40: {  	_ =	shalt  }
0x41: {  	_ =	shalt  }
0x42: {  	_ =	shalt  }
0x43: {  	_ =	shalt  }
0x44: {  	_ =	shalt  }
0x45: {  	_ =	shalt  }
0x46: {  	_ =	shalt  }
0x47: {  	_ =	shalt  }
0x48: {  	_ =	shalt  }
0x49: {  	_ =	shalt  }
0x4a: {  	_ =	shalt  }
0x4b: {  	_ =	shalt  }
0x4c: {  	_ =	shalt  }
0x4d: {  	_ =	shalt  }
0x4e: {  	_ =	shalt  }
0x4f: {  	_ =	shalt  }
0x50: {  	_ =	shalt  }
0x51: {  	_ =	shalt  }
0x52: {  	_ =	shalt  }
0x53: {  	_ =	shalt  }
0x54: {  	_ =	shalt  }
0x55: {  	_ =	shalt  }
0x56: {  	_ =	shalt  }
0x57: {  	_ =	shalt  }
0x58: {  	_ =	shalt  }
0x59: {  	_ =	shalt  }
0x5a: {  	_ =	shalt  }
0x5b: {  	_ =	shalt  }
0x5c: {  	_ =	shalt  }
0x5d: {  	_ =	shalt  }
0x5e: {  	_ =	shalt  }
0x5f: {  	_ =	shalt  }
0x60: {  	_ =	shalt  }
0x61: {  	_ =	shalt  }
0x62: {  	_ =	shalt  }
0x63: {  	_ =	shalt  }
0x64: {  	_ =	shalt  }
0x65: {  	_ =	shalt  }
0x66: {  	_ =	shalt  }
0x67: {  	_ =	shalt  }
0x68: {  	_ =	shalt  }
0x69: {  	_ =	shalt  }
0x6a: {  	_ =	shalt  }
0x6b: {  	_ =	shalt  }
0x6c: {  	_ =	shalt  }
0x6d: {  	_ =	shalt  }
0x6e: {  	_ =	shalt  }
0x6f: {  	_ =	shalt  }
0x70: {  	_ =	shalt  }
0x71: {  	_ =	shalt  }
0x72: {  	_ =	shalt  }
0x73: {  	_ =	shalt  }
0x74: {  	_ =	shalt  }
0x75: {  	_ =	shalt  }
0x76: {  	_ =	shalt  }
0x77: {  	_ =	shalt  }
0x78: {  	_ =	shalt  }
0x79: {  	_ =	shalt  }
0x7a: {  	_ =	shalt  }
0x7b: {  	_ =	shalt  }
0x7c: {  	_ =	shalt  }
0x7d: {  	_ =	shalt  }
0x7e: {  	_ =	shalt  }
0x7f: {  	_ =	shalt  }
0x80: {  	_ =	shalt  }
0x81: {  	_ =	shalt  }
0x82: {  	_ =	shalt  }
0x83: {  	_ =	shalt  }
0x84: {  	_ =	shalt  }
0x85: {  	_ =	shalt  }
0x86: {  	_ =	shalt  }
0x87: {  	_ =	shalt  }
.Lfunc_end0:
.L_simem_size_0:
called_computation.1_lowered:
.L_overlay_start_0:
0x88: {  	s2 =	sld [smem:$0x3FD9]  }
0x89: {  	s3 =	sld [smem:$0x3FFE];
	_ =	sdelay $0x1  }
0x8a: {  	s1 =	srdreg.scid  }
0x8b: {  	s0 =	sand.u32 $0x1, s1  }
0x8c: {  	s14 =	sshll.u32 s0, $0xA;
	s2 =	sadd.s32 s3, s2  }
0x8d: {  	s2 =	sadd.s32 s2, s14  }
0x8e: {  	[smem:$0x3FC1] =	sst s2  }
0x8f: {  	_ = 	snop  }
0x90: {  	s2 =	sld [smem:$0x3FD0];
	_ =	sdelay $0x2  }
0x91: {  	s15 =	simm.s32 $0xA;
	s4 =	simm.s32 $0x10  }
0x92: {  	[smem:s4], [sflag:s15] =	dma.local [hbm:s2], $0x1  }
0x93: {  	_ =	swait.eq [sflag:s15], $0x1  }
0x94: {  	[sflag:s15] =	ssyncset.done $0x0  }
0x95: {  	[sflag:s15] =	ssyncadd.s32 $0xFFFFFFFF  }
0x96: {  	s16 =	sld [smem:$0x10];
	(tm) =	ssettm $0x1  }
0x97: {  	s17 =	sld [smem:$0x3FFB];
	_ =	sdelay $0x3  }
0x98: {  	_ =	strace s17  }
0x99: {  	s3 =	sld [smem:$0x3FFC];
	_ =	sdelay $0x3  }
0x9a: {  	_ =	strace s3  }
0x9b: {  	s3 =	sld [smem:$0x3FFD];
	_ =	sdelay $0x3  }
0x9c: {  	_ =	strace s3  }
0x9d: {  	_ =	strace $0x8FFFFFFF  }
0x9e: {  	s18 =	sld [smem:$0x3FDB];
	_ =	sdelay $0x1  }
0x9f: {  	s19 =	simm.s32 $_scs_section_size  }
0xa0: {  	s5 =	simm.s32 $_size__tile_overlayer_lowered;
	s6 =	simm.s32 $_tile_overlayer_lowered  }
0xa1: {  	s22 =	simm.s32 $0x1BFF;
	s21 =	sshll.u32 s6, $0x1;
	s3 =	sadd.s32 s19, s18  }
0xa2: {  	s7 =	simm.s32 $0x0;
	s20 =	sshll.u32 s5, $0x1;
	s5 =	sadd.s32 s21, s3  }
0xa3: {  	[timem:s7], [sflag:s22] =	dma.local [hbm:s5], s20  }
0xa4: {  	_ =	swait.ge [sflag:s22], s20  }
0xa5: {  	s4 =	ssub.s32 $0x0, s20;
	[sflag:s22] =	ssyncset.done $0x0  }
0xa6: {  	[sflag:s22] =	ssyncadd.s32 s4;
	_ =	sdelay $0x1  }
0xa7: {  	s23 =	simm.s32 $0x1B8B  }
0xa8: {  	_ =	swait.ge [sflag:s23], $0x1  }
0xa9: {  	[sflag:s23] =	ssyncset.done $0x0  }
0xaa: {  	s25 =	simm.s32 $0x1B8E;
	s24 =	sld [smem:$0x3FFE];
	[sflag:s23] =	ssyncadd.s32 $0xFFFFFFFF  }
0xab: {  	s26 =	simm.s32 $execute0_lowered;
	[smem:$0x3FD2] =	sst s25  }
0xac: {  	s5 =	sshll.u32 s26, $0x1;
	_ =	strace $0x80000049;
	[dreg:$0x1] =	wrdreg $0xFFFFFFFF  }
0xad: {  	s28 =	simm.s32 $_size_execute0_lowered;
	s3 =	sadd.s32 s3, s5;
	[dreg:$0x0] =	wrdreg $0x0  }
0xae: {  	s5 =	sshll.u32 s28, $0x1;
	[dreg:$0x2] =	wrdreg s3  }
0xaf: {  	[dreg:$0x3] =	wrdreg s5  }
0xb0: {  	[dreg:$0x4] =	wrdreg $0xC0  }
0xb1: {  	_ =	task [dreg:s7], $0x5FFFF  }
0xb2: {  	[dreg:$0x1] =	wrdreg $0xFFFFFFFF  }
0xb3: {  	[dreg:$0x0] =	wrdreg $0x60  }
0xb4: {  	[dreg:$0x2] =	wrdreg s24  }
0xb5: {  	[dreg:$0x3] =	wrdreg s16  }
0xb6: {  	[dreg:$0x4] =	wrdreg $0x9  }
0xb7: {  	_ =	task.clear_ibuf [dreg:s7], $0x5FFFF;
	_ =	strace $0x90000049  }
0xb8: {  	s29 =	simm.s32 $0x9;
	_ =	strace $0x8000004B  }
0xb9: {  	_ =	swait.ge [sflag:s29], $0x1  }
0xba: {  	[sflag:s29] =	ssyncadd.s32 $0xFFFFFFFF  }
0xbb: {  	_ =	strace $0x9000004B  }
0xbc: {  	_ =	sfence  }
0xbd: {  	s30 =	sld [smem:$0x0];
	_ =	sdelay $0x2  }
0xbe: {  	s31 =	sshll.u32 s1, $0xD;
	s1 =	sshrl.u32 s1, $0x2  }
0xbf: {  	s3 =	sand.u32 $0x4000, s31;
	s1 =	sadd.s32 s1, s30  }
0xc0: {  	s0 =	sor.u32 s3, s0;
	s1 =	sshll.u32 s1, $0x11  }
0xc1: {  	s0 =	sor.u32 s1, s0  }
0xc2: {  	s0 =	sadd.s32 $0x8F2B, s0  }
0xc3: {  	[sflag:s0] =	ssyncadd.remote.s32 $0x1  }
0xc4: {  	_ =	sfence.sel $0xFFFF  }
0xc5: {  	[dreg:$0x0] =	wrdreg $0xFFFFFFFF;
	(pc) =	sbr.abs _section_cstart, $3  }
0xc6: {  	[dreg:$0x1] =	wrdreg $0xFFFFFFFF  }
0xc7: {  	_ =	task.clear_ibuf [dreg:s7], $0x2FFFF;
	_ =	strace $0x9FFFFFFF  }
0xc8: {  	(tm) =	ssettm $0x7FFFFFFF  }
0xc9: {  	_ =	shalt  }
tec
execute0_lowered:
.L_overlay_start_1:
0x0: {  	(tag) =	ssettag $0x1  }
0x1: {  	s0 =	srdreg.scid  }
0x2: {  	s1 =	rddreg [dreg:$0x0];
	s2 =	stileid.u32  }
0x3: {  	s3 =	rddreg [dreg:$0x1];
	s9 =	simm.s32 $0x100;
	s17 =	simm.s32 $0x1  }
0x4: {  	s18 =	simm.s32 $0x3;
	s19 =	simm.s32 $0x2;
	s28 =	simm.s32 $0x2900  }
0x5: {  	s29 =	simm.s32 $0x3100;
	s30 =	simm.s32 $0x3900;
	s31 =	simm.s32 $0x4100  }
0x6: {  	s15 =	simm.s32 $0x5100;
	s10 =	simm.s32 $0x6100;
	s0 =	sand.u32 $0x1, s0  }
0x7: {  	s11 =	simm.s32 $0x6900;
	s4 =	sshll.u32 s2, $0x9;
	s5 =	sshll.u32 s0, $0x8  }
0x8: {  	s12 =	simm.s32 $0x7100;
	s13 =	simm.s32 $0x7900;
	s4 =	sor.u32 s5, s4  }
0x9: {  	s2 =	simm.s32 $0x0;
	s5 =	sshll.u32 s4, $0x7;
	s4 =	sshrl.u32 s4, $0x3  }
0xa: {  	[smem:$0x7FF] =	sst s2;
	s7 =	sadd.s32 s5, s1;
	s3 =	sadd.s32 s3, s4  }
0xb: {  	_ =	strace $0x8000004A;
	[dreg:$0x3] =	wrdreg s3;
	s20 =	sadd.s32 $0x400, s7  }
0xc: {  	s0 =	ssub.s32 $0x2, s0;
	s21 =	sadd.s32 $0x1400, s7;
	[dreg:$0x4] =	wrdreg s20  }
0xd: {  	s23 =	sshrl.u32 s0, $0x1;
	s22 =	sadd.s32 $0x2400, s7;
	[dreg:$0x5] =	wrdreg s21  }
0xe: {  	s0 =	ssub.s32 s0, s23;
	s24 =	sadd.s32 $0x3400, s7;
	[dreg:$0x6] =	wrdreg s22  }
0xf: {  	s23 =	simm.s32 $0x1100;
	s25 =	sadd.s32 $0x4400, s7;
	[dreg:$0x7] =	wrdreg s24  }
0x10: {  	s4 =	sadd.s32 $0x5B3500, s1;
	s6 =	sadd.s32 $0x5400, s7;
	[dreg:$0x8] =	wrdreg s25  }
0x11: {  	s5 =	sadd.s32 $0x5B3600, s1;
	s8 =	sadd.s32 $0x6400, s7;
	[dreg:$0x9] =	wrdreg s6  }
0x12: {  	s3 =	sadd.s32 $0x5B3400, s1;
	s26 =	sadd.s32 $0x7400, s7;
	[dreg:$0xa] =	wrdreg s8  }
0x13: {  	v2 =	vlaneseq.u32;
	s7 =	smax.u32 s0, $0x1;
	s6 =	sadd.s32 $0x5B3700, s1;
	[dreg:$0xb] =	wrdreg s26  }
0x14: {  	vm0 =	vmmov $0xffff;
	v1 =	vshrl.u32 v2, $0x3;
	s25 =	simm.s32 $0x8100;
	s20 =	simm.s32 $0x4;
	s22 =	simm.s32 $0x900  }
0x15: {  	v0 =	vand.u32 $0x7, v2;
	v2 =	vor.u32 $0x8, v2;
	v1 =	vmul.u32 $0x8, v1;
	s24 =	simm.s32 $0x1900;
	s26 =	simm.s32 $0x2100;
	s8 =	simm.s32 $0x5900  }
.LBB2_1:
0x16: {  	s21 =	rddreg [dreg:$0x3];
	s14 =	simm.s32 $0x5  }
0x17: {  	[tilespmem:s2], [sflag:$0x5] =	stream.linear.gather [hbm4b:s21+s2], $0x100, $0x38;
	[tilespmem:$0x10100] =	vst v63  }
0x18: {  	_ =	swait.ge [sflag:s14], $0x100  }
0x19: {  	[sflag:s14] =	ssyncset.done $0x0  }
0x1a: {  	[sflag:s14] =	ssyncadd.s32 $0xFFFFFF00  }
0x1b: {  	v3 =	vld [tilespmem:$0x0];
	_ =	sdelay $0x4  }
0x1c: {  	v4 =	vshll.u32 v3, $0x3  }
0x1d: {  	v3 =	vand.u32 $0x7, v3;
	v4 =	vand.u32 $0xFFFFFFC0, v4  }
0x1e: {  	v3 =	vor.u32 v3, v4  }
0x1f: {  	v4 =	vperm.xlane v3, v0;
	_ =	sdelay $0x1  }
0x20: {  	v4 =	vadd.s32 v1, v4;
	_ =	sdelay $0x4  }
0x21: {  	[tilespmem:s9], [sflag:$0x1] =	stream.indirect_vreg.gather [hbm4b:s3+s2], $0x80, v4, vm0, $0xb8;
	[tilespmem:$0x10100] =	vst v63  }
0x22: {  	v3 =	vperm.xlane v3, v2  }
0x23: {  	[tilespmem:s22], [sflag:$0x1] =	stream.indirect_vreg.gather [hbm4b:s4+s2], $0x80, v4, vm0, $0xb8;
	[tilespmem:$0x10100] =	vst v63  }
0x24: {  	v3 =	vadd.s32 v1, v3  }
0x25: {  	[tilespmem:s23], [sflag:$0x1] =	stream.indirect_vreg.gather [hbm4b:s5+s2], $0x80, v4, vm0, $0xb8;
	[tilespmem:$0x10100] =	vst v63  }
0x26: {  	_ = 	snop  }
0x27: {  	[tilespmem:s24], [sflag:$0x1] =	stream.indirect_vreg.gather [hbm4b:s6+s2], $0x80, v4, vm0, $0xb8;
	[tilespmem:$0x10100] =	vst v63  }
0x28: {  	_ = 	snop  }
0x29: {  	[tilespmem:s26], [sflag:$0x1] =	stream.indirect_vreg.gather [hbm4b:s3+s2], $0x80, v3, vm0, $0xb8;
	[tilespmem:$0x10100] =	vst v63  }
0x2a: {  	_ = 	snop  }
0x2b: {  	[tilespmem:s28], [sflag:$0x1] =	stream.indirect_vreg.gather [hbm4b:s4+s2], $0x80, v3, vm0, $0xb8;
	[tilespmem:$0x10100] =	vst v63  }
0x2c: {  	_ = 	snop  }
0x2d: {  	[tilespmem:s29], [sflag:$0x1] =	stream.indirect_vreg.gather [hbm4b:s5+s2], $0x80, v3, vm0, $0xb8;
	[tilespmem:$0x10100] =	vst v63  }
0x2e: {  	_ = 	snop  }
0x2f: {  	[tilespmem:s30], [sflag:$0x1] =	stream.indirect_vreg.gather [hbm4b:s6+s2], $0x80, v3, vm0, $0xb8;
	[tilespmem:$0x10100] =	vst v63  }
0x30: {  	v3 =	vld [tilespmem:$0x10];
	_ =	sdelay $0x4  }
0x31: {  	v49 =	vshll.u32 v3, $0x3  }
0x32: {  	v3 =	vand.u32 $0x7, v3;
	v4 =	vand.u32 $0xFFFFFFC0, v49  }
0x33: {  	v3 =	vor.u32 v3, v4  }
0x34: {  	v4 =	vperm.xlane v3, v0;
	_ =	sdelay $0x1  }
0x35: {  	v4 =	vadd.s32 v1, v4;
	_ =	sdelay $0x4  }
0x36: {  	[tilespmem:s31], [sflag:$0x1] =	stream.indirect_vreg.gather [hbm4b:s3+s2], $0x80, v4, vm0, $0xb8;
	[tilespmem:$0x10100] =	vst v63  }
0x37: {  	s1 =	simm.s32 $0x4900;
	v3 =	vperm.xlane v3, v2  }
0x38: {  	[tilespmem:s1], [sflag:$0x1] =	stream.indirect_vreg.gather [hbm4b:s4+s2], $0x80, v4, vm0, $0xb8;
	[tilespmem:$0x10100] =	vst v63  }
0x39: {  	v3 =	vadd.s32 v1, v3  }
0x3a: {  	[tilespmem:s15], [sflag:$0x1] =	stream.indirect_vreg.gather [hbm4b:s5+s2], $0x80, v4, vm0, $0xb8;
	[tilespmem:$0x10100] =	vst v63  }
0x3b: {  	_ = 	snop  }
0x3c: {  	[tilespmem:s8], [sflag:$0x1] =	stream.indirect_vreg.gather [hbm4b:s6+s2], $0x80, v4, vm0, $0xb8;
	[tilespmem:$0x10100] =	vst v63  }
0x3d: {  	_ = 	snop  }
0x3e: {  	[tilespmem:s10], [sflag:$0x1] =	stream.indirect_vreg.gather [hbm4b:s3+s2], $0x80, v3, vm0, $0xb8;
	[tilespmem:$0x10100] =	vst v63  }
0x3f: {  	_ = 	snop  }
0x40: {  	[tilespmem:s11], [sflag:$0x1] =	stream.indirect_vreg.gather [hbm4b:s4+s2], $0x80, v3, vm0, $0xb8;
	[tilespmem:$0x10100] =	vst v63  }
0x41: {  	_ = 	snop  }
0x42: {  	[tilespmem:s12], [sflag:$0x1] =	stream.indirect_vreg.gather [hbm4b:s5+s2], $0x80, v3, vm0, $0xb8;
	[tilespmem:$0x10100] =	vst v63  }
0x43: {  	_ = 	snop  }
0x44: {  	[tilespmem:s13], [sflag:$0x1] =	stream.indirect_vreg.gather [hbm4b:s6+s2], $0x80, v3, vm0, $0xb8;
	[tilespmem:$0x10100] =	vst v63  }
0x45: {  	v3 =	vld [tilespmem:$0x20];
	_ =	sdelay $0x4  }
0x46: {  	v50 =	vshll.u32 v3, $0x3  }
0x47: {  	v3 =	vand.u32 $0x7, v3;
	v4 =	vand.u32 $0xFFFFFFC0, v50  }
0x48: {  	v3 =	vor.u32 v3, v4  }
0x49: {  	v4 =	vperm.xlane v3, v0;
	_ =	sdelay $0x1  }
0x4a: {  	v4 =	vadd.s32 v1, v4;
	_ =	sdelay $0x4  }
0x4b: {  	[tilespmem:s25], [sflag:$0x2] =	stream.indirect_vreg.gather [hbm4b:s3+s2], $0x80, v4, vm0, $0xb8;
	[tilespmem:$0x10100] =	vst v63  }
0x4c: {  	s14 =	simm.s32 $0x8900;
	v3 =	vperm.xlane v3, v2  }
0x4d: {  	[tilespmem:s14], [sflag:$0x2] =	stream.indirect_vreg.gather [hbm4b:s4+s2], $0x80, v4, vm0, $0xb8;
	[tilespmem:$0x10100] =	vst v63  }
0x4e: {  	s16 =	simm.s32 $0x9100;
	v3 =	vadd.s32 v1, v3  }
0x4f: {  	[tilespmem:s16], [sflag:$0x2] =	stream.indirect_vreg.gather [hbm4b:s5+s2], $0x80, v4, vm0, $0xb8;
	[tilespmem:$0x10100] =	vst v63  }
0x50: {  	s21 =	simm.s32 $0x9900  }
0x51: {  	[tilespmem:s21], [sflag:$0x2] =	stream.indirect_vreg.gather [hbm4b:s6+s2], $0x80, v4, vm0, $0xb8;
	[tilespmem:$0x10100] =	vst v63  }
0x52: {  	s16 =	simm.s32 $0xA100  }
0x53: {  	[tilespmem:s16], [sflag:$0x2] =	stream.indirect_vreg.gather [hbm4b:s3+s2], $0x80, v3, vm0, $0xb8;
	[tilespmem:$0x10100] =	vst v63  }
0x54: {  	s14 =	simm.s32 $0xA900  }
0x55: {  	[tilespmem:s14], [sflag:$0x2] =	stream.indirect_vreg.gather [hbm4b:s4+s2], $0x80, v3, vm0, $0xb8;
	[tilespmem:$0x10100] =	vst v63  }
0x56: {  	s16 =	simm.s32 $0xB100  }
0x57: {  	[tilespmem:s16], [sflag:$0x2] =	stream.indirect_vreg.gather [hbm4b:s5+s2], $0x80, v3, vm0, $0xb8;
	[tilespmem:$0x10100] =	vst v63  }
0x58: {  	s14 =	simm.s32 $0xB900  }
0x59: {  	[tilespmem:s14], [sflag:$0x2] =	stream.indirect_vreg.gather [hbm4b:s6+s2], $0x80, v3, vm0, $0xb8;
	[tilespmem:$0x10100] =	vst v63  }
0x5a: {  	v3 =	vld [tilespmem:$0x30];
	_ =	sdelay $0x4  }
0x5b: {  	v51 =	vshll.u32 v3, $0x3  }
0x5c: {  	v3 =	vand.u32 $0x7, v3;
	v4 =	vand.u32 $0xFFFFFFC0, v51  }
0x5d: {  	v3 =	vor.u32 v3, v4  }
0x5e: {  	v4 =	vperm.xlane v3, v0;
	_ =	sdelay $0x1  }
0x5f: {  	v4 =	vadd.s32 v1, v4;
	_ =	sdelay $0x3  }
0x60: {  	s16 =	simm.s32 $0xC100  }
0x61: {  	[tilespmem:s16], [sflag:$0x2] =	stream.indirect_vreg.gather [hbm4b:s3+s2], $0x80, v4, vm0, $0xb8;
	[tilespmem:$0x10100] =	vst v63  }
0x62: {  	s21 =	simm.s32 $0xC900;
	v3 =	vperm.xlane v3, v2  }
0x63: {  	[tilespmem:s21], [sflag:$0x2] =	stream.indirect_vreg.gather [hbm4b:s4+s2], $0x80, v4, vm0, $0xb8;
	[tilespmem:$0x10100] =	vst v63  }
0x64: {  	v3 =	vadd.s32 v1, v3;
	s21 =	simm.s32 $0xD100  }
0x65: {  	[tilespmem:s21], [sflag:$0x2] =	stream.indirect_vreg.gather [hbm4b:s5+s2], $0x80, v4, vm0, $0xb8;
	[tilespmem:$0x10100] =	vst v63  }
0x66: {  	s21 =	simm.s32 $0xD900  }
0x67: {  	[tilespmem:s21], [sflag:$0x2] =	stream.indirect_vreg.gather [hbm4b:s6+s2], $0x80, v4, vm0, $0xb8;
	[tilespmem:$0x10100] =	vst v63  }
0x68: {  	s21 =	simm.s32 $0xE100  }
0x69: {  	[tilespmem:s21], [sflag:$0x2] =	stream.indirect_vreg.gather [hbm4b:s3+s2], $0x80, v3, vm0, $0xb8;
	[tilespmem:$0x10100] =	vst v63  }
0x6a: {  	s21 =	simm.s32 $0xE900  }
0x6b: {  	[tilespmem:s21], [sflag:$0x2] =	stream.indirect_vreg.gather [hbm4b:s4+s2], $0x80, v3, vm0, $0xb8;
	[tilespmem:$0x10100] =	vst v63  }
0x6c: {  	s21 =	simm.s32 $0xF100  }
0x6d: {  	[tilespmem:s21], [sflag:$0x2] =	stream.indirect_vreg.gather [hbm4b:s5+s2], $0x80, v3, vm0, $0xb8;
	[tilespmem:$0x10100] =	vst v63  }
0x6e: {  	s21 =	simm.s32 $0xF900  }
0x6f: {  	[tilespmem:s21], [sflag:$0x2] =	stream.indirect_vreg.gather [hbm4b:s6+s2], $0x80, v3, vm0, $0xb8;
	[tilespmem:$0x10100] =	vst v63  }
0x70: {  	_ =	swait.ge [sflag:s17], $0x8000  }
0x71: {  	[sflag:s17] =	ssyncset.done $0x0  }
0x72: {  	s21 =	rddreg [dreg:$0x4];
	[sflag:s17] =	ssyncadd.s32 $0xFFFF8000  }
0x73: {  	[hbm4b:s21+s2] =	stream.linear.scatter [tilespmem:s9], [sflag:$0x3], $0x8000, $0x38;
	[tilespmem:$0x10100] =	vst v63  }
0x74: {  	_ =	swait.ge [sflag:s18], $0x8000  }
0x75: {  	[sflag:s18] =	ssyncset.done $0x0  }
0x76: {  	[sflag:s18] =	ssyncadd.s32 $0xFFFF8000  }
0x77: {  	v3 =	vld [tilespmem:$0x40];
	_ =	sdelay $0x4  }
0x78: {  	v52 =	vshll.u32 v3, $0x3  }
0x79: {  	v3 =	vand.u32 $0x7, v3;
	v4 =	vand.u32 $0xFFFFFFC0, v52  }
0x7a: {  	v3 =	vor.u32 v3, v4  }
0x7b: {  	v4 =	vperm.xlane v3, v0;
	_ =	sdelay $0x1  }
0x7c: {  	v4 =	vadd.s32 v1, v4;
	_ =	sdelay $0x4  }
0x7d: {  	[tilespmem:s9], [sflag:$0x1] =	stream.indirect_vreg.gather [hbm4b:s3+s2], $0x80, v4, vm0, $0xb8;
	[tilespmem:$0x10100] =	vst v63  }
0x7e: {  	v3 =	vperm.xlane v3, v2  }
0x7f: {  	[tilespmem:s22], [sflag:$0x1] =	stream.indirect_vreg.gather [hbm4b:s4+s2], $0x80, v4, vm0, $0xb8;
	[tilespmem:$0x10100] =	vst v63  }
0x80: {  	v3 =	vadd.s32 v1, v3  }
0x81: {  	[tilespmem:s23], [sflag:$0x1] =	stream.indirect_vreg.gather [hbm4b:s5+s2], $0x80, v4, vm0, $0xb8;
	[tilespmem:$0x10100] =	vst v63  }
0x82: {  	_ = 	snop  }
0x83: {  	[tilespmem:s24], [sflag:$0x1] =	stream.indirect_vreg.gather [hbm4b:s6+s2], $0x80, v4, vm0, $0xb8;
	[tilespmem:$0x10100] =	vst v63  }
0x84: {  	_ = 	snop  }
0x85: {  	[tilespmem:s26], [sflag:$0x1] =	stream.indirect_vreg.gather [hbm4b:s3+s2], $0x80, v3, vm0, $0xb8;
	[tilespmem:$0x10100] =	vst v63  }
0x86: {  	_ = 	snop  }
0x87: {  	[tilespmem:s28], [sflag:$0x1] =	stream.indirect_vreg.gather [hbm4b:s4+s2], $0x80, v3, vm0, $0xb8;
	[tilespmem:$0x10100] =	vst v63  }
0x88: {  	_ = 	snop  }
0x89: {  	[tilespmem:s29], [sflag:$0x1] =	stream.indirect_vreg.gather [hbm4b:s5+s2], $0x80, v3, vm0, $0xb8;
	[tilespmem:$0x10100] =	vst v63  }
0x8a: {  	_ = 	snop  }
0x8b: {  	[tilespmem:s30], [sflag:$0x1] =	stream.indirect_vreg.gather [hbm4b:s6+s2], $0x80, v3, vm0, $0xb8;
	[tilespmem:$0x10100] =	vst v63  }
0x8c: {  	v3 =	vld [tilespmem:$0x50];
	_ =	sdelay $0x4  }
0x8d: {  	v53 =	vshll.u32 v3, $0x3  }
0x8e: {  	v3 =	vand.u32 $0x7, v3;
	v4 =	vand.u32 $0xFFFFFFC0, v53  }
0x8f: {  	v3 =	vor.u32 v3, v4  }
0x90: {  	v4 =	vperm.xlane v3, v0;
	_ =	sdelay $0x1  }
0x91: {  	v4 =	vadd.s32 v1, v4;
	_ =	sdelay $0x4  }
0x92: {  	[tilespmem:s31], [sflag:$0x1] =	stream.indirect_vreg.gather [hbm4b:s3+s2], $0x80, v4, vm0, $0xb8;
	[tilespmem:$0x10100] =	vst v63  }
0x93: {  	v3 =	vperm.xlane v3, v2  }
0x94: {  	[tilespmem:s1], [sflag:$0x1] =	stream.indirect_vreg.gather [hbm4b:s4+s2], $0x80, v4, vm0, $0xb8;
	[tilespmem:$0x10100] =	vst v63  }
0x95: {  	v3 =	vadd.s32 v1, v3  }
0x96: {  	[tilespmem:s15], [sflag:$0x1] =	stream.indirect_vreg.gather [hbm4b:s5+s2], $0x80, v4, vm0, $0xb8;
	[tilespmem:$0x10100] =	vst v63  }
0x97: {  	_ = 	snop  }
0x98: {  	[tilespmem:s8], [sflag:$0x1] =	stream.indirect_vreg.gather [hbm4b:s6+s2], $0x80, v4, vm0, $0xb8;
	[tilespmem:$0x10100] =	vst v63  }
0x99: {  	_ = 	snop  }
0x9a: {  	[tilespmem:s10], [sflag:$0x1] =	stream.indirect_vreg.gather [hbm4b:s3+s2], $0x80, v3, vm0, $0xb8;
	[tilespmem:$0x10100] =	vst v63  }
0x9b: {  	_ = 	snop  }
0x9c: {  	[tilespmem:s11], [sflag:$0x1] =	stream.indirect_vreg.gather [hbm4b:s4+s2], $0x80, v3, vm0, $0xb8;
	[tilespmem:$0x10100] =	vst v63  }
0x9d: {  	_ = 	snop  }
0x9e: {  	[tilespmem:s12], [sflag:$0x1] =	stream.indirect_vreg.gather [hbm4b:s5+s2], $0x80, v3, vm0, $0xb8;
	[tilespmem:$0x10100] =	vst v63  }
0x9f: {  	_ = 	snop  }
0xa0: {  	[tilespmem:s13], [sflag:$0x1] =	stream.indirect_vreg.gather [hbm4b:s6+s2], $0x80, v3, vm0, $0xb8;
	[tilespmem:$0x10100] =	vst v63  }
0xa1: {  	_ =	swait.ge [sflag:s19], $0x8000  }
0xa2: {  	[sflag:s19] =	ssyncset.done $0x0  }
0xa3: {  	s21 =	rddreg [dreg:$0x5];
	[sflag:s19] =	ssyncadd.s32 $0xFFFF8000  }
0xa4: {  	[hbm4b:s21+s2] =	stream.linear.scatter [tilespmem:s25], [sflag:$0x4], $0x8000, $0x38;
	[tilespmem:$0x10100] =	vst v63  }
0xa5: {  	_ =	swait.ge [sflag:s20], $0x8000  }
0xa6: {  	[sflag:s20] =	ssyncset.done $0x0  }
0xa7: {  	[sflag:s20] =	ssyncadd.s32 $0xFFFF8000  }
0xa8: {  	v3 =	vld [tilespmem:$0x60];
	_ =	sdelay $0x4  }
0xa9: {  	v54 =	vshll.u32 v3, $0x3  }
0xaa: {  	v3 =	vand.u32 $0x7, v3;
	v4 =	vand.u32 $0xFFFFFFC0, v54  }
0xab: {  	v3 =	vor.u32 v3, v4  }
0xac: {  	v4 =	vperm.xlane v3, v0;
	_ =	sdelay $0x1  }
0xad: {  	v4 =	vadd.s32 v1, v4;
	_ =	sdelay $0x4  }
0xae: {  	[tilespmem:s25], [sflag:$0x2] =	stream.indirect_vreg.gather [hbm4b:s3+s2], $0x80, v4, vm0, $0xb8;
	[tilespmem:$0x10100] =	vst v63  }
0xaf: {  	s0 =	simm.s32 $0x8900;
	v3 =	vperm.xlane v3, v2  }
0xb0: {  	[tilespmem:s0], [sflag:$0x2] =	stream.indirect_vreg.gather [hbm4b:s4+s2], $0x80, v4, vm0, $0xb8;
	[tilespmem:$0x10100] =	vst v63  }
0xb1: {  	v3 =	vadd.s32 v1, v3;
	s0 =	simm.s32 $0x9100  }
0xb2: {  	[tilespmem:s0], [sflag:$0x2] =	stream.indirect_vreg.gather [hbm4b:s5+s2], $0x80, v4, vm0, $0xb8;
	[tilespmem:$0x10100] =	vst v63  }
0xb3: {  	s21 =	simm.s32 $0x9900  }
0xb4: {  	[tilespmem:s21], [sflag:$0x2] =	stream.indirect_vreg.gather [hbm4b:s6+s2], $0x80, v4, vm0, $0xb8;
	[tilespmem:$0x10100] =	vst v63  }
0xb5: {  	s21 =	simm.s32 $0xA100  }
0xb6: {  	[tilespmem:s21], [sflag:$0x2] =	stream.indirect_vreg.gather [hbm4b:s3+s2], $0x80, v3, vm0, $0xb8;
	[tilespmem:$0x10100] =	vst v63  }
0xb7: {  	s21 =	simm.s32 $0xA900  }
0xb8: {  	[tilespmem:s21], [sflag:$0x2] =	stream.indirect_vreg.gather [hbm4b:s4+s2], $0x80, v3, vm0, $0xb8;
	[tilespmem:$0x10100] =	vst v63  }
0xb9: {  	s21 =	simm.s32 $0xB100  }
0xba: {  	[tilespmem:s21], [sflag:$0x2] =	stream.indirect_vreg.gather [hbm4b:s5+s2], $0x80, v3, vm0, $0xb8;
	[tilespmem:$0x10100] =	vst v63  }
0xbb: {  	s14 =	simm.s32 $0xB900  }
0xbc: {  	[tilespmem:s14], [sflag:$0x2] =	stream.indirect_vreg.gather [hbm4b:s6+s2], $0x80, v3, vm0, $0xb8;
	[tilespmem:$0x10100] =	vst v63  }
0xbd: {  	v3 =	vld [tilespmem:$0x70];
	_ =	sdelay $0x4  }
0xbe: {  	v55 =	vshll.u32 v3, $0x3  }
0xbf: {  	v3 =	vand.u32 $0x7, v3;
	v4 =	vand.u32 $0xFFFFFFC0, v55  }
0xc0: {  	v3 =	vor.u32 v3, v4  }
0xc1: {  	v4 =	vperm.xlane v3, v0;
	_ =	sdelay $0x1  }
0xc2: {  	v4 =	vadd.s32 v1, v4;
	_ =	sdelay $0x3  }
0xc3: {  	s16 =	simm.s32 $0xC100  }
0xc4: {  	[tilespmem:s16], [sflag:$0x2] =	stream.indirect_vreg.gather [hbm4b:s3+s2], $0x80, v4, vm0, $0xb8;
	[tilespmem:$0x10100] =	vst v63  }
0xc5: {  	s21 =	simm.s32 $0xC900;
	v3 =	vperm.xlane v3, v2  }
0xc6: {  	[tilespmem:s21], [sflag:$0x2] =	stream.indirect_vreg.gather [hbm4b:s4+s2], $0x80, v4, vm0, $0xb8;
	[tilespmem:$0x10100] =	vst v63  }
0xc7: {  	v3 =	vadd.s32 v1, v3;
	s16 =	simm.s32 $0xD100  }
0xc8: {  	[tilespmem:s16], [sflag:$0x2] =	stream.indirect_vreg.gather [hbm4b:s5+s2], $0x80, v4, vm0, $0xb8;
	[tilespmem:$0x10100] =	vst v63  }
0xc9: {  	s21 =	simm.s32 $0xD900  }
0xca: {  	[tilespmem:s21], [sflag:$0x2] =	stream.indirect_vreg.gather [hbm4b:s6+s2], $0x80, v4, vm0, $0xb8;
	[tilespmem:$0x10100] =	vst v63  }
0xcb: {  	s16 =	simm.s32 $0xE100  }
0xcc: {  	[tilespmem:s16], [sflag:$0x2] =	stream.indirect_vreg.gather [hbm4b:s3+s2], $0x80, v3, vm0, $0xb8;
	[tilespmem:$0x10100] =	vst v63  }
0xcd: {  	s21 =	simm.s32 $0xE900  }
0xce: {  	[tilespmem:s21], [sflag:$0x2] =	stream.indirect_vreg.gather [hbm4b:s4+s2], $0x80, v3, vm0, $0xb8;
	[tilespmem:$0x10100] =	vst v63  }
0xcf: {  	s16 =	simm.s32 $0xF100  }
0xd0: {  	[tilespmem:s16], [sflag:$0x2] =	stream.indirect_vreg.gather [hbm4b:s5+s2], $0x80, v3, vm0, $0xb8;
	[tilespmem:$0x10100] =	vst v63  }
0xd1: {  	s21 =	simm.s32 $0xF900  }
0xd2: {  	[tilespmem:s21], [sflag:$0x2] =	stream.indirect_vreg.gather [hbm4b:s6+s2], $0x80, v3, vm0, $0xb8;
	[tilespmem:$0x10100] =	vst v63  }
0xd3: {  	_ =	swait.ge [sflag:s17], $0x8000  }
0xd4: {  	[sflag:s17] =	ssyncset.done $0x0  }
0xd5: {  	s16 =	rddreg [dreg:$0x6];
	[sflag:s17] =	ssyncadd.s32 $0xFFFF8000  }
0xd6: {  	[hbm4b:s16+s2] =	stream.linear.scatter [tilespmem:s9], [sflag:$0x3], $0x8000, $0x38;
	[tilespmem:$0x10100] =	vst v63  }
0xd7: {  	_ =	swait.ge [sflag:s18], $0x8000  }
0xd8: {  	[sflag:s18] =	ssyncset.done $0x0  }
0xd9: {  	[sflag:s18] =	ssyncadd.s32 $0xFFFF8000  }
0xda: {  	v3 =	vld [tilespmem:$0x80];
	_ =	sdelay $0x4  }
0xdb: {  	v56 =	vshll.u32 v3, $0x3  }
0xdc: {  	v3 =	vand.u32 $0x7, v3;
	v4 =	vand.u32 $0xFFFFFFC0, v56  }
0xdd: {  	v3 =	vor.u32 v3, v4  }
0xde: {  	v4 =	vperm.xlane v3, v0;
	_ =	sdelay $0x1  }
0xdf: {  	v4 =	vadd.s32 v1, v4;
	_ =	sdelay $0x4  }
0xe0: {  	[tilespmem:s9], [sflag:$0x1] =	stream.indirect_vreg.gather [hbm4b:s3+s2], $0x80, v4, vm0, $0xb8;
	[tilespmem:$0x10100] =	vst v63  }
0xe1: {  	v3 =	vperm.xlane v3, v2  }
0xe2: {  	[tilespmem:s22], [sflag:$0x1] =	stream.indirect_vreg.gather [hbm4b:s4+s2], $0x80, v4, vm0, $0xb8;
	[tilespmem:$0x10100] =	vst v63  }
0xe3: {  	v3 =	vadd.s32 v1, v3  }
0xe4: {  	[tilespmem:s23], [sflag:$0x1] =	stream.indirect_vreg.gather [hbm4b:s5+s2], $0x80, v4, vm0, $0xb8;
	[tilespmem:$0x10100] =	vst v63  }
0xe5: {  	_ = 	snop  }
0xe6: {  	[tilespmem:s24], [sflag:$0x1] =	stream.indirect_vreg.gather [hbm4b:s6+s2], $0x80, v4, vm0, $0xb8;
	[tilespmem:$0x10100] =	vst v63  }
0xe7: {  	_ = 	snop  }
0xe8: {  	[tilespmem:s26], [sflag:$0x1] =	stream.indirect_vreg.gather [hbm4b:s3+s2], $0x80, v3, vm0, $0xb8;
	[tilespmem:$0x10100] =	vst v63  }
0xe9: {  	_ = 	snop  }
0xea: {  	[tilespmem:s28], [sflag:$0x1] =	stream.indirect_vreg.gather [hbm4b:s4+s2], $0x80, v3, vm0, $0xb8;
	[tilespmem:$0x10100] =	vst v63  }
0xeb: {  	_ = 	snop  }
0xec: {  	[tilespmem:s29], [sflag:$0x1] =	stream.indirect_vreg.gather [hbm4b:s5+s2], $0x80, v3, vm0, $0xb8;
	[tilespmem:$0x10100] =	vst v63  }
0xed: {  	_ = 	snop  }
0xee: {  	[tilespmem:s30], [sflag:$0x1] =	stream.indirect_vreg.gather [hbm4b:s6+s2], $0x80, v3, vm0, $0xb8;
	[tilespmem:$0x10100] =	vst v63  }
0xef: {  	v3 =	vld [tilespmem:$0x90];
	_ =	sdelay $0x4  }
0xf0: {  	v57 =	vshll.u32 v3, $0x3  }
0xf1: {  	v3 =	vand.u32 $0x7, v3;
	v4 =	vand.u32 $0xFFFFFFC0, v57  }
0xf2: {  	v3 =	vor.u32 v3, v4  }
0xf3: {  	v4 =	vperm.xlane v3, v0;
	_ =	sdelay $0x1  }
0xf4: {  	v4 =	vadd.s32 v1, v4;
	_ =	sdelay $0x4  }
0xf5: {  	[tilespmem:s31], [sflag:$0x1] =	stream.indirect_vreg.gather [hbm4b:s3+s2], $0x80, v4, vm0, $0xb8;
	[tilespmem:$0x10100] =	vst v63  }
0xf6: {  	v3 =	vperm.xlane v3, v2  }
0xf7: {  	[tilespmem:s1], [sflag:$0x1] =	stream.indirect_vreg.gather [hbm4b:s4+s2], $0x80, v4, vm0, $0xb8;
	[tilespmem:$0x10100] =	vst v63  }
0xf8: {  	v3 =	vadd.s32 v1, v3  }
0xf9: {  	[tilespmem:s15], [sflag:$0x1] =	stream.indirect_vreg.gather [hbm4b:s5+s2], $0x80, v4, vm0, $0xb8;
	[tilespmem:$0x10100] =	vst v63  }
0xfa: {  	_ = 	snop  }
0xfb: {  	[tilespmem:s8], [sflag:$0x1] =	stream.indirect_vreg.gather [hbm4b:s6+s2], $0x80, v4, vm0, $0xb8;
	[tilespmem:$0x10100] =	vst v63  }
0xfc: {  	_ = 	snop  }
0xfd: {  	[tilespmem:s10], [sflag:$0x1] =	stream.indirect_vreg.gather [hbm4b:s3+s2], $0x80, v3, vm0, $0xb8;
	[tilespmem:$0x10100] =	vst v63  }
0xfe: {  	_ = 	snop  }
0xff: {  	[tilespmem:s11], [sflag:$0x1] =	stream.indirect_vreg.gather [hbm4b:s4+s2], $0x80, v3, vm0, $0xb8;
	[tilespmem:$0x10100] =	vst v63  }
0x100: {  	_ = 	snop  }
0x101: {  	[tilespmem:s12], [sflag:$0x1] =	stream.indirect_vreg.gather [hbm4b:s5+s2], $0x80, v3, vm0, $0xb8;
	[tilespmem:$0x10100] =	vst v63  }
0x102: {  	_ = 	snop  }
0x103: {  	[tilespmem:s13], [sflag:$0x1] =	stream.indirect_vreg.gather [hbm4b:s6+s2], $0x80, v3, vm0, $0xb8;
	[tilespmem:$0x10100] =	vst v63  }
0x104: {  	_ =	swait.ge [sflag:s19], $0x8000  }
0x105: {  	[sflag:s19] =	ssyncset.done $0x0  }
0x106: {  	s14 =	rddreg [dreg:$0x7];
	[sflag:s19] =	ssyncadd.s32 $0xFFFF8000  }
0x107: {  	[hbm4b:s14+s2] =	stream.linear.scatter [tilespmem:s25], [sflag:$0x4], $0x8000, $0x38;
	[tilespmem:$0x10100] =	vst v63  }
0x108: {  	_ =	swait.ge [sflag:s20], $0x8000  }
0x109: {  	[sflag:s20] =	ssyncset.done $0x0  }
0x10a: {  	[sflag:s20] =	ssyncadd.s32 $0xFFFF8000  }
0x10b: {  	v3 =	vld [tilespmem:$0xA0];
	_ =	sdelay $0x4  }
0x10c: {  	v58 =	vshll.u32 v3, $0x3  }
0x10d: {  	v3 =	vand.u32 $0x7, v3;
	v4 =	vand.u32 $0xFFFFFFC0, v58  }
0x10e: {  	v3 =	vor.u32 v3, v4  }
0x10f: {  	v4 =	vperm.xlane v3, v0;
	_ =	sdelay $0x1  }
0x110: {  	v4 =	vadd.s32 v1, v4;
	_ =	sdelay $0x4  }
0x111: {  	[tilespmem:s25], [sflag:$0x2] =	stream.indirect_vreg.gather [hbm4b:s3+s2], $0x80, v4, vm0, $0xb8;
	[tilespmem:$0x10100] =	vst v63  }
0x112: {  	s16 =	simm.s32 $0x8900;
	v3 =	vperm.xlane v3, v2  }
0x113: {  	[tilespmem:s16], [sflag:$0x2] =	stream.indirect_vreg.gather [hbm4b:s4+s2], $0x80, v4, vm0, $0xb8;
	[tilespmem:$0x10100] =	vst v63  }
0x114: {  	v3 =	vadd.s32 v1, v3  }
0x115: {  	[tilespmem:s0], [sflag:$0x2] =	stream.indirect_vreg.gather [hbm4b:s5+s2], $0x80, v4, vm0, $0xb8;
	[tilespmem:$0x10100] =	vst v63  }
0x116: {  	s21 =	simm.s32 $0x9900  }
0x117: {  	[tilespmem:s21], [sflag:$0x2] =	stream.indirect_vreg.gather [hbm4b:s6+s2], $0x80, v4, vm0, $0xb8;
	[tilespmem:$0x10100] =	vst v63  }
0x118: {  	s16 =	simm.s32 $0xA100  }
0x119: {  	[tilespmem:s16], [sflag:$0x2] =	stream.indirect_vreg.gather [hbm4b:s3+s2], $0x80, v3, vm0, $0xb8;
	[tilespmem:$0x10100] =	vst v63  }
0x11a: {  	s21 =	simm.s32 $0xA900  }
0x11b: {  	[tilespmem:s21], [sflag:$0x2] =	stream.indirect_vreg.gather [hbm4b:s4+s2], $0x80, v3, vm0, $0xb8;
	[tilespmem:$0x10100] =	vst v63  }
0x11c: {  	s21 =	simm.s32 $0xB100  }
0x11d: {  	[tilespmem:s21], [sflag:$0x2] =	stream.indirect_vreg.gather [hbm4b:s5+s2], $0x80, v3, vm0, $0xb8;
	[tilespmem:$0x10100] =	vst v63  }
0x11e: {  	s21 =	simm.s32 $0xB900  }
0x11f: {  	[tilespmem:s21], [sflag:$0x2] =	stream.indirect_vreg.gather [hbm4b:s6+s2], $0x80, v3, vm0, $0xb8;
	[tilespmem:$0x10100] =	vst v63  }
0x120: {  	v3 =	vld [tilespmem:$0xB0];
	_ =	sdelay $0x4  }
0x121: {  	v59 =	vshll.u32 v3, $0x3  }
0x122: {  	v3 =	vand.u32 $0x7, v3;
	v4 =	vand.u32 $0xFFFFFFC0, v59  }
0x123: {  	v3 =	vor.u32 v3, v4  }
0x124: {  	v4 =	vperm.xlane v3, v0;
	_ =	sdelay $0x1  }
0x125: {  	v4 =	vadd.s32 v1, v4;
	_ =	sdelay $0x3  }
0x126: {  	s21 =	simm.s32 $0xC100  }
0x127: {  	[tilespmem:s21], [sflag:$0x2] =	stream.indirect_vreg.gather [hbm4b:s3+s2], $0x80, v4, vm0, $0xb8;
	[tilespmem:$0x10100] =	vst v63  }
0x128: {  	v3 =	vperm.xlane v3, v2;
	s21 =	simm.s32 $0xC900  }
0x129: {  	[tilespmem:s21], [sflag:$0x2] =	stream.indirect_vreg.gather [hbm4b:s4+s2], $0x80, v4, vm0, $0xb8;
	[tilespmem:$0x10100] =	vst v63  }
0x12a: {  	v3 =	vadd.s32 v1, v3;
	s21 =	simm.s32 $0xD100  }
0x12b: {  	[tilespmem:s21], [sflag:$0x2] =	stream.indirect_vreg.gather [hbm4b:s5+s2], $0x80, v4, vm0, $0xb8;
	[tilespmem:$0x10100] =	vst v63  }
0x12c: {  	s21 =	simm.s32 $0xD900  }
0x12d: {  	[tilespmem:s21], [sflag:$0x2] =	stream.indirect_vreg.gather [hbm4b:s6+s2], $0x80, v4, vm0, $0xb8;
	[tilespmem:$0x10100] =	vst v63  }
0x12e: {  	s21 =	simm.s32 $0xE100  }
0x12f: {  	[tilespmem:s21], [sflag:$0x2] =	stream.indirect_vreg.gather [hbm4b:s3+s2], $0x80, v3, vm0, $0xb8;
	[tilespmem:$0x10100] =	vst v63  }
0x130: {  	s21 =	simm.s32 $0xE900  }
0x131: {  	[tilespmem:s21], [sflag:$0x2] =	stream.indirect_vreg.gather [hbm4b:s4+s2], $0x80, v3, vm0, $0xb8;
	[tilespmem:$0x10100] =	vst v63  }
0x132: {  	s21 =	simm.s32 $0xF100  }
0x133: {  	[tilespmem:s21], [sflag:$0x2] =	stream.indirect_vreg.gather [hbm4b:s5+s2], $0x80, v3, vm0, $0xb8;
	[tilespmem:$0x10100] =	vst v63  }
0x134: {  	s21 =	simm.s32 $0xF900  }
0x135: {  	[tilespmem:s21], [sflag:$0x2] =	stream.indirect_vreg.gather [hbm4b:s6+s2], $0x80, v3, vm0, $0xb8;
	[tilespmem:$0x10100] =	vst v63  }
0x136: {  	_ =	swait.ge [sflag:s17], $0x8000  }
0x137: {  	[sflag:s17] =	ssyncset.done $0x0  }
0x138: {  	s21 =	rddreg [dreg:$0x8];
	[sflag:s17] =	ssyncadd.s32 $0xFFFF8000  }
0x139: {  	[hbm4b:s21+s2] =	stream.linear.scatter [tilespmem:s9], [sflag:$0x3], $0x8000, $0x38;
	[tilespmem:$0x10100] =	vst v63  }
0x13a: {  	_ =	swait.ge [sflag:s18], $0x8000  }
0x13b: {  	[sflag:s18] =	ssyncset.done $0x0  }
0x13c: {  	[sflag:s18] =	ssyncadd.s32 $0xFFFF8000  }
0x13d: {  	v3 =	vld [tilespmem:$0xC0];
	_ =	sdelay $0x4  }
0x13e: {  	v60 =	vshll.u32 v3, $0x3  }
0x13f: {  	v3 =	vand.u32 $0x7, v3;
	v4 =	vand.u32 $0xFFFFFFC0, v60  }
0x140: {  	v3 =	vor.u32 v3, v4  }
0x141: {  	v4 =	vperm.xlane v3, v0;
	_ =	sdelay $0x1  }
0x142: {  	v4 =	vadd.s32 v1, v4;
	_ =	sdelay $0x4  }
0x143: {  	[tilespmem:s9], [sflag:$0x1] =	stream.indirect_vreg.gather [hbm4b:s3+s2], $0x80, v4, vm0, $0xb8;
	[tilespmem:$0x10100] =	vst v63  }
0x144: {  	v3 =	vperm.xlane v3, v2  }
0x145: {  	[tilespmem:s22], [sflag:$0x1] =	stream.indirect_vreg.gather [hbm4b:s4+s2], $0x80, v4, vm0, $0xb8;
	[tilespmem:$0x10100] =	vst v63  }
0x146: {  	v3 =	vadd.s32 v1, v3  }
0x147: {  	[tilespmem:s23], [sflag:$0x1] =	stream.indirect_vreg.gather [hbm4b:s5+s2], $0x80, v4, vm0, $0xb8;
	[tilespmem:$0x10100] =	vst v63  }
0x148: {  	_ = 	snop  }
0x149: {  	[tilespmem:s24], [sflag:$0x1] =	stream.indirect_vreg.gather [hbm4b:s6+s2], $0x80, v4, vm0, $0xb8;
	[tilespmem:$0x10100] =	vst v63  }
0x14a: {  	_ = 	snop  }
0x14b: {  	[tilespmem:s26], [sflag:$0x1] =	stream.indirect_vreg.gather [hbm4b:s3+s2], $0x80, v3, vm0, $0xb8;
	[tilespmem:$0x10100] =	vst v63  }
0x14c: {  	_ = 	snop  }
0x14d: {  	[tilespmem:s28], [sflag:$0x1] =	stream.indirect_vreg.gather [hbm4b:s4+s2], $0x80, v3, vm0, $0xb8;
	[tilespmem:$0x10100] =	vst v63  }
0x14e: {  	_ = 	snop  }
0x14f: {  	[tilespmem:s29], [sflag:$0x1] =	stream.indirect_vreg.gather [hbm4b:s5+s2], $0x80, v3, vm0, $0xb8;
	[tilespmem:$0x10100] =	vst v63  }
0x150: {  	_ = 	snop  }
0x151: {  	[tilespmem:s30], [sflag:$0x1] =	stream.indirect_vreg.gather [hbm4b:s6+s2], $0x80, v3, vm0, $0xb8;
	[tilespmem:$0x10100] =	vst v63  }
0x152: {  	v3 =	vld [tilespmem:$0xD0];
	_ =	sdelay $0x4  }
0x153: {  	v61 =	vshll.u32 v3, $0x3  }
0x154: {  	v3 =	vand.u32 $0x7, v3;
	v4 =	vand.u32 $0xFFFFFFC0, v61  }
0x155: {  	v3 =	vor.u32 v3, v4  }
0x156: {  	v4 =	vperm.xlane v3, v0;
	_ =	sdelay $0x1  }
0x157: {  	v4 =	vadd.s32 v1, v4;
	_ =	sdelay $0x4  }
0x158: {  	[tilespmem:s31], [sflag:$0x1] =	stream.indirect_vreg.gather [hbm4b:s3+s2], $0x80, v4, vm0, $0xb8;
	[tilespmem:$0x10100] =	vst v63  }
0x159: {  	v3 =	vperm.xlane v3, v2  }
0x15a: {  	[tilespmem:s1], [sflag:$0x1] =	stream.indirect_vreg.gather [hbm4b:s4+s2], $0x80, v4, vm0, $0xb8;
	[tilespmem:$0x10100] =	vst v63  }
0x15b: {  	v3 =	vadd.s32 v1, v3  }
0x15c: {  	[tilespmem:s15], [sflag:$0x1] =	stream.indirect_vreg.gather [hbm4b:s5+s2], $0x80, v4, vm0, $0xb8;
	[tilespmem:$0x10100] =	vst v63  }
0x15d: {  	_ = 	snop  }
0x15e: {  	[tilespmem:s8], [sflag:$0x1] =	stream.indirect_vreg.gather [hbm4b:s6+s2], $0x80, v4, vm0, $0xb8;
	[tilespmem:$0x10100] =	vst v63  }
0x15f: {  	_ = 	snop  }
0x160: {  	[tilespmem:s10], [sflag:$0x1] =	stream.indirect_vreg.gather [hbm4b:s3+s2], $0x80, v3, vm0, $0xb8;
	[tilespmem:$0x10100] =	vst v63  }
0x161: {  	_ = 	snop  }
0x162: {  	[tilespmem:s11], [sflag:$0x1] =	stream.indirect_vreg.gather [hbm4b:s4+s2], $0x80, v3, vm0, $0xb8;
	[tilespmem:$0x10100] =	vst v63  }
0x163: {  	_ = 	snop  }
0x164: {  	[tilespmem:s12], [sflag:$0x1] =	stream.indirect_vreg.gather [hbm4b:s5+s2], $0x80, v3, vm0, $0xb8;
	[tilespmem:$0x10100] =	vst v63  }
0x165: {  	_ = 	snop  }
0x166: {  	[tilespmem:s13], [sflag:$0x1] =	stream.indirect_vreg.gather [hbm4b:s6+s2], $0x80, v3, vm0, $0xb8;
	[tilespmem:$0x10100] =	vst v63  }
0x167: {  	_ =	swait.ge [sflag:s19], $0x8000  }
0x168: {  	[sflag:s19] =	ssyncset.done $0x0  }
0x169: {  	s1 =	rddreg [dreg:$0x9];
	[sflag:s19] =	ssyncadd.s32 $0xFFFF8000  }
0x16a: {  	[hbm4b:s1+s2] =	stream.linear.scatter [tilespmem:s25], [sflag:$0x4], $0x8000, $0x38;
	[tilespmem:$0x10100] =	vst v63  }
0x16b: {  	_ =	swait.ge [sflag:s20], $0x8000  }
0x16c: {  	[sflag:s20] =	ssyncset.done $0x0  }
0x16d: {  	[sflag:s20] =	ssyncadd.s32 $0xFFFF8000  }
0x16e: {  	v3 =	vld [tilespmem:$0xE0];
	_ =	sdelay $0x4  }
0x16f: {  	v62 =	vshll.u32 v3, $0x3  }
0x170: {  	v3 =	vand.u32 $0x7, v3;
	v4 =	vand.u32 $0xFFFFFFC0, v62  }
0x171: {  	v3 =	vor.u32 v3, v4  }
0x172: {  	v4 =	vperm.xlane v3, v0;
	_ =	sdelay $0x1  }
0x173: {  	v4 =	vadd.s32 v1, v4;
	_ =	sdelay $0x4  }
0x174: {  	[tilespmem:s25], [sflag:$0x2] =	stream.indirect_vreg.gather [hbm4b:s3+s2], $0x80, v4, vm0, $0xb8;
	[tilespmem:$0x10100] =	vst v63  }
0x175: {  	s21 =	simm.s32 $0x8900;
	v3 =	vperm.xlane v3, v2  }
0x176: {  	[tilespmem:s21], [sflag:$0x2] =	stream.indirect_vreg.gather [hbm4b:s4+s2], $0x80, v4, vm0, $0xb8;
	[tilespmem:$0x10100] =	vst v63  }
0x177: {  	s0 =	simm.s32 $0x9100;
	v3 =	vadd.s32 v1, v3  }
0x178: {  	[tilespmem:s0], [sflag:$0x2] =	stream.indirect_vreg.gather [hbm4b:s5+s2], $0x80, v4, vm0, $0xb8;
	[tilespmem:$0x10100] =	vst v63  }
0x179: {  	s1 =	simm.s32 $0x9900  }
0x17a: {  	[tilespmem:s1], [sflag:$0x2] =	stream.indirect_vreg.gather [hbm4b:s6+s2], $0x80, v4, vm0, $0xb8;
	[tilespmem:$0x10100] =	vst v63  }
0x17b: {  	s14 =	simm.s32 $0xA100  }
0x17c: {  	[tilespmem:s14], [sflag:$0x2] =	stream.indirect_vreg.gather [hbm4b:s3+s2], $0x80, v3, vm0, $0xb8;
	[tilespmem:$0x10100] =	vst v63  }
0x17d: {  	s16 =	simm.s32 $0xA900  }
0x17e: {  	[tilespmem:s16], [sflag:$0x2] =	stream.indirect_vreg.gather [hbm4b:s4+s2], $0x80, v3, vm0, $0xb8;
	[tilespmem:$0x10100] =	vst v63  }
0x17f: {  	s21 =	simm.s32 $0xB100  }
0x180: {  	[tilespmem:s21], [sflag:$0x2] =	stream.indirect_vreg.gather [hbm4b:s5+s2], $0x80, v3, vm0, $0xb8;
	[tilespmem:$0x10100] =	vst v63  }
0x181: {  	s1 =	simm.s32 $0xB900  }
0x182: {  	[tilespmem:s1], [sflag:$0x2] =	stream.indirect_vreg.gather [hbm4b:s6+s2], $0x80, v3, vm0, $0xb8;
	[tilespmem:$0x10100] =	vst v63  }
0x183: {  	v3 =	vld [tilespmem:$0xF0];
	_ =	sdelay $0x4  }
0x184: {  	v63 =	vshll.u32 v3, $0x3  }
0x185: {  	v3 =	vand.u32 $0x7, v3;
	v4 =	vand.u32 $0xFFFFFFC0, v63  }
0x186: {  	v3 =	vor.u32 v3, v4  }
0x187: {  	v4 =	vperm.xlane v3, v0;
	_ =	sdelay $0x1  }
0x188: {  	v4 =	vadd.s32 v1, v4;
	_ =	sdelay $0x3  }
0x189: {  	s14 =	simm.s32 $0xC100  }
0x18a: {  	[tilespmem:s14], [sflag:$0x2] =	stream.indirect_vreg.gather [hbm4b:s3+s2], $0x80, v4, vm0, $0xb8;
	[tilespmem:$0x10100] =	vst v63  }
0x18b: {  	s16 =	simm.s32 $0xC900;
	v3 =	vperm.xlane v3, v2  }
0x18c: {  	[tilespmem:s16], [sflag:$0x2] =	stream.indirect_vreg.gather [hbm4b:s4+s2], $0x80, v4, vm0, $0xb8;
	[tilespmem:$0x10100] =	vst v63  }
0x18d: {  	s21 =	simm.s32 $0xD100;
	v3 =	vadd.s32 v1, v3  }
0x18e: {  	[tilespmem:s21], [sflag:$0x2] =	stream.indirect_vreg.gather [hbm4b:s5+s2], $0x80, v4, vm0, $0xb8;
	[tilespmem:$0x10100] =	vst v63  }
0x18f: {  	s1 =	simm.s32 $0xD900  }
0x190: {  	[tilespmem:s1], [sflag:$0x2] =	stream.indirect_vreg.gather [hbm4b:s6+s2], $0x80, v4, vm0, $0xb8;
	[tilespmem:$0x10100] =	vst v63  }
0x191: {  	s14 =	simm.s32 $0xE100  }
0x192: {  	[tilespmem:s14], [sflag:$0x2] =	stream.indirect_vreg.gather [hbm4b:s3+s2], $0x80, v3, vm0, $0xb8;
	[tilespmem:$0x10100] =	vst v63  }
0x193: {  	s16 =	simm.s32 $0xE900  }
0x194: {  	[tilespmem:s16], [sflag:$0x2] =	stream.indirect_vreg.gather [hbm4b:s4+s2], $0x80, v3, vm0, $0xb8;
	[tilespmem:$0x10100] =	vst v63  }
0x195: {  	s21 =	simm.s32 $0xF100  }
0x196: {  	[tilespmem:s21], [sflag:$0x2] =	stream.indirect_vreg.gather [hbm4b:s5+s2], $0x80, v3, vm0, $0xb8;
	[tilespmem:$0x10100] =	vst v63  }
0x197: {  	s1 =	simm.s32 $0xF900  }
0x198: {  	[tilespmem:s1], [sflag:$0x2] =	stream.indirect_vreg.gather [hbm4b:s6+s2], $0x80, v3, vm0, $0xb8;
	[tilespmem:$0x10100] =	vst v63  }
0x199: {  	_ =	swait.ge [sflag:s17], $0x8000  }
0x19a: {  	[sflag:s17] =	ssyncset.done $0x0  }
0x19b: {  	s14 =	rddreg [dreg:$0xa];
	[sflag:s17] =	ssyncadd.s32 $0xFFFF8000  }
0x19c: {  	[hbm4b:s14+s2] =	stream.linear.scatter [tilespmem:s9], [sflag:$0x3], $0x8000, $0x38;
	[tilespmem:$0x10100] =	vst v63  }
0x19d: {  	_ =	swait.ge [sflag:s19], $0x8000  }
0x19e: {  	[sflag:s19] =	ssyncset.done $0x0  }
0x19f: {  	s16 =	rddreg [dreg:$0xb];
	[sflag:s19] =	ssyncadd.s32 $0xFFFF8000  }
0x1a0: {  	[hbm4b:s16+s2] =	stream.linear.scatter [tilespmem:s25], [sflag:$0x4], $0x8000, $0x38;
	[tilespmem:$0x10100] =	vst v63  }
0x1a1: {  	p0 =	sne.s32 s7, $0x1;
	_ =	swait.ge [sflag:s18], $0x8000  }
.Ltmp0:
0x1a2: {  	[sflag:s18] =	ssyncset.done $0x0;
	(pc) =	sbr.rel @p0 .LBB2_1-.Ltmp0, $4  }
0x1a3: {  	[sflag:s18] =	ssyncadd.s32 $0xFFFF8000  }
0x1a4: {  	_ =	swait.ge [sflag:s20], $0x8000  }
0x1a5: {  	[sflag:s20] =	ssyncset.done $0x0  }
0x1a6: {  	s7 =	sadd.s32 $0xFFFFFFFF, s7;
	[sflag:s20] =	ssyncadd.s32 $0xFFFF8000  }
0x1a7: {  	_ =	sfence.sel $0x180000  }
0x1a8: {  	[bflag:$0x0] =	sbarrier.arrive $0xFFFF  }
0x1a9: {  	_ =	strace $0x9000004A  }
0x1aa: {  	s0 =	stileid.u32;
	[bflag:$0x2] =	sbarrier.arrive $0xFFFF  }
0x1ab: {  	p0 =	sne.s32 s0, $0x0;
	s0 =	rddreg [dreg:$0x2]  }
0x1ac: {  	s0 =	sadd.s32 @!p0 $0x100000, s0  }
0x1ad: {  	[sflag:s0] =	ssyncadd.tile.s32 @!p0 $0x1;
	_ =	shalt  }
.Lfunc_end2:
_tile_overlayer_lowered:
.L_overlay_start_2:
0x1ae: {  	(tag) =	ssettag $0x2  }
0x1af: {  	s0 =	rddreg [dreg:$0x0];
	s2 =	stileid.u32  }
0x1b0: {  	s1 =	rddreg [dreg:$0x1];
	p0 =	sne.s32 s2, $0x0  }
0x1b1: {  	s3 =	rddreg [dreg:$0x2];
	[bflag:$0x3] =	sbarrier.arrive $0xFFFF;
	s2 =	simm.s32 @!p0 $0x1C05  }
0x1b2: {  	[timem:s3], [sflag:s2] =	dma.local @!p0 [hbm:s0], s1  }
0x1b3: {  	s0 =	simm.s32 @!p0 $0x5  }
0x1b4: {  	_ =	swait.ge @!p0 [sflag:s0], s1  }
0x1b5: {  	s1 =	ssub.s32 @!p0 $0x0, s1;
	[sflag:s0] =	ssyncset.done @!p0 $0x0  }
0x1b6: {  	[sflag:s0] =	ssyncadd.s32 @!p0 s1  }
0x1b7: {  	[bflag:$0x3] =	sbarrier.arrive $0xFFFF  }
0x1b8: {  	_ =	shalt  }

</sc_bundles>
